<compile_context>
chip_gen: v7x
topology: tpu7x:2x2x1
jax: 0.10.2.dev20260603
libtpu: 0.0.44.dev20260713+nightly
codegen_flags: <defaults>
</compile_context>

<pallas_src>
import functools

import jax
import jax.numpy as jnp
from jax import lax
from jax.experimental import pallas as pl
from jax.experimental.pallas import tpu as pltpu
from jax.experimental.pallas import tpu_sc as plsc

_B = 8
_N1 = 4096
_S1, _K1, _R1 = 512, 32, 0.2
_S2, _K2, _R2 = 128, 64, 0.4

_NC, _NS = 2, 16
_NW = _NC * _NS
_GCHUNK = 128




def _fps_body(xyz_ref, out_ref, *, npoint, n, b):
    x0 = xyz_ref[:, 0, :]
    x1 = xyz_ref[:, 1, :]
    x2 = xyz_ref[:, 2, :]
    lane = lax.broadcasted_iota(jnp.int32, (b, n), 1)
    cidx = lax.broadcasted_iota(jnp.int32, (b, 1, 3), 2)

    def body(i, carry):
        distance, farthest = carry
        sel = lane == farthest
        c0 = jnp.sum(jnp.where(sel, x0, 0.0), axis=1, keepdims=True)
        c1 = jnp.sum(jnp.where(sel, x1, 0.0), axis=1, keepdims=True)
        c2 = jnp.sum(jnp.where(sel, x2, 0.0), axis=1, keepdims=True)
        cent = jnp.where(
            cidx == 0,
            jnp.broadcast_to(c0[:, :, None], (b, 1, 3)),
            jnp.where(
                cidx == 1,
                jnp.broadcast_to(c1[:, :, None], (b, 1, 3)),
                jnp.broadcast_to(c2[:, :, None], (b, 1, 3)),
            ),
        )
        out_ref[:, pl.ds(i, 1), :] = cent
        d0 = x0 - c0
        d1 = x1 - c1
        d2 = x2 - c2
        d = d0 * d0 + d1 * d1 + d2 * d2
        distance = jnp.minimum(distance, d)
        m = jnp.max(distance, axis=1, keepdims=True)
        farthest = jnp.min(jnp.where(distance == m, lane, n), axis=1, keepdims=True)
        return distance, farthest

    distance = jnp.full((b, n), 1e10, jnp.float32)
    farthest = jnp.zeros((b, 1), jnp.int32)
    lax.fori_loop(0, npoint, body, (distance, farthest))


def _fps(xyz_cf, npoint):
    b, _, n = xyz_cf.shape
    return pl.pallas_call(
        functools.partial(_fps_body, npoint=npoint, n=n, b=b),
        out_shape=jax.ShapeDtypeStruct((b, npoint, 3), jnp.float32),
    )(xyz_cf)




def _ballq_body(xyz_ref, new_ref, idx_ref, *, n, nc, k, r2, stile):
    bidx = pl.program_id(0)
    sqr = jnp.zeros((stile, nc, 128), jnp.float32)
    for c in range(3):
        xc = xyz_ref[0, c]
        newc = new_ref[0, :, c]
        d = newc[:, None, None] - xc[None, :, :]
        sqr = sqr + d * d
    mask = (sqr <= r2).astype(jnp.float32)
    tri = (
        lax.broadcasted_iota(jnp.int32, (128, 128), 0)
        <= lax.broadcasted_iota(jnp.int32, (128, 128), 1)
    ).astype(jnp.float32)
    pos_in = lax.dot_general(
        mask, tri, (((2,), (0,)), ((), ())), preferred_element_type=jnp.float32
    )
    last = pos_in[:, :, 127:128].reshape(stile, nc)
    tri_s = (
        lax.broadcasted_iota(jnp.int32, (nc, nc), 0)
        < lax.broadcasted_iota(jnp.int32, (nc, nc), 1)
    ).astype(jnp.float32)
    offs = lax.dot_general(
        last, tri_s, (((1,), (0,)), ((), ())), preferred_element_type=jnp.float32
    )
    pos = (pos_in + offs[:, :, None]).astype(jnp.int32)
    cnt = jnp.sum(mask, axis=(1, 2), keepdims=True).astype(jnp.int32)
    posm = jnp.where(mask > 0.0, pos, 0)
    jlane = (
        lax.broadcasted_iota(jnp.int32, (stile, nc, 128), 1) * 128
        + lax.broadcasted_iota(jnp.int32, (stile, nc, 128), 2)
    )
    base = bidx * n
    for kk in range(k):
        sel = jnp.where(kk + 1 <= cnt, kk + 1, 1)
        cond = posm == sel
        idxk = jnp.min(jnp.where(cond, jlane, n), axis=(1, 2), keepdims=True)
        idx_ref[0, :, pl.ds(kk, 1)] = idxk[:, 0, :] + base


def _ballq(xyz4, new_xyz, k, radius):
    b, _, nc, _ = xyz4.shape
    n = nc * 128
    s = new_xyz.shape[1]
    stile = min(s, 128)
    grid = (b, s // stile)
    return pl.pallas_call(
        functools.partial(
            _ballq_body, n=n, nc=nc, k=k, r2=radius * radius, stile=stile
        ),
        grid=grid,
        in_specs=[
            pl.BlockSpec((1, 3, nc, 128), lambda i, j: (i, 0, 0, 0)),
            pl.BlockSpec((1, stile, 3), lambda i, j: (i, j, 0)),
        ],
        out_specs=pl.BlockSpec((1, stile, k), lambda i, j: (i, j, 0)),
        out_shape=jax.ShapeDtypeStruct((b, s, k), jnp.int32),
    )(xyz4, new_xyz)




def _gather_sc(table, idx2):
    d = table.shape[1]
    m = idx2.shape[0] * _GCHUNK
    chunks_per_w = m // (_NW * _GCHUNK)
    mesh = plsc.VectorSubcoreMesh(core_axis_name="c", subcore_axis_name="s")

    @functools.partial(
        pl.kernel,
        out_type=jax.ShapeDtypeStruct((m, d), jnp.float32),
        mesh=mesh,
        scratch_types=[
            pltpu.VMEM((chunks_per_w, _GCHUNK), jnp.int32),
            pltpu.VMEM((_GCHUNK, d), jnp.float32),
            pltpu.SemaphoreType.DMA,
        ],
    )
    def gk(table_hbm, idx_hbm, out_hbm, idx_v, rows_v, sem):
        wid = lax.axis_index("s") * _NC + lax.axis_index("c")
        crow = wid * chunks_per_w
        pltpu.sync_copy(idx_hbm.at[pl.ds(crow, chunks_per_w)], idx_v)

        def body(ci, _):
            pltpu.async_copy(table_hbm.at[idx_v.at[ci]], rows_v, sem).wait()
            pltpu.sync_copy(
                rows_v, out_hbm.at[pl.ds((crow + ci) * _GCHUNK, _GCHUNK)]
            )
            return 0

        lax.fori_loop(0, chunks_per_w, body, 0)

    return gk(table, idx2)




def _mlp_first_body(x_ref, cen_ref, w_ref, b_ref, y_ref, st_ref, *, k):
    i = pl.program_id(0)
    x = x_ref[...]
    cen = cen_ref[...]
    gp, cpad = cen.shape
    z = (x.reshape(gp, k, cpad) - cen[:, None, :]).reshape(gp * k, cpad)
    y = (
        lax.dot_general(
            z, w_ref[...], (((1,), (1,)), ((), ())),
            preferred_element_type=jnp.float32,
        )
        + b_ref[...]
    )
    y_ref[...] = y
    s1 = jnp.sum(y, axis=0, keepdims=True)
    s2 = jnp.sum(y * y, axis=0, keepdims=True)
    st = jnp.concatenate([s1, s2], axis=0)

    @pl.when(i == 0)
    def _():
        st_ref[...] = jnp.zeros_like(st_ref)

    st_ref[...] += st


def _mlp_first(x, cen, wpad, bvec, k, bp):
    p, cpad = x.shape
    cout = wpad.shape[0]
    gp = bp // k
    grid = (p // bp,)
    return pl.pallas_call(
        functools.partial(_mlp_first_body, k=k),
        grid=grid,
        in_specs=[
            pl.BlockSpec((bp, cpad), lambda i: (i, 0)),
            pl.BlockSpec((gp, cpad), lambda i: (i, 0)),
            pl.BlockSpec((cout, cpad), lambda i: (0, 0)),
            pl.BlockSpec((1, cout), lambda i: (0, 0)),
        ],
        out_specs=[
            pl.BlockSpec((bp, cout), lambda i: (i, 0)),
            pl.BlockSpec((2, cout), lambda i: (0, 0)),
        ],
        out_shape=[
            jax.ShapeDtypeStruct((p, cout), jnp.float32),
            jax.ShapeDtypeStruct((2, cout), jnp.float32),
        ],
    )(x, cen, wpad, bvec.reshape(1, cout))


def _norm_coeffs(st, g, bt, npos):
    mean = st[0:1, :] / npos
    var = st[1:2, :] / npos - mean * mean
    scale = g / jnp.sqrt(var + 1e-5)
    shift = bt - mean * scale
    return scale, shift


def _mlp_mid_body(x_ref, st_in_ref, g_ref, bt_ref, w_ref, b_ref, y_ref, st_ref, *, npos):
    i = pl.program_id(0)
    scale, shift = _norm_coeffs(st_in_ref[...], g_ref[...], bt_ref[...], npos)
    z = jnp.maximum(x_ref[...] * scale + shift, 0.0)
    y = (
        lax.dot_general(
            z, w_ref[...], (((1,), (1,)), ((), ())), preferred_element_type=jnp.float32
        )
        + b_ref[...]
    )
    y_ref[...] = y
    s1 = jnp.sum(y, axis=0, keepdims=True)
    s2 = jnp.sum(y * y, axis=0, keepdims=True)
    st = jnp.concatenate([s1, s2], axis=0)

    @pl.when(i == 0)
    def _():
        st_ref[...] = jnp.zeros_like(st_ref)

    st_ref[...] += st


def _mlp_mid(x, st_in, g, bt, w, bvec, npos, bp):
    p, cin = x.shape
    cout = w.shape[0]
    grid = (p // bp,)
    return pl.pallas_call(
        functools.partial(_mlp_mid_body, npos=npos),
        grid=grid,
        in_specs=[
            pl.BlockSpec((bp, cin), lambda i: (i, 0)),
            pl.BlockSpec((2, cin), lambda i: (0, 0)),
            pl.BlockSpec((1, cin), lambda i: (0, 0)),
            pl.BlockSpec((1, cin), lambda i: (0, 0)),
            pl.BlockSpec((cout, cin), lambda i: (0, 0)),
            pl.BlockSpec((1, cout), lambda i: (0, 0)),
        ],
        out_specs=[
            pl.BlockSpec((bp, cout), lambda i: (i, 0)),
            pl.BlockSpec((2, cout), lambda i: (0, 0)),
        ],
        out_shape=[
            jax.ShapeDtypeStruct((p, cout), jnp.float32),
            jax.ShapeDtypeStruct((2, cout), jnp.float32),
        ],
    )(x, st_in, g.reshape(1, cin), bt.reshape(1, cin), w, bvec.reshape(1, cout))


def _pool_body(y_ref, st_ref, g_ref, bt_ref, o_ref, *, npos):
    scale, shift = _norm_coeffs(st_ref[...], g_ref[...], bt_ref[...], npos)
    z = jnp.maximum(y_ref[...] * scale[None, :, :] + shift[None, :, :], 0.0)
    o_ref[...] = jnp.max(z, axis=1)


def _pool(y3, st, g, bt, npos, gp):
    ng, k, c = y3.shape
    grid = (ng // gp,)
    return pl.pallas_call(
        functools.partial(_pool_body, npos=npos),
        grid=grid,
        in_specs=[
            pl.BlockSpec((gp, k, c), lambda i: (i, 0, 0)),
            pl.BlockSpec((2, c), lambda i: (0, 0)),
            pl.BlockSpec((1, c), lambda i: (0, 0)),
            pl.BlockSpec((1, c), lambda i: (0, 0)),
        ],
        out_specs=pl.BlockSpec((gp, c), lambda i: (i, 0)),
        out_shape=jax.ShapeDtypeStruct((ng, c), jnp.float32),
    )(y3, st, g.reshape(1, c), bt.reshape(1, c))




def _sa3_body(x_ref, w1_ref, b1_ref, g1_ref, t1_ref, w2_ref, b2_ref, g2_ref,
              t2_ref, w3_ref, b3_ref, g3_ref, t3_ref, o_ref, *, b, k):
    def layer(z, w_ref, b_ref):
        return (
            lax.dot_general(
                z, w_ref[...], (((1,), (1,)), ((), ())),
                preferred_element_type=jnp.float32,
            )
            + b_ref[...]
        )

    def bn_relu(h, g_ref, t_ref, npos):
        s1 = jnp.sum(h, axis=0, keepdims=True)
        s2 = jnp.sum(h * h, axis=0, keepdims=True)
        mean = s1 / npos
        var = s2 / npos - mean * mean
        scale = g_ref[...] / jnp.sqrt(var + 1e-5)
        shift = t_ref[...] - mean * scale
        return jnp.maximum(h * scale + shift, 0.0)

    npos = b * k
    h = layer(x_ref[...], w1_ref, b1_ref)
    h = bn_relu(h, g1_ref, t1_ref, npos)
    h = layer(h, w2_ref, b2_ref)
    h = bn_relu(h, g2_ref, t2_ref, npos)
    h = layer(h, w3_ref, b3_ref)
    h = bn_relu(h, g3_ref, t3_ref, npos)
    cout = h.shape[1]
    o_ref[...] = jnp.max(h.reshape(b, k, cout), axis=1)


def _sa3(x, layer_params, b, k):
    args = [x]
    in_specs = [pl.BlockSpec(x.shape, lambda: (0, 0))]
    for (w, bb, g, bt) in layer_params:
        cout = w.shape[0]
        for a in (w, bb.reshape(1, cout), g.reshape(1, cout), bt.reshape(1, cout)):
            args.append(a)
            in_specs.append(pl.BlockSpec(a.shape, lambda: (0, 0)))
    cfin = layer_params[-1][0].shape[0]
    return pl.pallas_call(
        functools.partial(_sa3_body, b=b, k=k),
        in_specs=in_specs,
        out_specs=pl.BlockSpec((b, cfin), lambda: (0, 0)),
        out_shape=jax.ShapeDtypeStruct((b, cfin), jnp.float32),
    )(*args)




def _head_body(x_ref, w1_ref, b1_ref, g1_ref, t1_ref, w2_ref, b2_ref, g2_ref,
               t2_ref, w3_ref, b3_ref, o_ref, *, b):
    def fc(z, w_ref, b_ref):
        return (
            lax.dot_general(
                z, w_ref[...], (((1,), (1,)), ((), ())),
                preferred_element_type=jnp.float32,
            )
            + b_ref[...]
        )

    def bn_relu(h, g_ref, t_ref):
        mean = jnp.sum(h, axis=0, keepdims=True) / b
        var = jnp.sum(h * h, axis=0, keepdims=True) / b - mean * mean
        scale = g_ref[...] / jnp.sqrt(var + 1e-5)
        shift = t_ref[...] - mean * scale
        return jnp.maximum(h * scale + shift, 0.0)

    h = bn_relu(fc(x_ref[...], w1_ref, b1_ref), g1_ref, t1_ref)
    h = bn_relu(fc(h, w2_ref, b2_ref), g2_ref, t2_ref)
    h = fc(h, w3_ref, b3_ref)
    m = jnp.max(h, axis=1, keepdims=True)
    e = jnp.exp(h - m)
    lse = jnp.log(jnp.sum(e, axis=1, keepdims=True))
    o_ref[...] = h - m - lse


def _head(x, params):
    b = x.shape[0]
    (w1, b1) = params['fc1']
    (w2, b2) = params['fc2']
    (w3, b3) = params['fc3']
    (g1, t1) = params['bn1']
    (g2, t2) = params['bn2']
    args = [x, w1, b1.reshape(1, -1), g1.reshape(1, -1), t1.reshape(1, -1),
            w2, b2.reshape(1, -1), g2.reshape(1, -1), t2.reshape(1, -1),
            w3, b3.reshape(1, -1)]
    in_specs = [pl.BlockSpec(a.shape, lambda: tuple(0 for _ in a.shape)) for a in args]
    nc = w3.shape[0]
    return pl.pallas_call(
        functools.partial(_head_body, b=b),
        in_specs=in_specs,
        out_specs=pl.BlockSpec((b, nc), lambda: (0, 0)),
        out_shape=jax.ShapeDtypeStruct((b, nc), jnp.float32),
    )(*args)




def _pad_cols(a, cpad):
    c = a.shape[-1]
    if c == cpad:
        return a
    return jnp.pad(a, [(0, 0)] * (a.ndim - 1) + [(0, cpad - c)])


def _sa_stage(xyz_cf, table_feats, layer_params, npoint, radius, k, bp):
    b, _, n = xyz_cf.shape
    c_raw = table_feats.shape[-1]
    cpad = ((c_raw + 127) // 128) * 128
    new_xyz = _fps(xyz_cf, npoint)
    xyz4 = xyz_cf.reshape(b, 3, n // 128, 128)
    idx = _ballq(xyz4, new_xyz, k, radius)
    (w1, b1, g1, t1), (w2, b2, g2, t2), (w3, b3, g3, t3) = layer_params
    table = _pad_cols(table_feats, cpad).reshape(b * n, cpad)
    idx2 = idx.reshape(b * npoint * k // 128, 128)
    g = _gather_sc(table, idx2)
    cen = _pad_cols(new_xyz.reshape(b * npoint, 3), cpad)
    npos = b * npoint * k

    y1, st1 = _mlp_first(g, cen, _pad_cols(w1, cpad), b1, k, bp)
    y2, st2 = _mlp_mid(y1, st1, g1, t1, w2, b2, npos, bp)
    y3, st3 = _mlp_mid(y2, st2, g2, t2, w3, b3, npos, bp)
    cout = w3.shape[0]
    gp = max(1, (1 << 22) // (k * cout * 4))
    gp = min(b * npoint, gp)
    while (b * npoint) % gp:
        gp //= 2
    feats = _pool(y3.reshape(b * npoint, k, cout), st3, g3, t3, npos, gp)
    return new_xyz, feats.reshape(b, npoint, cout)


def kernel(xyz, params):
    coords = xyz[:, :3, :]
    norm = xyz[:, 3:, :]

    table1 = jnp.concatenate(
        [jnp.transpose(coords, (0, 2, 1)), jnp.transpose(norm, (0, 2, 1))], axis=-1
    )
    l1_xyz, l1_feats = _sa_stage(
        coords, table1, params['sa1'], _S1, _R1, _K1, bp=4096
    )

    table2 = jnp.concatenate([l1_xyz, l1_feats], axis=-1)
    l2_xyz, l2_feats = _sa_stage(
        jnp.transpose(l1_xyz, (0, 2, 1)), table2, params['sa2'], _S2, _R2, _K2,
        bp=4096,
    )

    x3 = jnp.concatenate([l2_xyz, l2_feats], axis=-1)
    x3 = _pad_cols(x3, 520).reshape(_B * _S2, 520)
    w1, b1, g1, t1 = params['sa3'][0]
    sa3_params = [(_pad_cols(w1, 520), b1, g1, t1)] + list(params['sa3'][1:])
    l3 = _sa3(x3, sa3_params, _B, _S2)

    logits = _head(l3, params)
    return logits, l3[:, :, None]

# --- scband reference (transcript-rebuilt; emitter-appended) ---
"""Pipeline reference for scband-get-model-59176059404785 (READ-ONLY COPY).

The authoritative reference and input builder live on the scoring server;
editing this copy changes nothing except your own understanding.
"""

import jax, jax.numpy as jnp
import numpy as np
from jax import lax

B = 8
N = 4096
NUM_CLASS = 40


def index_points(points, idx):
    b = points.shape[0]
    bidx = jnp.arange(b).reshape((b,) + (1,) * (idx.ndim - 1))
    return points[bidx, idx]


def farthest_point_sample(xyz, npoint):
    b, n, _ = xyz.shape

    def body(i, carry):
        centroids, distance, farthest = carry
        centroids = centroids.at[:, i].set(farthest)
        centroid = xyz[jnp.arange(b), farthest][:, None, :]
        dist = jnp.sum((xyz - centroid) ** 2, -1)
        distance = jnp.minimum(distance, dist)
        farthest = jnp.argmax(distance, -1).astype(jnp.int32)
        return centroids, distance, farthest

    centroids = jnp.zeros((b, npoint), jnp.int32)
    distance = jnp.full((b, n), 1e10, jnp.float32)
    farthest = jnp.zeros((b,), jnp.int32)
    centroids, _, _ = lax.fori_loop(0, npoint, body, (centroids, distance, farthest))
    return centroids


def query_ball_point(radius, nsample, xyz, new_xyz):
    b, s, _ = new_xyz.shape
    n = xyz.shape[1]
    sqr = jnp.sum((new_xyz[:, :, None, :] - xyz[:, None, :, :]) ** 2, -1)
    gidx = jnp.broadcast_to(jnp.arange(n, dtype=jnp.int32), (b, s, n))
    gidx = jnp.where(sqr > radius ** 2, n, gidx)
    gidx = jnp.sort(gidx, -1)[:, :, :nsample]
    first = jnp.broadcast_to(gidx[:, :, :1], gidx.shape)
    gidx = jnp.where(gidx == n, first, gidx)
    return gidx


def sa_layer(layer_params, xyz, points, npoint, radius, nsample, group_all):
    # xyz: [B, 3, N] channels-first; points: [B, D, N] or None
    xyz_t = jnp.transpose(xyz, (0, 2, 1))
    pts_t = None if points is None else jnp.transpose(points, (0, 2, 1))
    if group_all:
        new_xyz = jnp.zeros((xyz_t.shape[0], 1, 3), jnp.float32)
        new_points = xyz_t[:, None, :, :]
        if pts_t is not None:
            new_points = jnp.concatenate([new_points, pts_t[:, None, :, :]], -1)
    else:
        xyz_sg = lax.stop_gradient(xyz_t)
        fps_idx = farthest_point_sample(xyz_sg, npoint)
        new_xyz = index_points(xyz_t, fps_idx)
        idx = query_ball_point(radius, nsample, xyz_sg, lax.stop_gradient(new_xyz))
        grouped_xyz = index_points(xyz_t, idx) - new_xyz[:, :, None, :]
        if pts_t is not None:
            new_points = jnp.concatenate([grouped_xyz, index_points(pts_t, idx)], -1)
        else:
            new_points = grouped_xyz
    # [B, S, K, C] -> [B, C, K, S]
    x = jnp.transpose(new_points, (0, 3, 2, 1))
    for (W, bb, g, bt) in layer_params:
        x = jnp.einsum('bckn,oc->bokn', x, W) + bb[None, :, None, None]
        mean = jnp.mean(x, (0, 2, 3), keepdims=True)
        var = jnp.var(x, (0, 2, 3), keepdims=True)
        x = g[None, :, None, None] * (x - mean) / jnp.sqrt(var + 1e-5) + bt[None, :, None, None]
        x = jax.nn.relu(x)
    x = jnp.max(x, axis=2)  # max over nsample -> [B, C_out, S]
    return jnp.transpose(new_xyz, (0, 2, 1)), x


def bn1d(x, g, bt):
    mean = jnp.mean(x, 0, keepdims=True)
    var = jnp.var(x, 0, keepdims=True)
    return g[None, :] * (x - mean) / jnp.sqrt(var + 1e-5) + bt[None, :]


def model_forward(params, xyz):
    norm = xyz[:, 3:, :]
    coords = xyz[:, :3, :]
    l1_xyz, l1_points = sa_layer(params['sa1'], coords, norm, 512, 0.2, 32, False)
    l2_xyz, l2_points = sa_layer(params['sa2'], l1_xyz, l1_points, 128, 0.4, 64, False)
    l3_xyz, l3_points = sa_layer(params['sa3'], l2_xyz, l2_points, None, None, None, True)
    x = l3_points.reshape(l3_points.shape[0], 2048)
    x = jax.nn.relu(bn1d(x @ params['fc1'][0].T + params['fc1'][1], params['bn1'][0], params['bn1'][1]))
    x = jax.nn.relu(bn1d(x @ params['fc2'][0].T + params['fc2'][1], params['bn2'][0], params['bn2'][1]))
    x = x @ params['fc3'][0].T + params['fc3'][1]
    x = jax.nn.log_softmax(x, -1)
    return x, l3_points


def make_params(key):
    conv_specs = {'sa1': [(6, 128), (128, 128), (128, 256)],
                  'sa2': [(259, 256), (256, 256), (256, 512)],
                  'sa3': [(515, 512), (512, 1024), (1024, 2048)]}
    params = {}
    k = key
    for name in ['sa1', 'sa2', 'sa3']:
        layer = []
        for cin, cout in conv_specs[name]:
            k, k1 = jax.random.split(k)
            W = jax.random.normal(k1, (cout, cin), jnp.float32) / np.sqrt(cin)
            layer.append((W, jnp.zeros((cout,), jnp.float32), jnp.ones((cout,), jnp.float32), jnp.zeros((cout,), jnp.float32)))
        params[name] = layer
    for name, (cin, cout) in [('fc1', (2048, 1024)), ('fc2', (1024, 512)), ('fc3', (512, NUM_CLASS))]:
        k, k1 = jax.random.split(k)
        params[name] = (jax.random.normal(k1, (cout, cin), jnp.float32) / np.sqrt(cin), jnp.zeros((cout,), jnp.float32))
    params['bn1'] = (jnp.ones((1024,), jnp.float32), jnp.zeros((1024,), jnp.float32))
    params['bn2'] = (jnp.ones((512,), jnp.float32), jnp.zeros((512,), jnp.float32))
    return params


def setup_inputs(seed: int = 0):
    key = jax.random.key(seed)
    kx, kp = jax.random.split(key)
    xyz = jax.random.normal(kx, (B, 6, N), jnp.float32)
    return {'xyz': xyz, 'params': make_params(kp)}


def reference(xyz, params):
    return model_forward(params, xyz)

if __name__ == "__main__":
    import jax
    _d = setup_inputs()
    print(jax.jit(kernel)(*tuple(_d.values())))

</pallas_src>

<mosaic_0001>
#map = affine_map<(d0, d1) -> (0, 0)>
module attributes {stable_mosaic.version = 14 : i64} {
  func.func @gk(%arg0: i32, %arg1: i32, %arg2: memref<32768x128xf32, #tpu.memory_space<hbm>>, %arg3: memref<1024x128xi32, #tpu.memory_space<hbm>>, %arg4: memref<131072x128xf32, #tpu.memory_space<hbm>>, %arg5: memref<32x128xi32, #tpu.memory_space<vmem>>, %arg6: memref<128x128xf32, #tpu.memory_space<vmem>>, %arg7: memref<!tpu.dma_semaphore, #tpu.memory_space<semaphore_mem>>) attributes {dimension_semantics = [#tpu.dimension_semantics<core_parallel>, #tpu.dimension_semantics<subcore_parallel>], iteration_bounds = array<i64: 2, 16>, scalar_prefetch = 0 : i64, scratch_operands = 3 : i64, tpu.core_type = #tpu.core_type<sc_vector_subcore>, window_params = [{transform_indices = #map}, {transform_indices = #map}, {transform_indices = #map}]} {
    %mul3A = arith.constant 2 : i32
    %mul3A_0 = arith.muli %arg1, %mul3A : i32
    %add3A = arith.addi %mul3A_0, %arg0 : i32
    %mul3A_1 = arith.constant 32 : i32
    %mul3A_2 = arith.muli %add3A, %mul3A_1 : i32
    "tpu.region"() ({
      %run_scoped3A = tpu.sem_alloc : memref<!tpu.dma_semaphore, #tpu.memory_space<semaphore_mem>>
      %dma_start3A = arith.constant 0 : i32
      %dma_start3A_9 = tpu.memref_slice %arg3[%mul3A_2, %dma_start3A] : memref<1024x128xi32, #tpu.memory_space<hbm>> -> memref<32x128xi32, #tpu.memory_space<hbm>>
      %dma_start3A_10 = arith.constant 0 : i32
      %dma_start3A_11 = tpu.memref_slice %arg3[%mul3A_2, %dma_start3A_10] : memref<1024x128xi32, #tpu.memory_space<hbm>> -> memref<32x128xi32, #tpu.memory_space<hbm>>
      tpu.enqueue_dma source(%dma_start3A_11 : memref<32x128xi32, #tpu.memory_space<hbm>>) target(%arg5 : memref<32x128xi32, #tpu.memory_space<vmem>>) target_semaphore(%run_scoped3A : memref<!tpu.dma_semaphore, #tpu.memory_space<semaphore_mem>>)
      %dma_wait3A = arith.constant 0 : i32
      %dma_wait3A_12 = tpu.memref_slice %arg3[%mul3A_2, %dma_wait3A] : memref<1024x128xi32, #tpu.memory_space<hbm>> -> memref<32x128xi32, #tpu.memory_space<hbm>>
      %dma_wait3A_13 = arith.constant 0 : i32
      %dma_wait3A_14 = tpu.memref_slice %arg3[%mul3A_2, %dma_wait3A_13] : memref<1024x128xi32, #tpu.memory_space<hbm>> -> memref<32x128xi32, #tpu.memory_space<hbm>>
      tpu.wait_dma2 semaphore(%run_scoped3A : memref<!tpu.dma_semaphore, #tpu.memory_space<semaphore_mem>>) src(%dma_wait3A_14 : memref<32x128xi32, #tpu.memory_space<hbm>>) dst(%arg5 : memref<32x128xi32, #tpu.memory_space<vmem>>)
      tpu.yield
    }) : () -> ()
    %scan3A = arith.constant 0 : i32
    %scan3A_3 = arith.constant 0 : i32
    %scan3A_4 = arith.constant 32 : i32
    %scan3A_5 = arith.addi %scan3A_3, %scan3A_4 : i32
    %scan3A_6 = arith.constant 1 : i32
    %scan3A_7 = scf.for %scan3A_9 = %scan3A_3 to %scan3A_5 step %scan3A_6 iter_args(%scan3A_10 = %scan3A) -> (i32)  : i32 {
      %dma_start3A = arith.constant 0 : i32
      %dma_start3A_11 = tpu.memref_slice %arg5[%scan3A_9, %dma_start3A] : memref<32x128xi32, #tpu.memory_space<vmem>> -> memref<1x128xi32, #tpu.memory_space<vmem>>
      %dma_start3A_12 = tpu.memref_squeeze %dma_start3A_11 : memref<1x128xi32, #tpu.memory_space<vmem>> -> memref<128xi32, #tpu.memory_space<vmem>>
      %dma_start3A_13 = arith.constant 0 : i32
      %dma_start3A_14 = arith.constant 0 : i32
      %dma_start3A_15 = tpu.memref_slice %arg2[%dma_start3A_13, %dma_start3A_14] : memref<32768x128xf32, #tpu.memory_space<hbm>> -> memref<32768x128xf32, #tpu.memory_space<hbm>>
      tpu.enqueue_indirect_dma source(%dma_start3A_15 : memref<32768x128xf32, #tpu.memory_space<hbm>>) target(%arg6 : memref<128x128xf32, #tpu.memory_space<vmem>>) offsets(%dma_start3A_12 : memref<128xi32, #tpu.memory_space<vmem>>) semaphore(%arg7 : memref<!tpu.dma_semaphore, #tpu.memory_space<semaphore_mem>>)
      %dma_wait3A = arith.constant 0 : i32
      %dma_wait3A_16 = tpu.memref_slice %arg5[%scan3A_9, %dma_wait3A] : memref<32x128xi32, #tpu.memory_space<vmem>> -> memref<1x128xi32, #tpu.memory_space<vmem>>
      %dma_wait3A_17 = tpu.memref_squeeze %dma_wait3A_16 : memref<1x128xi32, #tpu.memory_space<vmem>> -> memref<128xi32, #tpu.memory_space<vmem>>
      %dma_wait3A_18 = arith.constant 0 : i32
      %dma_wait3A_19 = arith.constant 0 : i32
      %dma_wait3A_20 = tpu.memref_slice %arg2[%dma_wait3A_18, %dma_wait3A_19] : memref<32768x128xf32, #tpu.memory_space<hbm>> -> memref<32768x128xf32, #tpu.memory_space<hbm>>
      tpu.wait_indirect_dma semaphore(%arg7 : memref<!tpu.dma_semaphore, #tpu.memory_space<semaphore_mem>>) src(%dma_wait3A_20 : memref<32768x128xf32, #tpu.memory_space<hbm>>) dst(%arg6 : memref<128x128xf32, #tpu.memory_space<vmem>>)
      %add3A_21 = arith.addi %mul3A_2, %scan3A_9 : i32
      %mul3A_22 = arith.constant 128 : i32
      %mul3A_23 = arith.muli %add3A_21, %mul3A_22 : i32
      "tpu.region"() ({
        %run_scoped3A = tpu.sem_alloc : memref<!tpu.dma_semaphore, #tpu.memory_space<semaphore_mem>>
        %dma_start3A_25 = arith.constant 0 : i32
        %dma_start3A_26 = tpu.memref_slice %arg4[%mul3A_23, %dma_start3A_25] : memref<131072x128xf32, #tpu.memory_space<hbm>> -> memref<128x128xf32, #tpu.memory_space<hbm>>
        %dma_start3A_27 = arith.constant 0 : i32
        %dma_start3A_28 = tpu.memref_slice %arg4[%mul3A_23, %dma_start3A_27] : memref<131072x128xf32, #tpu.memory_space<hbm>> -> memref<128x128xf32, #tpu.memory_space<hbm>>
        tpu.enqueue_dma source(%arg6 : memref<128x128xf32, #tpu.memory_space<vmem>>) target(%dma_start3A_28 : memref<128x128xf32, #tpu.memory_space<hbm>>) target_semaphore(%run_scoped3A : memref<!tpu.dma_semaphore, #tpu.memory_space<semaphore_mem>>)
        %dma_wait3A_29 = arith.constant 0 : i32
        %dma_wait3A_30 = tpu.memref_slice %arg4[%mul3A_23, %dma_wait3A_29] : memref<131072x128xf32, #tpu.memory_space<hbm>> -> memref<128x128xf32, #tpu.memory_space<hbm>>
        %dma_wait3A_31 = arith.constant 0 : i32
        %dma_wait3A_32 = tpu.memref_slice %arg4[%mul3A_23, %dma_wait3A_31] : memref<131072x128xf32, #tpu.memory_space<hbm>> -> memref<128x128xf32, #tpu.memory_space<hbm>>
        tpu.wait_dma2 semaphore(%run_scoped3A : memref<!tpu.dma_semaphore, #tpu.memory_space<semaphore_mem>>) src(%arg6 : memref<128x128xf32, #tpu.memory_space<vmem>>) dst(%dma_wait3A_32 : memref<128x128xf32, #tpu.memory_space<hbm>>)
        tpu.yield
      }) : () -> ()
      %scan3A_24 = arith.constant 0 : i32
      scf.yield %scan3A_24 : i32
    }
    %scan3A_8 = arith.constant 32 : i32
    return
  }
}

#map = affine_map<(d0, d1) -> (0, 0)>
module attributes {stable_mosaic.version = 14 : i64} {
  func.func @gk(%arg0: i32, %arg1: i32, %arg2: memref<4096x384xf32, #tpu.memory_space<hbm>>, %arg3: memref<512x128xi32, #tpu.memory_space<hbm>>, %arg4: memref<65536x384xf32, #tpu.memory_space<hbm>>, %arg5: memref<16x128xi32, #tpu.memory_space<vmem>>, %arg6: memref<128x384xf32, #tpu.memory_space<vmem>>, %arg7: memref<!tpu.dma_semaphore, #tpu.memory_space<semaphore_mem>>) attributes {dimension_semantics = [#tpu.dimension_semantics<core_parallel>, #tpu.dimension_semantics<subcore_parallel>], iteration_bounds = array<i64: 2, 16>, scalar_prefetch = 0 : i64, scratch_operands = 3 : i64, tpu.core_type = #tpu.core_type<sc_vector_subcore>, window_params = [{transform_indices = #map}, {transform_indices = #map}, {transform_indices = #map}]} {
    %mul3A = arith.constant 2 : i32
    %mul3A_0 = arith.muli %arg1, %mul3A : i32
    %add3A = arith.addi %mul3A_0, %arg0 : i32
    %mul3A_1 = arith.constant 16 : i32
    %mul3A_2 = arith.muli %add3A, %mul3A_1 : i32
    "tpu.region"() ({
      %run_scoped3A = tpu.sem_alloc : memref<!tpu.dma_semaphore, #tpu.memory_space<semaphore_mem>>
      %dma_start3A = arith.constant 0 : i32
      %dma_start3A_9 = tpu.memref_slice %arg3[%mul3A_2, %dma_start3A] : memref<512x128xi32, #tpu.memory_space<hbm>> -> memref<16x128xi32, #tpu.memory_space<hbm>>
      %dma_start3A_10 = arith.constant 0 : i32
      %dma_start3A_11 = tpu.memref_slice %arg3[%mul3A_2, %dma_start3A_10] : memref<512x128xi32, #tpu.memory_space<hbm>> -> memref<16x128xi32, #tpu.memory_space<hbm>>
      tpu.enqueue_dma source(%dma_start3A_11 : memref<16x128xi32, #tpu.memory_space<hbm>>) target(%arg5 : memref<16x128xi32, #tpu.memory_space<vmem>>) target_semaphore(%run_scoped3A : memref<!tpu.dma_semaphore, #tpu.memory_space<semaphore_mem>>)
      %dma_wait3A = arith.constant 0 : i32
      %dma_wait3A_12 = tpu.memref_slice %arg3[%mul3A_2, %dma_wait3A] : memref<512x128xi32, #tpu.memory_space<hbm>> -> memref<16x128xi32, #tpu.memory_space<hbm>>
      %dma_wait3A_13 = arith.constant 0 : i32
      %dma_wait3A_14 = tpu.memref_slice %arg3[%mul3A_2, %dma_wait3A_13] : memref<512x128xi32, #tpu.memory_space<hbm>> -> memref<16x128xi32, #tpu.memory_space<hbm>>
      tpu.wait_dma2 semaphore(%run_scoped3A : memref<!tpu.dma_semaphore, #tpu.memory_space<semaphore_mem>>) src(%dma_wait3A_14 : memref<16x128xi32, #tpu.memory_space<hbm>>) dst(%arg5 : memref<16x128xi32, #tpu.memory_space<vmem>>)
      tpu.yield
    }) : () -> ()
    %scan3A = arith.constant 0 : i32
    %scan3A_3 = arith.constant 0 : i32
    %scan3A_4 = arith.constant 16 : i32
    %scan3A_5 = arith.addi %scan3A_3, %scan3A_4 : i32
    %scan3A_6 = arith.constant 1 : i32
    %scan3A_7 = scf.for %scan3A_9 = %scan3A_3 to %scan3A_5 step %scan3A_6 iter_args(%scan3A_10 = %scan3A) -> (i32)  : i32 {
      %dma_start3A = arith.constant 0 : i32
      %dma_start3A_11 = tpu.memref_slice %arg5[%scan3A_9, %dma_start3A] : memref<16x128xi32, #tpu.memory_space<vmem>> -> memref<1x128xi32, #tpu.memory_space<vmem>>
      %dma_start3A_12 = tpu.memref_squeeze %dma_start3A_11 : memref<1x128xi32, #tpu.memory_space<vmem>> -> memref<128xi32, #tpu.memory_space<vmem>>
      %dma_start3A_13 = arith.constant 0 : i32
      %dma_start3A_14 = arith.constant 0 : i32
      %dma_start3A_15 = tpu.memref_slice %arg2[%dma_start3A_13, %dma_start3A_14] : memref<4096x384xf32, #tpu.memory_space<hbm>> -> memref<4096x384xf32, #tpu.memory_space<hbm>>
      tpu.enqueue_indirect_dma source(%dma_start3A_15 : memref<4096x384xf32, #tpu.memory_space<hbm>>) target(%arg6 : memref<128x384xf32, #tpu.memory_space<vmem>>) offsets(%dma_start3A_12 : memref<128xi32, #tpu.memory_space<vmem>>) semaphore(%arg7 : memref<!tpu.dma_semaphore, #tpu.memory_space<semaphore_mem>>)
      %dma_wait3A = arith.constant 0 : i32
      %dma_wait3A_16 = tpu.memref_slice %arg5[%scan3A_9, %dma_wait3A] : memref<16x128xi32, #tpu.memory_space<vmem>> -> memref<1x128xi32, #tpu.memory_space<vmem>>
      %dma_wait3A_17 = tpu.memref_squeeze %dma_wait3A_16 : memref<1x128xi32, #tpu.memory_space<vmem>> -> memref<128xi32, #tpu.memory_space<vmem>>
      %dma_wait3A_18 = arith.constant 0 : i32
      %dma_wait3A_19 = arith.constant 0 : i32
      %dma_wait3A_20 = tpu.memref_slice %arg2[%dma_wait3A_18, %dma_wait3A_19] : memref<4096x384xf32, #tpu.memory_space<hbm>> -> memref<4096x384xf32, #tpu.memory_space<hbm>>
      tpu.wait_indirect_dma semaphore(%arg7 : memref<!tpu.dma_semaphore, #tpu.memory_space<semaphore_mem>>) src(%dma_wait3A_20 : memref<4096x384xf32, #tpu.memory_space<hbm>>) dst(%arg6 : memref<128x384xf32, #tpu.memory_space<vmem>>)
      %add3A_21 = arith.addi %mul3A_2, %scan3A_9 : i32
      %mul3A_22 = arith.constant 128 : i32
      %mul3A_23 = arith.muli %add3A_21, %mul3A_22 : i32
      "tpu.region"() ({
        %run_scoped3A = tpu.sem_alloc : memref<!tpu.dma_semaphore, #tpu.memory_space<semaphore_mem>>
        %dma_start3A_25 = arith.constant 0 : i32
        %dma_start3A_26 = tpu.memref_slice %arg4[%mul3A_23, %dma_start3A_25] : memref<65536x384xf32, #tpu.memory_space<hbm>> -> memref<128x384xf32, #tpu.memory_space<hbm>>
        %dma_start3A_27 = arith.constant 0 : i32
        %dma_start3A_28 = tpu.memref_slice %arg4[%mul3A_23, %dma_start3A_27] : memref<65536x384xf32, #tpu.memory_space<hbm>> -> memref<128x384xf32, #tpu.memory_space<hbm>>
        tpu.enqueue_dma source(%arg6 : memref<128x384xf32, #tpu.memory_space<vmem>>) target(%dma_start3A_28 : memref<128x384xf32, #tpu.memory_space<hbm>>) target_semaphore(%run_scoped3A : memref<!tpu.dma_semaphore, #tpu.memory_space<semaphore_mem>>)
        %dma_wait3A_29 = arith.constant 0 : i32
        %dma_wait3A_30 = tpu.memref_slice %arg4[%mul3A_23, %dma_wait3A_29] : memref<65536x384xf32, #tpu.memory_space<hbm>> -> memref<128x384xf32, #tpu.memory_space<hbm>>
        %dma_wait3A_31 = arith.constant 0 : i32
        %dma_wait3A_32 = tpu.memref_slice %arg4[%mul3A_23, %dma_wait3A_31] : memref<65536x384xf32, #tpu.memory_space<hbm>> -> memref<128x384xf32, #tpu.memory_space<hbm>>
        tpu.wait_dma2 semaphore(%run_scoped3A : memref<!tpu.dma_semaphore, #tpu.memory_space<semaphore_mem>>) src(%arg6 : memref<128x384xf32, #tpu.memory_space<vmem>>) dst(%dma_wait3A_32 : memref<128x384xf32, #tpu.memory_space<hbm>>)
        tpu.yield
      }) : () -> ()
      %scan3A_24 = arith.constant 0 : i32
      scf.yield %scan3A_24 : i32
    }
    %scan3A_8 = arith.constant 16 : i32
    return
  }
}

module attributes {stable_mosaic.version = 14 : i64} {
  func.func @_fps_body(%arg0: memref<8x3x4096xf32, #tpu.memory_space<vmem>>, %arg1: memref<8x512x3xf32, #tpu.memory_space<vmem>>) attributes {dimension_semantics = [], scalar_prefetch = 0 : i64, scratch_operands = 0 : i64, tpu.core_type = #tpu.core_type<tc>} {
    %get3A = arith.constant 0 : index
    %get3A_0 = arith.constant 0 : index
    %get3A_1 = arith.constant 0 : index
    %get3A_2 = vector.load %arg0[%get3A, %get3A_0, %get3A_1] : memref<8x3x4096xf32, #tpu.memory_space<vmem>>, vector<8x1x4096xf32>
    %get3A_3 = vector.shape_cast %get3A_2 : vector<8x1x4096xf32> to vector<8x4096xf32>
    %get3A_4 = arith.constant 0 : index
    %get3A_5 = arith.constant 1 : index
    %get3A_6 = arith.constant 0 : index
    %get3A_7 = vector.load %arg0[%get3A_4, %get3A_5, %get3A_6] : memref<8x3x4096xf32, #tpu.memory_space<vmem>>, vector<8x1x4096xf32>
    %get3A_8 = vector.shape_cast %get3A_7 : vector<8x1x4096xf32> to vector<8x4096xf32>
    %get3A_9 = arith.constant 0 : index
    %get3A_10 = arith.constant 2 : index
    %get3A_11 = arith.constant 0 : index
    %get3A_12 = vector.load %arg0[%get3A_9, %get3A_10, %get3A_11] : memref<8x3x4096xf32, #tpu.memory_space<vmem>>, vector<8x1x4096xf32>
    %get3A_13 = vector.shape_cast %get3A_12 : vector<8x1x4096xf32> to vector<8x4096xf32>
    %iota3A = tpu.iota {dimensions = array<i32: 1>} : vector<8x4096xi32>
    %iota3A_14 = tpu.iota {dimensions = array<i32: 2>} : vector<8x1x3xi32>
    %broadcast_in_dim3A = arith.constant 1.000000e+10 : f32
    %broadcast_in_dim3A_15 = vector.broadcast %broadcast_in_dim3A : f32 to vector<8x4096xf32>
    %broadcast_in_dim3A_16 = arith.constant 0 : i32
    %broadcast_in_dim3A_17 = vector.broadcast %broadcast_in_dim3A_16 : i32 to vector<8x1xi32>
    %scan3A = arith.constant 0 : i32
    %scan3A_18 = arith.constant 512 : i32
    %scan3A_19 = arith.addi %scan3A, %scan3A_18 : i32
    %scan3A_20 = arith.constant 1 : i32
    %scan3A_21:2 = scf.for %scan3A_23 = %scan3A to %scan3A_19 step %scan3A_20 iter_args(%scan3A_24 = %broadcast_in_dim3A_15, %scan3A_25 = %broadcast_in_dim3A_17) -> (vector<8x4096xf32>, vector<8x1xi32>)  : i32 {
      %eq3A = vector.broadcast %scan3A_25 : vector<8x1xi32> to vector<8x4096xi32>
      %eq3A_26 = arith.cmpi eq, %iota3A, %eq3A : vector<8x4096xi32>
      %jit3A = arith.constant 0.000000e+00 : f32
      %broadcast_in_dim3A_27 = vector.broadcast %jit3A : f32 to vector<8x4096xf32>
      %select_n3A = arith.select %eq3A_26, %get3A_3, %broadcast_in_dim3A_27 : vector<8x4096xi1>, vector<8x4096xf32>
      %reduce_sum3A = arith.constant dense<0.000000e+00> : vector<8xf32>
      %reduce_sum3A_28 = vector.multi_reduction <add>, %select_n3A, %reduce_sum3A [1] : vector<8x4096xf32> to vector<8xf32>
      %broadcast_in_dim3A_29 = vector.shape_cast %reduce_sum3A_28 : vector<8xf32> to vector<8x1xf32>
      %jit3A_30 = arith.constant 0.000000e+00 : f32
      %broadcast_in_dim3A_31 = vector.broadcast %jit3A_30 : f32 to vector<8x4096xf32>
      %select_n3A_32 = arith.select %eq3A_26, %get3A_8, %broadcast_in_dim3A_31 : vector<8x4096xi1>, vector<8x4096xf32>
      %reduce_sum3A_33 = arith.constant dense<0.000000e+00> : vector<8xf32>
      %reduce_sum3A_34 = vector.multi_reduction <add>, %select_n3A_32, %reduce_sum3A_33 [1] : vector<8x4096xf32> to vector<8xf32>
      %broadcast_in_dim3A_35 = vector.shape_cast %reduce_sum3A_34 : vector<8xf32> to vector<8x1xf32>
      %jit3A_36 = arith.constant 0.000000e+00 : f32
      %broadcast_in_dim3A_37 = vector.broadcast %jit3A_36 : f32 to vector<8x4096xf32>
      %select_n3A_38 = arith.select %eq3A_26, %get3A_13, %broadcast_in_dim3A_37 : vector<8x4096xi1>, vector<8x4096xf32>
      %reduce_sum3A_39 = arith.constant dense<0.000000e+00> : vector<8xf32>
      %reduce_sum3A_40 = vector.multi_reduction <add>, %select_n3A_38, %reduce_sum3A_39 [1] : vector<8x4096xf32> to vector<8xf32>
      %broadcast_in_dim3A_41 = vector.shape_cast %reduce_sum3A_40 : vector<8xf32> to vector<8x1xf32>
      %eq3A_42 = arith.constant 0 : i32
      %eq3A_43 = vector.broadcast %eq3A_42 : i32 to vector<8x1x3xi32>
      %eq3A_44 = arith.cmpi eq, %iota3A_14, %eq3A_43 : vector<8x1x3xi32>
      %broadcast_in_dim3A_45 = vector.shape_cast %broadcast_in_dim3A_29 : vector<8x1xf32> to vector<8x1x1xf32>
      %broadcast_in_dim3A_46 = vector.shape_cast %broadcast_in_dim3A_45 : vector<8x1x1xf32> to vector<8x1x1xf32>
      %broadcast_in_dim3A_47 = vector.broadcast %broadcast_in_dim3A_46 : vector<8x1x1xf32> to vector<8x1x3xf32>
      %eq3A_48 = arith.constant 1 : i32
      %eq3A_49 = vector.broadcast %eq3A_48 : i32 to vector<8x1x3xi32>
      %eq3A_50 = arith.cmpi eq, %iota3A_14, %eq3A_49 : vector<8x1x3xi32>
      %broadcast_in_dim3A_51 = vector.shape_cast %broadcast_in_dim3A_35 : vector<8x1xf32> to vector<8x1x1xf32>
      %broadcast_in_dim3A_52 = vector.shape_cast %broadcast_in_dim3A_51 : vector<8x1x1xf32> to vector<8x1x1xf32>
      %broadcast_in_dim3A_53 = vector.broadcast %broadcast_in_dim3A_52 : vector<8x1x1xf32> to vector<8x1x3xf32>
      %broadcast_in_dim3A_54 = vector.shape_cast %broadcast_in_dim3A_41 : vector<8x1xf32> to vector<8x1x1xf32>
      %broadcast_in_dim3A_55 = vector.shape_cast %broadcast_in_dim3A_54 : vector<8x1x1xf32> to vector<8x1x1xf32>
      %broadcast_in_dim3A_56 = vector.broadcast %broadcast_in_dim3A_55 : vector<8x1x1xf32> to vector<8x1x3xf32>
      %select_n3A_57 = arith.select %eq3A_50, %broadcast_in_dim3A_53, %broadcast_in_dim3A_56 : vector<8x1x3xi1>, vector<8x1x3xf32>
      %select_n3A_58 = arith.select %eq3A_44, %broadcast_in_dim3A_47, %select_n3A_57 : vector<8x1x3xi1>, vector<8x1x3xf32>
      %swap3A = arith.constant 0 : index
      %swap3A_59 = arith.index_cast %scan3A_23 : i32 to index
      %swap3A_60 = arith.constant 0 : index
      %swap3A_61 = vector.load %arg1[%swap3A, %swap3A_59, %swap3A_60] : memref<8x512x3xf32, #tpu.memory_space<vmem>>, vector<8x1x3xf32>
      tpu.vector_store %arg1[%swap3A, %swap3A_59, %swap3A_60], %select_n3A_58 {strides = array<i32>} : memref<8x512x3xf32, #tpu.memory_space<vmem>>, vector<8x1x3xf32>,
      %sub3A = vector.broadcast %broadcast_in_dim3A_29 : vector<8x1xf32> to vector<8x4096xf32>
      %sub3A_62 = arith.subf %get3A_3, %sub3A : vector<8x4096xf32>
      %sub3A_63 = vector.broadcast %broadcast_in_dim3A_35 : vector<8x1xf32> to vector<8x4096xf32>
      %sub3A_64 = arith.subf %get3A_8, %sub3A_63 : vector<8x4096xf32>
      %sub3A_65 = vector.broadcast %broadcast_in_dim3A_41 : vector<8x1xf32> to vector<8x4096xf32>
      %sub3A_66 = arith.subf %get3A_13, %sub3A_65 : vector<8x4096xf32>
      %mul3A = arith.mulf %sub3A_62, %sub3A_62 : vector<8x4096xf32>
      %mul3A_67 = arith.mulf %sub3A_64, %sub3A_64 : vector<8x4096xf32>
      %add3A = arith.addf %mul3A, %mul3A_67 : vector<8x4096xf32>
      %mul3A_68 = arith.mulf %sub3A_66, %sub3A_66 : vector<8x4096xf32>
      %add3A_69 = arith.addf %add3A, %mul3A_68 : vector<8x4096xf32>
      %min3A = arith.minimumf %scan3A_24, %add3A_69 : vector<8x4096xf32>
      %reduce_max3A = arith.constant dense<0xFF800000> : vector<8xf32>
      %reduce_max3A_70 = vector.multi_reduction <maximumf>, %min3A, %reduce_max3A [1] : vector<8x4096xf32> to vector<8xf32>
      %broadcast_in_dim3A_71 = vector.shape_cast %reduce_max3A_70 : vector<8xf32> to vector<8x1xf32>
      %eq3A_72 = vector.broadcast %broadcast_in_dim3A_71 : vector<8x1xf32> to vector<8x4096xf32>
      %eq3A_73 = arith.cmpf oeq, %min3A, %eq3A_72 : vector<8x4096xf32>
      %jit3A_74 = arith.constant 4096 : i32
      %broadcast_in_dim3A_75 = vector.broadcast %jit3A_74 : i32 to vector<8x4096xi32>
      %select_n3A_76 = arith.select %eq3A_73, %iota3A, %broadcast_in_dim3A_75 : vector<8x4096xi1>, vector<8x4096xi32>
      %reduce_min3A = arith.constant dense<2147483647> : vector<8xi32>
      %reduce_min3A_77 = vector.multi_reduction <minsi>, %select_n3A_76, %reduce_min3A [1] : vector<8x4096xi32> to vector<8xi32>
      %broadcast_in_dim3A_78 = vector.shape_cast %reduce_min3A_77 : vector<8xi32> to vector<8x1xi32>
      scf.yield %min3A, %broadcast_in_dim3A_78 : vector<8x4096xf32>, vector<8x1xi32>
    }
    %scan3A_22 = arith.constant 512 : i32
    return
  }
}

module attributes {stable_mosaic.version = 14 : i64} {
  func.func @_ballq_body(%arg0: i32, %arg1: i32, %arg2: memref<1x3x32x128xf32, #tpu.memory_space<vmem>>, %arg3: memref<1x128x3xf32, #tpu.memory_space<vmem>>, %arg4: memref<1x128x32xi32, #tpu.memory_space<vmem>>) attributes {dimension_semantics = [#tpu.dimension_semantics<arbitrary>, #tpu.dimension_semantics<arbitrary>], iteration_bounds = array<i64: 8, 4>, scalar_prefetch = 0 : i64, scratch_operands = 0 : i64, tpu.core_type = #tpu.core_type<tc>, window_params = [{transform_indices = @transform_0, window_bounds = array<i64: 1, 3, 32, 128>}, {transform_indices = @transform_1, window_bounds = array<i64: 1, 128, 3>}, {transform_indices = @transform_2, window_bounds = array<i64: 1, 128, 32>}]} {
    %broadcast_in_dim3A = arith.constant 0.000000e+00 : f32
    %broadcast_in_dim3A_0 = vector.broadcast %broadcast_in_dim3A : f32 to vector<128x32x128xf32>
    %get3A = arith.constant 0 : index
    %get3A_1 = arith.constant 0 : index
    %get3A_2 = arith.constant 0 : index
    %get3A_3 = arith.constant 0 : index
    %get3A_4 = vector.load %arg2[%get3A, %get3A_1, %get3A_2, %get3A_3] : memref<1x3x32x128xf32, #tpu.memory_space<vmem>>, vector<1x1x32x128xf32>
    %get3A_5 = vector.shape_cast %get3A_4 : vector<1x1x32x128xf32> to vector<32x128xf32>
    %get3A_6 = arith.constant 0 : index
    %get3A_7 = arith.constant 0 : index
    %get3A_8 = arith.constant 0 : index
    %get3A_9 = vector.load %arg3[%get3A_6, %get3A_7, %get3A_8] : memref<1x128x3xf32, #tpu.memory_space<vmem>>, vector<1x128x1xf32>
    %get3A_10 = vector.shape_cast %get3A_9 : vector<1x128x1xf32> to vector<128xf32>
    %broadcast_in_dim3A_11 = vector.shape_cast %get3A_10 : vector<128xf32> to vector<128x1x1xf32>
    %broadcast_in_dim3A_12 = vector.shape_cast %get3A_5 : vector<32x128xf32> to vector<1x32x128xf32>
    %sub3A = vector.broadcast %broadcast_in_dim3A_11 : vector<128x1x1xf32> to vector<128x32x128xf32>
    %sub3A_13 = vector.broadcast %broadcast_in_dim3A_12 : vector<1x32x128xf32> to vector<128x32x128xf32>
    %sub3A_14 = arith.subf %sub3A, %sub3A_13 : vector<128x32x128xf32>
    %mul3A = arith.mulf %sub3A_14, %sub3A_14 : vector<128x32x128xf32>
    %add3A = arith.addf %broadcast_in_dim3A_0, %mul3A : vector<128x32x128xf32>
    %get3A_15 = arith.constant 0 : index
    %get3A_16 = arith.constant 1 : index
    %get3A_17 = arith.constant 0 : index
    %get3A_18 = arith.constant 0 : index
    %get3A_19 = vector.load %arg2[%get3A_15, %get3A_16, %get3A_17, %get3A_18] : memref<1x3x32x128xf32, #tpu.memory_space<vmem>>, vector<1x1x32x128xf32>
    %get3A_20 = vector.shape_cast %get3A_19 : vector<1x1x32x128xf32> to vector<32x128xf32>
    %get3A_21 = arith.constant 0 : index
    %get3A_22 = arith.constant 0 : index
    %get3A_23 = arith.constant 1 : index
    %get3A_24 = vector.load %arg3[%get3A_21, %get3A_22, %get3A_23] : memref<1x128x3xf32, #tpu.memory_space<vmem>>, vector<1x128x1xf32>
    %get3A_25 = vector.shape_cast %get3A_24 : vector<1x128x1xf32> to vector<128xf32>
    %broadcast_in_dim3A_26 = vector.shape_cast %get3A_25 : vector<128xf32> to vector<128x1x1xf32>
    %broadcast_in_dim3A_27 = vector.shape_cast %get3A_20 : vector<32x128xf32> to vector<1x32x128xf32>
    %sub3A_28 = vector.broadcast %broadcast_in_dim3A_26 : vector<128x1x1xf32> to vector<128x32x128xf32>
    %sub3A_29 = vector.broadcast %broadcast_in_dim3A_27 : vector<1x32x128xf32> to vector<128x32x128xf32>
    %sub3A_30 = arith.subf %sub3A_28, %sub3A_29 : vector<128x32x128xf32>
    %mul3A_31 = arith.mulf %sub3A_30, %sub3A_30 : vector<128x32x128xf32>
    %add3A_32 = arith.addf %add3A, %mul3A_31 : vector<128x32x128xf32>
    %get3A_33 = arith.constant 0 : index
    %get3A_34 = arith.constant 2 : index
    %get3A_35 = arith.constant 0 : index
    %get3A_36 = arith.constant 0 : index
    %get3A_37 = vector.load %arg2[%get3A_33, %get3A_34, %get3A_35, %get3A_36] : memref<1x3x32x128xf32, #tpu.memory_space<vmem>>, vector<1x1x32x128xf32>
    %get3A_38 = vector.shape_cast %get3A_37 : vector<1x1x32x128xf32> to vector<32x128xf32>
    %get3A_39 = arith.constant 0 : index
    %get3A_40 = arith.constant 0 : index
    %get3A_41 = arith.constant 2 : index
    %get3A_42 = vector.load %arg3[%get3A_39, %get3A_40, %get3A_41] : memref<1x128x3xf32, #tpu.memory_space<vmem>>, vector<1x128x1xf32>
    %get3A_43 = vector.shape_cast %get3A_42 : vector<1x128x1xf32> to vector<128xf32>
    %broadcast_in_dim3A_44 = vector.shape_cast %get3A_43 : vector<128xf32> to vector<128x1x1xf32>
    %broadcast_in_dim3A_45 = vector.shape_cast %get3A_38 : vector<32x128xf32> to vector<1x32x128xf32>
    %sub3A_46 = vector.broadcast %broadcast_in_dim3A_44 : vector<128x1x1xf32> to vector<128x32x128xf32>
    %sub3A_47 = vector.broadcast %broadcast_in_dim3A_45 : vector<1x32x128xf32> to vector<128x32x128xf32>
    %sub3A_48 = arith.subf %sub3A_46, %sub3A_47 : vector<128x32x128xf32>
    %mul3A_49 = arith.mulf %sub3A_48, %sub3A_48 : vector<128x32x128xf32>
    %add3A_50 = arith.addf %add3A_32, %mul3A_49 : vector<128x32x128xf32>
    %le3A = arith.constant 4.000000e-02 : f32
    %le3A_51 = vector.broadcast %le3A : f32 to vector<128x32x128xf32>
    %le3A_52 = arith.cmpf ole, %add3A_50, %le3A_51 : vector<128x32x128xf32>
    %convert_element_type3A = arith.extui %le3A_52 : vector<128x32x128xi1> to vector<128x32x128xi32>
    %convert_element_type3A_53 = arith.sitofp %convert_element_type3A : vector<128x32x128xi32> to vector<128x32x128xf32>
    %iota3A = tpu.iota {dimensions = array<i32: 0>} : vector<128x128xi32>
    %iota3A_54 = tpu.iota {dimensions = array<i32: 1>} : vector<128x128xi32>
    %le3A_55 = arith.cmpi sle, %iota3A, %iota3A_54 : vector<128x128xi32>
    %convert_element_type3A_56 = arith.extui %le3A_55 : vector<128x128xi1> to vector<128x128xi32>
    %convert_element_type3A_57 = arith.sitofp %convert_element_type3A_56 : vector<128x128xi32> to vector<128x128xf32>
    %dot_general3A = arith.constant dense<0.000000e+00> : vector<128x32x128xf32>
    %dot_general3A_58 = tpu.matmul %convert_element_type3A_53, %convert_element_type3A_57, %dot_general3A {dimension_numbers = #tpu.dot_dimension_numbers<[2], [0], [0, 1], [1], [0, 0, 0, 1, 1, 1], [], []>, transpose_lhs_hint = false} : vector<128x32x128xf32>, vector<128x128xf32>, vector<128x32x128xf32> -> vector<128x32x128xf32>
    %slice3A = vector.extract_strided_slice %dot_general3A_58 {offsets = [0, 0, 127], sizes = [128, 32, 1], strides = [1, 1, 1]} : vector<128x32x128xf32> to vector<128x32x1xf32>
    %reshape3A = vector.shape_cast %slice3A : vector<128x32x1xf32> to vector<128x32xf32>
    %iota3A_59 = tpu.iota {dimensions = array<i32: 0>} : vector<32x32xi32>
    %iota3A_60 = tpu.iota {dimensions = array<i32: 1>} : vector<32x32xi32>
    %lt3A = arith.cmpi slt, %iota3A_59, %iota3A_60 : vector<32x32xi32>
    %convert_element_type3A_61 = arith.extui %lt3A : vector<32x32xi1> to vector<32x32xi32>
    %convert_element_type3A_62 = arith.sitofp %convert_element_type3A_61 : vector<32x32xi32> to vector<32x32xf32>
    %dot_general3A_63 = arith.constant dense<0.000000e+00> : vector<128x32xf32>
    %dot_general3A_64 = tpu.matmul %reshape3A, %convert_element_type3A_62, %dot_general3A_63 {dimension_numbers = #tpu.dot_dimension_numbers<[1], [0], [0], [1], [0, 0, 1, 1], [], []>, transpose_lhs_hint = false} : vector<128x32xf32>, vector<32x32xf32>, vector<128x32xf32> -> vector<128x32xf32>
    %broadcast_in_dim3A_65 = vector.shape_cast %dot_general3A_64 : vector<128x32xf32> to vector<128x32x1xf32>
    %add3A_66 = vector.broadcast %broadcast_in_dim3A_65 : vector<128x32x1xf32> to vector<128x32x128xf32>
    %add3A_67 = arith.addf %dot_general3A_58, %add3A_66 : vector<128x32x128xf32>
    %convert_element_type3A_68 = arith.fptosi %add3A_67 : vector<128x32x128xf32> to vector<128x32x128xi32>
    %reduce_sum3A = arith.constant dense<0.000000e+00> : vector<128xf32>
    %reduce_sum3A_69 = vector.multi_reduction <add>, %convert_element_type3A_53, %reduce_sum3A [1, 2] : vector<128x32x128xf32> to vector<128xf32>
    %broadcast_in_dim3A_70 = vector.shape_cast %reduce_sum3A_69 : vector<128xf32> to vector<128x1x1xf32>
    %convert_element_type3A_71 = arith.fptosi %broadcast_in_dim3A_70 : vector<128x1x1xf32> to vector<128x1x1xi32>
    %gt3A = arith.constant 0.000000e+00 : f32
    %gt3A_72 = vector.broadcast %gt3A : f32 to vector<128x32x128xf32>
    %gt3A_73 = arith.cmpf ogt, %convert_element_type3A_53, %gt3A_72 : vector<128x32x128xf32>
    %jit3A = arith.constant 0 : i32
    %broadcast_in_dim3A_74 = vector.broadcast %jit3A : i32 to vector<128x32x128xi32>
    %select_n3A = arith.select %gt3A_73, %convert_element_type3A_68, %broadcast_in_dim3A_74 : vector<128x32x128xi1>, vector<128x32x128xi32>
    %iota3A_75 = tpu.iota {dimensions = array<i32: 1>} : vector<128x32x128xi32>
    %mul3A_76 = arith.constant 128 : i32
    %mul3A_77 = vector.broadcast %mul3A_76 : i32 to vector<128x32x128xi32>
    %mul3A_78 = arith.muli %iota3A_75, %mul3A_77 : vector<128x32x128xi32>
    %iota3A_79 = tpu.iota {dimensions = array<i32: 2>} : vector<128x32x128xi32>
    %add3A_80 = arith.addi %mul3A_78, %iota3A_79 : vector<128x32x128xi32>
    %mul3A_81 = arith.constant 4096 : i32
    %mul3A_82 = arith.muli %arg0, %mul3A_81 : i32
    %ge3A = arith.constant 1 : i32
    %ge3A_83 = vector.broadcast %ge3A : i32 to vector<128x1x1xi32>
    %ge3A_84 = arith.cmpi sge, %convert_element_type3A_71, %ge3A_83 : vector<128x1x1xi32>
    %jit3A_85 = arith.constant 1 : i32
    %jit3A_86 = arith.constant 1 : i32
    %broadcast_in_dim3A_87 = vector.broadcast %jit3A_85 : i32 to vector<128x1x1xi32>
    %broadcast_in_dim3A_88 = vector.broadcast %jit3A_86 : i32 to vector<128x1x1xi32>
    %select_n3A_89 = arith.select %ge3A_84, %broadcast_in_dim3A_87, %broadcast_in_dim3A_88 : vector<128x1x1xi1>, vector<128x1x1xi32>
    %eq3A = vector.broadcast %select_n3A_89 : vector<128x1x1xi32> to vector<128x32x128xi32>
    %eq3A_90 = arith.cmpi eq, %select_n3A, %eq3A : vector<128x32x128xi32>
    %jit3A_91 = arith.constant 4096 : i32
    %broadcast_in_dim3A_92 = vector.broadcast %jit3A_91 : i32 to vector<128x32x128xi32>
    %select_n3A_93 = arith.select %eq3A_90, %add3A_80, %broadcast_in_dim3A_92 : vector<128x32x128xi1>, vector<128x32x128xi32>
    %reduce_min3A = arith.constant dense<2147483647> : vector<128xi32>
    %reduce_min3A_94 = vector.multi_reduction <minsi>, %select_n3A_93, %reduce_min3A [1, 2] : vector<128x32x128xi32> to vector<128xi32>
    %broadcast_in_dim3A_95 = vector.shape_cast %reduce_min3A_94 : vector<128xi32> to vector<128x1x1xi32>
    %squeeze3A = vector.shape_cast %broadcast_in_dim3A_95 : vector<128x1x1xi32> to vector<128x1xi32>
    %add3A_96 = vector.broadcast %mul3A_82 : i32 to vector<128x1xi32>
    %add3A_97 = arith.addi %squeeze3A, %add3A_96 : vector<128x1xi32>
    %swap3A = arith.constant 0 : index
    %swap3A_98 = arith.constant 0 : index
    %swap3A_99 = arith.constant 0 : index
    %swap3A_100 = vector.load %arg4[%swap3A, %swap3A_98, %swap3A_99] : memref<1x128x32xi32, #tpu.memory_space<vmem>>, vector<1x128x1xi32>
    %swap3A_101 = vector.shape_cast %swap3A_100 : vector<1x128x1xi32> to vector<128x1xi32>
    %swap3A_102 = vector.shape_cast %add3A_97 : vector<128x1xi32> to vector<1x128x1xi32>
    tpu.vector_store %arg4[%swap3A, %swap3A_98, %swap3A_99], %swap3A_102 {strides = array<i32>} : memref<1x128x32xi32, #tpu.memory_space<vmem>>, vector<1x128x1xi32>,
    %ge3A_103 = arith.constant 2 : i32
    %ge3A_104 = vector.broadcast %ge3A_103 : i32 to vector<128x1x1xi32>
    %ge3A_105 = arith.cmpi sge, %convert_element_type3A_71, %ge3A_104 : vector<128x1x1xi32>
    %jit3A_106 = arith.constant 2 : i32
    %jit3A_107 = arith.constant 1 : i32
    %broadcast_in_dim3A_108 = vector.broadcast %jit3A_106 : i32 to vector<128x1x1xi32>
    %broadcast_in_dim3A_109 = vector.broadcast %jit3A_107 : i32 to vector<128x1x1xi32>
    %select_n3A_110 = arith.select %ge3A_105, %broadcast_in_dim3A_108, %broadcast_in_dim3A_109 : vector<128x1x1xi1>, vector<128x1x1xi32>
    %eq3A_111 = vector.broadcast %select_n3A_110 : vector<128x1x1xi32> to vector<128x32x128xi32>
    %eq3A_112 = arith.cmpi eq, %select_n3A, %eq3A_111 : vector<128x32x128xi32>
    %jit3A_113 = arith.constant 4096 : i32
    %broadcast_in_dim3A_114 = vector.broadcast %jit3A_113 : i32 to vector<128x32x128xi32>
    %select_n3A_115 = arith.select %eq3A_112, %add3A_80, %broadcast_in_dim3A_114 : vector<128x32x128xi1>, vector<128x32x128xi32>
    %reduce_min3A_116 = arith.constant dense<2147483647> : vector<128xi32>
    %reduce_min3A_117 = vector.multi_reduction <minsi>, %select_n3A_115, %reduce_min3A_116 [1, 2] : vector<128x32x128xi32> to vector<128xi32>
    %broadcast_in_dim3A_118 = vector.shape_cast %reduce_min3A_117 : vector<128xi32> to vector<128x1x1xi32>
    %squeeze3A_119 = vector.shape_cast %broadcast_in_dim3A_118 : vector<128x1x1xi32> to vector<128x1xi32>
    %add3A_120 = vector.broadcast %mul3A_82 : i32 to vector<128x1xi32>
    %add3A_121 = arith.addi %squeeze3A_119, %add3A_120 : vector<128x1xi32>
    %swap3A_122 = arith.constant 0 : index
    %swap3A_123 = arith.constant 0 : index
    %swap3A_124 = arith.constant 1 : index
    %swap3A_125 = vector.load %arg4[%swap3A_122, %swap3A_123, %swap3A_124] : memref<1x128x32xi32, #tpu.memory_space<vmem>>, vector<1x128x1xi32>
    %swap3A_126 = vector.shape_cast %swap3A_125 : vector<1x128x1xi32> to vector<128x1xi32>
    %swap3A_127 = vector.shape_cast %add3A_121 : vector<128x1xi32> to vector<1x128x1xi32>
    tpu.vector_store %arg4[%swap3A_122, %swap3A_123, %swap3A_124], %swap3A_127 {strides = array<i32>} : memref<1x128x32xi32, #tpu.memory_space<vmem>>, vector<1x128x1xi32>,
    %ge3A_128 = arith.constant 3 : i32
    %ge3A_129 = vector.broadcast %ge3A_128 : i32 to vector<128x1x1xi32>
    %ge3A_130 = arith.cmpi sge, %convert_element_type3A_71, %ge3A_129 : vector<128x1x1xi32>
    %jit3A_131 = arith.constant 3 : i32
    %jit3A_132 = arith.constant 1 : i32
    %broadcast_in_dim3A_133 = vector.broadcast %jit3A_131 : i32 to vector<128x1x1xi32>
    %broadcast_in_dim3A_134 = vector.broadcast %jit3A_132 : i32 to vector<128x1x1xi32>
    %select_n3A_135 = arith.select %ge3A_130, %broadcast_in_dim3A_133, %broadcast_in_dim3A_134 : vector<128x1x1xi1>, vector<128x1x1xi32>
    %eq3A_136 = vector.broadcast %select_n3A_135 : vector<128x1x1xi32> to vector<128x32x128xi32>
    %eq3A_137 = arith.cmpi eq, %select_n3A, %eq3A_136 : vector<128x32x128xi32>
    %jit3A_138 = arith.constant 4096 : i32
    %broadcast_in_dim3A_139 = vector.broadcast %jit3A_138 : i32 to vector<128x32x128xi32>
    %select_n3A_140 = arith.select %eq3A_137, %add3A_80, %broadcast_in_dim3A_139 : vector<128x32x128xi1>, vector<128x32x128xi32>
    %reduce_min3A_141 = arith.constant dense<2147483647> : vector<128xi32>
    %reduce_min3A_142 = vector.multi_reduction <minsi>, %select_n3A_140, %reduce_min3A_141 [1, 2] : vector<128x32x128xi32> to vector<128xi32>
    %broadcast_in_dim3A_143 = vector.shape_cast %reduce_min3A_142 : vector<128xi32> to vector<128x1x1xi32>
    %squeeze3A_144 = vector.shape_cast %broadcast_in_dim3A_143 : vector<128x1x1xi32> to vector<128x1xi32>
    %add3A_145 = vector.broadcast %mul3A_82 : i32 to vector<128x1xi32>
    %add3A_146 = arith.addi %squeeze3A_144, %add3A_145 : vector<128x1xi32>
    %swap3A_147 = arith.constant 0 : index
    %swap3A_148 = arith.constant 0 : index
    %swap3A_149 = arith.constant 2 : index
    %swap3A_150 = vector.load %arg4[%swap3A_147, %swap3A_148, %swap3A_149] : memref<1x128x32xi32, #tpu.memory_space<vmem>>, vector<1x128x1xi32>
    %swap3A_151 = vector.shape_cast %swap3A_150 : vector<1x128x1xi32> to vector<128x1xi32>
    %swap3A_152 = vector.shape_cast %add3A_146 : vector<128x1xi32> to vector<1x128x1xi32>
    tpu.vector_store %arg4[%swap3A_147, %swap3A_148, %swap3A_149], %swap3A_152 {strides = array<i32>} : memref<1x128x32xi32, #tpu.memory_space<vmem>>, vector<1x128x1xi32>,
    %ge3A_153 = arith.constant 4 : i32
    %ge3A_154 = vector.broadcast %ge3A_153 : i32 to vector<128x1x1xi32>
    %ge3A_155 = arith.cmpi sge, %convert_element_type3A_71, %ge3A_154 : vector<128x1x1xi32>
    %jit3A_156 = arith.constant 4 : i32
    %jit3A_157 = arith.constant 1 : i32
    %broadcast_in_dim3A_158 = vector.broadcast %jit3A_156 : i32 to vector<128x1x1xi32>
    %broadcast_in_dim3A_159 = vector.broadcast %jit3A_157 : i32 to vector<128x1x1xi32>
    %select_n3A_160 = arith.select %ge3A_155, %broadcast_in_dim3A_158, %broadcast_in_dim3A_159 : vector<128x1x1xi1>, vector<128x1x1xi32>
    %eq3A_161 = vector.broadcast %select_n3A_160 : vector<128x1x1xi32> to vector<128x32x128xi32>
    %eq3A_162 = arith.cmpi eq, %select_n3A, %eq3A_161 : vector<128x32x128xi32>
    %jit3A_163 = arith.constant 4096 : i32
    %broadcast_in_dim3A_164 = vector.broadcast %jit3A_163 : i32 to vector<128x32x128xi32>
    %select_n3A_165 = arith.select %eq3A_162, %add3A_80, %broadcast_in_dim3A_164 : vector<128x32x128xi1>, vector<128x32x128xi32>
    %reduce_min3A_166 = arith.constant dense<2147483647> : vector<128xi32>
    %reduce_min3A_167 = vector.multi_reduction <minsi>, %select_n3A_165, %reduce_min3A_166 [1, 2] : vector<128x32x128xi32> to vector<128xi32>
    %broadcast_in_dim3A_168 = vector.shape_cast %reduce_min3A_167 : vector<128xi32> to vector<128x1x1xi32>
    %squeeze3A_169 = vector.shape_cast %broadcast_in_dim3A_168 : vector<128x1x1xi32> to vector<128x1xi32>
    %add3A_170 = vector.broadcast %mul3A_82 : i32 to vector<128x1xi32>
    %add3A_171 = arith.addi %squeeze3A_169, %add3A_170 : vector<128x1xi32>
    %swap3A_172 = arith.constant 0 : index
    %swap3A_173 = arith.constant 0 : index
    %swap3A_174 = arith.constant 3 : index
    %swap3A_175 = vector.load %arg4[%swap3A_172, %swap3A_173, %swap3A_174] : memref<1x128x32xi32, #tpu.memory_space<vmem>>, vector<1x128x1xi32>
    %swap3A_176 = vector.shape_cast %swap3A_175 : vector<1x128x1xi32> to vector<128x1xi32>
    %swap3A_177 = vector.shape_cast %add3A_171 : vector<128x1xi32> to vector<1x128x1xi32>
    tpu.vector_store %arg4[%swap3A_172, %swap3A_173, %swap3A_174], %swap3A_177 {strides = array<i32>} : memref<1x128x32xi32, #tpu.memory_space<vmem>>, vector<1x128x1xi32>,
    %ge3A_178 = arith.constant 5 : i32
    %ge3A_179 = vector.broadcast %ge3A_178 : i32 to vector<128x1x1xi32>
    %ge3A_180 = arith.cmpi sge, %convert_element_type3A_71, %ge3A_179 : vector<128x1x1xi32>
    %jit3A_181 = arith.constant 5 : i32
    %jit3A_182 = arith.constant 1 : i32
    %broadcast_in_dim3A_183 = vector.broadcast %jit3A_181 : i32 to vector<128x1x1xi32>
    %broadcast_in_dim3A_184 = vector.broadcast %jit3A_182 : i32 to vector<128x1x1xi32>
    %select_n3A_185 = arith.select %ge3A_180, %broadcast_in_dim3A_183, %broadcast_in_dim3A_184 : vector<128x1x1xi1>, vector<128x1x1xi32>
    %eq3A_186 = vector.broadcast %select_n3A_185 : vector<128x1x1xi32> to vector<128x32x128xi32>
    %eq3A_187 = arith.cmpi eq, %select_n3A, %eq3A_186 : vector<128x32x128xi32>
    %jit3A_188 = arith.constant 4096 : i32
    %broadcast_in_dim3A_189 = vector.broadcast %jit3A_188 : i32 to vector<128x32x128xi32>
    %select_n3A_190 = arith.select %eq3A_187, %add3A_80, %broadcast_in_dim3A_189 : vector<128x32x128xi1>, vector<128x32x128xi32>
    %reduce_min3A_191 = arith.constant dense<2147483647> : vector<128xi32>
    %reduce_min3A_192 = vector.multi_reduction <minsi>, %select_n3A_190, %reduce_min3A_191 [1, 2] : vector<128x32x128xi32> to vector<128xi32>
    %broadcast_in_dim3A_193 = vector.shape_cast %reduce_min3A_192 : vector<128xi32> to vector<128x1x1xi32>
    %squeeze3A_194 = vector.shape_cast %broadcast_in_dim3A_193 : vector<128x1x1xi32> to vector<128x1xi32>
    %add3A_195 = vector.broadcast %mul3A_82 : i32 to vector<128x1xi32>
    %add3A_196 = arith.addi %squeeze3A_194, %add3A_195 : vector<128x1xi32>
    %swap3A_197 = arith.constant 0 : index
    %swap3A_198 = arith.constant 0 : index
    %swap3A_199 = arith.constant 4 : index
    %swap3A_200 = vector.load %arg4[%swap3A_197, %swap3A_198, %swap3A_199] : memref<1x128x32xi32, #tpu.memory_space<vmem>>, vector<1x128x1xi32>
    %swap3A_201 = vector.shape_cast %swap3A_200 : vector<1x128x1xi32> to vector<128x1xi32>
    %swap3A_202 = vector.shape_cast %add3A_196 : vector<128x1xi32> to vector<1x128x1xi32>
    tpu.vector_store %arg4[%swap3A_197, %swap3A_198, %swap3A_199], %swap3A_202 {strides = array<i32>} : memref<1x128x32xi32, #tpu.memory_space<vmem>>, vector<1x128x1xi32>,
    %ge3A_203 = arith.constant 6 : i32
    %ge3A_204 = vector.broadcast %ge3A_203 : i32 to vector<128x1x1xi32>
    %ge3A_205 = arith.cmpi sge, %convert_element_type3A_71, %ge3A_204 : vector<128x1x1xi32>
    %jit3A_206 = arith.constant 6 : i32
    %jit3A_207 = arith.constant 1 : i32
    %broadcast_in_dim3A_208 = vector.broadcast %jit3A_206 : i32 to vector<128x1x1xi32>
    %broadcast_in_dim3A_209 = vector.broadcast %jit3A_207 : i32 to vector<128x1x1xi32>
    %select_n3A_210 = arith.select %ge3A_205, %broadcast_in_dim3A_208, %broadcast_in_dim3A_209 : vector<128x1x1xi1>, vector<128x1x1xi32>
    %eq3A_211 = vector.broadcast %select_n3A_210 : vector<128x1x1xi32> to vector<128x32x128xi32>
    %eq3A_212 = arith.cmpi eq, %select_n3A, %eq3A_211 : vector<128x32x128xi32>
    %jit3A_213 = arith.constant 4096 : i32
    %broadcast_in_dim3A_214 = vector.broadcast %jit3A_213 : i32 to vector<128x32x128xi32>
    %select_n3A_215 = arith.select %eq3A_212, %add3A_80, %broadcast_in_dim3A_214 : vector<128x32x128xi1>, vector<128x32x128xi32>
    %reduce_min3A_216 = arith.constant dense<2147483647> : vector<128xi32>
    %reduce_min3A_217 = vector.multi_reduction <minsi>, %select_n3A_215, %reduce_min3A_216 [1, 2] : vector<128x32x128xi32> to vector<128xi32>
    %broadcast_in_dim3A_218 = vector.shape_cast %reduce_min3A_217 : vector<128xi32> to vector<128x1x1xi32>
    %squeeze3A_219 = vector.shape_cast %broadcast_in_dim3A_218 : vector<128x1x1xi32> to vector<128x1xi32>
    %add3A_220 = vector.broadcast %mul3A_82 : i32 to vector<128x1xi32>
    %add3A_221 = arith.addi %squeeze3A_219, %add3A_220 : vector<128x1xi32>
    %swap3A_222 = arith.constant 0 : index
    %swap3A_223 = arith.constant 0 : index
    %swap3A_224 = arith.constant 5 : index
    %swap3A_225 = vector.load %arg4[%swap3A_222, %swap3A_223, %swap3A_224] : memref<1x128x32xi32, #tpu.memory_space<vmem>>, vector<1x128x1xi32>
    %swap3A_226 = vector.shape_cast %swap3A_225 : vector<1x128x1xi32> to vector<128x1xi32>
    %swap3A_227 = vector.shape_cast %add3A_221 : vector<128x1xi32> to vector<1x128x1xi32>
    tpu.vector_store %arg4[%swap3A_222, %swap3A_223, %swap3A_224], %swap3A_227 {strides = array<i32>} : memref<1x128x32xi32, #tpu.memory_space<vmem>>, vector<1x128x1xi32>,
    %ge3A_228 = arith.constant 7 : i32
    %ge3A_229 = vector.broadcast %ge3A_228 : i32 to vector<128x1x1xi32>
    %ge3A_230 = arith.cmpi sge, %convert_element_type3A_71, %ge3A_229 : vector<128x1x1xi32>
    %jit3A_231 = arith.constant 7 : i32
    %jit3A_232 = arith.constant 1 : i32
    %broadcast_in_dim3A_233 = vector.broadcast %jit3A_231 : i32 to vector<128x1x1xi32>
    %broadcast_in_dim3A_234 = vector.broadcast %jit3A_232 : i32 to vector<128x1x1xi32>
    %select_n3A_235 = arith.select %ge3A_230, %broadcast_in_dim3A_233, %broadcast_in_dim3A_234 : vector<128x1x1xi1>, vector<128x1x1xi32>
    %eq3A_236 = vector.broadcast %select_n3A_235 : vector<128x1x1xi32> to vector<128x32x128xi32>
    %eq3A_237 = arith.cmpi eq, %select_n3A, %eq3A_236 : vector<128x32x128xi32>
    %jit3A_238 = arith.constant 4096 : i32
    %broadcast_in_dim3A_239 = vector.broadcast %jit3A_238 : i32 to vector<128x32x128xi32>
    %select_n3A_240 = arith.select %eq3A_237, %add3A_80, %broadcast_in_dim3A_239 : vector<128x32x128xi1>, vector<128x32x128xi32>
    %reduce_min3A_241 = arith.constant dense<2147483647> : vector<128xi32>
    %reduce_min3A_242 = vector.multi_reduction <minsi>, %select_n3A_240, %reduce_min3A_241 [1, 2] : vector<128x32x128xi32> to vector<128xi32>
    %broadcast_in_dim3A_243 = vector.shape_cast %reduce_min3A_242 : vector<128xi32> to vector<128x1x1xi32>
    %squeeze3A_244 = vector.shape_cast %broadcast_in_dim3A_243 : vector<128x1x1xi32> to vector<128x1xi32>
    %add3A_245 = vector.broadcast %mul3A_82 : i32 to vector<128x1xi32>
    %add3A_246 = arith.addi %squeeze3A_244, %add3A_245 : vector<128x1xi32>
    %swap3A_247 = arith.constant 0 : index
    %swap3A_248 = arith.constant 0 : index
    %swap3A_249 = arith.constant 6 : index
    %swap3A_250 = vector.load %arg4[%swap3A_247, %swap3A_248, %swap3A_249] : memref<1x128x32xi32, #tpu.memory_space<vmem>>, vector<1x128x1xi32>
    %swap3A_251 = vector.shape_cast %swap3A_250 : vector<1x128x1xi32> to vector<128x1xi32>
    %swap3A_252 = vector.shape_cast %add3A_246 : vector<128x1xi32> to vector<1x128x1xi32>
    tpu.vector_store %arg4[%swap3A_247, %swap3A_248, %swap3A_249], %swap3A_252 {strides = array<i32>} : memref<1x128x32xi32, #tpu.memory_space<vmem>>, vector<1x128x1xi32>,
    %ge3A_253 = arith.constant 8 : i32
    %ge3A_254 = vector.broadcast %ge3A_253 : i32 to vector<128x1x1xi32>
    %ge3A_255 = arith.cmpi sge, %convert_element_type3A_71, %ge3A_254 : vector<128x1x1xi32>
    %jit3A_256 = arith.constant 8 : i32
    %jit3A_257 = arith.constant 1 : i32
    %broadcast_in_dim3A_258 = vector.broadcast %jit3A_256 : i32 to vector<128x1x1xi32>
    %broadcast_in_dim3A_259 = vector.broadcast %jit3A_257 : i32 to vector<128x1x1xi32>
    %select_n3A_260 = arith.select %ge3A_255, %broadcast_in_dim3A_258, %broadcast_in_dim3A_259 : vector<128x1x1xi1>, vector<128x1x1xi32>
    %eq3A_261 = vector.broadcast %select_n3A_260 : vector<128x1x1xi32> to vector<128x32x128xi32>
    %eq3A_262 = arith.cmpi eq, %select_n3A, %eq3A_261 : vector<128x32x128xi32>
    %jit3A_263 = arith.constant 4096 : i32
    %broadcast_in_dim3A_264 = vector.broadcast %jit3A_263 : i32 to vector<128x32x128xi32>
    %select_n3A_265 = arith.select %eq3A_262, %add3A_80, %broadcast_in_dim3A_264 : vector<128x32x128xi1>, vector<128x32x128xi32>
    %reduce_min3A_266 = arith.constant dense<2147483647> : vector<128xi32>
    %reduce_min3A_267 = vector.multi_reduction <minsi>, %select_n3A_265, %reduce_min3A_266 [1, 2] : vector<128x32x128xi32> to vector<128xi32>
    %broadcast_in_dim3A_268 = vector.shape_cast %reduce_min3A_267 : vector<128xi32> to vector<128x1x1xi32>
    %squeeze3A_269 = vector.shape_cast %broadcast_in_dim3A_268 : vector<128x1x1xi32> to vector<128x1xi32>
    %add3A_270 = vector.broadcast %mul3A_82 : i32 to vector<128x1xi32>
    %add3A_271 = arith.addi %squeeze3A_269, %add3A_270 : vector<128x1xi32>
    %swap3A_272 = arith.constant 0 : index
    %swap3A_273 = arith.constant 0 : index
    %swap3A_274 = arith.constant 7 : index
    %swap3A_275 = vector.load %arg4[%swap3A_272, %swap3A_273, %swap3A_274] : memref<1x128x32xi32, #tpu.memory_space<vmem>>, vector<1x128x1xi32>
    %swap3A_276 = vector.shape_cast %swap3A_275 : vector<1x128x1xi32> to vector<128x1xi32>
    %swap3A_277 = vector.shape_cast %add3A_271 : vector<128x1xi32> to vector<1x128x1xi32>
    tpu.vector_store %arg4[%swap3A_272, %swap3A_273, %swap3A_274], %swap3A_277 {strides = array<i32>} : memref<1x128x32xi32, #tpu.memory_space<vmem>>, vector<1x128x1xi32>,
    %ge3A_278 = arith.constant 9 : i32
    %ge3A_279 = vector.broadcast %ge3A_278 : i32 to vector<128x1x1xi32>
    %ge3A_280 = arith.cmpi sge, %convert_element_type3A_71, %ge3A_279 : vector<128x1x1xi32>
    %jit3A_281 = arith.constant 9 : i32
    %jit3A_282 = arith.constant 1 : i32
    %broadcast_in_dim3A_283 = vector.broadcast %jit3A_281 : i32 to vector<128x1x1xi32>
    %broadcast_in_dim3A_284 = vector.broadcast %jit3A_282 : i32 to vector<128x1x1xi32>
    %select_n3A_285 = arith.select %ge3A_280, %broadcast_in_dim3A_283, %broadcast_in_dim3A_284 : vector<128x1x1xi1>, vector<128x1x1xi32>
    %eq3A_286 = vector.broadcast %select_n3A_285 : vector<128x1x1xi32> to vector<128x32x128xi32>
    %eq3A_287 = arith.cmpi eq, %select_n3A, %eq3A_286 : vector<128x32x128xi32>
    %jit3A_288 = arith.constant 4096 : i32
    %broadcast_in_dim3A_289 = vector.broadcast %jit3A_288 : i32 to vector<128x32x128xi32>
    %select_n3A_290 = arith.select %eq3A_287, %add3A_80, %broadcast_in_dim3A_289 : vector<128x32x128xi1>, vector<128x32x128xi32>
    %reduce_min3A_291 = arith.constant dense<2147483647> : vector<128xi32>
    %reduce_min3A_292 = vector.multi_reduction <minsi>, %select_n3A_290, %reduce_min3A_291 [1, 2] : vector<128x32x128xi32> to vector<128xi32>
    %broadcast_in_dim3A_293 = vector.shape_cast %reduce_min3A_292 : vector<128xi32> to vector<128x1x1xi32>
    %squeeze3A_294 = vector.shape_cast %broadcast_in_dim3A_293 : vector<128x1x1xi32> to vector<128x1xi32>
    %add3A_295 = vector.broadcast %mul3A_82 : i32 to vector<128x1xi32>
    %add3A_296 = arith.addi %squeeze3A_294, %add3A_295 : vector<128x1xi32>
    %swap3A_297 = arith.constant 0 : index
    %swap3A_298 = arith.constant 0 : index
    %swap3A_299 = arith.constant 8 : index
    %swap3A_300 = vector.load %arg4[%swap3A_297, %swap3A_298, %swap3A_299] : memref<1x128x32xi32, #tpu.memory_space<vmem>>, vector<1x128x1xi32>
    %swap3A_301 = vector.shape_cast %swap3A_300 : vector<1x128x1xi32> to vector<128x1xi32>
    %swap3A_302 = vector.shape_cast %add3A_296 : vector<128x1xi32> to vector<1x128x1xi32>
    tpu.vector_store %arg4[%swap3A_297, %swap3A_298, %swap3A_299], %swap3A_302 {strides = array<i32>} : memref<1x128x32xi32, #tpu.memory_space<vmem>>, vector<1x128x1xi32>,
    %ge3A_303 = arith.constant 10 : i32
    %ge3A_304 = vector.broadcast %ge3A_303 : i32 to vector<128x1x1xi32>
    %ge3A_305 = arith.cmpi sge, %convert_element_type3A_71, %ge3A_304 : vector<128x1x1xi32>
    %jit3A_306 = arith.constant 10 : i32
    %jit3A_307 = arith.constant 1 : i32
    %broadcast_in_dim3A_308 = vector.broadcast %jit3A_306 : i32 to vector<128x1x1xi32>
    %broadcast_in_dim3A_309 = vector.broadcast %jit3A_307 : i32 to vector<128x1x1xi32>
    %select_n3A_310 = arith.select %ge3A_305, %broadcast_in_dim3A_308, %broadcast_in_dim3A_309 : vector<128x1x1xi1>, vector<128x1x1xi32>
    %eq3A_311 = vector.broadcast %select_n3A_310 : vector<128x1x1xi32> to vector<128x32x128xi32>
    %eq3A_312 = arith.cmpi eq, %select_n3A, %eq3A_311 : vector<128x32x128xi32>
    %jit3A_313 = arith.constant 4096 : i32
    %broadcast_in_dim3A_314 = vector.broadcast %jit3A_313 : i32 to vector<128x32x128xi32>
    %select_n3A_315 = arith.select %eq3A_312, %add3A_80, %broadcast_in_dim3A_314 : vector<128x32x128xi1>, vector<128x32x128xi32>
    %reduce_min3A_316 = arith.constant dense<2147483647> : vector<128xi32>
    %reduce_min3A_317 = vector.multi_reduction <minsi>, %select_n3A_315, %reduce_min3A_316 [1, 2] : vector<128x32x128xi32> to vector<128xi32>
    %broadcast_in_dim3A_318 = vector.shape_cast %reduce_min3A_317 : vector<128xi32> to vector<128x1x1xi32>
    %squeeze3A_319 = vector.shape_cast %broadcast_in_dim3A_318 : vector<128x1x1xi32> to vector<128x1xi32>
    %add3A_320 = vector.broadcast %mul3A_82 : i32 to vector<128x1xi32>
    %add3A_321 = arith.addi %squeeze3A_319, %add3A_320 : vector<128x1xi32>
    %swap3A_322 = arith.constant 0 : index
    %swap3A_323 = arith.constant 0 : index
    %swap3A_324 = arith.constant 9 : index
    %swap3A_325 = vector.load %arg4[%swap3A_322, %swap3A_323, %swap3A_324] : memref<1x128x32xi32, #tpu.memory_space<vmem>>, vector<1x128x1xi32>
    %swap3A_326 = vector.shape_cast %swap3A_325 : vector<1x128x1xi32> to vector<128x1xi32>
    %swap3A_327 = vector.shape_cast %add3A_321 : vector<128x1xi32> to vector<1x128x1xi32>
    tpu.vector_store %arg4[%swap3A_322, %swap3A_323, %swap3A_324], %swap3A_327 {strides = array<i32>} : memref<1x128x32xi32, #tpu.memory_space<vmem>>, vector<1x128x1xi32>,
    %ge3A_328 = arith.constant 11 : i32
    %ge3A_329 = vector.broadcast %ge3A_328 : i32 to vector<128x1x1xi32>
    %ge3A_330 = arith.cmpi sge, %convert_element_type3A_71, %ge3A_329 : vector<128x1x1xi32>
    %jit3A_331 = arith.constant 11 : i32
    %jit3A_332 = arith.constant 1 : i32
    %broadcast_in_dim3A_333 = vector.broadcast %jit3A_331 : i32 to vector<128x1x1xi32>
    %broadcast_in_dim3A_334 = vector.broadcast %jit3A_332 : i32 to vector<128x1x1xi32>
    %select_n3A_335 = arith.select %ge3A_330, %broadcast_in_dim3A_333, %broadcast_in_dim3A_334 : vector<128x1x1xi1>, vector<128x1x1xi32>
    %eq3A_336 = vector.broadcast %select_n3A_335 : vector<128x1x1xi32> to vector<128x32x128xi32>
    %eq3A_337 = arith.cmpi eq, %select_n3A, %eq3A_336 : vector<128x32x128xi32>
    %jit3A_338 = arith.constant 4096 : i32
    %broadcast_in_dim3A_339 = vector.broadcast %jit3A_338 : i32 to vector<128x32x128xi32>
    %select_n3A_340 = arith.select %eq3A_337, %add3A_80, %broadcast_in_dim3A_339 : vector<128x32x128xi1>, vector<128x32x128xi32>
    %reduce_min3A_341 = arith.constant dense<2147483647> : vector<128xi32>
    %reduce_min3A_342 = vector.multi_reduction <minsi>, %select_n3A_340, %reduce_min3A_341 [1, 2] : vector<128x32x128xi32> to vector<128xi32>
    %broadcast_in_dim3A_343 = vector.shape_cast %reduce_min3A_342 : vector<128xi32> to vector<128x1x1xi32>
    %squeeze3A_344 = vector.shape_cast %broadcast_in_dim3A_343 : vector<128x1x1xi32> to vector<128x1xi32>
    %add3A_345 = vector.broadcast %mul3A_82 : i32 to vector<128x1xi32>
    %add3A_346 = arith.addi %squeeze3A_344, %add3A_345 : vector<128x1xi32>
    %swap3A_347 = arith.constant 0 : index
    %swap3A_348 = arith.constant 0 : index
    %swap3A_349 = arith.constant 10 : index
    %swap3A_350 = vector.load %arg4[%swap3A_347, %swap3A_348, %swap3A_349] : memref<1x128x32xi32, #tpu.memory_space<vmem>>, vector<1x128x1xi32>
    %swap3A_351 = vector.shape_cast %swap3A_350 : vector<1x128x1xi32> to vector<128x1xi32>
    %swap3A_352 = vector.shape_cast %add3A_346 : vector<128x1xi32> to vector<1x128x1xi32>
    tpu.vector_store %arg4[%swap3A_347, %swap3A_348, %swap3A_349], %swap3A_352 {strides = array<i32>} : memref<1x128x32xi32, #tpu.memory_space<vmem>>, vector<1x128x1xi32>,
    %ge3A_353 = arith.constant 12 : i32
    %ge3A_354 = vector.broadcast %ge3A_353 : i32 to vector<128x1x1xi32>
    %ge3A_355 = arith.cmpi sge, %convert_element_type3A_71, %ge3A_354 : vector<128x1x1xi32>
    %jit3A_356 = arith.constant 12 : i32
    %jit3A_357 = arith.constant 1 : i32
    %broadcast_in_dim3A_358 = vector.broadcast %jit3A_356 : i32 to vector<128x1x1xi32>
    %broadcast_in_dim3A_359 = vector.broadcast %jit3A_357 : i32 to vector<128x1x1xi32>
    %select_n3A_360 = arith.select %ge3A_355, %broadcast_in_dim3A_358, %broadcast_in_dim3A_359 : vector<128x1x1xi1>, vector<128x1x1xi32>
    %eq3A_361 = vector.broadcast %select_n3A_360 : vector<128x1x1xi32> to vector<128x32x128xi32>
    %eq3A_362 = arith.cmpi eq, %select_n3A, %eq3A_361 : vector<128x32x128xi32>
    %jit3A_363 = arith.constant 4096 : i32
    %broadcast_in_dim3A_364 = vector.broadcast %jit3A_363 : i32 to vector<128x32x128xi32>
    %select_n3A_365 = arith.select %eq3A_362, %add3A_80, %broadcast_in_dim3A_364 : vector<128x32x128xi1>, vector<128x32x128xi32>
    %reduce_min3A_366 = arith.constant dense<2147483647> : vector<128xi32>
    %reduce_min3A_367 = vector.multi_reduction <minsi>, %select_n3A_365, %reduce_min3A_366 [1, 2] : vector<128x32x128xi32> to vector<128xi32>
    %broadcast_in_dim3A_368 = vector.shape_cast %reduce_min3A_367 : vector<128xi32> to vector<128x1x1xi32>
    %squeeze3A_369 = vector.shape_cast %broadcast_in_dim3A_368 : vector<128x1x1xi32> to vector<128x1xi32>
    %add3A_370 = vector.broadcast %mul3A_82 : i32 to vector<128x1xi32>
    %add3A_371 = arith.addi %squeeze3A_369, %add3A_370 : vector<128x1xi32>
    %swap3A_372 = arith.constant 0 : index
    %swap3A_373 = arith.constant 0 : index
    %swap3A_374 = arith.constant 11 : index
    %swap3A_375 = vector.load %arg4[%swap3A_372, %swap3A_373, %swap3A_374] : memref<1x128x32xi32, #tpu.memory_space<vmem>>, vector<1x128x1xi32>
    %swap3A_376 = vector.shape_cast %swap3A_375 : vector<1x128x1xi32> to vector<128x1xi32>
    %swap3A_377 = vector.shape_cast %add3A_371 : vector<128x1xi32> to vector<1x128x1xi32>
    tpu.vector_store %arg4[%swap3A_372, %swap3A_373, %swap3A_374], %swap3A_377 {strides = array<i32>} : memref<1x128x32xi32, #tpu.memory_space<vmem>>, vector<1x128x1xi32>,
    %ge3A_378 = arith.constant 13 : i32
    %ge3A_379 = vector.broadcast %ge3A_378 : i32 to vector<128x1x1xi32>
    %ge3A_380 = arith.cmpi sge, %convert_element_type3A_71, %ge3A_379 : vector<128x1x1xi32>
    %jit3A_381 = arith.constant 13 : i32
    %jit3A_382 = arith.constant 1 : i32
    %broadcast_in_dim3A_383 = vector.broadcast %jit3A_381 : i32 to vector<128x1x1xi32>
    %broadcast_in_dim3A_384 = vector.broadcast %jit3A_382 : i32 to vector<128x1x1xi32>
    %select_n3A_385 = arith.select %ge3A_380, %broadcast_in_dim3A_383, %broadcast_in_dim3A_384 : vector<128x1x1xi1>, vector<128x1x1xi32>
    %eq3A_386 = vector.broadcast %select_n3A_385 : vector<128x1x1xi32> to vector<128x32x128xi32>
    %eq3A_387 = arith.cmpi eq, %select_n3A, %eq3A_386 : vector<128x32x128xi32>
    %jit3A_388 = arith.constant 4096 : i32
    %broadcast_in_dim3A_389 = vector.broadcast %jit3A_388 : i32 to vector<128x32x128xi32>
    %select_n3A_390 = arith.select %eq3A_387, %add3A_80, %broadcast_in_dim3A_389 : vector<128x32x128xi1>, vector<128x32x128xi32>
    %reduce_min3A_391 = arith.constant dense<2147483647> : vector<128xi32>
    %reduce_min3A_392 = vector.multi_reduction <minsi>, %select_n3A_390, %reduce_min3A_391 [1, 2] : vector<128x32x128xi32> to vector<128xi32>
    %broadcast_in_dim3A_393 = vector.shape_cast %reduce_min3A_392 : vector<128xi32> to vector<128x1x1xi32>
    %squeeze3A_394 = vector.shape_cast %broadcast_in_dim3A_393 : vector<128x1x1xi32> to vector<128x1xi32>
    %add3A_395 = vector.broadcast %mul3A_82 : i32 to vector<128x1xi32>
    %add3A_396 = arith.addi %squeeze3A_394, %add3A_395 : vector<128x1xi32>
    %swap3A_397 = arith.constant 0 : index
    %swap3A_398 = arith.constant 0 : index
    %swap3A_399 = arith.constant 12 : index
    %swap3A_400 = vector.load %arg4[%swap3A_397, %swap3A_398, %swap3A_399] : memref<1x128x32xi32, #tpu.memory_space<vmem>>, vector<1x128x1xi32>
    %swap3A_401 = vector.shape_cast %swap3A_400 : vector<1x128x1xi32> to vector<128x1xi32>
    %swap3A_402 = vector.shape_cast %add3A_396 : vector<128x1xi32> to vector<1x128x1xi32>
    tpu.vector_store %arg4[%swap3A_397, %swap3A_398, %swap3A_399], %swap3A_402 {strides = array<i32>} : memref<1x128x32xi32, #tpu.memory_space<vmem>>, vector<1x128x1xi32>,
    %ge3A_403 = arith.constant 14 : i32
    %ge3A_404 = vector.broadcast %ge3A_403 : i32 to vector<128x1x1xi32>
    %ge3A_405 = arith.cmpi sge, %convert_element_type3A_71, %ge3A_404 : vector<128x1x1xi32>
    %jit3A_406 = arith.constant 14 : i32
    %jit3A_407 = arith.constant 1 : i32
    %broadcast_in_dim3A_408 = vector.broadcast %jit3A_406 : i32 to vector<128x1x1xi32>
    %broadcast_in_dim3A_409 = vector.broadcast %jit3A_407 : i32 to vector<128x1x1xi32>
    %select_n3A_410 = arith.select %ge3A_405, %broadcast_in_dim3A_408, %broadcast_in_dim3A_409 : vector<128x1x1xi1>, vector<128x1x1xi32>
    %eq3A_411 = vector.broadcast %select_n3A_410 : vector<128x1x1xi32> to vector<128x32x128xi32>
    %eq3A_412 = arith.cmpi eq, %select_n3A, %eq3A_411 : vector<128x32x128xi32>
    %jit3A_413 = arith.constant 4096 : i32
    %broadcast_in_dim3A_414 = vector.broadcast %jit3A_413 : i32 to vector<128x32x128xi32>
    %select_n3A_415 = arith.select %eq3A_412, %add3A_80, %broadcast_in_dim3A_414 : vector<128x32x128xi1>, vector<128x32x128xi32>
    %reduce_min3A_416 = arith.constant dense<2147483647> : vector<128xi32>
    %reduce_min3A_417 = vector.multi_reduction <minsi>, %select_n3A_415, %reduce_min3A_416 [1, 2] : vector<128x32x128xi32> to vector<128xi32>
    %broadcast_in_dim3A_418 = vector.shape_cast %reduce_min3A_417 : vector<128xi32> to vector<128x1x1xi32>
    %squeeze3A_419 = vector.shape_cast %broadcast_in_dim3A_418 : vector<128x1x1xi32> to vector<128x1xi32>
    %add3A_420 = vector.broadcast %mul3A_82 : i32 to vector<128x1xi32>
    %add3A_421 = arith.addi %squeeze3A_419, %add3A_420 : vector<128x1xi32>
    %swap3A_422 = arith.constant 0 : index
    %swap3A_423 = arith.constant 0 : index
    %swap3A_424 = arith.constant 13 : index
    %swap3A_425 = vector.load %arg4[%swap3A_422, %swap3A_423, %swap3A_424] : memref<1x128x32xi32, #tpu.memory_space<vmem>>, vector<1x128x1xi32>
    %swap3A_426 = vector.shape_cast %swap3A_425 : vector<1x128x1xi32> to vector<128x1xi32>
    %swap3A_427 = vector.shape_cast %add3A_421 : vector<128x1xi32> to vector<1x128x1xi32>
    tpu.vector_store %arg4[%swap3A_422, %swap3A_423, %swap3A_424], %swap3A_427 {strides = array<i32>} : memref<1x128x32xi32, #tpu.memory_space<vmem>>, vector<1x128x1xi32>,
    %ge3A_428 = arith.constant 15 : i32
    %ge3A_429 = vector.broadcast %ge3A_428 : i32 to vector<128x1x1xi32>
    %ge3A_430 = arith.cmpi sge, %convert_element_type3A_71, %ge3A_429 : vector<128x1x1xi32>
    %jit3A_431 = arith.constant 15 : i32
    %jit3A_432 = arith.constant 1 : i32
    %broadcast_in_dim3A_433 = vector.broadcast %jit3A_431 : i32 to vector<128x1x1xi32>
    %broadcast_in_dim3A_434 = vector.broadcast %jit3A_432 : i32 to vector<128x1x1xi32>
    %select_n3A_435 = arith.select %ge3A_430, %broadcast_in_dim3A_433, %broadcast_in_dim3A_434 : vector<128x1x1xi1>, vector<128x1x1xi32>
    %eq3A_436 = vector.broadcast %select_n3A_435 : vector<128x1x1xi32> to vector<128x32x128xi32>
    %eq3A_437 = arith.cmpi eq, %select_n3A, %eq3A_436 : vector<128x32x128xi32>
    %jit3A_438 = arith.constant 4096 : i32
    %broadcast_in_dim3A_439 = vector.broadcast %jit3A_438 : i32 to vector<128x32x128xi32>
    %select_n3A_440 = arith.select %eq3A_437, %add3A_80, %broadcast_in_dim3A_439 : vector<128x32x128xi1>, vector<128x32x128xi32>
    %reduce_min3A_441 = arith.constant dense<2147483647> : vector<128xi32>
    %reduce_min3A_442 = vector.multi_reduction <minsi>, %select_n3A_440, %reduce_min3A_441 [1, 2] : vector<128x32x128xi32> to vector<128xi32>
    %broadcast_in_dim3A_443 = vector.shape_cast %reduce_min3A_442 : vector<128xi32> to vector<128x1x1xi32>
    %squeeze3A_444 = vector.shape_cast %broadcast_in_dim3A_443 : vector<128x1x1xi32> to vector<128x1xi32>
    %add3A_445 = vector.broadcast %mul3A_82 : i32 to vector<128x1xi32>
    %add3A_446 = arith.addi %squeeze3A_444, %add3A_445 : vector<128x1xi32>
    %swap3A_447 = arith.constant 0 : index
    %swap3A_448 = arith.constant 0 : index
    %swap3A_449 = arith.constant 14 : index
    %swap3A_450 = vector.load %arg4[%swap3A_447, %swap3A_448, %swap3A_449] : memref<1x128x32xi32, #tpu.memory_space<vmem>>, vector<1x128x1xi32>
    %swap3A_451 = vector.shape_cast %swap3A_450 : vector<1x128x1xi32> to vector<128x1xi32>
    %swap3A_452 = vector.shape_cast %add3A_446 : vector<128x1xi32> to vector<1x128x1xi32>
    tpu.vector_store %arg4[%swap3A_447, %swap3A_448, %swap3A_449], %swap3A_452 {strides = array<i32>} : memref<1x128x32xi32, #tpu.memory_space<vmem>>, vector<1x128x1xi32>,
    %ge3A_453 = arith.constant 16 : i32
    %ge3A_454 = vector.broadcast %ge3A_453 : i32 to vector<128x1x1xi32>
    %ge3A_455 = arith.cmpi sge, %convert_element_type3A_71, %ge3A_454 : vector<128x1x1xi32>
    %jit3A_456 = arith.constant 16 : i32
    %jit3A_457 = arith.constant 1 : i32
    %broadcast_in_dim3A_458 = vector.broadcast %jit3A_456 : i32 to vector<128x1x1xi32>
    %broadcast_in_dim3A_459 = vector.broadcast %jit3A_457 : i32 to vector<128x1x1xi32>
    %select_n3A_460 = arith.select %ge3A_455, %broadcast_in_dim3A_458, %broadcast_in_dim3A_459 : vector<128x1x1xi1>, vector<128x1x1xi32>
    %eq3A_461 = vector.broadcast %select_n3A_460 : vector<128x1x1xi32> to vector<128x32x128xi32>
    %eq3A_462 = arith.cmpi eq, %select_n3A, %eq3A_461 : vector<128x32x128xi32>
    %jit3A_463 = arith.constant 4096 : i32
    %broadcast_in_dim3A_464 = vector.broadcast %jit3A_463 : i32 to vector<128x32x128xi32>
    %select_n3A_465 = arith.select %eq3A_462, %add3A_80, %broadcast_in_dim3A_464 : vector<128x32x128xi1>, vector<128x32x128xi32>
    %reduce_min3A_466 = arith.constant dense<2147483647> : vector<128xi32>
    %reduce_min3A_467 = vector.multi_reduction <minsi>, %select_n3A_465, %reduce_min3A_466 [1, 2] : vector<128x32x128xi32> to vector<128xi32>
    %broadcast_in_dim3A_468 = vector.shape_cast %reduce_min3A_467 : vector<128xi32> to vector<128x1x1xi32>
    %squeeze3A_469 = vector.shape_cast %broadcast_in_dim3A_468 : vector<128x1x1xi32> to vector<128x1xi32>
    %add3A_470 = vector.broadcast %mul3A_82 : i32 to vector<128x1xi32>
    %add3A_471 = arith.addi %squeeze3A_469, %add3A_470 : vector<128x1xi32>
    %swap3A_472 = arith.constant 0 : index
    %swap3A_473 = arith.constant 0 : index
    %swap3A_474 = arith.constant 15 : index
    %swap3A_475 = vector.load %arg4[%swap3A_472, %swap3A_473, %swap3A_474] : memref<1x128x32xi32, #tpu.memory_space<vmem>>, vector<1x128x1xi32>
    %swap3A_476 = vector.shape_cast %swap3A_475 : vector<1x128x1xi32> to vector<128x1xi32>
    %swap3A_477 = vector.shape_cast %add3A_471 : vector<128x1xi32> to vector<1x128x1xi32>
    tpu.vector_store %arg4[%swap3A_472, %swap3A_473, %swap3A_474], %swap3A_477 {strides = array<i32>} : memref<1x128x32xi32, #tpu.memory_space<vmem>>, vector<1x128x1xi32>,
    %ge3A_478 = arith.constant 17 : i32
    %ge3A_479 = vector.broadcast %ge3A_478 : i32 to vector<128x1x1xi32>
    %ge3A_480 = arith.cmpi sge, %convert_element_type3A_71, %ge3A_479 : vector<128x1x1xi32>
    %jit3A_481 = arith.constant 17 : i32
    %jit3A_482 = arith.constant 1 : i32
    %broadcast_in_dim3A_483 = vector.broadcast %jit3A_481 : i32 to vector<128x1x1xi32>
    %broadcast_in_dim3A_484 = vector.broadcast %jit3A_482 : i32 to vector<128x1x1xi32>
    %select_n3A_485 = arith.select %ge3A_480, %broadcast_in_dim3A_483, %broadcast_in_dim3A_484 : vector<128x1x1xi1>, vector<128x1x1xi32>
    %eq3A_486 = vector.broadcast %select_n3A_485 : vector<128x1x1xi32> to vector<128x32x128xi32>
    %eq3A_487 = arith.cmpi eq, %select_n3A, %eq3A_486 : vector<128x32x128xi32>
    %jit3A_488 = arith.constant 4096 : i32
    %broadcast_in_dim3A_489 = vector.broadcast %jit3A_488 : i32 to vector<128x32x128xi32>
    %select_n3A_490 = arith.select %eq3A_487, %add3A_80, %broadcast_in_dim3A_489 : vector<128x32x128xi1>, vector<128x32x128xi32>
    %reduce_min3A_491 = arith.constant dense<2147483647> : vector<128xi32>
    %reduce_min3A_492 = vector.multi_reduction <minsi>, %select_n3A_490, %reduce_min3A_491 [1, 2] : vector<128x32x128xi32> to vector<128xi32>
    %broadcast_in_dim3A_493 = vector.shape_cast %reduce_min3A_492 : vector<128xi32> to vector<128x1x1xi32>
    %squeeze3A_494 = vector.shape_cast %broadcast_in_dim3A_493 : vector<128x1x1xi32> to vector<128x1xi32>
    %add3A_495 = vector.broadcast %mul3A_82 : i32 to vector<128x1xi32>
    %add3A_496 = arith.addi %squeeze3A_494, %add3A_495 : vector<128x1xi32>
    %swap3A_497 = arith.constant 0 : index
    %swap3A_498 = arith.constant 0 : index
    %swap3A_499 = arith.constant 16 : index
    %swap3A_500 = vector.load %arg4[%swap3A_497, %swap3A_498, %swap3A_499] : memref<1x128x32xi32, #tpu.memory_space<vmem>>, vector<1x128x1xi32>
    %swap3A_501 = vector.shape_cast %swap3A_500 : vector<1x128x1xi32> to vector<128x1xi32>
    %swap3A_502 = vector.shape_cast %add3A_496 : vector<128x1xi32> to vector<1x128x1xi32>
    tpu.vector_store %arg4[%swap3A_497, %swap3A_498, %swap3A_499], %swap3A_502 {strides = array<i32>} : memref<1x128x32xi32, #tpu.memory_space<vmem>>, vector<1x128x1xi32>,
    %ge3A_503 = arith.constant 18 : i32
    %ge3A_504 = vector.broadcast %ge3A_503 : i32 to vector<128x1x1xi32>
    %ge3A_505 = arith.cmpi sge, %convert_element_type3A_71, %ge3A_504 : vector<128x1x1xi32>
    %jit3A_506 = arith.constant 18 : i32
    %jit3A_507 = arith.constant 1 : i32
    %broadcast_in_dim3A_508 = vector.broadcast %jit3A_506 : i32 to vector<128x1x1xi32>
    %broadcast_in_dim3A_509 = vector.broadcast %jit3A_507 : i32 to vector<128x1x1xi32>
    %select_n3A_510 = arith.select %ge3A_505, %broadcast_in_dim3A_508, %broadcast_in_dim3A_509 : vector<128x1x1xi1>, vector<128x1x1xi32>
    %eq3A_511 = vector.broadcast %select_n3A_510 : vector<128x1x1xi32> to vector<128x32x128xi32>
    %eq3A_512 = arith.cmpi eq, %select_n3A, %eq3A_511 : vector<128x32x128xi32>
    %jit3A_513 = arith.constant 4096 : i32
    %broadcast_in_dim3A_514 = vector.broadcast %jit3A_513 : i32 to vector<128x32x128xi32>
    %select_n3A_515 = arith.select %eq3A_512, %add3A_80, %broadcast_in_dim3A_514 : vector<128x32x128xi1>, vector<128x32x128xi32>
    %reduce_min3A_516 = arith.constant dense<2147483647> : vector<128xi32>
    %reduce_min3A_517 = vector.multi_reduction <minsi>, %select_n3A_515, %reduce_min3A_516 [1, 2] : vector<128x32x128xi32> to vector<128xi32>
    %broadcast_in_dim3A_518 = vector.shape_cast %reduce_min3A_517 : vector<128xi32> to vector<128x1x1xi32>
    %squeeze3A_519 = vector.shape_cast %broadcast_in_dim3A_518 : vector<128x1x1xi32> to vector<128x1xi32>
    %add3A_520 = vector.broadcast %mul3A_82 : i32 to vector<128x1xi32>
    %add3A_521 = arith.addi %squeeze3A_519, %add3A_520 : vector<128x1xi32>
    %swap3A_522 = arith.constant 0 : index
    %swap3A_523 = arith.constant 0 : index
    %swap3A_524 = arith.constant 17 : index
    %swap3A_525 = vector.load %arg4[%swap3A_522, %swap3A_523, %swap3A_524] : memref<1x128x32xi32, #tpu.memory_space<vmem>>, vector<1x128x1xi32>
    %swap3A_526 = vector.shape_cast %swap3A_525 : vector<1x128x1xi32> to vector<128x1xi32>
    %swap3A_527 = vector.shape_cast %add3A_521 : vector<128x1xi32> to vector<1x128x1xi32>
    tpu.vector_store %arg4[%swap3A_522, %swap3A_523, %swap3A_524], %swap3A_527 {strides = array<i32>} : memref<1x128x32xi32, #tpu.memory_space<vmem>>, vector<1x128x1xi32>,
    %ge3A_528 = arith.constant 19 : i32
    %ge3A_529 = vector.broadcast %ge3A_528 : i32 to vector<128x1x1xi32>
    %ge3A_530 = arith.cmpi sge, %convert_element_type3A_71, %ge3A_529 : vector<128x1x1xi32>
    %jit3A_531 = arith.constant 19 : i32
    %jit3A_532 = arith.constant 1 : i32
    %broadcast_in_dim3A_533 = vector.broadcast %jit3A_531 : i32 to vector<128x1x1xi32>
    %broadcast_in_dim3A_534 = vector.broadcast %jit3A_532 : i32 to vector<128x1x1xi32>
    %select_n3A_535 = arith.select %ge3A_530, %broadcast_in_dim3A_533, %broadcast_in_dim3A_534 : vector<128x1x1xi1>, vector<128x1x1xi32>
    %eq3A_536 = vector.broadcast %select_n3A_535 : vector<128x1x1xi32> to vector<128x32x128xi32>
    %eq3A_537 = arith.cmpi eq, %select_n3A, %eq3A_536 : vector<128x32x128xi32>
    %jit3A_538 = arith.constant 4096 : i32
    %broadcast_in_dim3A_539 = vector.broadcast %jit3A_538 : i32 to vector<128x32x128xi32>
    %select_n3A_540 = arith.select %eq3A_537, %add3A_80, %broadcast_in_dim3A_539 : vector<128x32x128xi1>, vector<128x32x128xi32>
    %reduce_min3A_541 = arith.constant dense<2147483647> : vector<128xi32>
    %reduce_min3A_542 = vector.multi_reduction <minsi>, %select_n3A_540, %reduce_min3A_541 [1, 2] : vector<128x32x128xi32> to vector<128xi32>
    %broadcast_in_dim3A_543 = vector.shape_cast %reduce_min3A_542 : vector<128xi32> to vector<128x1x1xi32>
    %squeeze3A_544 = vector.shape_cast %broadcast_in_dim3A_543 : vector<128x1x1xi32> to vector<128x1xi32>
    %add3A_545 = vector.broadcast %mul3A_82 : i32 to vector<128x1xi32>
    %add3A_546 = arith.addi %squeeze3A_544, %add3A_545 : vector<128x1xi32>
    %swap3A_547 = arith.constant 0 : index
    %swap3A_548 = arith.constant 0 : index
    %swap3A_549 = arith.constant 18 : index
    %swap3A_550 = vector.load %arg4[%swap3A_547, %swap3A_548, %swap3A_549] : memref<1x128x32xi32, #tpu.memory_space<vmem>>, vector<1x128x1xi32>
    %swap3A_551 = vector.shape_cast %swap3A_550 : vector<1x128x1xi32> to vector<128x1xi32>
    %swap3A_552 = vector.shape_cast %add3A_546 : vector<128x1xi32> to vector<1x128x1xi32>
    tpu.vector_store %arg4[%swap3A_547, %swap3A_548, %swap3A_549], %swap3A_552 {strides = array<i32>} : memref<1x128x32xi32, #tpu.memory_space<vmem>>, vector<1x128x1xi32>,
    %ge3A_553 = arith.constant 20 : i32
    %ge3A_554 = vector.broadcast %ge3A_553 : i32 to vector<128x1x1xi32>
    %ge3A_555 = arith.cmpi sge, %convert_element_type3A_71, %ge3A_554 : vector<128x1x1xi32>
    %jit3A_556 = arith.constant 20 : i32
    %jit3A_557 = arith.constant 1 : i32
    %broadcast_in_dim3A_558 = vector.broadcast %jit3A_556 : i32 to vector<128x1x1xi32>
    %broadcast_in_dim3A_559 = vector.broadcast %jit3A_557 : i32 to vector<128x1x1xi32>
    %select_n3A_560 = arith.select %ge3A_555, %broadcast_in_dim3A_558, %broadcast_in_dim3A_559 : vector<128x1x1xi1>, vector<128x1x1xi32>
    %eq3A_561 = vector.broadcast %select_n3A_560 : vector<128x1x1xi32> to vector<128x32x128xi32>
    %eq3A_562 = arith.cmpi eq, %select_n3A, %eq3A_561 : vector<128x32x128xi32>
    %jit3A_563 = arith.constant 4096 : i32
    %broadcast_in_dim3A_564 = vector.broadcast %jit3A_563 : i32 to vector<128x32x128xi32>
    %select_n3A_565 = arith.select %eq3A_562, %add3A_80, %broadcast_in_dim3A_564 : vector<128x32x128xi1>, vector<128x32x128xi32>
    %reduce_min3A_566 = arith.constant dense<2147483647> : vector<128xi32>
    %reduce_min3A_567 = vector.multi_reduction <minsi>, %select_n3A_565, %reduce_min3A_566 [1, 2] : vector<128x32x128xi32> to vector<128xi32>
    %broadcast_in_dim3A_568 = vector.shape_cast %reduce_min3A_567 : vector<128xi32> to vector<128x1x1xi32>
    %squeeze3A_569 = vector.shape_cast %broadcast_in_dim3A_568 : vector<128x1x1xi32> to vector<128x1xi32>
    %add3A_570 = vector.broadcast %mul3A_82 : i32 to vector<128x1xi32>
    %add3A_571 = arith.addi %squeeze3A_569, %add3A_570 : vector<128x1xi32>
    %swap3A_572 = arith.constant 0 : index
    %swap3A_573 = arith.constant 0 : index
    %swap3A_574 = arith.constant 19 : index
    %swap3A_575 = vector.load %arg4[%swap3A_572, %swap3A_573, %swap3A_574] : memref<1x128x32xi32, #tpu.memory_space<vmem>>, vector<1x128x1xi32>
    %swap3A_576 = vector.shape_cast %swap3A_575 : vector<1x128x1xi32> to vector<128x1xi32>
    %swap3A_577 = vector.shape_cast %add3A_571 : vector<128x1xi32> to vector<1x128x1xi32>
    tpu.vector_store %arg4[%swap3A_572, %swap3A_573, %swap3A_574], %swap3A_577 {strides = array<i32>} : memref<1x128x32xi32, #tpu.memory_space<vmem>>, vector<1x128x1xi32>,
    %ge3A_578 = arith.constant 21 : i32
    %ge3A_579 = vector.broadcast %ge3A_578 : i32 to vector<128x1x1xi32>
    %ge3A_580 = arith.cmpi sge, %convert_element_type3A_71, %ge3A_579 : vector<128x1x1xi32>
    %jit3A_581 = arith.constant 21 : i32
    %jit3A_582 = arith.constant 1 : i32
    %broadcast_in_dim3A_583 = vector.broadcast %jit3A_581 : i32 to vector<128x1x1xi32>
    %broadcast_in_dim3A_584 = vector.broadcast %jit3A_582 : i32 to vector<128x1x1xi32>
    %select_n3A_585 = arith.select %ge3A_580, %broadcast_in_dim3A_583, %broadcast_in_dim3A_584 : vector<128x1x1xi1>, vector<128x1x1xi32>
    %eq3A_586 = vector.broadcast %select_n3A_585 : vector<128x1x1xi32> to vector<128x32x128xi32>
    %eq3A_587 = arith.cmpi eq, %select_n3A, %eq3A_586 : vector<128x32x128xi32>
    %jit3A_588 = arith.constant 4096 : i32
    %broadcast_in_dim3A_589 = vector.broadcast %jit3A_588 : i32 to vector<128x32x128xi32>
    %select_n3A_590 = arith.select %eq3A_587, %add3A_80, %broadcast_in_dim3A_589 : vector<128x32x128xi1>, vector<128x32x128xi32>
    %reduce_min3A_591 = arith.constant dense<2147483647> : vector<128xi32>
    %reduce_min3A_592 = vector.multi_reduction <minsi>, %select_n3A_590, %reduce_min3A_591 [1, 2] : vector<128x32x128xi32> to vector<128xi32>
    %broadcast_in_dim3A_593 = vector.shape_cast %reduce_min3A_592 : vector<128xi32> to vector<128x1x1xi32>
    %squeeze3A_594 = vector.shape_cast %broadcast_in_dim3A_593 : vector<128x1x1xi32> to vector<128x1xi32>
    %add3A_595 = vector.broadcast %mul3A_82 : i32 to vector<128x1xi32>
    %add3A_596 = arith.addi %squeeze3A_594, %add3A_595 : vector<128x1xi32>
    %swap3A_597 = arith.constant 0 : index
    %swap3A_598 = arith.constant 0 : index
    %swap3A_599 = arith.constant 20 : index
    %swap3A_600 = vector.load %arg4[%swap3A_597, %swap3A_598, %swap3A_599] : memref<1x128x32xi32, #tpu.memory_space<vmem>>, vector<1x128x1xi32>
    %swap3A_601 = vector.shape_cast %swap3A_600 : vector<1x128x1xi32> to vector<128x1xi32>
    %swap3A_602 = vector.shape_cast %add3A_596 : vector<128x1xi32> to vector<1x128x1xi32>
    tpu.vector_store %arg4[%swap3A_597, %swap3A_598, %swap3A_599], %swap3A_602 {strides = array<i32>} : memref<1x128x32xi32, #tpu.memory_space<vmem>>, vector<1x128x1xi32>,
    %ge3A_603 = arith.constant 22 : i32
    %ge3A_604 = vector.broadcast %ge3A_603 : i32 to vector<128x1x1xi32>
    %ge3A_605 = arith.cmpi sge, %convert_element_type3A_71, %ge3A_604 : vector<128x1x1xi32>
    %jit3A_606 = arith.constant 22 : i32
    %jit3A_607 = arith.constant 1 : i32
    %broadcast_in_dim3A_608 = vector.broadcast %jit3A_606 : i32 to vector<128x1x1xi32>
    %broadcast_in_dim3A_609 = vector.broadcast %jit3A_607 : i32 to vector<128x1x1xi32>
    %select_n3A_610 = arith.select %ge3A_605, %broadcast_in_dim3A_608, %broadcast_in_dim3A_609 : vector<128x1x1xi1>, vector<128x1x1xi32>
    %eq3A_611 = vector.broadcast %select_n3A_610 : vector<128x1x1xi32> to vector<128x32x128xi32>
    %eq3A_612 = arith.cmpi eq, %select_n3A, %eq3A_611 : vector<128x32x128xi32>
    %jit3A_613 = arith.constant 4096 : i32
    %broadcast_in_dim3A_614 = vector.broadcast %jit3A_613 : i32 to vector<128x32x128xi32>
    %select_n3A_615 = arith.select %eq3A_612, %add3A_80, %broadcast_in_dim3A_614 : vector<128x32x128xi1>, vector<128x32x128xi32>
    %reduce_min3A_616 = arith.constant dense<2147483647> : vector<128xi32>
    %reduce_min3A_617 = vector.multi_reduction <minsi>, %select_n3A_615, %reduce_min3A_616 [1, 2] : vector<128x32x128xi32> to vector<128xi32>
    %broadcast_in_dim3A_618 = vector.shape_cast %reduce_min3A_617 : vector<128xi32> to vector<128x1x1xi32>
    %squeeze3A_619 = vector.shape_cast %broadcast_in_dim3A_618 : vector<128x1x1xi32> to vector<128x1xi32>
    %add3A_620 = vector.broadcast %mul3A_82 : i32 to vector<128x1xi32>
    %add3A_621 = arith.addi %squeeze3A_619, %add3A_620 : vector<128x1xi32>
    %swap3A_622 = arith.constant 0 : index
    %swap3A_623 = arith.constant 0 : index
    %swap3A_624 = arith.constant 21 : index
    %swap3A_625 = vector.load %arg4[%swap3A_622, %swap3A_623, %swap3A_624] : memref<1x128x32xi32, #tpu.memory_space<vmem>>, vector<1x128x1xi32>
    %swap3A_626 = vector.shape_cast %swap3A_625 : vector<1x128x1xi32> to vector<128x1xi32>
    %swap3A_627 = vector.shape_cast %add3A_621 : vector<128x1xi32> to vector<1x128x1xi32>
    tpu.vector_store %arg4[%swap3A_622, %swap3A_623, %swap3A_624], %swap3A_627 {strides = array<i32>} : memref<1x128x32xi32, #tpu.memory_space<vmem>>, vector<1x128x1xi32>,
    %ge3A_628 = arith.constant 23 : i32
    %ge3A_629 = vector.broadcast %ge3A_628 : i32 to vector<128x1x1xi32>
    %ge3A_630 = arith.cmpi sge, %convert_element_type3A_71, %ge3A_629 : vector<128x1x1xi32>
    %jit3A_631 = arith.constant 23 : i32
    %jit3A_632 = arith.constant 1 : i32
    %broadcast_in_dim3A_633 = vector.broadcast %jit3A_631 : i32 to vector<128x1x1xi32>
    %broadcast_in_dim3A_634 = vector.broadcast %jit3A_632 : i32 to vector<128x1x1xi32>
    %select_n3A_635 = arith.select %ge3A_630, %broadcast_in_dim3A_633, %broadcast_in_dim3A_634 : vector<128x1x1xi1>, vector<128x1x1xi32>
    %eq3A_636 = vector.broadcast %select_n3A_635 : vector<128x1x1xi32> to vector<128x32x128xi32>
    %eq3A_637 = arith.cmpi eq, %select_n3A, %eq3A_636 : vector<128x32x128xi32>
    %jit3A_638 = arith.constant 4096 : i32
    %broadcast_in_dim3A_639 = vector.broadcast %jit3A_638 : i32 to vector<128x32x128xi32>
    %select_n3A_640 = arith.select %eq3A_637, %add3A_80, %broadcast_in_dim3A_639 : vector<128x32x128xi1>, vector<128x32x128xi32>
    %reduce_min3A_641 = arith.constant dense<2147483647> : vector<128xi32>
    %reduce_min3A_642 = vector.multi_reduction <minsi>, %select_n3A_640, %reduce_min3A_641 [1, 2] : vector<128x32x128xi32> to vector<128xi32>
    %broadcast_in_dim3A_643 = vector.shape_cast %reduce_min3A_642 : vector<128xi32> to vector<128x1x1xi32>
    %squeeze3A_644 = vector.shape_cast %broadcast_in_dim3A_643 : vector<128x1x1xi32> to vector<128x1xi32>
    %add3A_645 = vector.broadcast %mul3A_82 : i32 to vector<128x1xi32>
    %add3A_646 = arith.addi %squeeze3A_644, %add3A_645 : vector<128x1xi32>
    %swap3A_647 = arith.constant 0 : index
    %swap3A_648 = arith.constant 0 : index
    %swap3A_649 = arith.constant 22 : index
    %swap3A_650 = vector.load %arg4[%swap3A_647, %swap3A_648, %swap3A_649] : memref<1x128x32xi32, #tpu.memory_space<vmem>>, vector<1x128x1xi32>
    %swap3A_651 = vector.shape_cast %swap3A_650 : vector<1x128x1xi32> to vector<128x1xi32>
    %swap3A_652 = vector.shape_cast %add3A_646 : vector<128x1xi32> to vector<1x128x1xi32>
    tpu.vector_store %arg4[%swap3A_647, %swap3A_648, %swap3A_649], %swap3A_652 {strides = array<i32>} : memref<1x128x32xi32, #tpu.memory_space<vmem>>, vector<1x128x1xi32>,
    %ge3A_653 = arith.constant 24 : i32
    %ge3A_654 = vector.broadcast %ge3A_653 : i32 to vector<128x1x1xi32>
    %ge3A_655 = arith.cmpi sge, %convert_element_type3A_71, %ge3A_654 : vector<128x1x1xi32>
    %jit3A_656 = arith.constant 24 : i32
    %jit3A_657 = arith.constant 1 : i32
    %broadcast_in_dim3A_658 = vector.broadcast %jit3A_656 : i32 to vector<128x1x1xi32>
    %broadcast_in_dim3A_659 = vector.broadcast %jit3A_657 : i32 to vector<128x1x1xi32>
    %select_n3A_660 = arith.select %ge3A_655, %broadcast_in_dim3A_658, %broadcast_in_dim3A_659 : vector<128x1x1xi1>, vector<128x1x1xi32>
    %eq3A_661 = vector.broadcast %select_n3A_660 : vector<128x1x1xi32> to vector<128x32x128xi32>
    %eq3A_662 = arith.cmpi eq, %select_n3A, %eq3A_661 : vector<128x32x128xi32>
    %jit3A_663 = arith.constant 4096 : i32
    %broadcast_in_dim3A_664 = vector.broadcast %jit3A_663 : i32 to vector<128x32x128xi32>
    %select_n3A_665 = arith.select %eq3A_662, %add3A_80, %broadcast_in_dim3A_664 : vector<128x32x128xi1>, vector<128x32x128xi32>
    %reduce_min3A_666 = arith.constant dense<2147483647> : vector<128xi32>
    %reduce_min3A_667 = vector.multi_reduction <minsi>, %select_n3A_665, %reduce_min3A_666 [1, 2] : vector<128x32x128xi32> to vector<128xi32>
    %broadcast_in_dim3A_668 = vector.shape_cast %reduce_min3A_667 : vector<128xi32> to vector<128x1x1xi32>
    %squeeze3A_669 = vector.shape_cast %broadcast_in_dim3A_668 : vector<128x1x1xi32> to vector<128x1xi32>
    %add3A_670 = vector.broadcast %mul3A_82 : i32 to vector<128x1xi32>
    %add3A_671 = arith.addi %squeeze3A_669, %add3A_670 : vector<128x1xi32>
    %swap3A_672 = arith.constant 0 : index
    %swap3A_673 = arith.constant 0 : index
    %swap3A_674 = arith.constant 23 : index
    %swap3A_675 = vector.load %arg4[%swap3A_672, %swap3A_673, %swap3A_674] : memref<1x128x32xi32, #tpu.memory_space<vmem>>, vector<1x128x1xi32>
    %swap3A_676 = vector.shape_cast %swap3A_675 : vector<1x128x1xi32> to vector<128x1xi32>
    %swap3A_677 = vector.shape_cast %add3A_671 : vector<128x1xi32> to vector<1x128x1xi32>
    tpu.vector_store %arg4[%swap3A_672, %swap3A_673, %swap3A_674], %swap3A_677 {strides = array<i32>} : memref<1x128x32xi32, #tpu.memory_space<vmem>>, vector<1x128x1xi32>,
    %ge3A_678 = arith.constant 25 : i32
    %ge3A_679 = vector.broadcast %ge3A_678 : i32 to vector<128x1x1xi32>
    %ge3A_680 = arith.cmpi sge, %convert_element_type3A_71, %ge3A_679 : vector<128x1x1xi32>
    %jit3A_681 = arith.constant 25 : i32
    %jit3A_682 = arith.constant 1 : i32
    %broadcast_in_dim3A_683 = vector.broadcast %jit3A_681 : i32 to vector<128x1x1xi32>
    %broadcast_in_dim3A_684 = vector.broadcast %jit3A_682 : i32 to vector<128x1x1xi32>
    %select_n3A_685 = arith.select %ge3A_680, %broadcast_in_dim3A_683, %broadcast_in_dim3A_684 : vector<128x1x1xi1>, vector<128x1x1xi32>
    %eq3A_686 = vector.broadcast %select_n3A_685 : vector<128x1x1xi32> to vector<128x32x128xi32>
    %eq3A_687 = arith.cmpi eq, %select_n3A, %eq3A_686 : vector<128x32x128xi32>
    %jit3A_688 = arith.constant 4096 : i32
    %broadcast_in_dim3A_689 = vector.broadcast %jit3A_688 : i32 to vector<128x32x128xi32>
    %select_n3A_690 = arith.select %eq3A_687, %add3A_80, %broadcast_in_dim3A_689 : vector<128x32x128xi1>, vector<128x32x128xi32>
    %reduce_min3A_691 = arith.constant dense<2147483647> : vector<128xi32>
    %reduce_min3A_692 = vector.multi_reduction <minsi>, %select_n3A_690, %reduce_min3A_691 [1, 2] : vector<128x32x128xi32> to vector<128xi32>
    %broadcast_in_dim3A_693 = vector.shape_cast %reduce_min3A_692 : vector<128xi32> to vector<128x1x1xi32>
    %squeeze3A_694 = vector.shape_cast %broadcast_in_dim3A_693 : vector<128x1x1xi32> to vector<128x1xi32>
    %add3A_695 = vector.broadcast %mul3A_82 : i32 to vector<128x1xi32>
    %add3A_696 = arith.addi %squeeze3A_694, %add3A_695 : vector<128x1xi32>
    %swap3A_697 = arith.constant 0 : index
    %swap3A_698 = arith.constant 0 : index
    %swap3A_699 = arith.constant 24 : index
    %swap3A_700 = vector.load %arg4[%swap3A_697, %swap3A_698, %swap3A_699] : memref<1x128x32xi32, #tpu.memory_space<vmem>>, vector<1x128x1xi32>
    %swap3A_701 = vector.shape_cast %swap3A_700 : vector<1x128x1xi32> to vector<128x1xi32>
    %swap3A_702 = vector.shape_cast %add3A_696 : vector<128x1xi32> to vector<1x128x1xi32>
    tpu.vector_store %arg4[%swap3A_697, %swap3A_698, %swap3A_699], %swap3A_702 {strides = array<i32>} : memref<1x128x32xi32, #tpu.memory_space<vmem>>, vector<1x128x1xi32>,
    %ge3A_703 = arith.constant 26 : i32
    %ge3A_704 = vector.broadcast %ge3A_703 : i32 to vector<128x1x1xi32>
    %ge3A_705 = arith.cmpi sge, %convert_element_type3A_71, %ge3A_704 : vector<128x1x1xi32>
    %jit3A_706 = arith.constant 26 : i32
    %jit3A_707 = arith.constant 1 : i32
    %broadcast_in_dim3A_708 = vector.broadcast %jit3A_706 : i32 to vector<128x1x1xi32>
    %broadcast_in_dim3A_709 = vector.broadcast %jit3A_707 : i32 to vector<128x1x1xi32>
    %select_n3A_710 = arith.select %ge3A_705, %broadcast_in_dim3A_708, %broadcast_in_dim3A_709 : vector<128x1x1xi1>, vector<128x1x1xi32>
    %eq3A_711 = vector.broadcast %select_n3A_710 : vector<128x1x1xi32> to vector<128x32x128xi32>
    %eq3A_712 = arith.cmpi eq, %select_n3A, %eq3A_711 : vector<128x32x128xi32>
    %jit3A_713 = arith.constant 4096 : i32
    %broadcast_in_dim3A_714 = vector.broadcast %jit3A_713 : i32 to vector<128x32x128xi32>
    %select_n3A_715 = arith.select %eq3A_712, %add3A_80, %broadcast_in_dim3A_714 : vector<128x32x128xi1>, vector<128x32x128xi32>
    %reduce_min3A_716 = arith.constant dense<2147483647> : vector<128xi32>
    %reduce_min3A_717 = vector.multi_reduction <minsi>, %select_n3A_715, %reduce_min3A_716 [1, 2] : vector<128x32x128xi32> to vector<128xi32>
    %broadcast_in_dim3A_718 = vector.shape_cast %reduce_min3A_717 : vector<128xi32> to vector<128x1x1xi32>
    %squeeze3A_719 = vector.shape_cast %broadcast_in_dim3A_718 : vector<128x1x1xi32> to vector<128x1xi32>
    %add3A_720 = vector.broadcast %mul3A_82 : i32 to vector<128x1xi32>
    %add3A_721 = arith.addi %squeeze3A_719, %add3A_720 : vector<128x1xi32>
    %swap3A_722 = arith.constant 0 : index
    %swap3A_723 = arith.constant 0 : index
    %swap3A_724 = arith.constant 25 : index
    %swap3A_725 = vector.load %arg4[%swap3A_722, %swap3A_723, %swap3A_724] : memref<1x128x32xi32, #tpu.memory_space<vmem>>, vector<1x128x1xi32>
    %swap3A_726 = vector.shape_cast %swap3A_725 : vector<1x128x1xi32> to vector<128x1xi32>
    %swap3A_727 = vector.shape_cast %add3A_721 : vector<128x1xi32> to vector<1x128x1xi32>
    tpu.vector_store %arg4[%swap3A_722, %swap3A_723, %swap3A_724], %swap3A_727 {strides = array<i32>} : memref<1x128x32xi32, #tpu.memory_space<vmem>>, vector<1x128x1xi32>,
    %ge3A_728 = arith.constant 27 : i32
    %ge3A_729 = vector.broadcast %ge3A_728 : i32 to vector<128x1x1xi32>
    %ge3A_730 = arith.cmpi sge, %convert_element_type3A_71, %ge3A_729 : vector<128x1x1xi32>
    %jit3A_731 = arith.constant 27 : i32
    %jit3A_732 = arith.constant 1 : i32
    %broadcast_in_dim3A_733 = vector.broadcast %jit3A_731 : i32 to vector<128x1x1xi32>
    %broadcast_in_dim3A_734 = vector.broadcast %jit3A_732 : i32 to vector<128x1x1xi32>
    %select_n3A_735 = arith.select %ge3A_730, %broadcast_in_dim3A_733, %broadcast_in_dim3A_734 : vector<128x1x1xi1>, vector<128x1x1xi32>
    %eq3A_736 = vector.broadcast %select_n3A_735 : vector<128x1x1xi32> to vector<128x32x128xi32>
    %eq3A_737 = arith.cmpi eq, %select_n3A, %eq3A_736 : vector<128x32x128xi32>
    %jit3A_738 = arith.constant 4096 : i32
    %broadcast_in_dim3A_739 = vector.broadcast %jit3A_738 : i32 to vector<128x32x128xi32>
    %select_n3A_740 = arith.select %eq3A_737, %add3A_80, %broadcast_in_dim3A_739 : vector<128x32x128xi1>, vector<128x32x128xi32>
    %reduce_min3A_741 = arith.constant dense<2147483647> : vector<128xi32>
    %reduce_min3A_742 = vector.multi_reduction <minsi>, %select_n3A_740, %reduce_min3A_741 [1, 2] : vector<128x32x128xi32> to vector<128xi32>
    %broadcast_in_dim3A_743 = vector.shape_cast %reduce_min3A_742 : vector<128xi32> to vector<128x1x1xi32>
    %squeeze3A_744 = vector.shape_cast %broadcast_in_dim3A_743 : vector<128x1x1xi32> to vector<128x1xi32>
    %add3A_745 = vector.broadcast %mul3A_82 : i32 to vector<128x1xi32>
    %add3A_746 = arith.addi %squeeze3A_744, %add3A_745 : vector<128x1xi32>
    %swap3A_747 = arith.constant 0 : index
    %swap3A_748 = arith.constant 0 : index
    %swap3A_749 = arith.constant 26 : index
    %swap3A_750 = vector.load %arg4[%swap3A_747, %swap3A_748, %swap3A_749] : memref<1x128x32xi32, #tpu.memory_space<vmem>>, vector<1x128x1xi32>
    %swap3A_751 = vector.shape_cast %swap3A_750 : vector<1x128x1xi32> to vector<128x1xi32>
    %swap3A_752 = vector.shape_cast %add3A_746 : vector<128x1xi32> to vector<1x128x1xi32>
    tpu.vector_store %arg4[%swap3A_747, %swap3A_748, %swap3A_749], %swap3A_752 {strides = array<i32>} : memref<1x128x32xi32, #tpu.memory_space<vmem>>, vector<1x128x1xi32>,
    %ge3A_753 = arith.constant 28 : i32
    %ge3A_754 = vector.broadcast %ge3A_753 : i32 to vector<128x1x1xi32>
    %ge3A_755 = arith.cmpi sge, %convert_element_type3A_71, %ge3A_754 : vector<128x1x1xi32>
    %jit3A_756 = arith.constant 28 : i32
    %jit3A_757 = arith.constant 1 : i32
    %broadcast_in_dim3A_758 = vector.broadcast %jit3A_756 : i32 to vector<128x1x1xi32>
    %broadcast_in_dim3A_759 = vector.broadcast %jit3A_757 : i32 to vector<128x1x1xi32>
    %select_n3A_760 = arith.select %ge3A_755, %broadcast_in_dim3A_758, %broadcast_in_dim3A_759 : vector<128x1x1xi1>, vector<128x1x1xi32>
    %eq3A_761 = vector.broadcast %select_n3A_760 : vector<128x1x1xi32> to vector<128x32x128xi32>
    %eq3A_762 = arith.cmpi eq, %select_n3A, %eq3A_761 : vector<128x32x128xi32>
    %jit3A_763 = arith.constant 4096 : i32
    %broadcast_in_dim3A_764 = vector.broadcast %jit3A_763 : i32 to vector<128x32x128xi32>
    %select_n3A_765 = arith.select %eq3A_762, %add3A_80, %broadcast_in_dim3A_764 : vector<128x32x128xi1>, vector<128x32x128xi32>
    %reduce_min3A_766 = arith.constant dense<2147483647> : vector<128xi32>
    %reduce_min3A_767 = vector.multi_reduction <minsi>, %select_n3A_765, %reduce_min3A_766 [1, 2] : vector<128x32x128xi32> to vector<128xi32>
    %broadcast_in_dim3A_768 = vector.shape_cast %reduce_min3A_767 : vector<128xi32> to vector<128x1x1xi32>
    %squeeze3A_769 = vector.shape_cast %broadcast_in_dim3A_768 : vector<128x1x1xi32> to vector<128x1xi32>
    %add3A_770 = vector.broadcast %mul3A_82 : i32 to vector<128x1xi32>
    %add3A_771 = arith.addi %squeeze3A_769, %add3A_770 : vector<128x1xi32>
    %swap3A_772 = arith.constant 0 : index
    %swap3A_773 = arith.constant 0 : index
    %swap3A_774 = arith.constant 27 : index
    %swap3A_775 = vector.load %arg4[%swap3A_772, %swap3A_773, %swap3A_774] : memref<1x128x32xi32, #tpu.memory_space<vmem>>, vector<1x128x1xi32>
    %swap3A_776 = vector.shape_cast %swap3A_775 : vector<1x128x1xi32> to vector<128x1xi32>
    %swap3A_777 = vector.shape_cast %add3A_771 : vector<128x1xi32> to vector<1x128x1xi32>
    tpu.vector_store %arg4[%swap3A_772, %swap3A_773, %swap3A_774], %swap3A_777 {strides = array<i32>} : memref<1x128x32xi32, #tpu.memory_space<vmem>>, vector<1x128x1xi32>,
    %ge3A_778 = arith.constant 29 : i32
    %ge3A_779 = vector.broadcast %ge3A_778 : i32 to vector<128x1x1xi32>
    %ge3A_780 = arith.cmpi sge, %convert_element_type3A_71, %ge3A_779 : vector<128x1x1xi32>
    %jit3A_781 = arith.constant 29 : i32
    %jit3A_782 = arith.constant 1 : i32
    %broadcast_in_dim3A_783 = vector.broadcast %jit3A_781 : i32 to vector<128x1x1xi32>
    %broadcast_in_dim3A_784 = vector.broadcast %jit3A_782 : i32 to vector<128x1x1xi32>
    %select_n3A_785 = arith.select %ge3A_780, %broadcast_in_dim3A_783, %broadcast_in_dim3A_784 : vector<128x1x1xi1>, vector<128x1x1xi32>
    %eq3A_786 = vector.broadcast %select_n3A_785 : vector<128x1x1xi32> to vector<128x32x128xi32>
    %eq3A_787 = arith.cmpi eq, %select_n3A, %eq3A_786 : vector<128x32x128xi32>
    %jit3A_788 = arith.constant 4096 : i32
    %broadcast_in_dim3A_789 = vector.broadcast %jit3A_788 : i32 to vector<128x32x128xi32>
    %select_n3A_790 = arith.select %eq3A_787, %add3A_80, %broadcast_in_dim3A_789 : vector<128x32x128xi1>, vector<128x32x128xi32>
    %reduce_min3A_791 = arith.constant dense<2147483647> : vector<128xi32>
    %reduce_min3A_792 = vector.multi_reduction <minsi>, %select_n3A_790, %reduce_min3A_791 [1, 2] : vector<128x32x128xi32> to vector<128xi32>
    %broadcast_in_dim3A_793 = vector.shape_cast %reduce_min3A_792 : vector<128xi32> to vector<128x1x1xi32>
    %squeeze3A_794 = vector.shape_cast %broadcast_in_dim3A_793 : vector<128x1x1xi32> to vector<128x1xi32>
    %add3A_795 = vector.broadcast %mul3A_82 : i32 to vector<128x1xi32>
    %add3A_796 = arith.addi %squeeze3A_794, %add3A_795 : vector<128x1xi32>
    %swap3A_797 = arith.constant 0 : index
    %swap3A_798 = arith.constant 0 : index
    %swap3A_799 = arith.constant 28 : index
    %swap3A_800 = vector.load %arg4[%swap3A_797, %swap3A_798, %swap3A_799] : memref<1x128x32xi32, #tpu.memory_space<vmem>>, vector<1x128x1xi32>
    %swap3A_801 = vector.shape_cast %swap3A_800 : vector<1x128x1xi32> to vector<128x1xi32>
    %swap3A_802 = vector.shape_cast %add3A_796 : vector<128x1xi32> to vector<1x128x1xi32>
    tpu.vector_store %arg4[%swap3A_797, %swap3A_798, %swap3A_799], %swap3A_802 {strides = array<i32>} : memref<1x128x32xi32, #tpu.memory_space<vmem>>, vector<1x128x1xi32>,
    %ge3A_803 = arith.constant 30 : i32
    %ge3A_804 = vector.broadcast %ge3A_803 : i32 to vector<128x1x1xi32>
    %ge3A_805 = arith.cmpi sge, %convert_element_type3A_71, %ge3A_804 : vector<128x1x1xi32>
    %jit3A_806 = arith.constant 30 : i32
    %jit3A_807 = arith.constant 1 : i32
    %broadcast_in_dim3A_808 = vector.broadcast %jit3A_806 : i32 to vector<128x1x1xi32>
    %broadcast_in_dim3A_809 = vector.broadcast %jit3A_807 : i32 to vector<128x1x1xi32>
    %select_n3A_810 = arith.select %ge3A_805, %broadcast_in_dim3A_808, %broadcast_in_dim3A_809 : vector<128x1x1xi1>, vector<128x1x1xi32>
    %eq3A_811 = vector.broadcast %select_n3A_810 : vector<128x1x1xi32> to vector<128x32x128xi32>
    %eq3A_812 = arith.cmpi eq, %select_n3A, %eq3A_811 : vector<128x32x128xi32>
    %jit3A_813 = arith.constant 4096 : i32
    %broadcast_in_dim3A_814 = vector.broadcast %jit3A_813 : i32 to vector<128x32x128xi32>
    %select_n3A_815 = arith.select %eq3A_812, %add3A_80, %broadcast_in_dim3A_814 : vector<128x32x128xi1>, vector<128x32x128xi32>
    %reduce_min3A_816 = arith.constant dense<2147483647> : vector<128xi32>
    %reduce_min3A_817 = vector.multi_reduction <minsi>, %select_n3A_815, %reduce_min3A_816 [1, 2] : vector<128x32x128xi32> to vector<128xi32>
    %broadcast_in_dim3A_818 = vector.shape_cast %reduce_min3A_817 : vector<128xi32> to vector<128x1x1xi32>
    %squeeze3A_819 = vector.shape_cast %broadcast_in_dim3A_818 : vector<128x1x1xi32> to vector<128x1xi32>
    %add3A_820 = vector.broadcast %mul3A_82 : i32 to vector<128x1xi32>
    %add3A_821 = arith.addi %squeeze3A_819, %add3A_820 : vector<128x1xi32>
    %swap3A_822 = arith.constant 0 : index
    %swap3A_823 = arith.constant 0 : index
    %swap3A_824 = arith.constant 29 : index
    %swap3A_825 = vector.load %arg4[%swap3A_822, %swap3A_823, %swap3A_824] : memref<1x128x32xi32, #tpu.memory_space<vmem>>, vector<1x128x1xi32>
    %swap3A_826 = vector.shape_cast %swap3A_825 : vector<1x128x1xi32> to vector<128x1xi32>
    %swap3A_827 = vector.shape_cast %add3A_821 : vector<128x1xi32> to vector<1x128x1xi32>
    tpu.vector_store %arg4[%swap3A_822, %swap3A_823, %swap3A_824], %swap3A_827 {strides = array<i32>} : memref<1x128x32xi32, #tpu.memory_space<vmem>>, vector<1x128x1xi32>,
    %ge3A_828 = arith.constant 31 : i32
    %ge3A_829 = vector.broadcast %ge3A_828 : i32 to vector<128x1x1xi32>
    %ge3A_830 = arith.cmpi sge, %convert_element_type3A_71, %ge3A_829 : vector<128x1x1xi32>
    %jit3A_831 = arith.constant 31 : i32
    %jit3A_832 = arith.constant 1 : i32
    %broadcast_in_dim3A_833 = vector.broadcast %jit3A_831 : i32 to vector<128x1x1xi32>
    %broadcast_in_dim3A_834 = vector.broadcast %jit3A_832 : i32 to vector<128x1x1xi32>
    %select_n3A_835 = arith.select %ge3A_830, %broadcast_in_dim3A_833, %broadcast_in_dim3A_834 : vector<128x1x1xi1>, vector<128x1x1xi32>
    %eq3A_836 = vector.broadcast %select_n3A_835 : vector<128x1x1xi32> to vector<128x32x128xi32>
    %eq3A_837 = arith.cmpi eq, %select_n3A, %eq3A_836 : vector<128x32x128xi32>
    %jit3A_838 = arith.constant 4096 : i32
    %broadcast_in_dim3A_839 = vector.broadcast %jit3A_838 : i32 to vector<128x32x128xi32>
    %select_n3A_840 = arith.select %eq3A_837, %add3A_80, %broadcast_in_dim3A_839 : vector<128x32x128xi1>, vector<128x32x128xi32>
    %reduce_min3A_841 = arith.constant dense<2147483647> : vector<128xi32>
    %reduce_min3A_842 = vector.multi_reduction <minsi>, %select_n3A_840, %reduce_min3A_841 [1, 2] : vector<128x32x128xi32> to vector<128xi32>
    %broadcast_in_dim3A_843 = vector.shape_cast %reduce_min3A_842 : vector<128xi32> to vector<128x1x1xi32>
    %squeeze3A_844 = vector.shape_cast %broadcast_in_dim3A_843 : vector<128x1x1xi32> to vector<128x1xi32>
    %add3A_845 = vector.broadcast %mul3A_82 : i32 to vector<128x1xi32>
    %add3A_846 = arith.addi %squeeze3A_844, %add3A_845 : vector<128x1xi32>
    %swap3A_847 = arith.constant 0 : index
    %swap3A_848 = arith.constant 0 : index
    %swap3A_849 = arith.constant 30 : index
    %swap3A_850 = vector.load %arg4[%swap3A_847, %swap3A_848, %swap3A_849] : memref<1x128x32xi32, #tpu.memory_space<vmem>>, vector<1x128x1xi32>
    %swap3A_851 = vector.shape_cast %swap3A_850 : vector<1x128x1xi32> to vector<128x1xi32>
    %swap3A_852 = vector.shape_cast %add3A_846 : vector<128x1xi32> to vector<1x128x1xi32>
    tpu.vector_store %arg4[%swap3A_847, %swap3A_848, %swap3A_849], %swap3A_852 {strides = array<i32>} : memref<1x128x32xi32, #tpu.memory_space<vmem>>, vector<1x128x1xi32>,
    %ge3A_853 = arith.constant 32 : i32
    %ge3A_854 = vector.broadcast %ge3A_853 : i32 to vector<128x1x1xi32>
    %ge3A_855 = arith.cmpi sge, %convert_element_type3A_71, %ge3A_854 : vector<128x1x1xi32>
    %jit3A_856 = arith.constant 32 : i32
    %jit3A_857 = arith.constant 1 : i32
    %broadcast_in_dim3A_858 = vector.broadcast %jit3A_856 : i32 to vector<128x1x1xi32>
    %broadcast_in_dim3A_859 = vector.broadcast %jit3A_857 : i32 to vector<128x1x1xi32>
    %select_n3A_860 = arith.select %ge3A_855, %broadcast_in_dim3A_858, %broadcast_in_dim3A_859 : vector<128x1x1xi1>, vector<128x1x1xi32>
    %eq3A_861 = vector.broadcast %select_n3A_860 : vector<128x1x1xi32> to vector<128x32x128xi32>
    %eq3A_862 = arith.cmpi eq, %select_n3A, %eq3A_861 : vector<128x32x128xi32>
    %jit3A_863 = arith.constant 4096 : i32
    %broadcast_in_dim3A_864 = vector.broadcast %jit3A_863 : i32 to vector<128x32x128xi32>
    %select_n3A_865 = arith.select %eq3A_862, %add3A_80, %broadcast_in_dim3A_864 : vector<128x32x128xi1>, vector<128x32x128xi32>
    %reduce_min3A_866 = arith.constant dense<2147483647> : vector<128xi32>
    %reduce_min3A_867 = vector.multi_reduction <minsi>, %select_n3A_865, %reduce_min3A_866 [1, 2] : vector<128x32x128xi32> to vector<128xi32>
    %broadcast_in_dim3A_868 = vector.shape_cast %reduce_min3A_867 : vector<128xi32> to vector<128x1x1xi32>
    %squeeze3A_869 = vector.shape_cast %broadcast_in_dim3A_868 : vector<128x1x1xi32> to vector<128x1xi32>
    %add3A_870 = vector.broadcast %mul3A_82 : i32 to vector<128x1xi32>
    %add3A_871 = arith.addi %squeeze3A_869, %add3A_870 : vector<128x1xi32>
    %swap3A_872 = arith.constant 0 : index
    %swap3A_873 = arith.constant 0 : index
    %swap3A_874 = arith.constant 31 : index
    %swap3A_875 = vector.load %arg4[%swap3A_872, %swap3A_873, %swap3A_874] : memref<1x128x32xi32, #tpu.memory_space<vmem>>, vector<1x128x1xi32>
    %swap3A_876 = vector.shape_cast %swap3A_875 : vector<1x128x1xi32> to vector<128x1xi32>
    %swap3A_877 = vector.shape_cast %add3A_871 : vector<128x1xi32> to vector<1x128x1xi32>
    tpu.vector_store %arg4[%swap3A_872, %swap3A_873, %swap3A_874], %swap3A_877 {strides = array<i32>} : memref<1x128x32xi32, #tpu.memory_space<vmem>>, vector<1x128x1xi32>,
    return
  }
  func.func @transform_0(%arg0: i32, %arg1: i32) -> (i32, i32, i32, i32) {
    %c0_i32 = arith.constant 0 : i32
    %c0_i32_0 = arith.constant 0 : i32
    %c0_i32_1 = arith.constant 0 : i32
    %c0_i32_2 = arith.constant 0 : i32
    return %arg0, %c0_i32, %c0_i32_0, %c0_i32_1 : i32, i32, i32, i32
  }
  func.func @transform_1(%arg0: i32, %arg1: i32) -> (i32, i32, i32) {
    %c0_i32 = arith.constant 0 : i32
    %c0_i32_0 = arith.constant 0 : i32
    return %arg0, %arg1, %c0_i32 : i32, i32, i32
  }
  func.func @transform_2(%arg0: i32, %arg1: i32) -> (i32, i32, i32) {
    %c0_i32 = arith.constant 0 : i32
    %c0_i32_0 = arith.constant 0 : i32
    return %arg0, %arg1, %c0_i32 : i32, i32, i32
  }
}

module attributes {stable_mosaic.version = 14 : i64} {
  func.func @_fps_body(%arg0: memref<8x3x512xf32, #tpu.memory_space<vmem>>, %arg1: memref<8x128x3xf32, #tpu.memory_space<vmem>>) attributes {dimension_semantics = [], scalar_prefetch = 0 : i64, scratch_operands = 0 : i64, tpu.core_type = #tpu.core_type<tc>} {
    %get3A = arith.constant 0 : index
    %get3A_0 = arith.constant 0 : index
    %get3A_1 = arith.constant 0 : index
    %get3A_2 = vector.load %arg0[%get3A, %get3A_0, %get3A_1] : memref<8x3x512xf32, #tpu.memory_space<vmem>>, vector<8x1x512xf32>
    %get3A_3 = vector.shape_cast %get3A_2 : vector<8x1x512xf32> to vector<8x512xf32>
    %get3A_4 = arith.constant 0 : index
    %get3A_5 = arith.constant 1 : index
    %get3A_6 = arith.constant 0 : index
    %get3A_7 = vector.load %arg0[%get3A_4, %get3A_5, %get3A_6] : memref<8x3x512xf32, #tpu.memory_space<vmem>>, vector<8x1x512xf32>
    %get3A_8 = vector.shape_cast %get3A_7 : vector<8x1x512xf32> to vector<8x512xf32>
    %get3A_9 = arith.constant 0 : index
    %get3A_10 = arith.constant 2 : index
    %get3A_11 = arith.constant 0 : index
    %get3A_12 = vector.load %arg0[%get3A_9, %get3A_10, %get3A_11] : memref<8x3x512xf32, #tpu.memory_space<vmem>>, vector<8x1x512xf32>
    %get3A_13 = vector.shape_cast %get3A_12 : vector<8x1x512xf32> to vector<8x512xf32>
    %iota3A = tpu.iota {dimensions = array<i32: 1>} : vector<8x512xi32>
    %iota3A_14 = tpu.iota {dimensions = array<i32: 2>} : vector<8x1x3xi32>
    %broadcast_in_dim3A = arith.constant 1.000000e+10 : f32
    %broadcast_in_dim3A_15 = vector.broadcast %broadcast_in_dim3A : f32 to vector<8x512xf32>
    %broadcast_in_dim3A_16 = arith.constant 0 : i32
    %broadcast_in_dim3A_17 = vector.broadcast %broadcast_in_dim3A_16 : i32 to vector<8x1xi32>
    %scan3A = arith.constant 0 : i32
    %scan3A_18 = arith.constant 128 : i32
    %scan3A_19 = arith.addi %scan3A, %scan3A_18 : i32
    %scan3A_20 = arith.constant 1 : i32
    %scan3A_21:2 = scf.for %scan3A_23 = %scan3A to %scan3A_19 step %scan3A_20 iter_args(%scan3A_24 = %broadcast_in_dim3A_15, %scan3A_25 = %broadcast_in_dim3A_17) -> (vector<8x512xf32>, vector<8x1xi32>)  : i32 {
      %eq3A = vector.broadcast %scan3A_25 : vector<8x1xi32> to vector<8x512xi32>
      %eq3A_26 = arith.cmpi eq, %iota3A, %eq3A : vector<8x512xi32>
      %jit3A = arith.constant 0.000000e+00 : f32
      %broadcast_in_dim3A_27 = vector.broadcast %jit3A : f32 to vector<8x512xf32>
      %select_n3A = arith.select %eq3A_26, %get3A_3, %broadcast_in_dim3A_27 : vector<8x512xi1>, vector<8x512xf32>
      %reduce_sum3A = arith.constant dense<0.000000e+00> : vector<8xf32>
      %reduce_sum3A_28 = vector.multi_reduction <add>, %select_n3A, %reduce_sum3A [1] : vector<8x512xf32> to vector<8xf32>
      %broadcast_in_dim3A_29 = vector.shape_cast %reduce_sum3A_28 : vector<8xf32> to vector<8x1xf32>
      %jit3A_30 = arith.constant 0.000000e+00 : f32
      %broadcast_in_dim3A_31 = vector.broadcast %jit3A_30 : f32 to vector<8x512xf32>
      %select_n3A_32 = arith.select %eq3A_26, %get3A_8, %broadcast_in_dim3A_31 : vector<8x512xi1>, vector<8x512xf32>
      %reduce_sum3A_33 = arith.constant dense<0.000000e+00> : vector<8xf32>
      %reduce_sum3A_34 = vector.multi_reduction <add>, %select_n3A_32, %reduce_sum3A_33 [1] : vector<8x512xf32> to vector<8xf32>
      %broadcast_in_dim3A_35 = vector.shape_cast %reduce_sum3A_34 : vector<8xf32> to vector<8x1xf32>
      %jit3A_36 = arith.constant 0.000000e+00 : f32
      %broadcast_in_dim3A_37 = vector.broadcast %jit3A_36 : f32 to vector<8x512xf32>
      %select_n3A_38 = arith.select %eq3A_26, %get3A_13, %broadcast_in_dim3A_37 : vector<8x512xi1>, vector<8x512xf32>
      %reduce_sum3A_39 = arith.constant dense<0.000000e+00> : vector<8xf32>
      %reduce_sum3A_40 = vector.multi_reduction <add>, %select_n3A_38, %reduce_sum3A_39 [1] : vector<8x512xf32> to vector<8xf32>
      %broadcast_in_dim3A_41 = vector.shape_cast %reduce_sum3A_40 : vector<8xf32> to vector<8x1xf32>
      %eq3A_42 = arith.constant 0 : i32
      %eq3A_43 = vector.broadcast %eq3A_42 : i32 to vector<8x1x3xi32>
      %eq3A_44 = arith.cmpi eq, %iota3A_14, %eq3A_43 : vector<8x1x3xi32>
      %broadcast_in_dim3A_45 = vector.shape_cast %broadcast_in_dim3A_29 : vector<8x1xf32> to vector<8x1x1xf32>
      %broadcast_in_dim3A_46 = vector.shape_cast %broadcast_in_dim3A_45 : vector<8x1x1xf32> to vector<8x1x1xf32>
      %broadcast_in_dim3A_47 = vector.broadcast %broadcast_in_dim3A_46 : vector<8x1x1xf32> to vector<8x1x3xf32>
      %eq3A_48 = arith.constant 1 : i32
      %eq3A_49 = vector.broadcast %eq3A_48 : i32 to vector<8x1x3xi32>
      %eq3A_50 = arith.cmpi eq, %iota3A_14, %eq3A_49 : vector<8x1x3xi32>
      %broadcast_in_dim3A_51 = vector.shape_cast %broadcast_in_dim3A_35 : vector<8x1xf32> to vector<8x1x1xf32>
      %broadcast_in_dim3A_52 = vector.shape_cast %broadcast_in_dim3A_51 : vector<8x1x1xf32> to vector<8x1x1xf32>
      %broadcast_in_dim3A_53 = vector.broadcast %broadcast_in_dim3A_52 : vector<8x1x1xf32> to vector<8x1x3xf32>
      %broadcast_in_dim3A_54 = vector.shape_cast %broadcast_in_dim3A_41 : vector<8x1xf32> to vector<8x1x1xf32>
      %broadcast_in_dim3A_55 = vector.shape_cast %broadcast_in_dim3A_54 : vector<8x1x1xf32> to vector<8x1x1xf32>
      %broadcast_in_dim3A_56 = vector.broadcast %broadcast_in_dim3A_55 : vector<8x1x1xf32> to vector<8x1x3xf32>
      %select_n3A_57 = arith.select %eq3A_50, %broadcast_in_dim3A_53, %broadcast_in_dim3A_56 : vector<8x1x3xi1>, vector<8x1x3xf32>
      %select_n3A_58 = arith.select %eq3A_44, %broadcast_in_dim3A_47, %select_n3A_57 : vector<8x1x3xi1>, vector<8x1x3xf32>
      %swap3A = arith.constant 0 : index
      %swap3A_59 = arith.index_cast %scan3A_23 : i32 to index
      %swap3A_60 = arith.constant 0 : index
      %swap3A_61 = vector.load %arg1[%swap3A, %swap3A_59, %swap3A_60] : memref<8x128x3xf32, #tpu.memory_space<vmem>>, vector<8x1x3xf32>
      tpu.vector_store %arg1[%swap3A, %swap3A_59, %swap3A_60], %select_n3A_58 {strides = array<i32>} : memref<8x128x3xf32, #tpu.memory_space<vmem>>, vector<8x1x3xf32>,
      %sub3A = vector.broadcast %broadcast_in_dim3A_29 : vector<8x1xf32> to vector<8x512xf32>
      %sub3A_62 = arith.subf %get3A_3, %sub3A : vector<8x512xf32>
      %sub3A_63 = vector.broadcast %broadcast_in_dim3A_35 : vector<8x1xf32> to vector<8x512xf32>
      %sub3A_64 = arith.subf %get3A_8, %sub3A_63 : vector<8x512xf32>
      %sub3A_65 = vector.broadcast %broadcast_in_dim3A_41 : vector<8x1xf32> to vector<8x512xf32>
      %sub3A_66 = arith.subf %get3A_13, %sub3A_65 : vector<8x512xf32>
      %mul3A = arith.mulf %sub3A_62, %sub3A_62 : vector<8x512xf32>
      %mul3A_67 = arith.mulf %sub3A_64, %sub3A_64 : vector<8x512xf32>
      %add3A = arith.addf %mul3A, %mul3A_67 : vector<8x512xf32>
      %mul3A_68 = arith.mulf %sub3A_66, %sub3A_66 : vector<8x512xf32>
      %add3A_69 = arith.addf %add3A, %mul3A_68 : vector<8x512xf32>
      %min3A = arith.minimumf %scan3A_24, %add3A_69 : vector<8x512xf32>
      %reduce_max3A = arith.constant dense<0xFF800000> : vector<8xf32>
      %reduce_max3A_70 = vector.multi_reduction <maximumf>, %min3A, %reduce_max3A [1] : vector<8x512xf32> to vector<8xf32>
      %broadcast_in_dim3A_71 = vector.shape_cast %reduce_max3A_70 : vector<8xf32> to vector<8x1xf32>
      %eq3A_72 = vector.broadcast %broadcast_in_dim3A_71 : vector<8x1xf32> to vector<8x512xf32>
      %eq3A_73 = arith.cmpf oeq, %min3A, %eq3A_72 : vector<8x512xf32>
      %jit3A_74 = arith.constant 512 : i32
      %broadcast_in_dim3A_75 = vector.broadcast %jit3A_74 : i32 to vector<8x512xi32>
      %select_n3A_76 = arith.select %eq3A_73, %iota3A, %broadcast_in_dim3A_75 : vector<8x512xi1>, vector<8x512xi32>
      %reduce_min3A = arith.constant dense<2147483647> : vector<8xi32>
      %reduce_min3A_77 = vector.multi_reduction <minsi>, %select_n3A_76, %reduce_min3A [1] : vector<8x512xi32> to vector<8xi32>
      %broadcast_in_dim3A_78 = vector.shape_cast %reduce_min3A_77 : vector<8xi32> to vector<8x1xi32>
      scf.yield %min3A, %broadcast_in_dim3A_78 : vector<8x512xf32>, vector<8x1xi32>
    }
    %scan3A_22 = arith.constant 128 : i32
    return
  }
}

module attributes {stable_mosaic.version = 14 : i64} {
  func.func @_ballq_body(%arg0: i32, %arg1: i32, %arg2: memref<1x3x4x128xf32, #tpu.memory_space<vmem>>, %arg3: memref<1x128x3xf32, #tpu.memory_space<vmem>>, %arg4: memref<1x128x64xi32, #tpu.memory_space<vmem>>) attributes {dimension_semantics = [#tpu.dimension_semantics<arbitrary>, #tpu.dimension_semantics<arbitrary>], iteration_bounds = array<i64: 8, 1>, scalar_prefetch = 0 : i64, scratch_operands = 0 : i64, tpu.core_type = #tpu.core_type<tc>, window_params = [{transform_indices = @transform_0, window_bounds = array<i64: 1, 3, 4, 128>}, {transform_indices = @transform_1, window_bounds = array<i64: 1, 128, 3>}, {transform_indices = @transform_2, window_bounds = array<i64: 1, 128, 64>}]} {
    %broadcast_in_dim3A = arith.constant 0.000000e+00 : f32
    %broadcast_in_dim3A_0 = vector.broadcast %broadcast_in_dim3A : f32 to vector<128x4x128xf32>
    %get3A = arith.constant 0 : index
    %get3A_1 = arith.constant 0 : index
    %get3A_2 = arith.constant 0 : index
    %get3A_3 = arith.constant 0 : index
    %get3A_4 = vector.load %arg2[%get3A, %get3A_1, %get3A_2, %get3A_3] : memref<1x3x4x128xf32, #tpu.memory_space<vmem>>, vector<1x1x4x128xf32>
    %get3A_5 = vector.shape_cast %get3A_4 : vector<1x1x4x128xf32> to vector<4x128xf32>
    %get3A_6 = arith.constant 0 : index
    %get3A_7 = arith.constant 0 : index
    %get3A_8 = arith.constant 0 : index
    %get3A_9 = vector.load %arg3[%get3A_6, %get3A_7, %get3A_8] : memref<1x128x3xf32, #tpu.memory_space<vmem>>, vector<1x128x1xf32>
    %get3A_10 = vector.shape_cast %get3A_9 : vector<1x128x1xf32> to vector<128xf32>
    %broadcast_in_dim3A_11 = vector.shape_cast %get3A_10 : vector<128xf32> to vector<128x1x1xf32>
    %broadcast_in_dim3A_12 = vector.shape_cast %get3A_5 : vector<4x128xf32> to vector<1x4x128xf32>
    %sub3A = vector.broadcast %broadcast_in_dim3A_11 : vector<128x1x1xf32> to vector<128x4x128xf32>
    %sub3A_13 = vector.broadcast %broadcast_in_dim3A_12 : vector<1x4x128xf32> to vector<128x4x128xf32>
    %sub3A_14 = arith.subf %sub3A, %sub3A_13 : vector<128x4x128xf32>
    %mul3A = arith.mulf %sub3A_14, %sub3A_14 : vector<128x4x128xf32>
    %add3A = arith.addf %broadcast_in_dim3A_0, %mul3A : vector<128x4x128xf32>
    %get3A_15 = arith.constant 0 : index
    %get3A_16 = arith.constant 1 : index
    %get3A_17 = arith.constant 0 : index
    %get3A_18 = arith.constant 0 : index
    %get3A_19 = vector.load %arg2[%get3A_15, %get3A_16, %get3A_17, %get3A_18] : memref<1x3x4x128xf32, #tpu.memory_space<vmem>>, vector<1x1x4x128xf32>
    %get3A_20 = vector.shape_cast %get3A_19 : vector<1x1x4x128xf32> to vector<4x128xf32>
    %get3A_21 = arith.constant 0 : index
    %get3A_22 = arith.constant 0 : index
    %get3A_23 = arith.constant 1 : index
    %get3A_24 = vector.load %arg3[%get3A_21, %get3A_22, %get3A_23] : memref<1x128x3xf32, #tpu.memory_space<vmem>>, vector<1x128x1xf32>
    %get3A_25 = vector.shape_cast %get3A_24 : vector<1x128x1xf32> to vector<128xf32>
    %broadcast_in_dim3A_26 = vector.shape_cast %get3A_25 : vector<128xf32> to vector<128x1x1xf32>
    %broadcast_in_dim3A_27 = vector.shape_cast %get3A_20 : vector<4x128xf32> to vector<1x4x128xf32>
    %sub3A_28 = vector.broadcast %broadcast_in_dim3A_26 : vector<128x1x1xf32> to vector<128x4x128xf32>
    %sub3A_29 = vector.broadcast %broadcast_in_dim3A_27 : vector<1x4x128xf32> to vector<128x4x128xf32>
    %sub3A_30 = arith.subf %sub3A_28, %sub3A_29 : vector<128x4x128xf32>
    %mul3A_31 = arith.mulf %sub3A_30, %sub3A_30 : vector<128x4x128xf32>
    %add3A_32 = arith.addf %add3A, %mul3A_31 : vector<128x4x128xf32>
    %get3A_33 = arith.constant 0 : index
    %get3A_34 = arith.constant 2 : index
    %get3A_35 = arith.constant 0 : index
    %get3A_36 = arith.constant 0 : index
    %get3A_37 = vector.load %arg2[%get3A_33, %get3A_34, %get3A_35, %get3A_36] : memref<1x3x4x128xf32, #tpu.memory_space<vmem>>, vector<1x1x4x128xf32>
    %get3A_38 = vector.shape_cast %get3A_37 : vector<1x1x4x128xf32> to vector<4x128xf32>
    %get3A_39 = arith.constant 0 : index
    %get3A_40 = arith.constant 0 : index
    %get3A_41 = arith.constant 2 : index
    %get3A_42 = vector.load %arg3[%get3A_39, %get3A_40, %get3A_41] : memref<1x128x3xf32, #tpu.memory_space<vmem>>, vector<1x128x1xf32>
    %get3A_43 = vector.shape_cast %get3A_42 : vector<1x128x1xf32> to vector<128xf32>
    %broadcast_in_dim3A_44 = vector.shape_cast %get3A_43 : vector<128xf32> to vector<128x1x1xf32>
    %broadcast_in_dim3A_45 = vector.shape_cast %get3A_38 : vector<4x128xf32> to vector<1x4x128xf32>
    %sub3A_46 = vector.broadcast %broadcast_in_dim3A_44 : vector<128x1x1xf32> to vector<128x4x128xf32>
    %sub3A_47 = vector.broadcast %broadcast_in_dim3A_45 : vector<1x4x128xf32> to vector<128x4x128xf32>
    %sub3A_48 = arith.subf %sub3A_46, %sub3A_47 : vector<128x4x128xf32>
    %mul3A_49 = arith.mulf %sub3A_48, %sub3A_48 : vector<128x4x128xf32>
    %add3A_50 = arith.addf %add3A_32, %mul3A_49 : vector<128x4x128xf32>
    %le3A = arith.constant 1.600000e-01 : f32
    %le3A_51 = vector.broadcast %le3A : f32 to vector<128x4x128xf32>
    %le3A_52 = arith.cmpf ole, %add3A_50, %le3A_51 : vector<128x4x128xf32>
    %convert_element_type3A = arith.extui %le3A_52 : vector<128x4x128xi1> to vector<128x4x128xi32>
    %convert_element_type3A_53 = arith.sitofp %convert_element_type3A : vector<128x4x128xi32> to vector<128x4x128xf32>
    %iota3A = tpu.iota {dimensions = array<i32: 0>} : vector<128x128xi32>
    %iota3A_54 = tpu.iota {dimensions = array<i32: 1>} : vector<128x128xi32>
    %le3A_55 = arith.cmpi sle, %iota3A, %iota3A_54 : vector<128x128xi32>
    %convert_element_type3A_56 = arith.extui %le3A_55 : vector<128x128xi1> to vector<128x128xi32>
    %convert_element_type3A_57 = arith.sitofp %convert_element_type3A_56 : vector<128x128xi32> to vector<128x128xf32>
    %dot_general3A = arith.constant dense<0.000000e+00> : vector<128x4x128xf32>
    %dot_general3A_58 = tpu.matmul %convert_element_type3A_53, %convert_element_type3A_57, %dot_general3A {dimension_numbers = #tpu.dot_dimension_numbers<[2], [0], [0, 1], [1], [0, 0, 0, 1, 1, 1], [], []>, transpose_lhs_hint = false} : vector<128x4x128xf32>, vector<128x128xf32>, vector<128x4x128xf32> -> vector<128x4x128xf32>
    %slice3A = vector.extract_strided_slice %dot_general3A_58 {offsets = [0, 0, 127], sizes = [128, 4, 1], strides = [1, 1, 1]} : vector<128x4x128xf32> to vector<128x4x1xf32>
    %reshape3A = vector.shape_cast %slice3A : vector<128x4x1xf32> to vector<128x4xf32>
    %iota3A_59 = tpu.iota {dimensions = array<i32: 0>} : vector<4x4xi32>
    %iota3A_60 = tpu.iota {dimensions = array<i32: 1>} : vector<4x4xi32>
    %lt3A = arith.cmpi slt, %iota3A_59, %iota3A_60 : vector<4x4xi32>
    %convert_element_type3A_61 = arith.extui %lt3A : vector<4x4xi1> to vector<4x4xi32>
    %convert_element_type3A_62 = arith.sitofp %convert_element_type3A_61 : vector<4x4xi32> to vector<4x4xf32>
    %dot_general3A_63 = arith.constant dense<0.000000e+00> : vector<128x4xf32>
    %dot_general3A_64 = tpu.matmul %reshape3A, %convert_element_type3A_62, %dot_general3A_63 {dimension_numbers = #tpu.dot_dimension_numbers<[1], [0], [0], [1], [0, 0, 1, 1], [], []>, transpose_lhs_hint = false} : vector<128x4xf32>, vector<4x4xf32>, vector<128x4xf32> -> vector<128x4xf32>
    %broadcast_in_dim3A_65 = vector.shape_cast %dot_general3A_64 : vector<128x4xf32> to vector<128x4x1xf32>
    %add3A_66 = vector.broadcast %broadcast_in_dim3A_65 : vector<128x4x1xf32> to vector<128x4x128xf32>
    %add3A_67 = arith.addf %dot_general3A_58, %add3A_66 : vector<128x4x128xf32>
    %convert_element_type3A_68 = arith.fptosi %add3A_67 : vector<128x4x128xf32> to vector<128x4x128xi32>
    %reduce_sum3A = arith.constant dense<0.000000e+00> : vector<128xf32>
    %reduce_sum3A_69 = vector.multi_reduction <add>, %convert_element_type3A_53, %reduce_sum3A [1, 2] : vector<128x4x128xf32> to vector<128xf32>
    %broadcast_in_dim3A_70 = vector.shape_cast %reduce_sum3A_69 : vector<128xf32> to vector<128x1x1xf32>
    %convert_element_type3A_71 = arith.fptosi %broadcast_in_dim3A_70 : vector<128x1x1xf32> to vector<128x1x1xi32>
    %gt3A = arith.constant 0.000000e+00 : f32
    %gt3A_72 = vector.broadcast %gt3A : f32 to vector<128x4x128xf32>
    %gt3A_73 = arith.cmpf ogt, %convert_element_type3A_53, %gt3A_72 : vector<128x4x128xf32>
    %jit3A = arith.constant 0 : i32
    %broadcast_in_dim3A_74 = vector.broadcast %jit3A : i32 to vector<128x4x128xi32>
    %select_n3A = arith.select %gt3A_73, %convert_element_type3A_68, %broadcast_in_dim3A_74 : vector<128x4x128xi1>, vector<128x4x128xi32>
    %iota3A_75 = tpu.iota {dimensions = array<i32: 1>} : vector<128x4x128xi32>
    %mul3A_76 = arith.constant 128 : i32
    %mul3A_77 = vector.broadcast %mul3A_76 : i32 to vector<128x4x128xi32>
    %mul3A_78 = arith.muli %iota3A_75, %mul3A_77 : vector<128x4x128xi32>
    %iota3A_79 = tpu.iota {dimensions = array<i32: 2>} : vector<128x4x128xi32>
    %add3A_80 = arith.addi %mul3A_78, %iota3A_79 : vector<128x4x128xi32>
    %mul3A_81 = arith.constant 512 : i32
    %mul3A_82 = arith.muli %arg0, %mul3A_81 : i32
    %ge3A = arith.constant 1 : i32
    %ge3A_83 = vector.broadcast %ge3A : i32 to vector<128x1x1xi32>
    %ge3A_84 = arith.cmpi sge, %convert_element_type3A_71, %ge3A_83 : vector<128x1x1xi32>
    %jit3A_85 = arith.constant 1 : i32
    %jit3A_86 = arith.constant 1 : i32
    %broadcast_in_dim3A_87 = vector.broadcast %jit3A_85 : i32 to vector<128x1x1xi32>
    %broadcast_in_dim3A_88 = vector.broadcast %jit3A_86 : i32 to vector<128x1x1xi32>
    %select_n3A_89 = arith.select %ge3A_84, %broadcast_in_dim3A_87, %broadcast_in_dim3A_88 : vector<128x1x1xi1>, vector<128x1x1xi32>
    %eq3A = vector.broadcast %select_n3A_89 : vector<128x1x1xi32> to vector<128x4x128xi32>
    %eq3A_90 = arith.cmpi eq, %select_n3A, %eq3A : vector<128x4x128xi32>
    %jit3A_91 = arith.constant 512 : i32
    %broadcast_in_dim3A_92 = vector.broadcast %jit3A_91 : i32 to vector<128x4x128xi32>
    %select_n3A_93 = arith.select %eq3A_90, %add3A_80, %broadcast_in_dim3A_92 : vector<128x4x128xi1>, vector<128x4x128xi32>
    %reduce_min3A = arith.constant dense<2147483647> : vector<128xi32>
    %reduce_min3A_94 = vector.multi_reduction <minsi>, %select_n3A_93, %reduce_min3A [1, 2] : vector<128x4x128xi32> to vector<128xi32>
    %broadcast_in_dim3A_95 = vector.shape_cast %reduce_min3A_94 : vector<128xi32> to vector<128x1x1xi32>
    %squeeze3A = vector.shape_cast %broadcast_in_dim3A_95 : vector<128x1x1xi32> to vector<128x1xi32>
    %add3A_96 = vector.broadcast %mul3A_82 : i32 to vector<128x1xi32>
    %add3A_97 = arith.addi %squeeze3A, %add3A_96 : vector<128x1xi32>
    %swap3A = arith.constant 0 : index
    %swap3A_98 = arith.constant 0 : index
    %swap3A_99 = arith.constant 0 : index
    %swap3A_100 = vector.load %arg4[%swap3A, %swap3A_98, %swap3A_99] : memref<1x128x64xi32, #tpu.memory_space<vmem>>, vector<1x128x1xi32>
    %swap3A_101 = vector.shape_cast %swap3A_100 : vector<1x128x1xi32> to vector<128x1xi32>
    %swap3A_102 = vector.shape_cast %add3A_97 : vector<128x1xi32> to vector<1x128x1xi32>
    tpu.vector_store %arg4[%swap3A, %swap3A_98, %swap3A_99], %swap3A_102 {strides = array<i32>} : memref<1x128x64xi32, #tpu.memory_space<vmem>>, vector<1x128x1xi32>,
    %ge3A_103 = arith.constant 2 : i32
    %ge3A_104 = vector.broadcast %ge3A_103 : i32 to vector<128x1x1xi32>
    %ge3A_105 = arith.cmpi sge, %convert_element_type3A_71, %ge3A_104 : vector<128x1x1xi32>
    %jit3A_106 = arith.constant 2 : i32
    %jit3A_107 = arith.constant 1 : i32
    %broadcast_in_dim3A_108 = vector.broadcast %jit3A_106 : i32 to vector<128x1x1xi32>
    %broadcast_in_dim3A_109 = vector.broadcast %jit3A_107 : i32 to vector<128x1x1xi32>
    %select_n3A_110 = arith.select %ge3A_105, %broadcast_in_dim3A_108, %broadcast_in_dim3A_109 : vector<128x1x1xi1>, vector<128x1x1xi32>
    %eq3A_111 = vector.broadcast %select_n3A_110 : vector<128x1x1xi32> to vector<128x4x128xi32>
    %eq3A_112 = arith.cmpi eq, %select_n3A, %eq3A_111 : vector<128x4x128xi32>
    %jit3A_113 = arith.constant 512 : i32
    %broadcast_in_dim3A_114 = vector.broadcast %jit3A_113 : i32 to vector<128x4x128xi32>
    %select_n3A_115 = arith.select %eq3A_112, %add3A_80, %broadcast_in_dim3A_114 : vector<128x4x128xi1>, vector<128x4x128xi32>
    %reduce_min3A_116 = arith.constant dense<2147483647> : vector<128xi32>
    %reduce_min3A_117 = vector.multi_reduction <minsi>, %select_n3A_115, %reduce_min3A_116 [1, 2] : vector<128x4x128xi32> to vector<128xi32>
    %broadcast_in_dim3A_118 = vector.shape_cast %reduce_min3A_117 : vector<128xi32> to vector<128x1x1xi32>
    %squeeze3A_119 = vector.shape_cast %broadcast_in_dim3A_118 : vector<128x1x1xi32> to vector<128x1xi32>
    %add3A_120 = vector.broadcast %mul3A_82 : i32 to vector<128x1xi32>
    %add3A_121 = arith.addi %squeeze3A_119, %add3A_120 : vector<128x1xi32>
    %swap3A_122 = arith.constant 0 : index
    %swap3A_123 = arith.constant 0 : index
    %swap3A_124 = arith.constant 1 : index
    %swap3A_125 = vector.load %arg4[%swap3A_122, %swap3A_123, %swap3A_124] : memref<1x128x64xi32, #tpu.memory_space<vmem>>, vector<1x128x1xi32>
    %swap3A_126 = vector.shape_cast %swap3A_125 : vector<1x128x1xi32> to vector<128x1xi32>
    %swap3A_127 = vector.shape_cast %add3A_121 : vector<128x1xi32> to vector<1x128x1xi32>
    tpu.vector_store %arg4[%swap3A_122, %swap3A_123, %swap3A_124], %swap3A_127 {strides = array<i32>} : memref<1x128x64xi32, #tpu.memory_space<vmem>>, vector<1x128x1xi32>,
    %ge3A_128 = arith.constant 3 : i32
    %ge3A_129 = vector.broadcast %ge3A_128 : i32 to vector<128x1x1xi32>
    %ge3A_130 = arith.cmpi sge, %convert_element_type3A_71, %ge3A_129 : vector<128x1x1xi32>
    %jit3A_131 = arith.constant 3 : i32
    %jit3A_132 = arith.constant 1 : i32
    %broadcast_in_dim3A_133 = vector.broadcast %jit3A_131 : i32 to vector<128x1x1xi32>
    %broadcast_in_dim3A_134 = vector.broadcast %jit3A_132 : i32 to vector<128x1x1xi32>
    %select_n3A_135 = arith.select %ge3A_130, %broadcast_in_dim3A_133, %broadcast_in_dim3A_134 : vector<128x1x1xi1>, vector<128x1x1xi32>
    %eq3A_136 = vector.broadcast %select_n3A_135 : vector<128x1x1xi32> to vector<128x4x128xi32>
    %eq3A_137 = arith.cmpi eq, %select_n3A, %eq3A_136 : vector<128x4x128xi32>
    %jit3A_138 = arith.constant 512 : i32
    %broadcast_in_dim3A_139 = vector.broadcast %jit3A_138 : i32 to vector<128x4x128xi32>
    %select_n3A_140 = arith.select %eq3A_137, %add3A_80, %broadcast_in_dim3A_139 : vector<128x4x128xi1>, vector<128x4x128xi32>
    %reduce_min3A_141 = arith.constant dense<2147483647> : vector<128xi32>
    %reduce_min3A_142 = vector.multi_reduction <minsi>, %select_n3A_140, %reduce_min3A_141 [1, 2] : vector<128x4x128xi32> to vector<128xi32>
    %broadcast_in_dim3A_143 = vector.shape_cast %reduce_min3A_142 : vector<128xi32> to vector<128x1x1xi32>
    %squeeze3A_144 = vector.shape_cast %broadcast_in_dim3A_143 : vector<128x1x1xi32> to vector<128x1xi32>
    %add3A_145 = vector.broadcast %mul3A_82 : i32 to vector<128x1xi32>
    %add3A_146 = arith.addi %squeeze3A_144, %add3A_145 : vector<128x1xi32>
    %swap3A_147 = arith.constant 0 : index
    %swap3A_148 = arith.constant 0 : index
    %swap3A_149 = arith.constant 2 : index
    %swap3A_150 = vector.load %arg4[%swap3A_147, %swap3A_148, %swap3A_149] : memref<1x128x64xi32, #tpu.memory_space<vmem>>, vector<1x128x1xi32>
    %swap3A_151 = vector.shape_cast %swap3A_150 : vector<1x128x1xi32> to vector<128x1xi32>
    %swap3A_152 = vector.shape_cast %add3A_146 : vector<128x1xi32> to vector<1x128x1xi32>
    tpu.vector_store %arg4[%swap3A_147, %swap3A_148, %swap3A_149], %swap3A_152 {strides = array<i32>} : memref<1x128x64xi32, #tpu.memory_space<vmem>>, vector<1x128x1xi32>,
    %ge3A_153 = arith.constant 4 : i32
    %ge3A_154 = vector.broadcast %ge3A_153 : i32 to vector<128x1x1xi32>
    %ge3A_155 = arith.cmpi sge, %convert_element_type3A_71, %ge3A_154 : vector<128x1x1xi32>
    %jit3A_156 = arith.constant 4 : i32
    %jit3A_157 = arith.constant 1 : i32
    %broadcast_in_dim3A_158 = vector.broadcast %jit3A_156 : i32 to vector<128x1x1xi32>
    %broadcast_in_dim3A_159 = vector.broadcast %jit3A_157 : i32 to vector<128x1x1xi32>
    %select_n3A_160 = arith.select %ge3A_155, %broadcast_in_dim3A_158, %broadcast_in_dim3A_159 : vector<128x1x1xi1>, vector<128x1x1xi32>
    %eq3A_161 = vector.broadcast %select_n3A_160 : vector<128x1x1xi32> to vector<128x4x128xi32>
    %eq3A_162 = arith.cmpi eq, %select_n3A, %eq3A_161 : vector<128x4x128xi32>
    %jit3A_163 = arith.constant 512 : i32
    %broadcast_in_dim3A_164 = vector.broadcast %jit3A_163 : i32 to vector<128x4x128xi32>
    %select_n3A_165 = arith.select %eq3A_162, %add3A_80, %broadcast_in_dim3A_164 : vector<128x4x128xi1>, vector<128x4x128xi32>
    %reduce_min3A_166 = arith.constant dense<2147483647> : vector<128xi32>
    %reduce_min3A_167 = vector.multi_reduction <minsi>, %select_n3A_165, %reduce_min3A_166 [1, 2] : vector<128x4x128xi32> to vector<128xi32>
    %broadcast_in_dim3A_168 = vector.shape_cast %reduce_min3A_167 : vector<128xi32> to vector<128x1x1xi32>
    %squeeze3A_169 = vector.shape_cast %broadcast_in_dim3A_168 : vector<128x1x1xi32> to vector<128x1xi32>
    %add3A_170 = vector.broadcast %mul3A_82 : i32 to vector<128x1xi32>
    %add3A_171 = arith.addi %squeeze3A_169, %add3A_170 : vector<128x1xi32>
    %swap3A_172 = arith.constant 0 : index
    %swap3A_173 = arith.constant 0 : index
    %swap3A_174 = arith.constant 3 : index
    %swap3A_175 = vector.load %arg4[%swap3A_172, %swap3A_173, %swap3A_174] : memref<1x128x64xi32, #tpu.memory_space<vmem>>, vector<1x128x1xi32>
    %swap3A_176 = vector.shape_cast %swap3A_175 : vector<1x128x1xi32> to vector<128x1xi32>
    %swap3A_177 = vector.shape_cast %add3A_171 : vector<128x1xi32> to vector<1x128x1xi32>
    tpu.vector_store %arg4[%swap3A_172, %swap3A_173, %swap3A_174], %swap3A_177 {strides = array<i32>} : memref<1x128x64xi32, #tpu.memory_space<vmem>>, vector<1x128x1xi32>,
    %ge3A_178 = arith.constant 5 : i32
    %ge3A_179 = vector.broadcast %ge3A_178 : i32 to vector<128x1x1xi32>
    %ge3A_180 = arith.cmpi sge, %convert_element_type3A_71, %ge3A_179 : vector<128x1x1xi32>
    %jit3A_181 = arith.constant 5 : i32
    %jit3A_182 = arith.constant 1 : i32
    %broadcast_in_dim3A_183 = vector.broadcast %jit3A_181 : i32 to vector<128x1x1xi32>
    %broadcast_in_dim3A_184 = vector.broadcast %jit3A_182 : i32 to vector<128x1x1xi32>
    %select_n3A_185 = arith.select %ge3A_180, %broadcast_in_dim3A_183, %broadcast_in_dim3A_184 : vector<128x1x1xi1>, vector<128x1x1xi32>
    %eq3A_186 = vector.broadcast %select_n3A_185 : vector<128x1x1xi32> to vector<128x4x128xi32>
    %eq3A_187 = arith.cmpi eq, %select_n3A, %eq3A_186 : vector<128x4x128xi32>
    %jit3A_188 = arith.constant 512 : i32
    %broadcast_in_dim3A_189 = vector.broadcast %jit3A_188 : i32 to vector<128x4x128xi32>
    %select_n3A_190 = arith.select %eq3A_187, %add3A_80, %broadcast_in_dim3A_189 : vector<128x4x128xi1>, vector<128x4x128xi32>
    %reduce_min3A_191 = arith.constant dense<2147483647> : vector<128xi32>
    %reduce_min3A_192 = vector.multi_reduction <minsi>, %select_n3A_190, %reduce_min3A_191 [1, 2] : vector<128x4x128xi32> to vector<128xi32>
    %broadcast_in_dim3A_193 = vector.shape_cast %reduce_min3A_192 : vector<128xi32> to vector<128x1x1xi32>
    %squeeze3A_194 = vector.shape_cast %broadcast_in_dim3A_193 : vector<128x1x1xi32> to vector<128x1xi32>
    %add3A_195 = vector.broadcast %mul3A_82 : i32 to vector<128x1xi32>
    %add3A_196 = arith.addi %squeeze3A_194, %add3A_195 : vector<128x1xi32>
    %swap3A_197 = arith.constant 0 : index
    %swap3A_198 = arith.constant 0 : index
    %swap3A_199 = arith.constant 4 : index
    %swap3A_200 = vector.load %arg4[%swap3A_197, %swap3A_198, %swap3A_199] : memref<1x128x64xi32, #tpu.memory_space<vmem>>, vector<1x128x1xi32>
    %swap3A_201 = vector.shape_cast %swap3A_200 : vector<1x128x1xi32> to vector<128x1xi32>
    %swap3A_202 = vector.shape_cast %add3A_196 : vector<128x1xi32> to vector<1x128x1xi32>
    tpu.vector_store %arg4[%swap3A_197, %swap3A_198, %swap3A_199], %swap3A_202 {strides = array<i32>} : memref<1x128x64xi32, #tpu.memory_space<vmem>>, vector<1x128x1xi32>,
    %ge3A_203 = arith.constant 6 : i32
    %ge3A_204 = vector.broadcast %ge3A_203 : i32 to vector<128x1x1xi32>
    %ge3A_205 = arith.cmpi sge, %convert_element_type3A_71, %ge3A_204 : vector<128x1x1xi32>
    %jit3A_206 = arith.constant 6 : i32
    %jit3A_207 = arith.constant 1 : i32
    %broadcast_in_dim3A_208 = vector.broadcast %jit3A_206 : i32 to vector<128x1x1xi32>
    %broadcast_in_dim3A_209 = vector.broadcast %jit3A_207 : i32 to vector<128x1x1xi32>
    %select_n3A_210 = arith.select %ge3A_205, %broadcast_in_dim3A_208, %broadcast_in_dim3A_209 : vector<128x1x1xi1>, vector<128x1x1xi32>
    %eq3A_211 = vector.broadcast %select_n3A_210 : vector<128x1x1xi32> to vector<128x4x128xi32>
    %eq3A_212 = arith.cmpi eq, %select_n3A, %eq3A_211 : vector<128x4x128xi32>
    %jit3A_213 = arith.constant 512 : i32
    %broadcast_in_dim3A_214 = vector.broadcast %jit3A_213 : i32 to vector<128x4x128xi32>
    %select_n3A_215 = arith.select %eq3A_212, %add3A_80, %broadcast_in_dim3A_214 : vector<128x4x128xi1>, vector<128x4x128xi32>
    %reduce_min3A_216 = arith.constant dense<2147483647> : vector<128xi32>
    %reduce_min3A_217 = vector.multi_reduction <minsi>, %select_n3A_215, %reduce_min3A_216 [1, 2] : vector<128x4x128xi32> to vector<128xi32>
    %broadcast_in_dim3A_218 = vector.shape_cast %reduce_min3A_217 : vector<128xi32> to vector<128x1x1xi32>
    %squeeze3A_219 = vector.shape_cast %broadcast_in_dim3A_218 : vector<128x1x1xi32> to vector<128x1xi32>
    %add3A_220 = vector.broadcast %mul3A_82 : i32 to vector<128x1xi32>
    %add3A_221 = arith.addi %squeeze3A_219, %add3A_220 : vector<128x1xi32>
    %swap3A_222 = arith.constant 0 : index
    %swap3A_223 = arith.constant 0 : index
    %swap3A_224 = arith.constant 5 : index
    %swap3A_225 = vector.load %arg4[%swap3A_222, %swap3A_223, %swap3A_224] : memref<1x128x64xi32, #tpu.memory_space<vmem>>, vector<1x128x1xi32>
    %swap3A_226 = vector.shape_cast %swap3A_225 : vector<1x128x1xi32> to vector<128x1xi32>
    %swap3A_227 = vector.shape_cast %add3A_221 : vector<128x1xi32> to vector<1x128x1xi32>
    tpu.vector_store %arg4[%swap3A_222, %swap3A_223, %swap3A_224], %swap3A_227 {strides = array<i32>} : memref<1x128x64xi32, #tpu.memory_space<vmem>>, vector<1x128x1xi32>,
    %ge3A_228 = arith.constant 7 : i32
    %ge3A_229 = vector.broadcast %ge3A_228 : i32 to vector<128x1x1xi32>
    %ge3A_230 = arith.cmpi sge, %convert_element_type3A_71, %ge3A_229 : vector<128x1x1xi32>
    %jit3A_231 = arith.constant 7 : i32
    %jit3A_232 = arith.constant 1 : i32
    %broadcast_in_dim3A_233 = vector.broadcast %jit3A_231 : i32 to vector<128x1x1xi32>
    %broadcast_in_dim3A_234 = vector.broadcast %jit3A_232 : i32 to vector<128x1x1xi32>
    %select_n3A_235 = arith.select %ge3A_230, %broadcast_in_dim3A_233, %broadcast_in_dim3A_234 : vector<128x1x1xi1>, vector<128x1x1xi32>
    %eq3A_236 = vector.broadcast %select_n3A_235 : vector<128x1x1xi32> to vector<128x4x128xi32>
    %eq3A_237 = arith.cmpi eq, %select_n3A, %eq3A_236 : vector<128x4x128xi32>
    %jit3A_238 = arith.constant 512 : i32
    %broadcast_in_dim3A_239 = vector.broadcast %jit3A_238 : i32 to vector<128x4x128xi32>
    %select_n3A_240 = arith.select %eq3A_237, %add3A_80, %broadcast_in_dim3A_239 : vector<128x4x128xi1>, vector<128x4x128xi32>
    %reduce_min3A_241 = arith.constant dense<2147483647> : vector<128xi32>
    %reduce_min3A_242 = vector.multi_reduction <minsi>, %select_n3A_240, %reduce_min3A_241 [1, 2] : vector<128x4x128xi32> to vector<128xi32>
    %broadcast_in_dim3A_243 = vector.shape_cast %reduce_min3A_242 : vector<128xi32> to vector<128x1x1xi32>
    %squeeze3A_244 = vector.shape_cast %broadcast_in_dim3A_243 : vector<128x1x1xi32> to vector<128x1xi32>
    %add3A_245 = vector.broadcast %mul3A_82 : i32 to vector<128x1xi32>
    %add3A_246 = arith.addi %squeeze3A_244, %add3A_245 : vector<128x1xi32>
    %swap3A_247 = arith.constant 0 : index
    %swap3A_248 = arith.constant 0 : index
    %swap3A_249 = arith.constant 6 : index
    %swap3A_250 = vector.load %arg4[%swap3A_247, %swap3A_248, %swap3A_249] : memref<1x128x64xi32, #tpu.memory_space<vmem>>, vector<1x128x1xi32>
    %swap3A_251 = vector.shape_cast %swap3A_250 : vector<1x128x1xi32> to vector<128x1xi32>
    %swap3A_252 = vector.shape_cast %add3A_246 : vector<128x1xi32> to vector<1x128x1xi32>
    tpu.vector_store %arg4[%swap3A_247, %swap3A_248, %swap3A_249], %swap3A_252 {strides = array<i32>} : memref<1x128x64xi32, #tpu.memory_space<vmem>>, vector<1x128x1xi32>,
    %ge3A_253 = arith.constant 8 : i32
    %ge3A_254 = vector.broadcast %ge3A_253 : i32 to vector<128x1x1xi32>
    %ge3A_255 = arith.cmpi sge, %convert_element_type3A_71, %ge3A_254 : vector<128x1x1xi32>
    %jit3A_256 = arith.constant 8 : i32
    %jit3A_257 = arith.constant 1 : i32
    %broadcast_in_dim3A_258 = vector.broadcast %jit3A_256 : i32 to vector<128x1x1xi32>
    %broadcast_in_dim3A_259 = vector.broadcast %jit3A_257 : i32 to vector<128x1x1xi32>
    %select_n3A_260 = arith.select %ge3A_255, %broadcast_in_dim3A_258, %broadcast_in_dim3A_259 : vector<128x1x1xi1>, vector<128x1x1xi32>
    %eq3A_261 = vector.broadcast %select_n3A_260 : vector<128x1x1xi32> to vector<128x4x128xi32>
    %eq3A_262 = arith.cmpi eq, %select_n3A, %eq3A_261 : vector<128x4x128xi32>
    %jit3A_263 = arith.constant 512 : i32
    %broadcast_in_dim3A_264 = vector.broadcast %jit3A_263 : i32 to vector<128x4x128xi32>
    %select_n3A_265 = arith.select %eq3A_262, %add3A_80, %broadcast_in_dim3A_264 : vector<128x4x128xi1>, vector<128x4x128xi32>
    %reduce_min3A_266 = arith.constant dense<2147483647> : vector<128xi32>
    %reduce_min3A_267 = vector.multi_reduction <minsi>, %select_n3A_265, %reduce_min3A_266 [1, 2] : vector<128x4x128xi32> to vector<128xi32>
    %broadcast_in_dim3A_268 = vector.shape_cast %reduce_min3A_267 : vector<128xi32> to vector<128x1x1xi32>
    %squeeze3A_269 = vector.shape_cast %broadcast_in_dim3A_268 : vector<128x1x1xi32> to vector<128x1xi32>
    %add3A_270 = vector.broadcast %mul3A_82 : i32 to vector<128x1xi32>
    %add3A_271 = arith.addi %squeeze3A_269, %add3A_270 : vector<128x1xi32>
    %swap3A_272 = arith.constant 0 : index
    %swap3A_273 = arith.constant 0 : index
    %swap3A_274 = arith.constant 7 : index
    %swap3A_275 = vector.load %arg4[%swap3A_272, %swap3A_273, %swap3A_274] : memref<1x128x64xi32, #tpu.memory_space<vmem>>, vector<1x128x1xi32>
    %swap3A_276 = vector.shape_cast %swap3A_275 : vector<1x128x1xi32> to vector<128x1xi32>
    %swap3A_277 = vector.shape_cast %add3A_271 : vector<128x1xi32> to vector<1x128x1xi32>
    tpu.vector_store %arg4[%swap3A_272, %swap3A_273, %swap3A_274], %swap3A_277 {strides = array<i32>} : memref<1x128x64xi32, #tpu.memory_space<vmem>>, vector<1x128x1xi32>,
    %ge3A_278 = arith.constant 9 : i32
    %ge3A_279 = vector.broadcast %ge3A_278 : i32 to vector<128x1x1xi32>
    %ge3A_280 = arith.cmpi sge, %convert_element_type3A_71, %ge3A_279 : vector<128x1x1xi32>
    %jit3A_281 = arith.constant 9 : i32
    %jit3A_282 = arith.constant 1 : i32
    %broadcast_in_dim3A_283 = vector.broadcast %jit3A_281 : i32 to vector<128x1x1xi32>
    %broadcast_in_dim3A_284 = vector.broadcast %jit3A_282 : i32 to vector<128x1x1xi32>
    %select_n3A_285 = arith.select %ge3A_280, %broadcast_in_dim3A_283, %broadcast_in_dim3A_284 : vector<128x1x1xi1>, vector<128x1x1xi32>
    %eq3A_286 = vector.broadcast %select_n3A_285 : vector<128x1x1xi32> to vector<128x4x128xi32>
    %eq3A_287 = arith.cmpi eq, %select_n3A, %eq3A_286 : vector<128x4x128xi32>
    %jit3A_288 = arith.constant 512 : i32
    %broadcast_in_dim3A_289 = vector.broadcast %jit3A_288 : i32 to vector<128x4x128xi32>
    %select_n3A_290 = arith.select %eq3A_287, %add3A_80, %broadcast_in_dim3A_289 : vector<128x4x128xi1>, vector<128x4x128xi32>
    %reduce_min3A_291 = arith.constant dense<2147483647> : vector<128xi32>
    %reduce_min3A_292 = vector.multi_reduction <minsi>, %select_n3A_290, %reduce_min3A_291 [1, 2] : vector<128x4x128xi32> to vector<128xi32>
    %broadcast_in_dim3A_293 = vector.shape_cast %reduce_min3A_292 : vector<128xi32> to vector<128x1x1xi32>
    %squeeze3A_294 = vector.shape_cast %broadcast_in_dim3A_293 : vector<128x1x1xi32> to vector<128x1xi32>
    %add3A_295 = vector.broadcast %mul3A_82 : i32 to vector<128x1xi32>
    %add3A_296 = arith.addi %squeeze3A_294, %add3A_295 : vector<128x1xi32>
    %swap3A_297 = arith.constant 0 : index
    %swap3A_298 = arith.constant 0 : index
    %swap3A_299 = arith.constant 8 : index
    %swap3A_300 = vector.load %arg4[%swap3A_297, %swap3A_298, %swap3A_299] : memref<1x128x64xi32, #tpu.memory_space<vmem>>, vector<1x128x1xi32>
    %swap3A_301 = vector.shape_cast %swap3A_300 : vector<1x128x1xi32> to vector<128x1xi32>
    %swap3A_302 = vector.shape_cast %add3A_296 : vector<128x1xi32> to vector<1x128x1xi32>
    tpu.vector_store %arg4[%swap3A_297, %swap3A_298, %swap3A_299], %swap3A_302 {strides = array<i32>} : memref<1x128x64xi32, #tpu.memory_space<vmem>>, vector<1x128x1xi32>,
    %ge3A_303 = arith.constant 10 : i32
    %ge3A_304 = vector.broadcast %ge3A_303 : i32 to vector<128x1x1xi32>
    %ge3A_305 = arith.cmpi sge, %convert_element_type3A_71, %ge3A_304 : vector<128x1x1xi32>
    %jit3A_306 = arith.constant 10 : i32
    %jit3A_307 = arith.constant 1 : i32
    %broadcast_in_dim3A_308 = vector.broadcast %jit3A_306 : i32 to vector<128x1x1xi32>
    %broadcast_in_dim3A_309 = vector.broadcast %jit3A_307 : i32 to vector<128x1x1xi32>
    %select_n3A_310 = arith.select %ge3A_305, %broadcast_in_dim3A_308, %broadcast_in_dim3A_309 : vector<128x1x1xi1>, vector<128x1x1xi32>
    %eq3A_311 = vector.broadcast %select_n3A_310 : vector<128x1x1xi32> to vector<128x4x128xi32>
    %eq3A_312 = arith.cmpi eq, %select_n3A, %eq3A_311 : vector<128x4x128xi32>
    %jit3A_313 = arith.constant 512 : i32
    %broadcast_in_dim3A_314 = vector.broadcast %jit3A_313 : i32 to vector<128x4x128xi32>
    %select_n3A_315 = arith.select %eq3A_312, %add3A_80, %broadcast_in_dim3A_314 : vector<128x4x128xi1>, vector<128x4x128xi32>
    %reduce_min3A_316 = arith.constant dense<2147483647> : vector<128xi32>
    %reduce_min3A_317 = vector.multi_reduction <minsi>, %select_n3A_315, %reduce_min3A_316 [1, 2] : vector<128x4x128xi32> to vector<128xi32>
    %broadcast_in_dim3A_318 = vector.shape_cast %reduce_min3A_317 : vector<128xi32> to vector<128x1x1xi32>
    %squeeze3A_319 = vector.shape_cast %broadcast_in_dim3A_318 : vector<128x1x1xi32> to vector<128x1xi32>
    %add3A_320 = vector.broadcast %mul3A_82 : i32 to vector<128x1xi32>
    %add3A_321 = arith.addi %squeeze3A_319, %add3A_320 : vector<128x1xi32>
    %swap3A_322 = arith.constant 0 : index
    %swap3A_323 = arith.constant 0 : index
    %swap3A_324 = arith.constant 9 : index
    %swap3A_325 = vector.load %arg4[%swap3A_322, %swap3A_323, %swap3A_324] : memref<1x128x64xi32, #tpu.memory_space<vmem>>, vector<1x128x1xi32>
    %swap3A_326 = vector.shape_cast %swap3A_325 : vector<1x128x1xi32> to vector<128x1xi32>
    %swap3A_327 = vector.shape_cast %add3A_321 : vector<128x1xi32> to vector<1x128x1xi32>
    tpu.vector_store %arg4[%swap3A_322, %swap3A_323, %swap3A_324], %swap3A_327 {strides = array<i32>} : memref<1x128x64xi32, #tpu.memory_space<vmem>>, vector<1x128x1xi32>,
    %ge3A_328 = arith.constant 11 : i32
    %ge3A_329 = vector.broadcast %ge3A_328 : i32 to vector<128x1x1xi32>
    %ge3A_330 = arith.cmpi sge, %convert_element_type3A_71, %ge3A_329 : vector<128x1x1xi32>
    %jit3A_331 = arith.constant 11 : i32
    %jit3A_332 = arith.constant 1 : i32
    %broadcast_in_dim3A_333 = vector.broadcast %jit3A_331 : i32 to vector<128x1x1xi32>
    %broadcast_in_dim3A_334 = vector.broadcast %jit3A_332 : i32 to vector<128x1x1xi32>
    %select_n3A_335 = arith.select %ge3A_330, %broadcast_in_dim3A_333, %broadcast_in_dim3A_334 : vector<128x1x1xi1>, vector<128x1x1xi32>
    %eq3A_336 = vector.broadcast %select_n3A_335 : vector<128x1x1xi32> to vector<128x4x128xi32>
    %eq3A_337 = arith.cmpi eq, %select_n3A, %eq3A_336 : vector<128x4x128xi32>
    %jit3A_338 = arith.constant 512 : i32
    %broadcast_in_dim3A_339 = vector.broadcast %jit3A_338 : i32 to vector<128x4x128xi32>
    %select_n3A_340 = arith.select %eq3A_337, %add3A_80, %broadcast_in_dim3A_339 : vector<128x4x128xi1>, vector<128x4x128xi32>
    %reduce_min3A_341 = arith.constant dense<2147483647> : vector<128xi32>
    %reduce_min3A_342 = vector.multi_reduction <minsi>, %select_n3A_340, %reduce_min3A_341 [1, 2] : vector<128x4x128xi32> to vector<128xi32>
    %broadcast_in_dim3A_343 = vector.shape_cast %reduce_min3A_342 : vector<128xi32> to vector<128x1x1xi32>
    %squeeze3A_344 = vector.shape_cast %broadcast_in_dim3A_343 : vector<128x1x1xi32> to vector<128x1xi32>
    %add3A_345 = vector.broadcast %mul3A_82 : i32 to vector<128x1xi32>
    %add3A_346 = arith.addi %squeeze3A_344, %add3A_345 : vector<128x1xi32>
    %swap3A_347 = arith.constant 0 : index
    %swap3A_348 = arith.constant 0 : index
    %swap3A_349 = arith.constant 10 : index
    %swap3A_350 = vector.load %arg4[%swap3A_347, %swap3A_348, %swap3A_349] : memref<1x128x64xi32, #tpu.memory_space<vmem>>, vector<1x128x1xi32>
    %swap3A_351 = vector.shape_cast %swap3A_350 : vector<1x128x1xi32> to vector<128x1xi32>
    %swap3A_352 = vector.shape_cast %add3A_346 : vector<128x1xi32> to vector<1x128x1xi32>
    tpu.vector_store %arg4[%swap3A_347, %swap3A_348, %swap3A_349], %swap3A_352 {strides = array<i32>} : memref<1x128x64xi32, #tpu.memory_space<vmem>>, vector<1x128x1xi32>,
    %ge3A_353 = arith.constant 12 : i32
    %ge3A_354 = vector.broadcast %ge3A_353 : i32 to vector<128x1x1xi32>
    %ge3A_355 = arith.cmpi sge, %convert_element_type3A_71, %ge3A_354 : vector<128x1x1xi32>
    %jit3A_356 = arith.constant 12 : i32
    %jit3A_357 = arith.constant 1 : i32
    %broadcast_in_dim3A_358 = vector.broadcast %jit3A_356 : i32 to vector<128x1x1xi32>
    %broadcast_in_dim3A_359 = vector.broadcast %jit3A_357 : i32 to vector<128x1x1xi32>
    %select_n3A_360 = arith.select %ge3A_355, %broadcast_in_dim3A_358, %broadcast_in_dim3A_359 : vector<128x1x1xi1>, vector<128x1x1xi32>
    %eq3A_361 = vector.broadcast %select_n3A_360 : vector<128x1x1xi32> to vector<128x4x128xi32>
    %eq3A_362 = arith.cmpi eq, %select_n3A, %eq3A_361 : vector<128x4x128xi32>
    %jit3A_363 = arith.constant 512 : i32
    %broadcast_in_dim3A_364 = vector.broadcast %jit3A_363 : i32 to vector<128x4x128xi32>
    %select_n3A_365 = arith.select %eq3A_362, %add3A_80, %broadcast_in_dim3A_364 : vector<128x4x128xi1>, vector<128x4x128xi32>
    %reduce_min3A_366 = arith.constant dense<2147483647> : vector<128xi32>
    %reduce_min3A_367 = vector.multi_reduction <minsi>, %select_n3A_365, %reduce_min3A_366 [1, 2] : vector<128x4x128xi32> to vector<128xi32>
    %broadcast_in_dim3A_368 = vector.shape_cast %reduce_min3A_367 : vector<128xi32> to vector<128x1x1xi32>
    %squeeze3A_369 = vector.shape_cast %broadcast_in_dim3A_368 : vector<128x1x1xi32> to vector<128x1xi32>
    %add3A_370 = vector.broadcast %mul3A_82 : i32 to vector<128x1xi32>
    %add3A_371 = arith.addi %squeeze3A_369, %add3A_370 : vector<128x1xi32>
    %swap3A_372 = arith.constant 0 : index
    %swap3A_373 = arith.constant 0 : index
    %swap3A_374 = arith.constant 11 : index
    %swap3A_375 = vector.load %arg4[%swap3A_372, %swap3A_373, %swap3A_374] : memref<1x128x64xi32, #tpu.memory_space<vmem>>, vector<1x128x1xi32>
    %swap3A_376 = vector.shape_cast %swap3A_375 : vector<1x128x1xi32> to vector<128x1xi32>
    %swap3A_377 = vector.shape_cast %add3A_371 : vector<128x1xi32> to vector<1x128x1xi32>
    tpu.vector_store %arg4[%swap3A_372, %swap3A_373, %swap3A_374], %swap3A_377 {strides = array<i32>} : memref<1x128x64xi32, #tpu.memory_space<vmem>>, vector<1x128x1xi32>,
    %ge3A_378 = arith.constant 13 : i32
    %ge3A_379 = vector.broadcast %ge3A_378 : i32 to vector<128x1x1xi32>
    %ge3A_380 = arith.cmpi sge, %convert_element_type3A_71, %ge3A_379 : vector<128x1x1xi32>
    %jit3A_381 = arith.constant 13 : i32
    %jit3A_382 = arith.constant 1 : i32
    %broadcast_in_dim3A_383 = vector.broadcast %jit3A_381 : i32 to vector<128x1x1xi32>
    %broadcast_in_dim3A_384 = vector.broadcast %jit3A_382 : i32 to vector<128x1x1xi32>
    %select_n3A_385 = arith.select %ge3A_380, %broadcast_in_dim3A_383, %broadcast_in_dim3A_384 : vector<128x1x1xi1>, vector<128x1x1xi32>
    %eq3A_386 = vector.broadcast %select_n3A_385 : vector<128x1x1xi32> to vector<128x4x128xi32>
    %eq3A_387 = arith.cmpi eq, %select_n3A, %eq3A_386 : vector<128x4x128xi32>
    %jit3A_388 = arith.constant 512 : i32
    %broadcast_in_dim3A_389 = vector.broadcast %jit3A_388 : i32 to vector<128x4x128xi32>
    %select_n3A_390 = arith.select %eq3A_387, %add3A_80, %broadcast_in_dim3A_389 : vector<128x4x128xi1>, vector<128x4x128xi32>
    %reduce_min3A_391 = arith.constant dense<2147483647> : vector<128xi32>
    %reduce_min3A_392 = vector.multi_reduction <minsi>, %select_n3A_390, %reduce_min3A_391 [1, 2] : vector<128x4x128xi32> to vector<128xi32>
    %broadcast_in_dim3A_393 = vector.shape_cast %reduce_min3A_392 : vector<128xi32> to vector<128x1x1xi32>
    %squeeze3A_394 = vector.shape_cast %broadcast_in_dim3A_393 : vector<128x1x1xi32> to vector<128x1xi32>
    %add3A_395 = vector.broadcast %mul3A_82 : i32 to vector<128x1xi32>
    %add3A_396 = arith.addi %squeeze3A_394, %add3A_395 : vector<128x1xi32>
    %swap3A_397 = arith.constant 0 : index
    %swap3A_398 = arith.constant 0 : index
    %swap3A_399 = arith.constant 12 : index
    %swap3A_400 = vector.load %arg4[%swap3A_397, %swap3A_398, %swap3A_399] : memref<1x128x64xi32, #tpu.memory_space<vmem>>, vector<1x128x1xi32>
    %swap3A_401 = vector.shape_cast %swap3A_400 : vector<1x128x1xi32> to vector<128x1xi32>
    %swap3A_402 = vector.shape_cast %add3A_396 : vector<128x1xi32> to vector<1x128x1xi32>
    tpu.vector_store %arg4[%swap3A_397, %swap3A_398, %swap3A_399], %swap3A_402 {strides = array<i32>} : memref<1x128x64xi32, #tpu.memory_space<vmem>>, vector<1x128x1xi32>,
    %ge3A_403 = arith.constant 14 : i32
    %ge3A_404 = vector.broadcast %ge3A_403 : i32 to vector<128x1x1xi32>
    %ge3A_405 = arith.cmpi sge, %convert_element_type3A_71, %ge3A_404 : vector<128x1x1xi32>
    %jit3A_406 = arith.constant 14 : i32
    %jit3A_407 = arith.constant 1 : i32
    %broadcast_in_dim3A_408 = vector.broadcast %jit3A_406 : i32 to vector<128x1x1xi32>
    %broadcast_in_dim3A_409 = vector.broadcast %jit3A_407 : i32 to vector<128x1x1xi32>
    %select_n3A_410 = arith.select %ge3A_405, %broadcast_in_dim3A_408, %broadcast_in_dim3A_409 : vector<128x1x1xi1>, vector<128x1x1xi32>
    %eq3A_411 = vector.broadcast %select_n3A_410 : vector<128x1x1xi32> to vector<128x4x128xi32>
    %eq3A_412 = arith.cmpi eq, %select_n3A, %eq3A_411 : vector<128x4x128xi32>
    %jit3A_413 = arith.constant 512 : i32
    %broadcast_in_dim3A_414 = vector.broadcast %jit3A_413 : i32 to vector<128x4x128xi32>
    %select_n3A_415 = arith.select %eq3A_412, %add3A_80, %broadcast_in_dim3A_414 : vector<128x4x128xi1>, vector<128x4x128xi32>
    %reduce_min3A_416 = arith.constant dense<2147483647> : vector<128xi32>
    %reduce_min3A_417 = vector.multi_reduction <minsi>, %select_n3A_415, %reduce_min3A_416 [1, 2] : vector<128x4x128xi32> to vector<128xi32>
    %broadcast_in_dim3A_418 = vector.shape_cast %reduce_min3A_417 : vector<128xi32> to vector<128x1x1xi32>
    %squeeze3A_419 = vector.shape_cast %broadcast_in_dim3A_418 : vector<128x1x1xi32> to vector<128x1xi32>
    %add3A_420 = vector.broadcast %mul3A_82 : i32 to vector<128x1xi32>
    %add3A_421 = arith.addi %squeeze3A_419, %add3A_420 : vector<128x1xi32>
    %swap3A_422 = arith.constant 0 : index
    %swap3A_423 = arith.constant 0 : index
    %swap3A_424 = arith.constant 13 : index
    %swap3A_425 = vector.load %arg4[%swap3A_422, %swap3A_423, %swap3A_424] : memref<1x128x64xi32, #tpu.memory_space<vmem>>, vector<1x128x1xi32>
    %swap3A_426 = vector.shape_cast %swap3A_425 : vector<1x128x1xi32> to vector<128x1xi32>
    %swap3A_427 = vector.shape_cast %add3A_421 : vector<128x1xi32> to vector<1x128x1xi32>
    tpu.vector_store %arg4[%swap3A_422, %swap3A_423, %swap3A_424], %swap3A_427 {strides = array<i32>} : memref<1x128x64xi32, #tpu.memory_space<vmem>>, vector<1x128x1xi32>,
    %ge3A_428 = arith.constant 15 : i32
    %ge3A_429 = vector.broadcast %ge3A_428 : i32 to vector<128x1x1xi32>
    %ge3A_430 = arith.cmpi sge, %convert_element_type3A_71, %ge3A_429 : vector<128x1x1xi32>
    %jit3A_431 = arith.constant 15 : i32
    %jit3A_432 = arith.constant 1 : i32
    %broadcast_in_dim3A_433 = vector.broadcast %jit3A_431 : i32 to vector<128x1x1xi32>
    %broadcast_in_dim3A_434 = vector.broadcast %jit3A_432 : i32 to vector<128x1x1xi32>
    %select_n3A_435 = arith.select %ge3A_430, %broadcast_in_dim3A_433, %broadcast_in_dim3A_434 : vector<128x1x1xi1>, vector<128x1x1xi32>
    %eq3A_436 = vector.broadcast %select_n3A_435 : vector<128x1x1xi32> to vector<128x4x128xi32>
    %eq3A_437 = arith.cmpi eq, %select_n3A, %eq3A_436 : vector<128x4x128xi32>
    %jit3A_438 = arith.constant 512 : i32
    %broadcast_in_dim3A_439 = vector.broadcast %jit3A_438 : i32 to vector<128x4x128xi32>
    %select_n3A_440 = arith.select %eq3A_437, %add3A_80, %broadcast_in_dim3A_439 : vector<128x4x128xi1>, vector<128x4x128xi32>
    %reduce_min3A_441 = arith.constant dense<2147483647> : vector<128xi32>
    %reduce_min3A_442 = vector.multi_reduction <minsi>, %select_n3A_440, %reduce_min3A_441 [1, 2] : vector<128x4x128xi32> to vector<128xi32>
    %broadcast_in_dim3A_443 = vector.shape_cast %reduce_min3A_442 : vector<128xi32> to vector<128x1x1xi32>
    %squeeze3A_444 = vector.shape_cast %broadcast_in_dim3A_443 : vector<128x1x1xi32> to vector<128x1xi32>
    %add3A_445 = vector.broadcast %mul3A_82 : i32 to vector<128x1xi32>
    %add3A_446 = arith.addi %squeeze3A_444, %add3A_445 : vector<128x1xi32>
    %swap3A_447 = arith.constant 0 : index
    %swap3A_448 = arith.constant 0 : index
    %swap3A_449 = arith.constant 14 : index
    %swap3A_450 = vector.load %arg4[%swap3A_447, %swap3A_448, %swap3A_449] : memref<1x128x64xi32, #tpu.memory_space<vmem>>, vector<1x128x1xi32>
    %swap3A_451 = vector.shape_cast %swap3A_450 : vector<1x128x1xi32> to vector<128x1xi32>
    %swap3A_452 = vector.shape_cast %add3A_446 : vector<128x1xi32> to vector<1x128x1xi32>
    tpu.vector_store %arg4[%swap3A_447, %swap3A_448, %swap3A_449], %swap3A_452 {strides = array<i32>} : memref<1x128x64xi32, #tpu.memory_space<vmem>>, vector<1x128x1xi32>,
    %ge3A_453 = arith.constant 16 : i32
    %ge3A_454 = vector.broadcast %ge3A_453 : i32 to vector<128x1x1xi32>
    %ge3A_455 = arith.cmpi sge, %convert_element_type3A_71, %ge3A_454 : vector<128x1x1xi32>
    %jit3A_456 = arith.constant 16 : i32
    %jit3A_457 = arith.constant 1 : i32
    %broadcast_in_dim3A_458 = vector.broadcast %jit3A_456 : i32 to vector<128x1x1xi32>
    %broadcast_in_dim3A_459 = vector.broadcast %jit3A_457 : i32 to vector<128x1x1xi32>
    %select_n3A_460 = arith.select %ge3A_455, %broadcast_in_dim3A_458, %broadcast_in_dim3A_459 : vector<128x1x1xi1>, vector<128x1x1xi32>
    %eq3A_461 = vector.broadcast %select_n3A_460 : vector<128x1x1xi32> to vector<128x4x128xi32>
    %eq3A_462 = arith.cmpi eq, %select_n3A, %eq3A_461 : vector<128x4x128xi32>
    %jit3A_463 = arith.constant 512 : i32
    %broadcast_in_dim3A_464 = vector.broadcast %jit3A_463 : i32 to vector<128x4x128xi32>
    %select_n3A_465 = arith.select %eq3A_462, %add3A_80, %broadcast_in_dim3A_464 : vector<128x4x128xi1>, vector<128x4x128xi32>
    %reduce_min3A_466 = arith.constant dense<2147483647> : vector<128xi32>
    %reduce_min3A_467 = vector.multi_reduction <minsi>, %select_n3A_465, %reduce_min3A_466 [1, 2] : vector<128x4x128xi32> to vector<128xi32>
    %broadcast_in_dim3A_468 = vector.shape_cast %reduce_min3A_467 : vector<128xi32> to vector<128x1x1xi32>
    %squeeze3A_469 = vector.shape_cast %broadcast_in_dim3A_468 : vector<128x1x1xi32> to vector<128x1xi32>
    %add3A_470 = vector.broadcast %mul3A_82 : i32 to vector<128x1xi32>
    %add3A_471 = arith.addi %squeeze3A_469, %add3A_470 : vector<128x1xi32>
    %swap3A_472 = arith.constant 0 : index
    %swap3A_473 = arith.constant 0 : index
    %swap3A_474 = arith.constant 15 : index
    %swap3A_475 = vector.load %arg4[%swap3A_472, %swap3A_473, %swap3A_474] : memref<1x128x64xi32, #tpu.memory_space<vmem>>, vector<1x128x1xi32>
    %swap3A_476 = vector.shape_cast %swap3A_475 : vector<1x128x1xi32> to vector<128x1xi32>
    %swap3A_477 = vector.shape_cast %add3A_471 : vector<128x1xi32> to vector<1x128x1xi32>
    tpu.vector_store %arg4[%swap3A_472, %swap3A_473, %swap3A_474], %swap3A_477 {strides = array<i32>} : memref<1x128x64xi32, #tpu.memory_space<vmem>>, vector<1x128x1xi32>,
    %ge3A_478 = arith.constant 17 : i32
    %ge3A_479 = vector.broadcast %ge3A_478 : i32 to vector<128x1x1xi32>
    %ge3A_480 = arith.cmpi sge, %convert_element_type3A_71, %ge3A_479 : vector<128x1x1xi32>
    %jit3A_481 = arith.constant 17 : i32
    %jit3A_482 = arith.constant 1 : i32
    %broadcast_in_dim3A_483 = vector.broadcast %jit3A_481 : i32 to vector<128x1x1xi32>
    %broadcast_in_dim3A_484 = vector.broadcast %jit3A_482 : i32 to vector<128x1x1xi32>
    %select_n3A_485 = arith.select %ge3A_480, %broadcast_in_dim3A_483, %broadcast_in_dim3A_484 : vector<128x1x1xi1>, vector<128x1x1xi32>
    %eq3A_486 = vector.broadcast %select_n3A_485 : vector<128x1x1xi32> to vector<128x4x128xi32>
    %eq3A_487 = arith.cmpi eq, %select_n3A, %eq3A_486 : vector<128x4x128xi32>
    %jit3A_488 = arith.constant 512 : i32
    %broadcast_in_dim3A_489 = vector.broadcast %jit3A_488 : i32 to vector<128x4x128xi32>
    %select_n3A_490 = arith.select %eq3A_487, %add3A_80, %broadcast_in_dim3A_489 : vector<128x4x128xi1>, vector<128x4x128xi32>
    %reduce_min3A_491 = arith.constant dense<2147483647> : vector<128xi32>
    %reduce_min3A_492 = vector.multi_reduction <minsi>, %select_n3A_490, %reduce_min3A_491 [1, 2] : vector<128x4x128xi32> to vector<128xi32>
    %broadcast_in_dim3A_493 = vector.shape_cast %reduce_min3A_492 : vector<128xi32> to vector<128x1x1xi32>
    %squeeze3A_494 = vector.shape_cast %broadcast_in_dim3A_493 : vector<128x1x1xi32> to vector<128x1xi32>
    %add3A_495 = vector.broadcast %mul3A_82 : i32 to vector<128x1xi32>
    %add3A_496 = arith.addi %squeeze3A_494, %add3A_495 : vector<128x1xi32>
    %swap3A_497 = arith.constant 0 : index
    %swap3A_498 = arith.constant 0 : index
    %swap3A_499 = arith.constant 16 : index
    %swap3A_500 = vector.load %arg4[%swap3A_497, %swap3A_498, %swap3A_499] : memref<1x128x64xi32, #tpu.memory_space<vmem>>, vector<1x128x1xi32>
    %swap3A_501 = vector.shape_cast %swap3A_500 : vector<1x128x1xi32> to vector<128x1xi32>
    %swap3A_502 = vector.shape_cast %add3A_496 : vector<128x1xi32> to vector<1x128x1xi32>
    tpu.vector_store %arg4[%swap3A_497, %swap3A_498, %swap3A_499], %swap3A_502 {strides = array<i32>} : memref<1x128x64xi32, #tpu.memory_space<vmem>>, vector<1x128x1xi32>,
    %ge3A_503 = arith.constant 18 : i32
    %ge3A_504 = vector.broadcast %ge3A_503 : i32 to vector<128x1x1xi32>
    %ge3A_505 = arith.cmpi sge, %convert_element_type3A_71, %ge3A_504 : vector<128x1x1xi32>
    %jit3A_506 = arith.constant 18 : i32
    %jit3A_507 = arith.constant 1 : i32
    %broadcast_in_dim3A_508 = vector.broadcast %jit3A_506 : i32 to vector<128x1x1xi32>
    %broadcast_in_dim3A_509 = vector.broadcast %jit3A_507 : i32 to vector<128x1x1xi32>
    %select_n3A_510 = arith.select %ge3A_505, %broadcast_in_dim3A_508, %broadcast_in_dim3A_509 : vector<128x1x1xi1>, vector<128x1x1xi32>
    %eq3A_511 = vector.broadcast %select_n3A_510 : vector<128x1x1xi32> to vector<128x4x128xi32>
    %eq3A_512 = arith.cmpi eq, %select_n3A, %eq3A_511 : vector<128x4x128xi32>
    %jit3A_513 = arith.constant 512 : i32
    %broadcast_in_dim3A_514 = vector.broadcast %jit3A_513 : i32 to vector<128x4x128xi32>
    %select_n3A_515 = arith.select %eq3A_512, %add3A_80, %broadcast_in_dim3A_514 : vector<128x4x128xi1>, vector<128x4x128xi32>
    %reduce_min3A_516 = arith.constant dense<2147483647> : vector<128xi32>
    %reduce_min3A_517 = vector.multi_reduction <minsi>, %select_n3A_515, %reduce_min3A_516 [1, 2] : vector<128x4x128xi32> to vector<128xi32>
    %broadcast_in_dim3A_518 = vector.shape_cast %reduce_min3A_517 : vector<128xi32> to vector<128x1x1xi32>
    %squeeze3A_519 = vector.shape_cast %broadcast_in_dim3A_518 : vector<128x1x1xi32> to vector<128x1xi32>
    %add3A_520 = vector.broadcast %mul3A_82 : i32 to vector<128x1xi32>
    %add3A_521 = arith.addi %squeeze3A_519, %add3A_520 : vector<128x1xi32>
    %swap3A_522 = arith.constant 0 : index
    %swap3A_523 = arith.constant 0 : index
    %swap3A_524 = arith.constant 17 : index
    %swap3A_525 = vector.load %arg4[%swap3A_522, %swap3A_523, %swap3A_524] : memref<1x128x64xi32, #tpu.memory_space<vmem>>, vector<1x128x1xi32>
    %swap3A_526 = vector.shape_cast %swap3A_525 : vector<1x128x1xi32> to vector<128x1xi32>
    %swap3A_527 = vector.shape_cast %add3A_521 : vector<128x1xi32> to vector<1x128x1xi32>
    tpu.vector_store %arg4[%swap3A_522, %swap3A_523, %swap3A_524], %swap3A_527 {strides = array<i32>} : memref<1x128x64xi32, #tpu.memory_space<vmem>>, vector<1x128x1xi32>,
    %ge3A_528 = arith.constant 19 : i32
    %ge3A_529 = vector.broadcast %ge3A_528 : i32 to vector<128x1x1xi32>
    %ge3A_530 = arith.cmpi sge, %convert_element_type3A_71, %ge3A_529 : vector<128x1x1xi32>
    %jit3A_531 = arith.constant 19 : i32
    %jit3A_532 = arith.constant 1 : i32
    %broadcast_in_dim3A_533 = vector.broadcast %jit3A_531 : i32 to vector<128x1x1xi32>
    %broadcast_in_dim3A_534 = vector.broadcast %jit3A_532 : i32 to vector<128x1x1xi32>
    %select_n3A_535 = arith.select %ge3A_530, %broadcast_in_dim3A_533, %broadcast_in_dim3A_534 : vector<128x1x1xi1>, vector<128x1x1xi32>
    %eq3A_536 = vector.broadcast %select_n3A_535 : vector<128x1x1xi32> to vector<128x4x128xi32>
    %eq3A_537 = arith.cmpi eq, %select_n3A, %eq3A_536 : vector<128x4x128xi32>
    %jit3A_538 = arith.constant 512 : i32
    %broadcast_in_dim3A_539 = vector.broadcast %jit3A_538 : i32 to vector<128x4x128xi32>
    %select_n3A_540 = arith.select %eq3A_537, %add3A_80, %broadcast_in_dim3A_539 : vector<128x4x128xi1>, vector<128x4x128xi32>
    %reduce_min3A_541 = arith.constant dense<2147483647> : vector<128xi32>
    %reduce_min3A_542 = vector.multi_reduction <minsi>, %select_n3A_540, %reduce_min3A_541 [1, 2] : vector<128x4x128xi32> to vector<128xi32>
    %broadcast_in_dim3A_543 = vector.shape_cast %reduce_min3A_542 : vector<128xi32> to vector<128x1x1xi32>
    %squeeze3A_544 = vector.shape_cast %broadcast_in_dim3A_543 : vector<128x1x1xi32> to vector<128x1xi32>
    %add3A_545 = vector.broadcast %mul3A_82 : i32 to vector<128x1xi32>
    %add3A_546 = arith.addi %squeeze3A_544, %add3A_545 : vector<128x1xi32>
    %swap3A_547 = arith.constant 0 : index
    %swap3A_548 = arith.constant 0 : index
    %swap3A_549 = arith.constant 18 : index
    %swap3A_550 = vector.load %arg4[%swap3A_547, %swap3A_548, %swap3A_549] : memref<1x128x64xi32, #tpu.memory_space<vmem>>, vector<1x128x1xi32>
    %swap3A_551 = vector.shape_cast %swap3A_550 : vector<1x128x1xi32> to vector<128x1xi32>
    %swap3A_552 = vector.shape_cast %add3A_546 : vector<128x1xi32> to vector<1x128x1xi32>
    tpu.vector_store %arg4[%swap3A_547, %swap3A_548, %swap3A_549], %swap3A_552 {strides = array<i32>} : memref<1x128x64xi32, #tpu.memory_space<vmem>>, vector<1x128x1xi32>,
    %ge3A_553 = arith.constant 20 : i32
    %ge3A_554 = vector.broadcast %ge3A_553 : i32 to vector<128x1x1xi32>
    %ge3A_555 = arith.cmpi sge, %convert_element_type3A_71, %ge3A_554 : vector<128x1x1xi32>
    %jit3A_556 = arith.constant 20 : i32
    %jit3A_557 = arith.constant 1 : i32
    %broadcast_in_dim3A_558 = vector.broadcast %jit3A_556 : i32 to vector<128x1x1xi32>
    %broadcast_in_dim3A_559 = vector.broadcast %jit3A_557 : i32 to vector<128x1x1xi32>
    %select_n3A_560 = arith.select %ge3A_555, %broadcast_in_dim3A_558, %broadcast_in_dim3A_559 : vector<128x1x1xi1>, vector<128x1x1xi32>
    %eq3A_561 = vector.broadcast %select_n3A_560 : vector<128x1x1xi32> to vector<128x4x128xi32>
    %eq3A_562 = arith.cmpi eq, %select_n3A, %eq3A_561 : vector<128x4x128xi32>
    %jit3A_563 = arith.constant 512 : i32
    %broadcast_in_dim3A_564 = vector.broadcast %jit3A_563 : i32 to vector<128x4x128xi32>
    %select_n3A_565 = arith.select %eq3A_562, %add3A_80, %broadcast_in_dim3A_564 : vector<128x4x128xi1>, vector<128x4x128xi32>
    %reduce_min3A_566 = arith.constant dense<2147483647> : vector<128xi32>
    %reduce_min3A_567 = vector.multi_reduction <minsi>, %select_n3A_565, %reduce_min3A_566 [1, 2] : vector<128x4x128xi32> to vector<128xi32>
    %broadcast_in_dim3A_568 = vector.shape_cast %reduce_min3A_567 : vector<128xi32> to vector<128x1x1xi32>
    %squeeze3A_569 = vector.shape_cast %broadcast_in_dim3A_568 : vector<128x1x1xi32> to vector<128x1xi32>
    %add3A_570 = vector.broadcast %mul3A_82 : i32 to vector<128x1xi32>
    %add3A_571 = arith.addi %squeeze3A_569, %add3A_570 : vector<128x1xi32>
    %swap3A_572 = arith.constant 0 : index
    %swap3A_573 = arith.constant 0 : index
    %swap3A_574 = arith.constant 19 : index
    %swap3A_575 = vector.load %arg4[%swap3A_572, %swap3A_573, %swap3A_574] : memref<1x128x64xi32, #tpu.memory_space<vmem>>, vector<1x128x1xi32>
    %swap3A_576 = vector.shape_cast %swap3A_575 : vector<1x128x1xi32> to vector<128x1xi32>
    %swap3A_577 = vector.shape_cast %add3A_571 : vector<128x1xi32> to vector<1x128x1xi32>
    tpu.vector_store %arg4[%swap3A_572, %swap3A_573, %swap3A_574], %swap3A_577 {strides = array<i32>} : memref<1x128x64xi32, #tpu.memory_space<vmem>>, vector<1x128x1xi32>,
    %ge3A_578 = arith.constant 21 : i32
    %ge3A_579 = vector.broadcast %ge3A_578 : i32 to vector<128x1x1xi32>
    %ge3A_580 = arith.cmpi sge, %convert_element_type3A_71, %ge3A_579 : vector<128x1x1xi32>
    %jit3A_581 = arith.constant 21 : i32
    %jit3A_582 = arith.constant 1 : i32
    %broadcast_in_dim3A_583 = vector.broadcast %jit3A_581 : i32 to vector<128x1x1xi32>
    %broadcast_in_dim3A_584 = vector.broadcast %jit3A_582 : i32 to vector<128x1x1xi32>
    %select_n3A_585 = arith.select %ge3A_580, %broadcast_in_dim3A_583, %broadcast_in_dim3A_584 : vector<128x1x1xi1>, vector<128x1x1xi32>
    %eq3A_586 = vector.broadcast %select_n3A_585 : vector<128x1x1xi32> to vector<128x4x128xi32>
    %eq3A_587 = arith.cmpi eq, %select_n3A, %eq3A_586 : vector<128x4x128xi32>
    %jit3A_588 = arith.constant 512 : i32
    %broadcast_in_dim3A_589 = vector.broadcast %jit3A_588 : i32 to vector<128x4x128xi32>
    %select_n3A_590 = arith.select %eq3A_587, %add3A_80, %broadcast_in_dim3A_589 : vector<128x4x128xi1>, vector<128x4x128xi32>
    %reduce_min3A_591 = arith.constant dense<2147483647> : vector<128xi32>
    %reduce_min3A_592 = vector.multi_reduction <minsi>, %select_n3A_590, %reduce_min3A_591 [1, 2] : vector<128x4x128xi32> to vector<128xi32>
    %broadcast_in_dim3A_593 = vector.shape_cast %reduce_min3A_592 : vector<128xi32> to vector<128x1x1xi32>
    %squeeze3A_594 = vector.shape_cast %broadcast_in_dim3A_593 : vector<128x1x1xi32> to vector<128x1xi32>
    %add3A_595 = vector.broadcast %mul3A_82 : i32 to vector<128x1xi32>
    %add3A_596 = arith.addi %squeeze3A_594, %add3A_595 : vector<128x1xi32>
    %swap3A_597 = arith.constant 0 : index
    %swap3A_598 = arith.constant 0 : index
    %swap3A_599 = arith.constant 20 : index
    %swap3A_600 = vector.load %arg4[%swap3A_597, %swap3A_598, %swap3A_599] : memref<1x128x64xi32, #tpu.memory_space<vmem>>, vector<1x128x1xi32>
    %swap3A_601 = vector.shape_cast %swap3A_600 : vector<1x128x1xi32> to vector<128x1xi32>
    %swap3A_602 = vector.shape_cast %add3A_596 : vector<128x1xi32> to vector<1x128x1xi32>
    tpu.vector_store %arg4[%swap3A_597, %swap3A_598, %swap3A_599], %swap3A_602 {strides = array<i32>} : memref<1x128x64xi32, #tpu.memory_space<vmem>>, vector<1x128x1xi32>,
    %ge3A_603 = arith.constant 22 : i32
    %ge3A_604 = vector.broadcast %ge3A_603 : i32 to vector<128x1x1xi32>
    %ge3A_605 = arith.cmpi sge, %convert_element_type3A_71, %ge3A_604 : vector<128x1x1xi32>
    %jit3A_606 = arith.constant 22 : i32
    %jit3A_607 = arith.constant 1 : i32
    %broadcast_in_dim3A_608 = vector.broadcast %jit3A_606 : i32 to vector<128x1x1xi32>
    %broadcast_in_dim3A_609 = vector.broadcast %jit3A_607 : i32 to vector<128x1x1xi32>
    %select_n3A_610 = arith.select %ge3A_605, %broadcast_in_dim3A_608, %broadcast_in_dim3A_609 : vector<128x1x1xi1>, vector<128x1x1xi32>
    %eq3A_611 = vector.broadcast %select_n3A_610 : vector<128x1x1xi32> to vector<128x4x128xi32>
    %eq3A_612 = arith.cmpi eq, %select_n3A, %eq3A_611 : vector<128x4x128xi32>
    %jit3A_613 = arith.constant 512 : i32
    %broadcast_in_dim3A_614 = vector.broadcast %jit3A_613 : i32 to vector<128x4x128xi32>
    %select_n3A_615 = arith.select %eq3A_612, %add3A_80, %broadcast_in_dim3A_614 : vector<128x4x128xi1>, vector<128x4x128xi32>
    %reduce_min3A_616 = arith.constant dense<2147483647> : vector<128xi32>
    %reduce_min3A_617 = vector.multi_reduction <minsi>, %select_n3A_615, %reduce_min3A_616 [1, 2] : vector<128x4x128xi32> to vector<128xi32>
    %broadcast_in_dim3A_618 = vector.shape_cast %reduce_min3A_617 : vector<128xi32> to vector<128x1x1xi32>
    %squeeze3A_619 = vector.shape_cast %broadcast_in_dim3A_618 : vector<128x1x1xi32> to vector<128x1xi32>
    %add3A_620 = vector.broadcast %mul3A_82 : i32 to vector<128x1xi32>
    %add3A_621 = arith.addi %squeeze3A_619, %add3A_620 : vector<128x1xi32>
    %swap3A_622 = arith.constant 0 : index
    %swap3A_623 = arith.constant 0 : index
    %swap3A_624 = arith.constant 21 : index
    %swap3A_625 = vector.load %arg4[%swap3A_622, %swap3A_623, %swap3A_624] : memref<1x128x64xi32, #tpu.memory_space<vmem>>, vector<1x128x1xi32>
    %swap3A_626 = vector.shape_cast %swap3A_625 : vector<1x128x1xi32> to vector<128x1xi32>
    %swap3A_627 = vector.shape_cast %add3A_621 : vector<128x1xi32> to vector<1x128x1xi32>
    tpu.vector_store %arg4[%swap3A_622, %swap3A_623, %swap3A_624], %swap3A_627 {strides = array<i32>} : memref<1x128x64xi32, #tpu.memory_space<vmem>>, vector<1x128x1xi32>,
    %ge3A_628 = arith.constant 23 : i32
    %ge3A_629 = vector.broadcast %ge3A_628 : i32 to vector<128x1x1xi32>
    %ge3A_630 = arith.cmpi sge, %convert_element_type3A_71, %ge3A_629 : vector<128x1x1xi32>
    %jit3A_631 = arith.constant 23 : i32
    %jit3A_632 = arith.constant 1 : i32
    %broadcast_in_dim3A_633 = vector.broadcast %jit3A_631 : i32 to vector<128x1x1xi32>
    %broadcast_in_dim3A_634 = vector.broadcast %jit3A_632 : i32 to vector<128x1x1xi32>
    %select_n3A_635 = arith.select %ge3A_630, %broadcast_in_dim3A_633, %broadcast_in_dim3A_634 : vector<128x1x1xi1>, vector<128x1x1xi32>
    %eq3A_636 = vector.broadcast %select_n3A_635 : vector<128x1x1xi32> to vector<128x4x128xi32>
    %eq3A_637 = arith.cmpi eq, %select_n3A, %eq3A_636 : vector<128x4x128xi32>
    %jit3A_638 = arith.constant 512 : i32
    %broadcast_in_dim3A_639 = vector.broadcast %jit3A_638 : i32 to vector<128x4x128xi32>
    %select_n3A_640 = arith.select %eq3A_637, %add3A_80, %broadcast_in_dim3A_639 : vector<128x4x128xi1>, vector<128x4x128xi32>
    %reduce_min3A_641 = arith.constant dense<2147483647> : vector<128xi32>
    %reduce_min3A_642 = vector.multi_reduction <minsi>, %select_n3A_640, %reduce_min3A_641 [1, 2] : vector<128x4x128xi32> to vector<128xi32>
    %broadcast_in_dim3A_643 = vector.shape_cast %reduce_min3A_642 : vector<128xi32> to vector<128x1x1xi32>
    %squeeze3A_644 = vector.shape_cast %broadcast_in_dim3A_643 : vector<128x1x1xi32> to vector<128x1xi32>
    %add3A_645 = vector.broadcast %mul3A_82 : i32 to vector<128x1xi32>
    %add3A_646 = arith.addi %squeeze3A_644, %add3A_645 : vector<128x1xi32>
    %swap3A_647 = arith.constant 0 : index
    %swap3A_648 = arith.constant 0 : index
    %swap3A_649 = arith.constant 22 : index
    %swap3A_650 = vector.load %arg4[%swap3A_647, %swap3A_648, %swap3A_649] : memref<1x128x64xi32, #tpu.memory_space<vmem>>, vector<1x128x1xi32>
    %swap3A_651 = vector.shape_cast %swap3A_650 : vector<1x128x1xi32> to vector<128x1xi32>
    %swap3A_652 = vector.shape_cast %add3A_646 : vector<128x1xi32> to vector<1x128x1xi32>
    tpu.vector_store %arg4[%swap3A_647, %swap3A_648, %swap3A_649], %swap3A_652 {strides = array<i32>} : memref<1x128x64xi32, #tpu.memory_space<vmem>>, vector<1x128x1xi32>,
    %ge3A_653 = arith.constant 24 : i32
    %ge3A_654 = vector.broadcast %ge3A_653 : i32 to vector<128x1x1xi32>
    %ge3A_655 = arith.cmpi sge, %convert_element_type3A_71, %ge3A_654 : vector<128x1x1xi32>
    %jit3A_656 = arith.constant 24 : i32
    %jit3A_657 = arith.constant 1 : i32
    %broadcast_in_dim3A_658 = vector.broadcast %jit3A_656 : i32 to vector<128x1x1xi32>
    %broadcast_in_dim3A_659 = vector.broadcast %jit3A_657 : i32 to vector<128x1x1xi32>
    %select_n3A_660 = arith.select %ge3A_655, %broadcast_in_dim3A_658, %broadcast_in_dim3A_659 : vector<128x1x1xi1>, vector<128x1x1xi32>
    %eq3A_661 = vector.broadcast %select_n3A_660 : vector<128x1x1xi32> to vector<128x4x128xi32>
    %eq3A_662 = arith.cmpi eq, %select_n3A, %eq3A_661 : vector<128x4x128xi32>
    %jit3A_663 = arith.constant 512 : i32
    %broadcast_in_dim3A_664 = vector.broadcast %jit3A_663 : i32 to vector<128x4x128xi32>
    %select_n3A_665 = arith.select %eq3A_662, %add3A_80, %broadcast_in_dim3A_664 : vector<128x4x128xi1>, vector<128x4x128xi32>
    %reduce_min3A_666 = arith.constant dense<2147483647> : vector<128xi32>
    %reduce_min3A_667 = vector.multi_reduction <minsi>, %select_n3A_665, %reduce_min3A_666 [1, 2] : vector<128x4x128xi32> to vector<128xi32>
    %broadcast_in_dim3A_668 = vector.shape_cast %reduce_min3A_667 : vector<128xi32> to vector<128x1x1xi32>
    %squeeze3A_669 = vector.shape_cast %broadcast_in_dim3A_668 : vector<128x1x1xi32> to vector<128x1xi32>
    %add3A_670 = vector.broadcast %mul3A_82 : i32 to vector<128x1xi32>
    %add3A_671 = arith.addi %squeeze3A_669, %add3A_670 : vector<128x1xi32>
    %swap3A_672 = arith.constant 0 : index
    %swap3A_673 = arith.constant 0 : index
    %swap3A_674 = arith.constant 23 : index
    %swap3A_675 = vector.load %arg4[%swap3A_672, %swap3A_673, %swap3A_674] : memref<1x128x64xi32, #tpu.memory_space<vmem>>, vector<1x128x1xi32>
    %swap3A_676 = vector.shape_cast %swap3A_675 : vector<1x128x1xi32> to vector<128x1xi32>
    %swap3A_677 = vector.shape_cast %add3A_671 : vector<128x1xi32> to vector<1x128x1xi32>
    tpu.vector_store %arg4[%swap3A_672, %swap3A_673, %swap3A_674], %swap3A_677 {strides = array<i32>} : memref<1x128x64xi32, #tpu.memory_space<vmem>>, vector<1x128x1xi32>,
    %ge3A_678 = arith.constant 25 : i32
    %ge3A_679 = vector.broadcast %ge3A_678 : i32 to vector<128x1x1xi32>
    %ge3A_680 = arith.cmpi sge, %convert_element_type3A_71, %ge3A_679 : vector<128x1x1xi32>
    %jit3A_681 = arith.constant 25 : i32
    %jit3A_682 = arith.constant 1 : i32
    %broadcast_in_dim3A_683 = vector.broadcast %jit3A_681 : i32 to vector<128x1x1xi32>
    %broadcast_in_dim3A_684 = vector.broadcast %jit3A_682 : i32 to vector<128x1x1xi32>
    %select_n3A_685 = arith.select %ge3A_680, %broadcast_in_dim3A_683, %broadcast_in_dim3A_684 : vector<128x1x1xi1>, vector<128x1x1xi32>
    %eq3A_686 = vector.broadcast %select_n3A_685 : vector<128x1x1xi32> to vector<128x4x128xi32>
    %eq3A_687 = arith.cmpi eq, %select_n3A, %eq3A_686 : vector<128x4x128xi32>
    %jit3A_688 = arith.constant 512 : i32
    %broadcast_in_dim3A_689 = vector.broadcast %jit3A_688 : i32 to vector<128x4x128xi32>
    %select_n3A_690 = arith.select %eq3A_687, %add3A_80, %broadcast_in_dim3A_689 : vector<128x4x128xi1>, vector<128x4x128xi32>
    %reduce_min3A_691 = arith.constant dense<2147483647> : vector<128xi32>
    %reduce_min3A_692 = vector.multi_reduction <minsi>, %select_n3A_690, %reduce_min3A_691 [1, 2] : vector<128x4x128xi32> to vector<128xi32>
    %broadcast_in_dim3A_693 = vector.shape_cast %reduce_min3A_692 : vector<128xi32> to vector<128x1x1xi32>
    %squeeze3A_694 = vector.shape_cast %broadcast_in_dim3A_693 : vector<128x1x1xi32> to vector<128x1xi32>
    %add3A_695 = vector.broadcast %mul3A_82 : i32 to vector<128x1xi32>
    %add3A_696 = arith.addi %squeeze3A_694, %add3A_695 : vector<128x1xi32>
    %swap3A_697 = arith.constant 0 : index
    %swap3A_698 = arith.constant 0 : index
    %swap3A_699 = arith.constant 24 : index
    %swap3A_700 = vector.load %arg4[%swap3A_697, %swap3A_698, %swap3A_699] : memref<1x128x64xi32, #tpu.memory_space<vmem>>, vector<1x128x1xi32>
    %swap3A_701 = vector.shape_cast %swap3A_700 : vector<1x128x1xi32> to vector<128x1xi32>
    %swap3A_702 = vector.shape_cast %add3A_696 : vector<128x1xi32> to vector<1x128x1xi32>
    tpu.vector_store %arg4[%swap3A_697, %swap3A_698, %swap3A_699], %swap3A_702 {strides = array<i32>} : memref<1x128x64xi32, #tpu.memory_space<vmem>>, vector<1x128x1xi32>,
    %ge3A_703 = arith.constant 26 : i32
    %ge3A_704 = vector.broadcast %ge3A_703 : i32 to vector<128x1x1xi32>
    %ge3A_705 = arith.cmpi sge, %convert_element_type3A_71, %ge3A_704 : vector<128x1x1xi32>
    %jit3A_706 = arith.constant 26 : i32
    %jit3A_707 = arith.constant 1 : i32
    %broadcast_in_dim3A_708 = vector.broadcast %jit3A_706 : i32 to vector<128x1x1xi32>
    %broadcast_in_dim3A_709 = vector.broadcast %jit3A_707 : i32 to vector<128x1x1xi32>
    %select_n3A_710 = arith.select %ge3A_705, %broadcast_in_dim3A_708, %broadcast_in_dim3A_709 : vector<128x1x1xi1>, vector<128x1x1xi32>
    %eq3A_711 = vector.broadcast %select_n3A_710 : vector<128x1x1xi32> to vector<128x4x128xi32>
    %eq3A_712 = arith.cmpi eq, %select_n3A, %eq3A_711 : vector<128x4x128xi32>
    %jit3A_713 = arith.constant 512 : i32
    %broadcast_in_dim3A_714 = vector.broadcast %jit3A_713 : i32 to vector<128x4x128xi32>
    %select_n3A_715 = arith.select %eq3A_712, %add3A_80, %broadcast_in_dim3A_714 : vector<128x4x128xi1>, vector<128x4x128xi32>
    %reduce_min3A_716 = arith.constant dense<2147483647> : vector<128xi32>
    %reduce_min3A_717 = vector.multi_reduction <minsi>, %select_n3A_715, %reduce_min3A_716 [1, 2] : vector<128x4x128xi32> to vector<128xi32>
    %broadcast_in_dim3A_718 = vector.shape_cast %reduce_min3A_717 : vector<128xi32> to vector<128x1x1xi32>
    %squeeze3A_719 = vector.shape_cast %broadcast_in_dim3A_718 : vector<128x1x1xi32> to vector<128x1xi32>
    %add3A_720 = vector.broadcast %mul3A_82 : i32 to vector<128x1xi32>
    %add3A_721 = arith.addi %squeeze3A_719, %add3A_720 : vector<128x1xi32>
    %swap3A_722 = arith.constant 0 : index
    %swap3A_723 = arith.constant 0 : index
    %swap3A_724 = arith.constant 25 : index
    %swap3A_725 = vector.load %arg4[%swap3A_722, %swap3A_723, %swap3A_724] : memref<1x128x64xi32, #tpu.memory_space<vmem>>, vector<1x128x1xi32>
    %swap3A_726 = vector.shape_cast %swap3A_725 : vector<1x128x1xi32> to vector<128x1xi32>
    %swap3A_727 = vector.shape_cast %add3A_721 : vector<128x1xi32> to vector<1x128x1xi32>
    tpu.vector_store %arg4[%swap3A_722, %swap3A_723, %swap3A_724], %swap3A_727 {strides = array<i32>} : memref<1x128x64xi32, #tpu.memory_space<vmem>>, vector<1x128x1xi32>,
    %ge3A_728 = arith.constant 27 : i32
    %ge3A_729 = vector.broadcast %ge3A_728 : i32 to vector<128x1x1xi32>
    %ge3A_730 = arith.cmpi sge, %convert_element_type3A_71, %ge3A_729 : vector<128x1x1xi32>
    %jit3A_731 = arith.constant 27 : i32
    %jit3A_732 = arith.constant 1 : i32
    %broadcast_in_dim3A_733 = vector.broadcast %jit3A_731 : i32 to vector<128x1x1xi32>
    %broadcast_in_dim3A_734 = vector.broadcast %jit3A_732 : i32 to vector<128x1x1xi32>
    %select_n3A_735 = arith.select %ge3A_730, %broadcast_in_dim3A_733, %broadcast_in_dim3A_734 : vector<128x1x1xi1>, vector<128x1x1xi32>
    %eq3A_736 = vector.broadcast %select_n3A_735 : vector<128x1x1xi32> to vector<128x4x128xi32>
    %eq3A_737 = arith.cmpi eq, %select_n3A, %eq3A_736 : vector<128x4x128xi32>
    %jit3A_738 = arith.constant 512 : i32
    %broadcast_in_dim3A_739 = vector.broadcast %jit3A_738 : i32 to vector<128x4x128xi32>
    %select_n3A_740 = arith.select %eq3A_737, %add3A_80, %broadcast_in_dim3A_739 : vector<128x4x128xi1>, vector<128x4x128xi32>
    %reduce_min3A_741 = arith.constant dense<2147483647> : vector<128xi32>
    %reduce_min3A_742 = vector.multi_reduction <minsi>, %select_n3A_740, %reduce_min3A_741 [1, 2] : vector<128x4x128xi32> to vector<128xi32>
    %broadcast_in_dim3A_743 = vector.shape_cast %reduce_min3A_742 : vector<128xi32> to vector<128x1x1xi32>
    %squeeze3A_744 = vector.shape_cast %broadcast_in_dim3A_743 : vector<128x1x1xi32> to vector<128x1xi32>
    %add3A_745 = vector.broadcast %mul3A_82 : i32 to vector<128x1xi32>
    %add3A_746 = arith.addi %squeeze3A_744, %add3A_745 : vector<128x1xi32>
    %swap3A_747 = arith.constant 0 : index
    %swap3A_748 = arith.constant 0 : index
    %swap3A_749 = arith.constant 26 : index
    %swap3A_750 = vector.load %arg4[%swap3A_747, %swap3A_748, %swap3A_749] : memref<1x128x64xi32, #tpu.memory_space<vmem>>, vector<1x128x1xi32>
    %swap3A_751 = vector.shape_cast %swap3A_750 : vector<1x128x1xi32> to vector<128x1xi32>
    %swap3A_752 = vector.shape_cast %add3A_746 : vector<128x1xi32> to vector<1x128x1xi32>
    tpu.vector_store %arg4[%swap3A_747, %swap3A_748, %swap3A_749], %swap3A_752 {strides = array<i32>} : memref<1x128x64xi32, #tpu.memory_space<vmem>>, vector<1x128x1xi32>,
    %ge3A_753 = arith.constant 28 : i32
    %ge3A_754 = vector.broadcast %ge3A_753 : i32 to vector<128x1x1xi32>
    %ge3A_755 = arith.cmpi sge, %convert_element_type3A_71, %ge3A_754 : vector<128x1x1xi32>
    %jit3A_756 = arith.constant 28 : i32
    %jit3A_757 = arith.constant 1 : i32
    %broadcast_in_dim3A_758 = vector.broadcast %jit3A_756 : i32 to vector<128x1x1xi32>
    %broadcast_in_dim3A_759 = vector.broadcast %jit3A_757 : i32 to vector<128x1x1xi32>
    %select_n3A_760 = arith.select %ge3A_755, %broadcast_in_dim3A_758, %broadcast_in_dim3A_759 : vector<128x1x1xi1>, vector<128x1x1xi32>
    %eq3A_761 = vector.broadcast %select_n3A_760 : vector<128x1x1xi32> to vector<128x4x128xi32>
    %eq3A_762 = arith.cmpi eq, %select_n3A, %eq3A_761 : vector<128x4x128xi32>
    %jit3A_763 = arith.constant 512 : i32
    %broadcast_in_dim3A_764 = vector.broadcast %jit3A_763 : i32 to vector<128x4x128xi32>
    %select_n3A_765 = arith.select %eq3A_762, %add3A_80, %broadcast_in_dim3A_764 : vector<128x4x128xi1>, vector<128x4x128xi32>
    %reduce_min3A_766 = arith.constant dense<2147483647> : vector<128xi32>
    %reduce_min3A_767 = vector.multi_reduction <minsi>, %select_n3A_765, %reduce_min3A_766 [1, 2] : vector<128x4x128xi32> to vector<128xi32>
    %broadcast_in_dim3A_768 = vector.shape_cast %reduce_min3A_767 : vector<128xi32> to vector<128x1x1xi32>
    %squeeze3A_769 = vector.shape_cast %broadcast_in_dim3A_768 : vector<128x1x1xi32> to vector<128x1xi32>
    %add3A_770 = vector.broadcast %mul3A_82 : i32 to vector<128x1xi32>
    %add3A_771 = arith.addi %squeeze3A_769, %add3A_770 : vector<128x1xi32>
    %swap3A_772 = arith.constant 0 : index
    %swap3A_773 = arith.constant 0 : index
    %swap3A_774 = arith.constant 27 : index
    %swap3A_775 = vector.load %arg4[%swap3A_772, %swap3A_773, %swap3A_774] : memref<1x128x64xi32, #tpu.memory_space<vmem>>, vector<1x128x1xi32>
    %swap3A_776 = vector.shape_cast %swap3A_775 : vector<1x128x1xi32> to vector<128x1xi32>
    %swap3A_777 = vector.shape_cast %add3A_771 : vector<128x1xi32> to vector<1x128x1xi32>
    tpu.vector_store %arg4[%swap3A_772, %swap3A_773, %swap3A_774], %swap3A_777 {strides = array<i32>} : memref<1x128x64xi32, #tpu.memory_space<vmem>>, vector<1x128x1xi32>,
    %ge3A_778 = arith.constant 29 : i32
    %ge3A_779 = vector.broadcast %ge3A_778 : i32 to vector<128x1x1xi32>
    %ge3A_780 = arith.cmpi sge, %convert_element_type3A_71, %ge3A_779 : vector<128x1x1xi32>
    %jit3A_781 = arith.constant 29 : i32
    %jit3A_782 = arith.constant 1 : i32
    %broadcast_in_dim3A_783 = vector.broadcast %jit3A_781 : i32 to vector<128x1x1xi32>
    %broadcast_in_dim3A_784 = vector.broadcast %jit3A_782 : i32 to vector<128x1x1xi32>
    %select_n3A_785 = arith.select %ge3A_780, %broadcast_in_dim3A_783, %broadcast_in_dim3A_784 : vector<128x1x1xi1>, vector<128x1x1xi32>
    %eq3A_786 = vector.broadcast %select_n3A_785 : vector<128x1x1xi32> to vector<128x4x128xi32>
    %eq3A_787 = arith.cmpi eq, %select_n3A, %eq3A_786 : vector<128x4x128xi32>
    %jit3A_788 = arith.constant 512 : i32
    %broadcast_in_dim3A_789 = vector.broadcast %jit3A_788 : i32 to vector<128x4x128xi32>
    %select_n3A_790 = arith.select %eq3A_787, %add3A_80, %broadcast_in_dim3A_789 : vector<128x4x128xi1>, vector<128x4x128xi32>
    %reduce_min3A_791 = arith.constant dense<2147483647> : vector<128xi32>
    %reduce_min3A_792 = vector.multi_reduction <minsi>, %select_n3A_790, %reduce_min3A_791 [1, 2] : vector<128x4x128xi32> to vector<128xi32>
    %broadcast_in_dim3A_793 = vector.shape_cast %reduce_min3A_792 : vector<128xi32> to vector<128x1x1xi32>
    %squeeze3A_794 = vector.shape_cast %broadcast_in_dim3A_793 : vector<128x1x1xi32> to vector<128x1xi32>
    %add3A_795 = vector.broadcast %mul3A_82 : i32 to vector<128x1xi32>
    %add3A_796 = arith.addi %squeeze3A_794, %add3A_795 : vector<128x1xi32>
    %swap3A_797 = arith.constant 0 : index
    %swap3A_798 = arith.constant 0 : index
    %swap3A_799 = arith.constant 28 : index
    %swap3A_800 = vector.load %arg4[%swap3A_797, %swap3A_798, %swap3A_799] : memref<1x128x64xi32, #tpu.memory_space<vmem>>, vector<1x128x1xi32>
    %swap3A_801 = vector.shape_cast %swap3A_800 : vector<1x128x1xi32> to vector<128x1xi32>
    %swap3A_802 = vector.shape_cast %add3A_796 : vector<128x1xi32> to vector<1x128x1xi32>
    tpu.vector_store %arg4[%swap3A_797, %swap3A_798, %swap3A_799], %swap3A_802 {strides = array<i32>} : memref<1x128x64xi32, #tpu.memory_space<vmem>>, vector<1x128x1xi32>,
    %ge3A_803 = arith.constant 30 : i32
    %ge3A_804 = vector.broadcast %ge3A_803 : i32 to vector<128x1x1xi32>
    %ge3A_805 = arith.cmpi sge, %convert_element_type3A_71, %ge3A_804 : vector<128x1x1xi32>
    %jit3A_806 = arith.constant 30 : i32
    %jit3A_807 = arith.constant 1 : i32
    %broadcast_in_dim3A_808 = vector.broadcast %jit3A_806 : i32 to vector<128x1x1xi32>
    %broadcast_in_dim3A_809 = vector.broadcast %jit3A_807 : i32 to vector<128x1x1xi32>
    %select_n3A_810 = arith.select %ge3A_805, %broadcast_in_dim3A_808, %broadcast_in_dim3A_809 : vector<128x1x1xi1>, vector<128x1x1xi32>
    %eq3A_811 = vector.broadcast %select_n3A_810 : vector<128x1x1xi32> to vector<128x4x128xi32>
    %eq3A_812 = arith.cmpi eq, %select_n3A, %eq3A_811 : vector<128x4x128xi32>
    %jit3A_813 = arith.constant 512 : i32
    %broadcast_in_dim3A_814 = vector.broadcast %jit3A_813 : i32 to vector<128x4x128xi32>
    %select_n3A_815 = arith.select %eq3A_812, %add3A_80, %broadcast_in_dim3A_814 : vector<128x4x128xi1>, vector<128x4x128xi32>
    %reduce_min3A_816 = arith.constant dense<2147483647> : vector<128xi32>
    %reduce_min3A_817 = vector.multi_reduction <minsi>, %select_n3A_815, %reduce_min3A_816 [1, 2] : vector<128x4x128xi32> to vector<128xi32>
    %broadcast_in_dim3A_818 = vector.shape_cast %reduce_min3A_817 : vector<128xi32> to vector<128x1x1xi32>
    %squeeze3A_819 = vector.shape_cast %broadcast_in_dim3A_818 : vector<128x1x1xi32> to vector<128x1xi32>
    %add3A_820 = vector.broadcast %mul3A_82 : i32 to vector<128x1xi32>
    %add3A_821 = arith.addi %squeeze3A_819, %add3A_820 : vector<128x1xi32>
    %swap3A_822 = arith.constant 0 : index
    %swap3A_823 = arith.constant 0 : index
    %swap3A_824 = arith.constant 29 : index
    %swap3A_825 = vector.load %arg4[%swap3A_822, %swap3A_823, %swap3A_824] : memref<1x128x64xi32, #tpu.memory_space<vmem>>, vector<1x128x1xi32>
    %swap3A_826 = vector.shape_cast %swap3A_825 : vector<1x128x1xi32> to vector<128x1xi32>
    %swap3A_827 = vector.shape_cast %add3A_821 : vector<128x1xi32> to vector<1x128x1xi32>
    tpu.vector_store %arg4[%swap3A_822, %swap3A_823, %swap3A_824], %swap3A_827 {strides = array<i32>} : memref<1x128x64xi32, #tpu.memory_space<vmem>>, vector<1x128x1xi32>,
    %ge3A_828 = arith.constant 31 : i32
    %ge3A_829 = vector.broadcast %ge3A_828 : i32 to vector<128x1x1xi32>
    %ge3A_830 = arith.cmpi sge, %convert_element_type3A_71, %ge3A_829 : vector<128x1x1xi32>
    %jit3A_831 = arith.constant 31 : i32
    %jit3A_832 = arith.constant 1 : i32
    %broadcast_in_dim3A_833 = vector.broadcast %jit3A_831 : i32 to vector<128x1x1xi32>
    %broadcast_in_dim3A_834 = vector.broadcast %jit3A_832 : i32 to vector<128x1x1xi32>
    %select_n3A_835 = arith.select %ge3A_830, %broadcast_in_dim3A_833, %broadcast_in_dim3A_834 : vector<128x1x1xi1>, vector<128x1x1xi32>
    %eq3A_836 = vector.broadcast %select_n3A_835 : vector<128x1x1xi32> to vector<128x4x128xi32>
    %eq3A_837 = arith.cmpi eq, %select_n3A, %eq3A_836 : vector<128x4x128xi32>
    %jit3A_838 = arith.constant 512 : i32
    %broadcast_in_dim3A_839 = vector.broadcast %jit3A_838 : i32 to vector<128x4x128xi32>
    %select_n3A_840 = arith.select %eq3A_837, %add3A_80, %broadcast_in_dim3A_839 : vector<128x4x128xi1>, vector<128x4x128xi32>
    %reduce_min3A_841 = arith.constant dense<2147483647> : vector<128xi32>
    %reduce_min3A_842 = vector.multi_reduction <minsi>, %select_n3A_840, %reduce_min3A_841 [1, 2] : vector<128x4x128xi32> to vector<128xi32>
    %broadcast_in_dim3A_843 = vector.shape_cast %reduce_min3A_842 : vector<128xi32> to vector<128x1x1xi32>
    %squeeze3A_844 = vector.shape_cast %broadcast_in_dim3A_843 : vector<128x1x1xi32> to vector<128x1xi32>
    %add3A_845 = vector.broadcast %mul3A_82 : i32 to vector<128x1xi32>
    %add3A_846 = arith.addi %squeeze3A_844, %add3A_845 : vector<128x1xi32>
    %swap3A_847 = arith.constant 0 : index
    %swap3A_848 = arith.constant 0 : index
    %swap3A_849 = arith.constant 30 : index
    %swap3A_850 = vector.load %arg4[%swap3A_847, %swap3A_848, %swap3A_849] : memref<1x128x64xi32, #tpu.memory_space<vmem>>, vector<1x128x1xi32>
    %swap3A_851 = vector.shape_cast %swap3A_850 : vector<1x128x1xi32> to vector<128x1xi32>
    %swap3A_852 = vector.shape_cast %add3A_846 : vector<128x1xi32> to vector<1x128x1xi32>
    tpu.vector_store %arg4[%swap3A_847, %swap3A_848, %swap3A_849], %swap3A_852 {strides = array<i32>} : memref<1x128x64xi32, #tpu.memory_space<vmem>>, vector<1x128x1xi32>,
    %ge3A_853 = arith.constant 32 : i32
    %ge3A_854 = vector.broadcast %ge3A_853 : i32 to vector<128x1x1xi32>
    %ge3A_855 = arith.cmpi sge, %convert_element_type3A_71, %ge3A_854 : vector<128x1x1xi32>
    %jit3A_856 = arith.constant 32 : i32
    %jit3A_857 = arith.constant 1 : i32
    %broadcast_in_dim3A_858 = vector.broadcast %jit3A_856 : i32 to vector<128x1x1xi32>
    %broadcast_in_dim3A_859 = vector.broadcast %jit3A_857 : i32 to vector<128x1x1xi32>
    %select_n3A_860 = arith.select %ge3A_855, %broadcast_in_dim3A_858, %broadcast_in_dim3A_859 : vector<128x1x1xi1>, vector<128x1x1xi32>
    %eq3A_861 = vector.broadcast %select_n3A_860 : vector<128x1x1xi32> to vector<128x4x128xi32>
    %eq3A_862 = arith.cmpi eq, %select_n3A, %eq3A_861 : vector<128x4x128xi32>
    %jit3A_863 = arith.constant 512 : i32
    %broadcast_in_dim3A_864 = vector.broadcast %jit3A_863 : i32 to vector<128x4x128xi32>
    %select_n3A_865 = arith.select %eq3A_862, %add3A_80, %broadcast_in_dim3A_864 : vector<128x4x128xi1>, vector<128x4x128xi32>
    %reduce_min3A_866 = arith.constant dense<2147483647> : vector<128xi32>
    %reduce_min3A_867 = vector.multi_reduction <minsi>, %select_n3A_865, %reduce_min3A_866 [1, 2] : vector<128x4x128xi32> to vector<128xi32>
    %broadcast_in_dim3A_868 = vector.shape_cast %reduce_min3A_867 : vector<128xi32> to vector<128x1x1xi32>
    %squeeze3A_869 = vector.shape_cast %broadcast_in_dim3A_868 : vector<128x1x1xi32> to vector<128x1xi32>
    %add3A_870 = vector.broadcast %mul3A_82 : i32 to vector<128x1xi32>
    %add3A_871 = arith.addi %squeeze3A_869, %add3A_870 : vector<128x1xi32>
    %swap3A_872 = arith.constant 0 : index
    %swap3A_873 = arith.constant 0 : index
    %swap3A_874 = arith.constant 31 : index
    %swap3A_875 = vector.load %arg4[%swap3A_872, %swap3A_873, %swap3A_874] : memref<1x128x64xi32, #tpu.memory_space<vmem>>, vector<1x128x1xi32>
    %swap3A_876 = vector.shape_cast %swap3A_875 : vector<1x128x1xi32> to vector<128x1xi32>
    %swap3A_877 = vector.shape_cast %add3A_871 : vector<128x1xi32> to vector<1x128x1xi32>
    tpu.vector_store %arg4[%swap3A_872, %swap3A_873, %swap3A_874], %swap3A_877 {strides = array<i32>} : memref<1x128x64xi32, #tpu.memory_space<vmem>>, vector<1x128x1xi32>,
    %ge3A_878 = arith.constant 33 : i32
    %ge3A_879 = vector.broadcast %ge3A_878 : i32 to vector<128x1x1xi32>
    %ge3A_880 = arith.cmpi sge, %convert_element_type3A_71, %ge3A_879 : vector<128x1x1xi32>
    %jit3A_881 = arith.constant 33 : i32
    %jit3A_882 = arith.constant 1 : i32
    %broadcast_in_dim3A_883 = vector.broadcast %jit3A_881 : i32 to vector<128x1x1xi32>
    %broadcast_in_dim3A_884 = vector.broadcast %jit3A_882 : i32 to vector<128x1x1xi32>
    %select_n3A_885 = arith.select %ge3A_880, %broadcast_in_dim3A_883, %broadcast_in_dim3A_884 : vector<128x1x1xi1>, vector<128x1x1xi32>
    %eq3A_886 = vector.broadcast %select_n3A_885 : vector<128x1x1xi32> to vector<128x4x128xi32>
    %eq3A_887 = arith.cmpi eq, %select_n3A, %eq3A_886 : vector<128x4x128xi32>
    %jit3A_888 = arith.constant 512 : i32
    %broadcast_in_dim3A_889 = vector.broadcast %jit3A_888 : i32 to vector<128x4x128xi32>
    %select_n3A_890 = arith.select %eq3A_887, %add3A_80, %broadcast_in_dim3A_889 : vector<128x4x128xi1>, vector<128x4x128xi32>
    %reduce_min3A_891 = arith.constant dense<2147483647> : vector<128xi32>
    %reduce_min3A_892 = vector.multi_reduction <minsi>, %select_n3A_890, %reduce_min3A_891 [1, 2] : vector<128x4x128xi32> to vector<128xi32>
    %broadcast_in_dim3A_893 = vector.shape_cast %reduce_min3A_892 : vector<128xi32> to vector<128x1x1xi32>
    %squeeze3A_894 = vector.shape_cast %broadcast_in_dim3A_893 : vector<128x1x1xi32> to vector<128x1xi32>
    %add3A_895 = vector.broadcast %mul3A_82 : i32 to vector<128x1xi32>
    %add3A_896 = arith.addi %squeeze3A_894, %add3A_895 : vector<128x1xi32>
    %swap3A_897 = arith.constant 0 : index
    %swap3A_898 = arith.constant 0 : index
    %swap3A_899 = arith.constant 32 : index
    %swap3A_900 = vector.load %arg4[%swap3A_897, %swap3A_898, %swap3A_899] : memref<1x128x64xi32, #tpu.memory_space<vmem>>, vector<1x128x1xi32>
    %swap3A_901 = vector.shape_cast %swap3A_900 : vector<1x128x1xi32> to vector<128x1xi32>
    %swap3A_902 = vector.shape_cast %add3A_896 : vector<128x1xi32> to vector<1x128x1xi32>
    tpu.vector_store %arg4[%swap3A_897, %swap3A_898, %swap3A_899], %swap3A_902 {strides = array<i32>} : memref<1x128x64xi32, #tpu.memory_space<vmem>>, vector<1x128x1xi32>,
    %ge3A_903 = arith.constant 34 : i32
    %ge3A_904 = vector.broadcast %ge3A_903 : i32 to vector<128x1x1xi32>
    %ge3A_905 = arith.cmpi sge, %convert_element_type3A_71, %ge3A_904 : vector<128x1x1xi32>
    %jit3A_906 = arith.constant 34 : i32
    %jit3A_907 = arith.constant 1 : i32
    %broadcast_in_dim3A_908 = vector.broadcast %jit3A_906 : i32 to vector<128x1x1xi32>
    %broadcast_in_dim3A_909 = vector.broadcast %jit3A_907 : i32 to vector<128x1x1xi32>
    %select_n3A_910 = arith.select %ge3A_905, %broadcast_in_dim3A_908, %broadcast_in_dim3A_909 : vector<128x1x1xi1>, vector<128x1x1xi32>
    %eq3A_911 = vector.broadcast %select_n3A_910 : vector<128x1x1xi32> to vector<128x4x128xi32>
    %eq3A_912 = arith.cmpi eq, %select_n3A, %eq3A_911 : vector<128x4x128xi32>
    %jit3A_913 = arith.constant 512 : i32
    %broadcast_in_dim3A_914 = vector.broadcast %jit3A_913 : i32 to vector<128x4x128xi32>
    %select_n3A_915 = arith.select %eq3A_912, %add3A_80, %broadcast_in_dim3A_914 : vector<128x4x128xi1>, vector<128x4x128xi32>
    %reduce_min3A_916 = arith.constant dense<2147483647> : vector<128xi32>
    %reduce_min3A_917 = vector.multi_reduction <minsi>, %select_n3A_915, %reduce_min3A_916 [1, 2] : vector<128x4x128xi32> to vector<128xi32>
    %broadcast_in_dim3A_918 = vector.shape_cast %reduce_min3A_917 : vector<128xi32> to vector<128x1x1xi32>
    %squeeze3A_919 = vector.shape_cast %broadcast_in_dim3A_918 : vector<128x1x1xi32> to vector<128x1xi32>
    %add3A_920 = vector.broadcast %mul3A_82 : i32 to vector<128x1xi32>
    %add3A_921 = arith.addi %squeeze3A_919, %add3A_920 : vector<128x1xi32>
    %swap3A_922 = arith.constant 0 : index
    %swap3A_923 = arith.constant 0 : index
    %swap3A_924 = arith.constant 33 : index
    %swap3A_925 = vector.load %arg4[%swap3A_922, %swap3A_923, %swap3A_924] : memref<1x128x64xi32, #tpu.memory_space<vmem>>, vector<1x128x1xi32>
    %swap3A_926 = vector.shape_cast %swap3A_925 : vector<1x128x1xi32> to vector<128x1xi32>
    %swap3A_927 = vector.shape_cast %add3A_921 : vector<128x1xi32> to vector<1x128x1xi32>
    tpu.vector_store %arg4[%swap3A_922, %swap3A_923, %swap3A_924], %swap3A_927 {strides = array<i32>} : memref<1x128x64xi32, #tpu.memory_space<vmem>>, vector<1x128x1xi32>,
    %ge3A_928 = arith.constant 35 : i32
    %ge3A_929 = vector.broadcast %ge3A_928 : i32 to vector<128x1x1xi32>
    %ge3A_930 = arith.cmpi sge, %convert_element_type3A_71, %ge3A_929 : vector<128x1x1xi32>
    %jit3A_931 = arith.constant 35 : i32
    %jit3A_932 = arith.constant 1 : i32
    %broadcast_in_dim3A_933 = vector.broadcast %jit3A_931 : i32 to vector<128x1x1xi32>
    %broadcast_in_dim3A_934 = vector.broadcast %jit3A_932 : i32 to vector<128x1x1xi32>
    %select_n3A_935 = arith.select %ge3A_930, %broadcast_in_dim3A_933, %broadcast_in_dim3A_934 : vector<128x1x1xi1>, vector<128x1x1xi32>
    %eq3A_936 = vector.broadcast %select_n3A_935 : vector<128x1x1xi32> to vector<128x4x128xi32>
    %eq3A_937 = arith.cmpi eq, %select_n3A, %eq3A_936 : vector<128x4x128xi32>
    %jit3A_938 = arith.constant 512 : i32
    %broadcast_in_dim3A_939 = vector.broadcast %jit3A_938 : i32 to vector<128x4x128xi32>
    %select_n3A_940 = arith.select %eq3A_937, %add3A_80, %broadcast_in_dim3A_939 : vector<128x4x128xi1>, vector<128x4x128xi32>
    %reduce_min3A_941 = arith.constant dense<2147483647> : vector<128xi32>
    %reduce_min3A_942 = vector.multi_reduction <minsi>, %select_n3A_940, %reduce_min3A_941 [1, 2] : vector<128x4x128xi32> to vector<128xi32>
    %broadcast_in_dim3A_943 = vector.shape_cast %reduce_min3A_942 : vector<128xi32> to vector<128x1x1xi32>
    %squeeze3A_944 = vector.shape_cast %broadcast_in_dim3A_943 : vector<128x1x1xi32> to vector<128x1xi32>
    %add3A_945 = vector.broadcast %mul3A_82 : i32 to vector<128x1xi32>
    %add3A_946 = arith.addi %squeeze3A_944, %add3A_945 : vector<128x1xi32>
    %swap3A_947 = arith.constant 0 : index
    %swap3A_948 = arith.constant 0 : index
    %swap3A_949 = arith.constant 34 : index
    %swap3A_950 = vector.load %arg4[%swap3A_947, %swap3A_948, %swap3A_949] : memref<1x128x64xi32, #tpu.memory_space<vmem>>, vector<1x128x1xi32>
    %swap3A_951 = vector.shape_cast %swap3A_950 : vector<1x128x1xi32> to vector<128x1xi32>
    %swap3A_952 = vector.shape_cast %add3A_946 : vector<128x1xi32> to vector<1x128x1xi32>
    tpu.vector_store %arg4[%swap3A_947, %swap3A_948, %swap3A_949], %swap3A_952 {strides = array<i32>} : memref<1x128x64xi32, #tpu.memory_space<vmem>>, vector<1x128x1xi32>,
    %ge3A_953 = arith.constant 36 : i32
    %ge3A_954 = vector.broadcast %ge3A_953 : i32 to vector<128x1x1xi32>
    %ge3A_955 = arith.cmpi sge, %convert_element_type3A_71, %ge3A_954 : vector<128x1x1xi32>
    %jit3A_956 = arith.constant 36 : i32
    %jit3A_957 = arith.constant 1 : i32
    %broadcast_in_dim3A_958 = vector.broadcast %jit3A_956 : i32 to vector<128x1x1xi32>
    %broadcast_in_dim3A_959 = vector.broadcast %jit3A_957 : i32 to vector<128x1x1xi32>
    %select_n3A_960 = arith.select %ge3A_955, %broadcast_in_dim3A_958, %broadcast_in_dim3A_959 : vector<128x1x1xi1>, vector<128x1x1xi32>
    %eq3A_961 = vector.broadcast %select_n3A_960 : vector<128x1x1xi32> to vector<128x4x128xi32>
    %eq3A_962 = arith.cmpi eq, %select_n3A, %eq3A_961 : vector<128x4x128xi32>
    %jit3A_963 = arith.constant 512 : i32
    %broadcast_in_dim3A_964 = vector.broadcast %jit3A_963 : i32 to vector<128x4x128xi32>
    %select_n3A_965 = arith.select %eq3A_962, %add3A_80, %broadcast_in_dim3A_964 : vector<128x4x128xi1>, vector<128x4x128xi32>
    %reduce_min3A_966 = arith.constant dense<2147483647> : vector<128xi32>
    %reduce_min3A_967 = vector.multi_reduction <minsi>, %select_n3A_965, %reduce_min3A_966 [1, 2] : vector<128x4x128xi32> to vector<128xi32>
    %broadcast_in_dim3A_968 = vector.shape_cast %reduce_min3A_967 : vector<128xi32> to vector<128x1x1xi32>
    %squeeze3A_969 = vector.shape_cast %broadcast_in_dim3A_968 : vector<128x1x1xi32> to vector<128x1xi32>
    %add3A_970 = vector.broadcast %mul3A_82 : i32 to vector<128x1xi32>
    %add3A_971 = arith.addi %squeeze3A_969, %add3A_970 : vector<128x1xi32>
    %swap3A_972 = arith.constant 0 : index
    %swap3A_973 = arith.constant 0 : index
    %swap3A_974 = arith.constant 35 : index
    %swap3A_975 = vector.load %arg4[%swap3A_972, %swap3A_973, %swap3A_974] : memref<1x128x64xi32, #tpu.memory_space<vmem>>, vector<1x128x1xi32>
    %swap3A_976 = vector.shape_cast %swap3A_975 : vector<1x128x1xi32> to vector<128x1xi32>
    %swap3A_977 = vector.shape_cast %add3A_971 : vector<128x1xi32> to vector<1x128x1xi32>
    tpu.vector_store %arg4[%swap3A_972, %swap3A_973, %swap3A_974], %swap3A_977 {strides = array<i32>} : memref<1x128x64xi32, #tpu.memory_space<vmem>>, vector<1x128x1xi32>,
    %ge3A_978 = arith.constant 37 : i32
    %ge3A_979 = vector.broadcast %ge3A_978 : i32 to vector<128x1x1xi32>
    %ge3A_980 = arith.cmpi sge, %convert_element_type3A_71, %ge3A_979 : vector<128x1x1xi32>
    %jit3A_981 = arith.constant 37 : i32
    %jit3A_982 = arith.constant 1 : i32
    %broadcast_in_dim3A_983 = vector.broadcast %jit3A_981 : i32 to vector<128x1x1xi32>
    %broadcast_in_dim3A_984 = vector.broadcast %jit3A_982 : i32 to vector<128x1x1xi32>
    %select_n3A_985 = arith.select %ge3A_980, %broadcast_in_dim3A_983, %broadcast_in_dim3A_984 : vector<128x1x1xi1>, vector<128x1x1xi32>
    %eq3A_986 = vector.broadcast %select_n3A_985 : vector<128x1x1xi32> to vector<128x4x128xi32>
    %eq3A_987 = arith.cmpi eq, %select_n3A, %eq3A_986 : vector<128x4x128xi32>
    %jit3A_988 = arith.constant 512 : i32
    %broadcast_in_dim3A_989 = vector.broadcast %jit3A_988 : i32 to vector<128x4x128xi32>
    %select_n3A_990 = arith.select %eq3A_987, %add3A_80, %broadcast_in_dim3A_989 : vector<128x4x128xi1>, vector<128x4x128xi32>
    %reduce_min3A_991 = arith.constant dense<2147483647> : vector<128xi32>
    %reduce_min3A_992 = vector.multi_reduction <minsi>, %select_n3A_990, %reduce_min3A_991 [1, 2] : vector<128x4x128xi32> to vector<128xi32>
    %broadcast_in_dim3A_993 = vector.shape_cast %reduce_min3A_992 : vector<128xi32> to vector<128x1x1xi32>
    %squeeze3A_994 = vector.shape_cast %broadcast_in_dim3A_993 : vector<128x1x1xi32> to vector<128x1xi32>
    %add3A_995 = vector.broadcast %mul3A_82 : i32 to vector<128x1xi32>
    %add3A_996 = arith.addi %squeeze3A_994, %add3A_995 : vector<128x1xi32>
    %swap3A_997 = arith.constant 0 : index
    %swap3A_998 = arith.constant 0 : index
    %swap3A_999 = arith.constant 36 : index
    %swap3A_1000 = vector.load %arg4[%swap3A_997, %swap3A_998, %swap3A_999] : memref<1x128x64xi32, #tpu.memory_space<vmem>>, vector<1x128x1xi32>
    %swap3A_1001 = vector.shape_cast %swap3A_1000 : vector<1x128x1xi32> to vector<128x1xi32>
    %swap3A_1002 = vector.shape_cast %add3A_996 : vector<128x1xi32> to vector<1x128x1xi32>
    tpu.vector_store %arg4[%swap3A_997, %swap3A_998, %swap3A_999], %swap3A_1002 {strides = array<i32>} : memref<1x128x64xi32, #tpu.memory_space<vmem>>, vector<1x128x1xi32>,
    %ge3A_1003 = arith.constant 38 : i32
    %ge3A_1004 = vector.broadcast %ge3A_1003 : i32 to vector<128x1x1xi32>
    %ge3A_1005 = arith.cmpi sge, %convert_element_type3A_71, %ge3A_1004 : vector<128x1x1xi32>
    %jit3A_1006 = arith.constant 38 : i32
    %jit3A_1007 = arith.constant 1 : i32
    %broadcast_in_dim3A_1008 = vector.broadcast %jit3A_1006 : i32 to vector<128x1x1xi32>
    %broadcast_in_dim3A_1009 = vector.broadcast %jit3A_1007 : i32 to vector<128x1x1xi32>
    %select_n3A_1010 = arith.select %ge3A_1005, %broadcast_in_dim3A_1008, %broadcast_in_dim3A_1009 : vector<128x1x1xi1>, vector<128x1x1xi32>
    %eq3A_1011 = vector.broadcast %select_n3A_1010 : vector<128x1x1xi32> to vector<128x4x128xi32>
    %eq3A_1012 = arith.cmpi eq, %select_n3A, %eq3A_1011 : vector<128x4x128xi32>
    %jit3A_1013 = arith.constant 512 : i32
    %broadcast_in_dim3A_1014 = vector.broadcast %jit3A_1013 : i32 to vector<128x4x128xi32>
    %select_n3A_1015 = arith.select %eq3A_1012, %add3A_80, %broadcast_in_dim3A_1014 : vector<128x4x128xi1>, vector<128x4x128xi32>
    %reduce_min3A_1016 = arith.constant dense<2147483647> : vector<128xi32>
    %reduce_min3A_1017 = vector.multi_reduction <minsi>, %select_n3A_1015, %reduce_min3A_1016 [1, 2] : vector<128x4x128xi32> to vector<128xi32>
    %broadcast_in_dim3A_1018 = vector.shape_cast %reduce_min3A_1017 : vector<128xi32> to vector<128x1x1xi32>
    %squeeze3A_1019 = vector.shape_cast %broadcast_in_dim3A_1018 : vector<128x1x1xi32> to vector<128x1xi32>
    %add3A_1020 = vector.broadcast %mul3A_82 : i32 to vector<128x1xi32>
    %add3A_1021 = arith.addi %squeeze3A_1019, %add3A_1020 : vector<128x1xi32>
    %swap3A_1022 = arith.constant 0 : index
    %swap3A_1023 = arith.constant 0 : index
    %swap3A_1024 = arith.constant 37 : index
    %swap3A_1025 = vector.load %arg4[%swap3A_1022, %swap3A_1023, %swap3A_1024] : memref<1x128x64xi32, #tpu.memory_space<vmem>>, vector<1x128x1xi32>
    %swap3A_1026 = vector.shape_cast %swap3A_1025 : vector<1x128x1xi32> to vector<128x1xi32>
    %swap3A_1027 = vector.shape_cast %add3A_1021 : vector<128x1xi32> to vector<1x128x1xi32>
    tpu.vector_store %arg4[%swap3A_1022, %swap3A_1023, %swap3A_1024], %swap3A_1027 {strides = array<i32>} : memref<1x128x64xi32, #tpu.memory_space<vmem>>, vector<1x128x1xi32>,
    %ge3A_1028 = arith.constant 39 : i32
    %ge3A_1029 = vector.broadcast %ge3A_1028 : i32 to vector<128x1x1xi32>
    %ge3A_1030 = arith.cmpi sge, %convert_element_type3A_71, %ge3A_1029 : vector<128x1x1xi32>
    %jit3A_1031 = arith.constant 39 : i32
    %jit3A_1032 = arith.constant 1 : i32
    %broadcast_in_dim3A_1033 = vector.broadcast %jit3A_1031 : i32 to vector<128x1x1xi32>
    %broadcast_in_dim3A_1034 = vector.broadcast %jit3A_1032 : i32 to vector<128x1x1xi32>
    %select_n3A_1035 = arith.select %ge3A_1030, %broadcast_in_dim3A_1033, %broadcast_in_dim3A_1034 : vector<128x1x1xi1>, vector<128x1x1xi32>
    %eq3A_1036 = vector.broadcast %select_n3A_1035 : vector<128x1x1xi32> to vector<128x4x128xi32>
    %eq3A_1037 = arith.cmpi eq, %select_n3A, %eq3A_1036 : vector<128x4x128xi32>
    %jit3A_1038 = arith.constant 512 : i32
    %broadcast_in_dim3A_1039 = vector.broadcast %jit3A_1038 : i32 to vector<128x4x128xi32>
    %select_n3A_1040 = arith.select %eq3A_1037, %add3A_80, %broadcast_in_dim3A_1039 : vector<128x4x128xi1>, vector<128x4x128xi32>
    %reduce_min3A_1041 = arith.constant dense<2147483647> : vector<128xi32>
    %reduce_min3A_1042 = vector.multi_reduction <minsi>, %select_n3A_1040, %reduce_min3A_1041 [1, 2] : vector<128x4x128xi32> to vector<128xi32>
    %broadcast_in_dim3A_1043 = vector.shape_cast %reduce_min3A_1042 : vector<128xi32> to vector<128x1x1xi32>
    %squeeze3A_1044 = vector.shape_cast %broadcast_in_dim3A_1043 : vector<128x1x1xi32> to vector<128x1xi32>
    %add3A_1045 = vector.broadcast %mul3A_82 : i32 to vector<128x1xi32>
    %add3A_1046 = arith.addi %squeeze3A_1044, %add3A_1045 : vector<128x1xi32>
    %swap3A_1047 = arith.constant 0 : index
    %swap3A_1048 = arith.constant 0 : index
    %swap3A_1049 = arith.constant 38 : index
    %swap3A_1050 = vector.load %arg4[%swap3A_1047, %swap3A_1048, %swap3A_1049] : memref<1x128x64xi32, #tpu.memory_space<vmem>>, vector<1x128x1xi32>
    %swap3A_1051 = vector.shape_cast %swap3A_1050 : vector<1x128x1xi32> to vector<128x1xi32>
    %swap3A_1052 = vector.shape_cast %add3A_1046 : vector<128x1xi32> to vector<1x128x1xi32>
    tpu.vector_store %arg4[%swap3A_1047, %swap3A_1048, %swap3A_1049], %swap3A_1052 {strides = array<i32>} : memref<1x128x64xi32, #tpu.memory_space<vmem>>, vector<1x128x1xi32>,
    %ge3A_1053 = arith.constant 40 : i32
    %ge3A_1054 = vector.broadcast %ge3A_1053 : i32 to vector<128x1x1xi32>
    %ge3A_1055 = arith.cmpi sge, %convert_element_type3A_71, %ge3A_1054 : vector<128x1x1xi32>
    %jit3A_1056 = arith.constant 40 : i32
    %jit3A_1057 = arith.constant 1 : i32
    %broadcast_in_dim3A_1058 = vector.broadcast %jit3A_1056 : i32 to vector<128x1x1xi32>
    %broadcast_in_dim3A_1059 = vector.broadcast %jit3A_1057 : i32 to vector<128x1x1xi32>
    %select_n3A_1060 = arith.select %ge3A_1055, %broadcast_in_dim3A_1058, %broadcast_in_dim3A_1059 : vector<128x1x1xi1>, vector<128x1x1xi32>
    %eq3A_1061 = vector.broadcast %select_n3A_1060 : vector<128x1x1xi32> to vector<128x4x128xi32>
    %eq3A_1062 = arith.cmpi eq, %select_n3A, %eq3A_1061 : vector<128x4x128xi32>
    %jit3A_1063 = arith.constant 512 : i32
    %broadcast_in_dim3A_1064 = vector.broadcast %jit3A_1063 : i32 to vector<128x4x128xi32>
    %select_n3A_1065 = arith.select %eq3A_1062, %add3A_80, %broadcast_in_dim3A_1064 : vector<128x4x128xi1>, vector<128x4x128xi32>
    %reduce_min3A_1066 = arith.constant dense<2147483647> : vector<128xi32>
    %reduce_min3A_1067 = vector.multi_reduction <minsi>, %select_n3A_1065, %reduce_min3A_1066 [1, 2] : vector<128x4x128xi32> to vector<128xi32>
    %broadcast_in_dim3A_1068 = vector.shape_cast %reduce_min3A_1067 : vector<128xi32> to vector<128x1x1xi32>
    %squeeze3A_1069 = vector.shape_cast %broadcast_in_dim3A_1068 : vector<128x1x1xi32> to vector<128x1xi32>
    %add3A_1070 = vector.broadcast %mul3A_82 : i32 to vector<128x1xi32>
    %add3A_1071 = arith.addi %squeeze3A_1069, %add3A_1070 : vector<128x1xi32>
    %swap3A_1072 = arith.constant 0 : index
    %swap3A_1073 = arith.constant 0 : index
    %swap3A_1074 = arith.constant 39 : index
    %swap3A_1075 = vector.load %arg4[%swap3A_1072, %swap3A_1073, %swap3A_1074] : memref<1x128x64xi32, #tpu.memory_space<vmem>>, vector<1x128x1xi32>
    %swap3A_1076 = vector.shape_cast %swap3A_1075 : vector<1x128x1xi32> to vector<128x1xi32>
    %swap3A_1077 = vector.shape_cast %add3A_1071 : vector<128x1xi32> to vector<1x128x1xi32>
    tpu.vector_store %arg4[%swap3A_1072, %swap3A_1073, %swap3A_1074], %swap3A_1077 {strides = array<i32>} : memref<1x128x64xi32, #tpu.memory_space<vmem>>, vector<1x128x1xi32>,
    %ge3A_1078 = arith.constant 41 : i32
    %ge3A_1079 = vector.broadcast %ge3A_1078 : i32 to vector<128x1x1xi32>
    %ge3A_1080 = arith.cmpi sge, %convert_element_type3A_71, %ge3A_1079 : vector<128x1x1xi32>
    %jit3A_1081 = arith.constant 41 : i32
    %jit3A_1082 = arith.constant 1 : i32
    %broadcast_in_dim3A_1083 = vector.broadcast %jit3A_1081 : i32 to vector<128x1x1xi32>
    %broadcast_in_dim3A_1084 = vector.broadcast %jit3A_1082 : i32 to vector<128x1x1xi32>
    %select_n3A_1085 = arith.select %ge3A_1080, %broadcast_in_dim3A_1083, %broadcast_in_dim3A_1084 : vector<128x1x1xi1>, vector<128x1x1xi32>
    %eq3A_1086 = vector.broadcast %select_n3A_1085 : vector<128x1x1xi32> to vector<128x4x128xi32>
    %eq3A_1087 = arith.cmpi eq, %select_n3A, %eq3A_1086 : vector<128x4x128xi32>
    %jit3A_1088 = arith.constant 512 : i32
    %broadcast_in_dim3A_1089 = vector.broadcast %jit3A_1088 : i32 to vector<128x4x128xi32>
    %select_n3A_1090 = arith.select %eq3A_1087, %add3A_80, %broadcast_in_dim3A_1089 : vector<128x4x128xi1>, vector<128x4x128xi32>
    %reduce_min3A_1091 = arith.constant dense<2147483647> : vector<128xi32>
    %reduce_min3A_1092 = vector.multi_reduction <minsi>, %select_n3A_1090, %reduce_min3A_1091 [1, 2] : vector<128x4x128xi32> to vector<128xi32>
    %broadcast_in_dim3A_1093 = vector.shape_cast %reduce_min3A_1092 : vector<128xi32> to vector<128x1x1xi32>
    %squeeze3A_1094 = vector.shape_cast %broadcast_in_dim3A_1093 : vector<128x1x1xi32> to vector<128x1xi32>
    %add3A_1095 = vector.broadcast %mul3A_82 : i32 to vector<128x1xi32>
    %add3A_1096 = arith.addi %squeeze3A_1094, %add3A_1095 : vector<128x1xi32>
    %swap3A_1097 = arith.constant 0 : index
    %swap3A_1098 = arith.constant 0 : index
    %swap3A_1099 = arith.constant 40 : index
    %swap3A_1100 = vector.load %arg4[%swap3A_1097, %swap3A_1098, %swap3A_1099] : memref<1x128x64xi32, #tpu.memory_space<vmem>>, vector<1x128x1xi32>
    %swap3A_1101 = vector.shape_cast %swap3A_1100 : vector<1x128x1xi32> to vector<128x1xi32>
    %swap3A_1102 = vector.shape_cast %add3A_1096 : vector<128x1xi32> to vector<1x128x1xi32>
    tpu.vector_store %arg4[%swap3A_1097, %swap3A_1098, %swap3A_1099], %swap3A_1102 {strides = array<i32>} : memref<1x128x64xi32, #tpu.memory_space<vmem>>, vector<1x128x1xi32>,
    %ge3A_1103 = arith.constant 42 : i32
    %ge3A_1104 = vector.broadcast %ge3A_1103 : i32 to vector<128x1x1xi32>
    %ge3A_1105 = arith.cmpi sge, %convert_element_type3A_71, %ge3A_1104 : vector<128x1x1xi32>
    %jit3A_1106 = arith.constant 42 : i32
    %jit3A_1107 = arith.constant 1 : i32
    %broadcast_in_dim3A_1108 = vector.broadcast %jit3A_1106 : i32 to vector<128x1x1xi32>
    %broadcast_in_dim3A_1109 = vector.broadcast %jit3A_1107 : i32 to vector<128x1x1xi32>
    %select_n3A_1110 = arith.select %ge3A_1105, %broadcast_in_dim3A_1108, %broadcast_in_dim3A_1109 : vector<128x1x1xi1>, vector<128x1x1xi32>
    %eq3A_1111 = vector.broadcast %select_n3A_1110 : vector<128x1x1xi32> to vector<128x4x128xi32>
    %eq3A_1112 = arith.cmpi eq, %select_n3A, %eq3A_1111 : vector<128x4x128xi32>
    %jit3A_1113 = arith.constant 512 : i32
    %broadcast_in_dim3A_1114 = vector.broadcast %jit3A_1113 : i32 to vector<128x4x128xi32>
    %select_n3A_1115 = arith.select %eq3A_1112, %add3A_80, %broadcast_in_dim3A_1114 : vector<128x4x128xi1>, vector<128x4x128xi32>
    %reduce_min3A_1116 = arith.constant dense<2147483647> : vector<128xi32>
    %reduce_min3A_1117 = vector.multi_reduction <minsi>, %select_n3A_1115, %reduce_min3A_1116 [1, 2] : vector<128x4x128xi32> to vector<128xi32>
    %broadcast_in_dim3A_1118 = vector.shape_cast %reduce_min3A_1117 : vector<128xi32> to vector<128x1x1xi32>
    %squeeze3A_1119 = vector.shape_cast %broadcast_in_dim3A_1118 : vector<128x1x1xi32> to vector<128x1xi32>
    %add3A_1120 = vector.broadcast %mul3A_82 : i32 to vector<128x1xi32>
    %add3A_1121 = arith.addi %squeeze3A_1119, %add3A_1120 : vector<128x1xi32>
    %swap3A_1122 = arith.constant 0 : index
    %swap3A_1123 = arith.constant 0 : index
    %swap3A_1124 = arith.constant 41 : index
    %swap3A_1125 = vector.load %arg4[%swap3A_1122, %swap3A_1123, %swap3A_1124] : memref<1x128x64xi32, #tpu.memory_space<vmem>>, vector<1x128x1xi32>
    %swap3A_1126 = vector.shape_cast %swap3A_1125 : vector<1x128x1xi32> to vector<128x1xi32>
    %swap3A_1127 = vector.shape_cast %add3A_1121 : vector<128x1xi32> to vector<1x128x1xi32>
    tpu.vector_store %arg4[%swap3A_1122, %swap3A_1123, %swap3A_1124], %swap3A_1127 {strides = array<i32>} : memref<1x128x64xi32, #tpu.memory_space<vmem>>, vector<1x128x1xi32>,
    %ge3A_1128 = arith.constant 43 : i32
    %ge3A_1129 = vector.broadcast %ge3A_1128 : i32 to vector<128x1x1xi32>
    %ge3A_1130 = arith.cmpi sge, %convert_element_type3A_71, %ge3A_1129 : vector<128x1x1xi32>
    %jit3A_1131 = arith.constant 43 : i32
    %jit3A_1132 = arith.constant 1 : i32
    %broadcast_in_dim3A_1133 = vector.broadcast %jit3A_1131 : i32 to vector<128x1x1xi32>
    %broadcast_in_dim3A_1134 = vector.broadcast %jit3A_1132 : i32 to vector<128x1x1xi32>
    %select_n3A_1135 = arith.select %ge3A_1130, %broadcast_in_dim3A_1133, %broadcast_in_dim3A_1134 : vector<128x1x1xi1>, vector<128x1x1xi32>
    %eq3A_1136 = vector.broadcast %select_n3A_1135 : vector<128x1x1xi32> to vector<128x4x128xi32>
    %eq3A_1137 = arith.cmpi eq, %select_n3A, %eq3A_1136 : vector<128x4x128xi32>
    %jit3A_1138 = arith.constant 512 : i32
    %broadcast_in_dim3A_1139 = vector.broadcast %jit3A_1138 : i32 to vector<128x4x128xi32>
    %select_n3A_1140 = arith.select %eq3A_1137, %add3A_80, %broadcast_in_dim3A_1139 : vector<128x4x128xi1>, vector<128x4x128xi32>
    %reduce_min3A_1141 = arith.constant dense<2147483647> : vector<128xi32>
    %reduce_min3A_1142 = vector.multi_reduction <minsi>, %select_n3A_1140, %reduce_min3A_1141 [1, 2] : vector<128x4x128xi32> to vector<128xi32>
    %broadcast_in_dim3A_1143 = vector.shape_cast %reduce_min3A_1142 : vector<128xi32> to vector<128x1x1xi32>
    %squeeze3A_1144 = vector.shape_cast %broadcast_in_dim3A_1143 : vector<128x1x1xi32> to vector<128x1xi32>
    %add3A_1145 = vector.broadcast %mul3A_82 : i32 to vector<128x1xi32>
    %add3A_1146 = arith.addi %squeeze3A_1144, %add3A_1145 : vector<128x1xi32>
    %swap3A_1147 = arith.constant 0 : index
    %swap3A_1148 = arith.constant 0 : index
    %swap3A_1149 = arith.constant 42 : index
    %swap3A_1150 = vector.load %arg4[%swap3A_1147, %swap3A_1148, %swap3A_1149] : memref<1x128x64xi32, #tpu.memory_space<vmem>>, vector<1x128x1xi32>
    %swap3A_1151 = vector.shape_cast %swap3A_1150 : vector<1x128x1xi32> to vector<128x1xi32>
    %swap3A_1152 = vector.shape_cast %add3A_1146 : vector<128x1xi32> to vector<1x128x1xi32>
    tpu.vector_store %arg4[%swap3A_1147, %swap3A_1148, %swap3A_1149], %swap3A_1152 {strides = array<i32>} : memref<1x128x64xi32, #tpu.memory_space<vmem>>, vector<1x128x1xi32>,
    %ge3A_1153 = arith.constant 44 : i32
    %ge3A_1154 = vector.broadcast %ge3A_1153 : i32 to vector<128x1x1xi32>
    %ge3A_1155 = arith.cmpi sge, %convert_element_type3A_71, %ge3A_1154 : vector<128x1x1xi32>
    %jit3A_1156 = arith.constant 44 : i32
    %jit3A_1157 = arith.constant 1 : i32
    %broadcast_in_dim3A_1158 = vector.broadcast %jit3A_1156 : i32 to vector<128x1x1xi32>
    %broadcast_in_dim3A_1159 = vector.broadcast %jit3A_1157 : i32 to vector<128x1x1xi32>
    %select_n3A_1160 = arith.select %ge3A_1155, %broadcast_in_dim3A_1158, %broadcast_in_dim3A_1159 : vector<128x1x1xi1>, vector<128x1x1xi32>
    %eq3A_1161 = vector.broadcast %select_n3A_1160 : vector<128x1x1xi32> to vector<128x4x128xi32>
    %eq3A_1162 = arith.cmpi eq, %select_n3A, %eq3A_1161 : vector<128x4x128xi32>
    %jit3A_1163 = arith.constant 512 : i32
    %broadcast_in_dim3A_1164 = vector.broadcast %jit3A_1163 : i32 to vector<128x4x128xi32>
    %select_n3A_1165 = arith.select %eq3A_1162, %add3A_80, %broadcast_in_dim3A_1164 : vector<128x4x128xi1>, vector<128x4x128xi32>
    %reduce_min3A_1166 = arith.constant dense<2147483647> : vector<128xi32>
    %reduce_min3A_1167 = vector.multi_reduction <minsi>, %select_n3A_1165, %reduce_min3A_1166 [1, 2] : vector<128x4x128xi32> to vector<128xi32>
    %broadcast_in_dim3A_1168 = vector.shape_cast %reduce_min3A_1167 : vector<128xi32> to vector<128x1x1xi32>
    %squeeze3A_1169 = vector.shape_cast %broadcast_in_dim3A_1168 : vector<128x1x1xi32> to vector<128x1xi32>
    %add3A_1170 = vector.broadcast %mul3A_82 : i32 to vector<128x1xi32>
    %add3A_1171 = arith.addi %squeeze3A_1169, %add3A_1170 : vector<128x1xi32>
    %swap3A_1172 = arith.constant 0 : index
    %swap3A_1173 = arith.constant 0 : index
    %swap3A_1174 = arith.constant 43 : index
    %swap3A_1175 = vector.load %arg4[%swap3A_1172, %swap3A_1173, %swap3A_1174] : memref<1x128x64xi32, #tpu.memory_space<vmem>>, vector<1x128x1xi32>
    %swap3A_1176 = vector.shape_cast %swap3A_1175 : vector<1x128x1xi32> to vector<128x1xi32>
    %swap3A_1177 = vector.shape_cast %add3A_1171 : vector<128x1xi32> to vector<1x128x1xi32>
    tpu.vector_store %arg4[%swap3A_1172, %swap3A_1173, %swap3A_1174], %swap3A_1177 {strides = array<i32>} : memref<1x128x64xi32, #tpu.memory_space<vmem>>, vector<1x128x1xi32>,
    %ge3A_1178 = arith.constant 45 : i32
    %ge3A_1179 = vector.broadcast %ge3A_1178 : i32 to vector<128x1x1xi32>
    %ge3A_1180 = arith.cmpi sge, %convert_element_type3A_71, %ge3A_1179 : vector<128x1x1xi32>
    %jit3A_1181 = arith.constant 45 : i32
    %jit3A_1182 = arith.constant 1 : i32
    %broadcast_in_dim3A_1183 = vector.broadcast %jit3A_1181 : i32 to vector<128x1x1xi32>
    %broadcast_in_dim3A_1184 = vector.broadcast %jit3A_1182 : i32 to vector<128x1x1xi32>
    %select_n3A_1185 = arith.select %ge3A_1180, %broadcast_in_dim3A_1183, %broadcast_in_dim3A_1184 : vector<128x1x1xi1>, vector<128x1x1xi32>
    %eq3A_1186 = vector.broadcast %select_n3A_1185 : vector<128x1x1xi32> to vector<128x4x128xi32>
    %eq3A_1187 = arith.cmpi eq, %select_n3A, %eq3A_1186 : vector<128x4x128xi32>
    %jit3A_1188 = arith.constant 512 : i32
    %broadcast_in_dim3A_1189 = vector.broadcast %jit3A_1188 : i32 to vector<128x4x128xi32>
    %select_n3A_1190 = arith.select %eq3A_1187, %add3A_80, %broadcast_in_dim3A_1189 : vector<128x4x128xi1>, vector<128x4x128xi32>
    %reduce_min3A_1191 = arith.constant dense<2147483647> : vector<128xi32>
    %reduce_min3A_1192 = vector.multi_reduction <minsi>, %select_n3A_1190, %reduce_min3A_1191 [1, 2] : vector<128x4x128xi32> to vector<128xi32>
    %broadcast_in_dim3A_1193 = vector.shape_cast %reduce_min3A_1192 : vector<128xi32> to vector<128x1x1xi32>
    %squeeze3A_1194 = vector.shape_cast %broadcast_in_dim3A_1193 : vector<128x1x1xi32> to vector<128x1xi32>
    %add3A_1195 = vector.broadcast %mul3A_82 : i32 to vector<128x1xi32>
    %add3A_1196 = arith.addi %squeeze3A_1194, %add3A_1195 : vector<128x1xi32>
    %swap3A_1197 = arith.constant 0 : index
    %swap3A_1198 = arith.constant 0 : index
    %swap3A_1199 = arith.constant 44 : index
    %swap3A_1200 = vector.load %arg4[%swap3A_1197, %swap3A_1198, %swap3A_1199] : memref<1x128x64xi32, #tpu.memory_space<vmem>>, vector<1x128x1xi32>
    %swap3A_1201 = vector.shape_cast %swap3A_1200 : vector<1x128x1xi32> to vector<128x1xi32>
    %swap3A_1202 = vector.shape_cast %add3A_1196 : vector<128x1xi32> to vector<1x128x1xi32>
    tpu.vector_store %arg4[%swap3A_1197, %swap3A_1198, %swap3A_1199], %swap3A_1202 {strides = array<i32>} : memref<1x128x64xi32, #tpu.memory_space<vmem>>, vector<1x128x1xi32>,
    %ge3A_1203 = arith.constant 46 : i32
    %ge3A_1204 = vector.broadcast %ge3A_1203 : i32 to vector<128x1x1xi32>
    %ge3A_1205 = arith.cmpi sge, %convert_element_type3A_71, %ge3A_1204 : vector<128x1x1xi32>
    %jit3A_1206 = arith.constant 46 : i32
    %jit3A_1207 = arith.constant 1 : i32
    %broadcast_in_dim3A_1208 = vector.broadcast %jit3A_1206 : i32 to vector<128x1x1xi32>
    %broadcast_in_dim3A_1209 = vector.broadcast %jit3A_1207 : i32 to vector<128x1x1xi32>
    %select_n3A_1210 = arith.select %ge3A_1205, %broadcast_in_dim3A_1208, %broadcast_in_dim3A_1209 : vector<128x1x1xi1>, vector<128x1x1xi32>
    %eq3A_1211 = vector.broadcast %select_n3A_1210 : vector<128x1x1xi32> to vector<128x4x128xi32>
    %eq3A_1212 = arith.cmpi eq, %select_n3A, %eq3A_1211 : vector<128x4x128xi32>
    %jit3A_1213 = arith.constant 512 : i32
    %broadcast_in_dim3A_1214 = vector.broadcast %jit3A_1213 : i32 to vector<128x4x128xi32>
    %select_n3A_1215 = arith.select %eq3A_1212, %add3A_80, %broadcast_in_dim3A_1214 : vector<128x4x128xi1>, vector<128x4x128xi32>
    %reduce_min3A_1216 = arith.constant dense<2147483647> : vector<128xi32>
    %reduce_min3A_1217 = vector.multi_reduction <minsi>, %select_n3A_1215, %reduce_min3A_1216 [1, 2] : vector<128x4x128xi32> to vector<128xi32>
    %broadcast_in_dim3A_1218 = vector.shape_cast %reduce_min3A_1217 : vector<128xi32> to vector<128x1x1xi32>
    %squeeze3A_1219 = vector.shape_cast %broadcast_in_dim3A_1218 : vector<128x1x1xi32> to vector<128x1xi32>
    %add3A_1220 = vector.broadcast %mul3A_82 : i32 to vector<128x1xi32>
    %add3A_1221 = arith.addi %squeeze3A_1219, %add3A_1220 : vector<128x1xi32>
    %swap3A_1222 = arith.constant 0 : index
    %swap3A_1223 = arith.constant 0 : index
    %swap3A_1224 = arith.constant 45 : index
    %swap3A_1225 = vector.load %arg4[%swap3A_1222, %swap3A_1223, %swap3A_1224] : memref<1x128x64xi32, #tpu.memory_space<vmem>>, vector<1x128x1xi32>
    %swap3A_1226 = vector.shape_cast %swap3A_1225 : vector<1x128x1xi32> to vector<128x1xi32>
    %swap3A_1227 = vector.shape_cast %add3A_1221 : vector<128x1xi32> to vector<1x128x1xi32>
    tpu.vector_store %arg4[%swap3A_1222, %swap3A_1223, %swap3A_1224], %swap3A_1227 {strides = array<i32>} : memref<1x128x64xi32, #tpu.memory_space<vmem>>, vector<1x128x1xi32>,
    %ge3A_1228 = arith.constant 47 : i32
    %ge3A_1229 = vector.broadcast %ge3A_1228 : i32 to vector<128x1x1xi32>
    %ge3A_1230 = arith.cmpi sge, %convert_element_type3A_71, %ge3A_1229 : vector<128x1x1xi32>
    %jit3A_1231 = arith.constant 47 : i32
    %jit3A_1232 = arith.constant 1 : i32
    %broadcast_in_dim3A_1233 = vector.broadcast %jit3A_1231 : i32 to vector<128x1x1xi32>
    %broadcast_in_dim3A_1234 = vector.broadcast %jit3A_1232 : i32 to vector<128x1x1xi32>
    %select_n3A_1235 = arith.select %ge3A_1230, %broadcast_in_dim3A_1233, %broadcast_in_dim3A_1234 : vector<128x1x1xi1>, vector<128x1x1xi32>
    %eq3A_1236 = vector.broadcast %select_n3A_1235 : vector<128x1x1xi32> to vector<128x4x128xi32>
    %eq3A_1237 = arith.cmpi eq, %select_n3A, %eq3A_1236 : vector<128x4x128xi32>
    %jit3A_1238 = arith.constant 512 : i32
    %broadcast_in_dim3A_1239 = vector.broadcast %jit3A_1238 : i32 to vector<128x4x128xi32>
    %select_n3A_1240 = arith.select %eq3A_1237, %add3A_80, %broadcast_in_dim3A_1239 : vector<128x4x128xi1>, vector<128x4x128xi32>
    %reduce_min3A_1241 = arith.constant dense<2147483647> : vector<128xi32>
    %reduce_min3A_1242 = vector.multi_reduction <minsi>, %select_n3A_1240, %reduce_min3A_1241 [1, 2] : vector<128x4x128xi32> to vector<128xi32>
    %broadcast_in_dim3A_1243 = vector.shape_cast %reduce_min3A_1242 : vector<128xi32> to vector<128x1x1xi32>
    %squeeze3A_1244 = vector.shape_cast %broadcast_in_dim3A_1243 : vector<128x1x1xi32> to vector<128x1xi32>
    %add3A_1245 = vector.broadcast %mul3A_82 : i32 to vector<128x1xi32>
    %add3A_1246 = arith.addi %squeeze3A_1244, %add3A_1245 : vector<128x1xi32>
    %swap3A_1247 = arith.constant 0 : index
    %swap3A_1248 = arith.constant 0 : index
    %swap3A_1249 = arith.constant 46 : index
    %swap3A_1250 = vector.load %arg4[%swap3A_1247, %swap3A_1248, %swap3A_1249] : memref<1x128x64xi32, #tpu.memory_space<vmem>>, vector<1x128x1xi32>
    %swap3A_1251 = vector.shape_cast %swap3A_1250 : vector<1x128x1xi32> to vector<128x1xi32>
    %swap3A_1252 = vector.shape_cast %add3A_1246 : vector<128x1xi32> to vector<1x128x1xi32>
    tpu.vector_store %arg4[%swap3A_1247, %swap3A_1248, %swap3A_1249], %swap3A_1252 {strides = array<i32>} : memref<1x128x64xi32, #tpu.memory_space<vmem>>, vector<1x128x1xi32>,
    %ge3A_1253 = arith.constant 48 : i32
    %ge3A_1254 = vector.broadcast %ge3A_1253 : i32 to vector<128x1x1xi32>
    %ge3A_1255 = arith.cmpi sge, %convert_element_type3A_71, %ge3A_1254 : vector<128x1x1xi32>
    %jit3A_1256 = arith.constant 48 : i32
    %jit3A_1257 = arith.constant 1 : i32
    %broadcast_in_dim3A_1258 = vector.broadcast %jit3A_1256 : i32 to vector<128x1x1xi32>
    %broadcast_in_dim3A_1259 = vector.broadcast %jit3A_1257 : i32 to vector<128x1x1xi32>
    %select_n3A_1260 = arith.select %ge3A_1255, %broadcast_in_dim3A_1258, %broadcast_in_dim3A_1259 : vector<128x1x1xi1>, vector<128x1x1xi32>
    %eq3A_1261 = vector.broadcast %select_n3A_1260 : vector<128x1x1xi32> to vector<128x4x128xi32>
    %eq3A_1262 = arith.cmpi eq, %select_n3A, %eq3A_1261 : vector<128x4x128xi32>
    %jit3A_1263 = arith.constant 512 : i32
    %broadcast_in_dim3A_1264 = vector.broadcast %jit3A_1263 : i32 to vector<128x4x128xi32>
    %select_n3A_1265 = arith.select %eq3A_1262, %add3A_80, %broadcast_in_dim3A_1264 : vector<128x4x128xi1>, vector<128x4x128xi32>
    %reduce_min3A_1266 = arith.constant dense<2147483647> : vector<128xi32>
    %reduce_min3A_1267 = vector.multi_reduction <minsi>, %select_n3A_1265, %reduce_min3A_1266 [1, 2] : vector<128x4x128xi32> to vector<128xi32>
    %broadcast_in_dim3A_1268 = vector.shape_cast %reduce_min3A_1267 : vector<128xi32> to vector<128x1x1xi32>
    %squeeze3A_1269 = vector.shape_cast %broadcast_in_dim3A_1268 : vector<128x1x1xi32> to vector<128x1xi32>
    %add3A_1270 = vector.broadcast %mul3A_82 : i32 to vector<128x1xi32>
    %add3A_1271 = arith.addi %squeeze3A_1269, %add3A_1270 : vector<128x1xi32>
    %swap3A_1272 = arith.constant 0 : index
    %swap3A_1273 = arith.constant 0 : index
    %swap3A_1274 = arith.constant 47 : index
    %swap3A_1275 = vector.load %arg4[%swap3A_1272, %swap3A_1273, %swap3A_1274] : memref<1x128x64xi32, #tpu.memory_space<vmem>>, vector<1x128x1xi32>
    %swap3A_1276 = vector.shape_cast %swap3A_1275 : vector<1x128x1xi32> to vector<128x1xi32>
    %swap3A_1277 = vector.shape_cast %add3A_1271 : vector<128x1xi32> to vector<1x128x1xi32>
    tpu.vector_store %arg4[%swap3A_1272, %swap3A_1273, %swap3A_1274], %swap3A_1277 {strides = array<i32>} : memref<1x128x64xi32, #tpu.memory_space<vmem>>, vector<1x128x1xi32>,
    %ge3A_1278 = arith.constant 49 : i32
    %ge3A_1279 = vector.broadcast %ge3A_1278 : i32 to vector<128x1x1xi32>
    %ge3A_1280 = arith.cmpi sge, %convert_element_type3A_71, %ge3A_1279 : vector<128x1x1xi32>
    %jit3A_1281 = arith.constant 49 : i32
    %jit3A_1282 = arith.constant 1 : i32
    %broadcast_in_dim3A_1283 = vector.broadcast %jit3A_1281 : i32 to vector<128x1x1xi32>
    %broadcast_in_dim3A_1284 = vector.broadcast %jit3A_1282 : i32 to vector<128x1x1xi32>
    %select_n3A_1285 = arith.select %ge3A_1280, %broadcast_in_dim3A_1283, %broadcast_in_dim3A_1284 : vector<128x1x1xi1>, vector<128x1x1xi32>
    %eq3A_1286 = vector.broadcast %select_n3A_1285 : vector<128x1x1xi32> to vector<128x4x128xi32>
    %eq3A_1287 = arith.cmpi eq, %select_n3A, %eq3A_1286 : vector<128x4x128xi32>
    %jit3A_1288 = arith.constant 512 : i32
    %broadcast_in_dim3A_1289 = vector.broadcast %jit3A_1288 : i32 to vector<128x4x128xi32>
    %select_n3A_1290 = arith.select %eq3A_1287, %add3A_80, %broadcast_in_dim3A_1289 : vector<128x4x128xi1>, vector<128x4x128xi32>
    %reduce_min3A_1291 = arith.constant dense<2147483647> : vector<128xi32>
    %reduce_min3A_1292 = vector.multi_reduction <minsi>, %select_n3A_1290, %reduce_min3A_1291 [1, 2] : vector<128x4x128xi32> to vector<128xi32>
    %broadcast_in_dim3A_1293 = vector.shape_cast %reduce_min3A_1292 : vector<128xi32> to vector<128x1x1xi32>
    %squeeze3A_1294 = vector.shape_cast %broadcast_in_dim3A_1293 : vector<128x1x1xi32> to vector<128x1xi32>
    %add3A_1295 = vector.broadcast %mul3A_82 : i32 to vector<128x1xi32>
    %add3A_1296 = arith.addi %squeeze3A_1294, %add3A_1295 : vector<128x1xi32>
    %swap3A_1297 = arith.constant 0 : index
    %swap3A_1298 = arith.constant 0 : index
    %swap3A_1299 = arith.constant 48 : index
    %swap3A_1300 = vector.load %arg4[%swap3A_1297, %swap3A_1298, %swap3A_1299] : memref<1x128x64xi32, #tpu.memory_space<vmem>>, vector<1x128x1xi32>
    %swap3A_1301 = vector.shape_cast %swap3A_1300 : vector<1x128x1xi32> to vector<128x1xi32>
    %swap3A_1302 = vector.shape_cast %add3A_1296 : vector<128x1xi32> to vector<1x128x1xi32>
    tpu.vector_store %arg4[%swap3A_1297, %swap3A_1298, %swap3A_1299], %swap3A_1302 {strides = array<i32>} : memref<1x128x64xi32, #tpu.memory_space<vmem>>, vector<1x128x1xi32>,
    %ge3A_1303 = arith.constant 50 : i32
    %ge3A_1304 = vector.broadcast %ge3A_1303 : i32 to vector<128x1x1xi32>
    %ge3A_1305 = arith.cmpi sge, %convert_element_type3A_71, %ge3A_1304 : vector<128x1x1xi32>
    %jit3A_1306 = arith.constant 50 : i32
    %jit3A_1307 = arith.constant 1 : i32
    %broadcast_in_dim3A_1308 = vector.broadcast %jit3A_1306 : i32 to vector<128x1x1xi32>
    %broadcast_in_dim3A_1309 = vector.broadcast %jit3A_1307 : i32 to vector<128x1x1xi32>
    %select_n3A_1310 = arith.select %ge3A_1305, %broadcast_in_dim3A_1308, %broadcast_in_dim3A_1309 : vector<128x1x1xi1>, vector<128x1x1xi32>
    %eq3A_1311 = vector.broadcast %select_n3A_1310 : vector<128x1x1xi32> to vector<128x4x128xi32>
    %eq3A_1312 = arith.cmpi eq, %select_n3A, %eq3A_1311 : vector<128x4x128xi32>
    %jit3A_1313 = arith.constant 512 : i32
    %broadcast_in_dim3A_1314 = vector.broadcast %jit3A_1313 : i32 to vector<128x4x128xi32>
    %select_n3A_1315 = arith.select %eq3A_1312, %add3A_80, %broadcast_in_dim3A_1314 : vector<128x4x128xi1>, vector<128x4x128xi32>
    %reduce_min3A_1316 = arith.constant dense<2147483647> : vector<128xi32>
    %reduce_min3A_1317 = vector.multi_reduction <minsi>, %select_n3A_1315, %reduce_min3A_1316 [1, 2] : vector<128x4x128xi32> to vector<128xi32>
    %broadcast_in_dim3A_1318 = vector.shape_cast %reduce_min3A_1317 : vector<128xi32> to vector<128x1x1xi32>
    %squeeze3A_1319 = vector.shape_cast %broadcast_in_dim3A_1318 : vector<128x1x1xi32> to vector<128x1xi32>
    %add3A_1320 = vector.broadcast %mul3A_82 : i32 to vector<128x1xi32>
    %add3A_1321 = arith.addi %squeeze3A_1319, %add3A_1320 : vector<128x1xi32>
    %swap3A_1322 = arith.constant 0 : index
    %swap3A_1323 = arith.constant 0 : index
    %swap3A_1324 = arith.constant 49 : index
    %swap3A_1325 = vector.load %arg4[%swap3A_1322, %swap3A_1323, %swap3A_1324] : memref<1x128x64xi32, #tpu.memory_space<vmem>>, vector<1x128x1xi32>
    %swap3A_1326 = vector.shape_cast %swap3A_1325 : vector<1x128x1xi32> to vector<128x1xi32>
    %swap3A_1327 = vector.shape_cast %add3A_1321 : vector<128x1xi32> to vector<1x128x1xi32>
    tpu.vector_store %arg4[%swap3A_1322, %swap3A_1323, %swap3A_1324], %swap3A_1327 {strides = array<i32>} : memref<1x128x64xi32, #tpu.memory_space<vmem>>, vector<1x128x1xi32>,
    %ge3A_1328 = arith.constant 51 : i32
    %ge3A_1329 = vector.broadcast %ge3A_1328 : i32 to vector<128x1x1xi32>
    %ge3A_1330 = arith.cmpi sge, %convert_element_type3A_71, %ge3A_1329 : vector<128x1x1xi32>
    %jit3A_1331 = arith.constant 51 : i32
    %jit3A_1332 = arith.constant 1 : i32
    %broadcast_in_dim3A_1333 = vector.broadcast %jit3A_1331 : i32 to vector<128x1x1xi32>
    %broadcast_in_dim3A_1334 = vector.broadcast %jit3A_1332 : i32 to vector<128x1x1xi32>
    %select_n3A_1335 = arith.select %ge3A_1330, %broadcast_in_dim3A_1333, %broadcast_in_dim3A_1334 : vector<128x1x1xi1>, vector<128x1x1xi32>
    %eq3A_1336 = vector.broadcast %select_n3A_1335 : vector<128x1x1xi32> to vector<128x4x128xi32>
    %eq3A_1337 = arith.cmpi eq, %select_n3A, %eq3A_1336 : vector<128x4x128xi32>
    %jit3A_1338 = arith.constant 512 : i32
    %broadcast_in_dim3A_1339 = vector.broadcast %jit3A_1338 : i32 to vector<128x4x128xi32>
    %select_n3A_1340 = arith.select %eq3A_1337, %add3A_80, %broadcast_in_dim3A_1339 : vector<128x4x128xi1>, vector<128x4x128xi32>
    %reduce_min3A_1341 = arith.constant dense<2147483647> : vector<128xi32>
    %reduce_min3A_1342 = vector.multi_reduction <minsi>, %select_n3A_1340, %reduce_min3A_1341 [1, 2] : vector<128x4x128xi32> to vector<128xi32>
    %broadcast_in_dim3A_1343 = vector.shape_cast %reduce_min3A_1342 : vector<128xi32> to vector<128x1x1xi32>
    %squeeze3A_1344 = vector.shape_cast %broadcast_in_dim3A_1343 : vector<128x1x1xi32> to vector<128x1xi32>
    %add3A_1345 = vector.broadcast %mul3A_82 : i32 to vector<128x1xi32>
    %add3A_1346 = arith.addi %squeeze3A_1344, %add3A_1345 : vector<128x1xi32>
    %swap3A_1347 = arith.constant 0 : index
    %swap3A_1348 = arith.constant 0 : index
    %swap3A_1349 = arith.constant 50 : index
    %swap3A_1350 = vector.load %arg4[%swap3A_1347, %swap3A_1348, %swap3A_1349] : memref<1x128x64xi32, #tpu.memory_space<vmem>>, vector<1x128x1xi32>
    %swap3A_1351 = vector.shape_cast %swap3A_1350 : vector<1x128x1xi32> to vector<128x1xi32>
    %swap3A_1352 = vector.shape_cast %add3A_1346 : vector<128x1xi32> to vector<1x128x1xi32>
    tpu.vector_store %arg4[%swap3A_1347, %swap3A_1348, %swap3A_1349], %swap3A_1352 {strides = array<i32>} : memref<1x128x64xi32, #tpu.memory_space<vmem>>, vector<1x128x1xi32>,
    %ge3A_1353 = arith.constant 52 : i32
    %ge3A_1354 = vector.broadcast %ge3A_1353 : i32 to vector<128x1x1xi32>
    %ge3A_1355 = arith.cmpi sge, %convert_element_type3A_71, %ge3A_1354 : vector<128x1x1xi32>
    %jit3A_1356 = arith.constant 52 : i32
    %jit3A_1357 = arith.constant 1 : i32
    %broadcast_in_dim3A_1358 = vector.broadcast %jit3A_1356 : i32 to vector<128x1x1xi32>
    %broadcast_in_dim3A_1359 = vector.broadcast %jit3A_1357 : i32 to vector<128x1x1xi32>
    %select_n3A_1360 = arith.select %ge3A_1355, %broadcast_in_dim3A_1358, %broadcast_in_dim3A_1359 : vector<128x1x1xi1>, vector<128x1x1xi32>
    %eq3A_1361 = vector.broadcast %select_n3A_1360 : vector<128x1x1xi32> to vector<128x4x128xi32>
    %eq3A_1362 = arith.cmpi eq, %select_n3A, %eq3A_1361 : vector<128x4x128xi32>
    %jit3A_1363 = arith.constant 512 : i32
    %broadcast_in_dim3A_1364 = vector.broadcast %jit3A_1363 : i32 to vector<128x4x128xi32>
    %select_n3A_1365 = arith.select %eq3A_1362, %add3A_80, %broadcast_in_dim3A_1364 : vector<128x4x128xi1>, vector<128x4x128xi32>
    %reduce_min3A_1366 = arith.constant dense<2147483647> : vector<128xi32>
    %reduce_min3A_1367 = vector.multi_reduction <minsi>, %select_n3A_1365, %reduce_min3A_1366 [1, 2] : vector<128x4x128xi32> to vector<128xi32>
    %broadcast_in_dim3A_1368 = vector.shape_cast %reduce_min3A_1367 : vector<128xi32> to vector<128x1x1xi32>
    %squeeze3A_1369 = vector.shape_cast %broadcast_in_dim3A_1368 : vector<128x1x1xi32> to vector<128x1xi32>
    %add3A_1370 = vector.broadcast %mul3A_82 : i32 to vector<128x1xi32>
    %add3A_1371 = arith.addi %squeeze3A_1369, %add3A_1370 : vector<128x1xi32>
    %swap3A_1372 = arith.constant 0 : index
    %swap3A_1373 = arith.constant 0 : index
    %swap3A_1374 = arith.constant 51 : index
    %swap3A_1375 = vector.load %arg4[%swap3A_1372, %swap3A_1373, %swap3A_1374] : memref<1x128x64xi32, #tpu.memory_space<vmem>>, vector<1x128x1xi32>
    %swap3A_1376 = vector.shape_cast %swap3A_1375 : vector<1x128x1xi32> to vector<128x1xi32>
    %swap3A_1377 = vector.shape_cast %add3A_1371 : vector<128x1xi32> to vector<1x128x1xi32>
    tpu.vector_store %arg4[%swap3A_1372, %swap3A_1373, %swap3A_1374], %swap3A_1377 {strides = array<i32>} : memref<1x128x64xi32, #tpu.memory_space<vmem>>, vector<1x128x1xi32>,
    %ge3A_1378 = arith.constant 53 : i32
    %ge3A_1379 = vector.broadcast %ge3A_1378 : i32 to vector<128x1x1xi32>
    %ge3A_1380 = arith.cmpi sge, %convert_element_type3A_71, %ge3A_1379 : vector<128x1x1xi32>
    %jit3A_1381 = arith.constant 53 : i32
    %jit3A_1382 = arith.constant 1 : i32
    %broadcast_in_dim3A_1383 = vector.broadcast %jit3A_1381 : i32 to vector<128x1x1xi32>
    %broadcast_in_dim3A_1384 = vector.broadcast %jit3A_1382 : i32 to vector<128x1x1xi32>
    %select_n3A_1385 = arith.select %ge3A_1380, %broadcast_in_dim3A_1383, %broadcast_in_dim3A_1384 : vector<128x1x1xi1>, vector<128x1x1xi32>
    %eq3A_1386 = vector.broadcast %select_n3A_1385 : vector<128x1x1xi32> to vector<128x4x128xi32>
    %eq3A_1387 = arith.cmpi eq, %select_n3A, %eq3A_1386 : vector<128x4x128xi32>
    %jit3A_1388 = arith.constant 512 : i32
    %broadcast_in_dim3A_1389 = vector.broadcast %jit3A_1388 : i32 to vector<128x4x128xi32>
    %select_n3A_1390 = arith.select %eq3A_1387, %add3A_80, %broadcast_in_dim3A_1389 : vector<128x4x128xi1>, vector<128x4x128xi32>
    %reduce_min3A_1391 = arith.constant dense<2147483647> : vector<128xi32>
    %reduce_min3A_1392 = vector.multi_reduction <minsi>, %select_n3A_1390, %reduce_min3A_1391 [1, 2] : vector<128x4x128xi32> to vector<128xi32>
    %broadcast_in_dim3A_1393 = vector.shape_cast %reduce_min3A_1392 : vector<128xi32> to vector<128x1x1xi32>
    %squeeze3A_1394 = vector.shape_cast %broadcast_in_dim3A_1393 : vector<128x1x1xi32> to vector<128x1xi32>
    %add3A_1395 = vector.broadcast %mul3A_82 : i32 to vector<128x1xi32>
    %add3A_1396 = arith.addi %squeeze3A_1394, %add3A_1395 : vector<128x1xi32>
    %swap3A_1397 = arith.constant 0 : index
    %swap3A_1398 = arith.constant 0 : index
    %swap3A_1399 = arith.constant 52 : index
    %swap3A_1400 = vector.load %arg4[%swap3A_1397, %swap3A_1398, %swap3A_1399] : memref<1x128x64xi32, #tpu.memory_space<vmem>>, vector<1x128x1xi32>
    %swap3A_1401 = vector.shape_cast %swap3A_1400 : vector<1x128x1xi32> to vector<128x1xi32>
    %swap3A_1402 = vector.shape_cast %add3A_1396 : vector<128x1xi32> to vector<1x128x1xi32>
    tpu.vector_store %arg4[%swap3A_1397, %swap3A_1398, %swap3A_1399], %swap3A_1402 {strides = array<i32>} : memref<1x128x64xi32, #tpu.memory_space<vmem>>, vector<1x128x1xi32>,
    %ge3A_1403 = arith.constant 54 : i32
    %ge3A_1404 = vector.broadcast %ge3A_1403 : i32 to vector<128x1x1xi32>
    %ge3A_1405 = arith.cmpi sge, %convert_element_type3A_71, %ge3A_1404 : vector<128x1x1xi32>
    %jit3A_1406 = arith.constant 54 : i32
    %jit3A_1407 = arith.constant 1 : i32
    %broadcast_in_dim3A_1408 = vector.broadcast %jit3A_1406 : i32 to vector<128x1x1xi32>
    %broadcast_in_dim3A_1409 = vector.broadcast %jit3A_1407 : i32 to vector<128x1x1xi32>
    %select_n3A_1410 = arith.select %ge3A_1405, %broadcast_in_dim3A_1408, %broadcast_in_dim3A_1409 : vector<128x1x1xi1>, vector<128x1x1xi32>
    %eq3A_1411 = vector.broadcast %select_n3A_1410 : vector<128x1x1xi32> to vector<128x4x128xi32>
    %eq3A_1412 = arith.cmpi eq, %select_n3A, %eq3A_1411 : vector<128x4x128xi32>
    %jit3A_1413 = arith.constant 512 : i32
    %broadcast_in_dim3A_1414 = vector.broadcast %jit3A_1413 : i32 to vector<128x4x128xi32>
    %select_n3A_1415 = arith.select %eq3A_1412, %add3A_80, %broadcast_in_dim3A_1414 : vector<128x4x128xi1>, vector<128x4x128xi32>
    %reduce_min3A_1416 = arith.constant dense<2147483647> : vector<128xi32>
    %reduce_min3A_1417 = vector.multi_reduction <minsi>, %select_n3A_1415, %reduce_min3A_1416 [1, 2] : vector<128x4x128xi32> to vector<128xi32>
    %broadcast_in_dim3A_1418 = vector.shape_cast %reduce_min3A_1417 : vector<128xi32> to vector<128x1x1xi32>
    %squeeze3A_1419 = vector.shape_cast %broadcast_in_dim3A_1418 : vector<128x1x1xi32> to vector<128x1xi32>
    %add3A_1420 = vector.broadcast %mul3A_82 : i32 to vector<128x1xi32>
    %add3A_1421 = arith.addi %squeeze3A_1419, %add3A_1420 : vector<128x1xi32>
    %swap3A_1422 = arith.constant 0 : index
    %swap3A_1423 = arith.constant 0 : index
    %swap3A_1424 = arith.constant 53 : index
    %swap3A_1425 = vector.load %arg4[%swap3A_1422, %swap3A_1423, %swap3A_1424] : memref<1x128x64xi32, #tpu.memory_space<vmem>>, vector<1x128x1xi32>
    %swap3A_1426 = vector.shape_cast %swap3A_1425 : vector<1x128x1xi32> to vector<128x1xi32>
    %swap3A_1427 = vector.shape_cast %add3A_1421 : vector<128x1xi32> to vector<1x128x1xi32>
    tpu.vector_store %arg4[%swap3A_1422, %swap3A_1423, %swap3A_1424], %swap3A_1427 {strides = array<i32>} : memref<1x128x64xi32, #tpu.memory_space<vmem>>, vector<1x128x1xi32>,
    %ge3A_1428 = arith.constant 55 : i32
    %ge3A_1429 = vector.broadcast %ge3A_1428 : i32 to vector<128x1x1xi32>
    %ge3A_1430 = arith.cmpi sge, %convert_element_type3A_71, %ge3A_1429 : vector<128x1x1xi32>
    %jit3A_1431 = arith.constant 55 : i32
    %jit3A_1432 = arith.constant 1 : i32
    %broadcast_in_dim3A_1433 = vector.broadcast %jit3A_1431 : i32 to vector<128x1x1xi32>
    %broadcast_in_dim3A_1434 = vector.broadcast %jit3A_1432 : i32 to vector<128x1x1xi32>
    %select_n3A_1435 = arith.select %ge3A_1430, %broadcast_in_dim3A_1433, %broadcast_in_dim3A_1434 : vector<128x1x1xi1>, vector<128x1x1xi32>
    %eq3A_1436 = vector.broadcast %select_n3A_1435 : vector<128x1x1xi32> to vector<128x4x128xi32>
    %eq3A_1437 = arith.cmpi eq, %select_n3A, %eq3A_1436 : vector<128x4x128xi32>
    %jit3A_1438 = arith.constant 512 : i32
    %broadcast_in_dim3A_1439 = vector.broadcast %jit3A_1438 : i32 to vector<128x4x128xi32>
    %select_n3A_1440 = arith.select %eq3A_1437, %add3A_80, %broadcast_in_dim3A_1439 : vector<128x4x128xi1>, vector<128x4x128xi32>
    %reduce_min3A_1441 = arith.constant dense<2147483647> : vector<128xi32>
    %reduce_min3A_1442 = vector.multi_reduction <minsi>, %select_n3A_1440, %reduce_min3A_1441 [1, 2] : vector<128x4x128xi32> to vector<128xi32>
    %broadcast_in_dim3A_1443 = vector.shape_cast %reduce_min3A_1442 : vector<128xi32> to vector<128x1x1xi32>
    %squeeze3A_1444 = vector.shape_cast %broadcast_in_dim3A_1443 : vector<128x1x1xi32> to vector<128x1xi32>
    %add3A_1445 = vector.broadcast %mul3A_82 : i32 to vector<128x1xi32>
    %add3A_1446 = arith.addi %squeeze3A_1444, %add3A_1445 : vector<128x1xi32>
    %swap3A_1447 = arith.constant 0 : index
    %swap3A_1448 = arith.constant 0 : index
    %swap3A_1449 = arith.constant 54 : index
    %swap3A_1450 = vector.load %arg4[%swap3A_1447, %swap3A_1448, %swap3A_1449] : memref<1x128x64xi32, #tpu.memory_space<vmem>>, vector<1x128x1xi32>
    %swap3A_1451 = vector.shape_cast %swap3A_1450 : vector<1x128x1xi32> to vector<128x1xi32>
    %swap3A_1452 = vector.shape_cast %add3A_1446 : vector<128x1xi32> to vector<1x128x1xi32>
    tpu.vector_store %arg4[%swap3A_1447, %swap3A_1448, %swap3A_1449], %swap3A_1452 {strides = array<i32>} : memref<1x128x64xi32, #tpu.memory_space<vmem>>, vector<1x128x1xi32>,
    %ge3A_1453 = arith.constant 56 : i32
    %ge3A_1454 = vector.broadcast %ge3A_1453 : i32 to vector<128x1x1xi32>
    %ge3A_1455 = arith.cmpi sge, %convert_element_type3A_71, %ge3A_1454 : vector<128x1x1xi32>
    %jit3A_1456 = arith.constant 56 : i32
    %jit3A_1457 = arith.constant 1 : i32
    %broadcast_in_dim3A_1458 = vector.broadcast %jit3A_1456 : i32 to vector<128x1x1xi32>
    %broadcast_in_dim3A_1459 = vector.broadcast %jit3A_1457 : i32 to vector<128x1x1xi32>
    %select_n3A_1460 = arith.select %ge3A_1455, %broadcast_in_dim3A_1458, %broadcast_in_dim3A_1459 : vector<128x1x1xi1>, vector<128x1x1xi32>
    %eq3A_1461 = vector.broadcast %select_n3A_1460 : vector<128x1x1xi32> to vector<128x4x128xi32>
    %eq3A_1462 = arith.cmpi eq, %select_n3A, %eq3A_1461 : vector<128x4x128xi32>
    %jit3A_1463 = arith.constant 512 : i32
    %broadcast_in_dim3A_1464 = vector.broadcast %jit3A_1463 : i32 to vector<128x4x128xi32>
    %select_n3A_1465 = arith.select %eq3A_1462, %add3A_80, %broadcast_in_dim3A_1464 : vector<128x4x128xi1>, vector<128x4x128xi32>
    %reduce_min3A_1466 = arith.constant dense<2147483647> : vector<128xi32>
    %reduce_min3A_1467 = vector.multi_reduction <minsi>, %select_n3A_1465, %reduce_min3A_1466 [1, 2] : vector<128x4x128xi32> to vector<128xi32>
    %broadcast_in_dim3A_1468 = vector.shape_cast %reduce_min3A_1467 : vector<128xi32> to vector<128x1x1xi32>
    %squeeze3A_1469 = vector.shape_cast %broadcast_in_dim3A_1468 : vector<128x1x1xi32> to vector<128x1xi32>
    %add3A_1470 = vector.broadcast %mul3A_82 : i32 to vector<128x1xi32>
    %add3A_1471 = arith.addi %squeeze3A_1469, %add3A_1470 : vector<128x1xi32>
    %swap3A_1472 = arith.constant 0 : index
    %swap3A_1473 = arith.constant 0 : index
    %swap3A_1474 = arith.constant 55 : index
    %swap3A_1475 = vector.load %arg4[%swap3A_1472, %swap3A_1473, %swap3A_1474] : memref<1x128x64xi32, #tpu.memory_space<vmem>>, vector<1x128x1xi32>
    %swap3A_1476 = vector.shape_cast %swap3A_1475 : vector<1x128x1xi32> to vector<128x1xi32>
    %swap3A_1477 = vector.shape_cast %add3A_1471 : vector<128x1xi32> to vector<1x128x1xi32>
    tpu.vector_store %arg4[%swap3A_1472, %swap3A_1473, %swap3A_1474], %swap3A_1477 {strides = array<i32>} : memref<1x128x64xi32, #tpu.memory_space<vmem>>, vector<1x128x1xi32>,
    %ge3A_1478 = arith.constant 57 : i32
    %ge3A_1479 = vector.broadcast %ge3A_1478 : i32 to vector<128x1x1xi32>
    %ge3A_1480 = arith.cmpi sge, %convert_element_type3A_71, %ge3A_1479 : vector<128x1x1xi32>
    %jit3A_1481 = arith.constant 57 : i32
    %jit3A_1482 = arith.constant 1 : i32
    %broadcast_in_dim3A_1483 = vector.broadcast %jit3A_1481 : i32 to vector<128x1x1xi32>
    %broadcast_in_dim3A_1484 = vector.broadcast %jit3A_1482 : i32 to vector<128x1x1xi32>
    %select_n3A_1485 = arith.select %ge3A_1480, %broadcast_in_dim3A_1483, %broadcast_in_dim3A_1484 : vector<128x1x1xi1>, vector<128x1x1xi32>
    %eq3A_1486 = vector.broadcast %select_n3A_1485 : vector<128x1x1xi32> to vector<128x4x128xi32>
    %eq3A_1487 = arith.cmpi eq, %select_n3A, %eq3A_1486 : vector<128x4x128xi32>
    %jit3A_1488 = arith.constant 512 : i32
    %broadcast_in_dim3A_1489 = vector.broadcast %jit3A_1488 : i32 to vector<128x4x128xi32>
    %select_n3A_1490 = arith.select %eq3A_1487, %add3A_80, %broadcast_in_dim3A_1489 : vector<128x4x128xi1>, vector<128x4x128xi32>
    %reduce_min3A_1491 = arith.constant dense<2147483647> : vector<128xi32>
    %reduce_min3A_1492 = vector.multi_reduction <minsi>, %select_n3A_1490, %reduce_min3A_1491 [1, 2] : vector<128x4x128xi32> to vector<128xi32>
    %broadcast_in_dim3A_1493 = vector.shape_cast %reduce_min3A_1492 : vector<128xi32> to vector<128x1x1xi32>
    %squeeze3A_1494 = vector.shape_cast %broadcast_in_dim3A_1493 : vector<128x1x1xi32> to vector<128x1xi32>
    %add3A_1495 = vector.broadcast %mul3A_82 : i32 to vector<128x1xi32>
    %add3A_1496 = arith.addi %squeeze3A_1494, %add3A_1495 : vector<128x1xi32>
    %swap3A_1497 = arith.constant 0 : index
    %swap3A_1498 = arith.constant 0 : index
    %swap3A_1499 = arith.constant 56 : index
    %swap3A_1500 = vector.load %arg4[%swap3A_1497, %swap3A_1498, %swap3A_1499] : memref<1x128x64xi32, #tpu.memory_space<vmem>>, vector<1x128x1xi32>
    %swap3A_1501 = vector.shape_cast %swap3A_1500 : vector<1x128x1xi32> to vector<128x1xi32>
    %swap3A_1502 = vector.shape_cast %add3A_1496 : vector<128x1xi32> to vector<1x128x1xi32>
    tpu.vector_store %arg4[%swap3A_1497, %swap3A_1498, %swap3A_1499], %swap3A_1502 {strides = array<i32>} : memref<1x128x64xi32, #tpu.memory_space<vmem>>, vector<1x128x1xi32>,
    %ge3A_1503 = arith.constant 58 : i32
    %ge3A_1504 = vector.broadcast %ge3A_1503 : i32 to vector<128x1x1xi32>
    %ge3A_1505 = arith.cmpi sge, %convert_element_type3A_71, %ge3A_1504 : vector<128x1x1xi32>
    %jit3A_1506 = arith.constant 58 : i32
    %jit3A_1507 = arith.constant 1 : i32
    %broadcast_in_dim3A_1508 = vector.broadcast %jit3A_1506 : i32 to vector<128x1x1xi32>
    %broadcast_in_dim3A_1509 = vector.broadcast %jit3A_1507 : i32 to vector<128x1x1xi32>
    %select_n3A_1510 = arith.select %ge3A_1505, %broadcast_in_dim3A_1508, %broadcast_in_dim3A_1509 : vector<128x1x1xi1>, vector<128x1x1xi32>
    %eq3A_1511 = vector.broadcast %select_n3A_1510 : vector<128x1x1xi32> to vector<128x4x128xi32>
    %eq3A_1512 = arith.cmpi eq, %select_n3A, %eq3A_1511 : vector<128x4x128xi32>
    %jit3A_1513 = arith.constant 512 : i32
    %broadcast_in_dim3A_1514 = vector.broadcast %jit3A_1513 : i32 to vector<128x4x128xi32>
    %select_n3A_1515 = arith.select %eq3A_1512, %add3A_80, %broadcast_in_dim3A_1514 : vector<128x4x128xi1>, vector<128x4x128xi32>
    %reduce_min3A_1516 = arith.constant dense<2147483647> : vector<128xi32>
    %reduce_min3A_1517 = vector.multi_reduction <minsi>, %select_n3A_1515, %reduce_min3A_1516 [1, 2] : vector<128x4x128xi32> to vector<128xi32>
    %broadcast_in_dim3A_1518 = vector.shape_cast %reduce_min3A_1517 : vector<128xi32> to vector<128x1x1xi32>
    %squeeze3A_1519 = vector.shape_cast %broadcast_in_dim3A_1518 : vector<128x1x1xi32> to vector<128x1xi32>
    %add3A_1520 = vector.broadcast %mul3A_82 : i32 to vector<128x1xi32>
    %add3A_1521 = arith.addi %squeeze3A_1519, %add3A_1520 : vector<128x1xi32>
    %swap3A_1522 = arith.constant 0 : index
    %swap3A_1523 = arith.constant 0 : index
    %swap3A_1524 = arith.constant 57 : index
    %swap3A_1525 = vector.load %arg4[%swap3A_1522, %swap3A_1523, %swap3A_1524] : memref<1x128x64xi32, #tpu.memory_space<vmem>>, vector<1x128x1xi32>
    %swap3A_1526 = vector.shape_cast %swap3A_1525 : vector<1x128x1xi32> to vector<128x1xi32>
    %swap3A_1527 = vector.shape_cast %add3A_1521 : vector<128x1xi32> to vector<1x128x1xi32>
    tpu.vector_store %arg4[%swap3A_1522, %swap3A_1523, %swap3A_1524], %swap3A_1527 {strides = array<i32>} : memref<1x128x64xi32, #tpu.memory_space<vmem>>, vector<1x128x1xi32>,
    %ge3A_1528 = arith.constant 59 : i32
    %ge3A_1529 = vector.broadcast %ge3A_1528 : i32 to vector<128x1x1xi32>
    %ge3A_1530 = arith.cmpi sge, %convert_element_type3A_71, %ge3A_1529 : vector<128x1x1xi32>
    %jit3A_1531 = arith.constant 59 : i32
    %jit3A_1532 = arith.constant 1 : i32
    %broadcast_in_dim3A_1533 = vector.broadcast %jit3A_1531 : i32 to vector<128x1x1xi32>
    %broadcast_in_dim3A_1534 = vector.broadcast %jit3A_1532 : i32 to vector<128x1x1xi32>
    %select_n3A_1535 = arith.select %ge3A_1530, %broadcast_in_dim3A_1533, %broadcast_in_dim3A_1534 : vector<128x1x1xi1>, vector<128x1x1xi32>
    %eq3A_1536 = vector.broadcast %select_n3A_1535 : vector<128x1x1xi32> to vector<128x4x128xi32>
    %eq3A_1537 = arith.cmpi eq, %select_n3A, %eq3A_1536 : vector<128x4x128xi32>
    %jit3A_1538 = arith.constant 512 : i32
    %broadcast_in_dim3A_1539 = vector.broadcast %jit3A_1538 : i32 to vector<128x4x128xi32>
    %select_n3A_1540 = arith.select %eq3A_1537, %add3A_80, %broadcast_in_dim3A_1539 : vector<128x4x128xi1>, vector<128x4x128xi32>
    %reduce_min3A_1541 = arith.constant dense<2147483647> : vector<128xi32>
    %reduce_min3A_1542 = vector.multi_reduction <minsi>, %select_n3A_1540, %reduce_min3A_1541 [1, 2] : vector<128x4x128xi32> to vector<128xi32>
    %broadcast_in_dim3A_1543 = vector.shape_cast %reduce_min3A_1542 : vector<128xi32> to vector<128x1x1xi32>
    %squeeze3A_1544 = vector.shape_cast %broadcast_in_dim3A_1543 : vector<128x1x1xi32> to vector<128x1xi32>
    %add3A_1545 = vector.broadcast %mul3A_82 : i32 to vector<128x1xi32>
    %add3A_1546 = arith.addi %squeeze3A_1544, %add3A_1545 : vector<128x1xi32>
    %swap3A_1547 = arith.constant 0 : index
    %swap3A_1548 = arith.constant 0 : index
    %swap3A_1549 = arith.constant 58 : index
    %swap3A_1550 = vector.load %arg4[%swap3A_1547, %swap3A_1548, %swap3A_1549] : memref<1x128x64xi32, #tpu.memory_space<vmem>>, vector<1x128x1xi32>
    %swap3A_1551 = vector.shape_cast %swap3A_1550 : vector<1x128x1xi32> to vector<128x1xi32>
    %swap3A_1552 = vector.shape_cast %add3A_1546 : vector<128x1xi32> to vector<1x128x1xi32>
    tpu.vector_store %arg4[%swap3A_1547, %swap3A_1548, %swap3A_1549], %swap3A_1552 {strides = array<i32>} : memref<1x128x64xi32, #tpu.memory_space<vmem>>, vector<1x128x1xi32>,
    %ge3A_1553 = arith.constant 60 : i32
    %ge3A_1554 = vector.broadcast %ge3A_1553 : i32 to vector<128x1x1xi32>
    %ge3A_1555 = arith.cmpi sge, %convert_element_type3A_71, %ge3A_1554 : vector<128x1x1xi32>
    %jit3A_1556 = arith.constant 60 : i32
    %jit3A_1557 = arith.constant 1 : i32
    %broadcast_in_dim3A_1558 = vector.broadcast %jit3A_1556 : i32 to vector<128x1x1xi32>
    %broadcast_in_dim3A_1559 = vector.broadcast %jit3A_1557 : i32 to vector<128x1x1xi32>
    %select_n3A_1560 = arith.select %ge3A_1555, %broadcast_in_dim3A_1558, %broadcast_in_dim3A_1559 : vector<128x1x1xi1>, vector<128x1x1xi32>
    %eq3A_1561 = vector.broadcast %select_n3A_1560 : vector<128x1x1xi32> to vector<128x4x128xi32>
    %eq3A_1562 = arith.cmpi eq, %select_n3A, %eq3A_1561 : vector<128x4x128xi32>
    %jit3A_1563 = arith.constant 512 : i32
    %broadcast_in_dim3A_1564 = vector.broadcast %jit3A_1563 : i32 to vector<128x4x128xi32>
    %select_n3A_1565 = arith.select %eq3A_1562, %add3A_80, %broadcast_in_dim3A_1564 : vector<128x4x128xi1>, vector<128x4x128xi32>
    %reduce_min3A_1566 = arith.constant dense<2147483647> : vector<128xi32>
    %reduce_min3A_1567 = vector.multi_reduction <minsi>, %select_n3A_1565, %reduce_min3A_1566 [1, 2] : vector<128x4x128xi32> to vector<128xi32>
    %broadcast_in_dim3A_1568 = vector.shape_cast %reduce_min3A_1567 : vector<128xi32> to vector<128x1x1xi32>
    %squeeze3A_1569 = vector.shape_cast %broadcast_in_dim3A_1568 : vector<128x1x1xi32> to vector<128x1xi32>
    %add3A_1570 = vector.broadcast %mul3A_82 : i32 to vector<128x1xi32>
    %add3A_1571 = arith.addi %squeeze3A_1569, %add3A_1570 : vector<128x1xi32>
    %swap3A_1572 = arith.constant 0 : index
    %swap3A_1573 = arith.constant 0 : index
    %swap3A_1574 = arith.constant 59 : index
    %swap3A_1575 = vector.load %arg4[%swap3A_1572, %swap3A_1573, %swap3A_1574] : memref<1x128x64xi32, #tpu.memory_space<vmem>>, vector<1x128x1xi32>
    %swap3A_1576 = vector.shape_cast %swap3A_1575 : vector<1x128x1xi32> to vector<128x1xi32>
    %swap3A_1577 = vector.shape_cast %add3A_1571 : vector<128x1xi32> to vector<1x128x1xi32>
    tpu.vector_store %arg4[%swap3A_1572, %swap3A_1573, %swap3A_1574], %swap3A_1577 {strides = array<i32>} : memref<1x128x64xi32, #tpu.memory_space<vmem>>, vector<1x128x1xi32>,
    %ge3A_1578 = arith.constant 61 : i32
    %ge3A_1579 = vector.broadcast %ge3A_1578 : i32 to vector<128x1x1xi32>
    %ge3A_1580 = arith.cmpi sge, %convert_element_type3A_71, %ge3A_1579 : vector<128x1x1xi32>
    %jit3A_1581 = arith.constant 61 : i32
    %jit3A_1582 = arith.constant 1 : i32
    %broadcast_in_dim3A_1583 = vector.broadcast %jit3A_1581 : i32 to vector<128x1x1xi32>
    %broadcast_in_dim3A_1584 = vector.broadcast %jit3A_1582 : i32 to vector<128x1x1xi32>
    %select_n3A_1585 = arith.select %ge3A_1580, %broadcast_in_dim3A_1583, %broadcast_in_dim3A_1584 : vector<128x1x1xi1>, vector<128x1x1xi32>
    %eq3A_1586 = vector.broadcast %select_n3A_1585 : vector<128x1x1xi32> to vector<128x4x128xi32>
    %eq3A_1587 = arith.cmpi eq, %select_n3A, %eq3A_1586 : vector<128x4x128xi32>
    %jit3A_1588 = arith.constant 512 : i32
    %broadcast_in_dim3A_1589 = vector.broadcast %jit3A_1588 : i32 to vector<128x4x128xi32>
    %select_n3A_1590 = arith.select %eq3A_1587, %add3A_80, %broadcast_in_dim3A_1589 : vector<128x4x128xi1>, vector<128x4x128xi32>
    %reduce_min3A_1591 = arith.constant dense<2147483647> : vector<128xi32>
    %reduce_min3A_1592 = vector.multi_reduction <minsi>, %select_n3A_1590, %reduce_min3A_1591 [1, 2] : vector<128x4x128xi32> to vector<128xi32>
    %broadcast_in_dim3A_1593 = vector.shape_cast %reduce_min3A_1592 : vector<128xi32> to vector<128x1x1xi32>
    %squeeze3A_1594 = vector.shape_cast %broadcast_in_dim3A_1593 : vector<128x1x1xi32> to vector<128x1xi32>
    %add3A_1595 = vector.broadcast %mul3A_82 : i32 to vector<128x1xi32>
    %add3A_1596 = arith.addi %squeeze3A_1594, %add3A_1595 : vector<128x1xi32>
    %swap3A_1597 = arith.constant 0 : index
    %swap3A_1598 = arith.constant 0 : index
    %swap3A_1599 = arith.constant 60 : index
    %swap3A_1600 = vector.load %arg4[%swap3A_1597, %swap3A_1598, %swap3A_1599] : memref<1x128x64xi32, #tpu.memory_space<vmem>>, vector<1x128x1xi32>
    %swap3A_1601 = vector.shape_cast %swap3A_1600 : vector<1x128x1xi32> to vector<128x1xi32>
    %swap3A_1602 = vector.shape_cast %add3A_1596 : vector<128x1xi32> to vector<1x128x1xi32>
    tpu.vector_store %arg4[%swap3A_1597, %swap3A_1598, %swap3A_1599], %swap3A_1602 {strides = array<i32>} : memref<1x128x64xi32, #tpu.memory_space<vmem>>, vector<1x128x1xi32>,
    %ge3A_1603 = arith.constant 62 : i32
    %ge3A_1604 = vector.broadcast %ge3A_1603 : i32 to vector<128x1x1xi32>
    %ge3A_1605 = arith.cmpi sge, %convert_element_type3A_71, %ge3A_1604 : vector<128x1x1xi32>
    %jit3A_1606 = arith.constant 62 : i32
    %jit3A_1607 = arith.constant 1 : i32
    %broadcast_in_dim3A_1608 = vector.broadcast %jit3A_1606 : i32 to vector<128x1x1xi32>
    %broadcast_in_dim3A_1609 = vector.broadcast %jit3A_1607 : i32 to vector<128x1x1xi32>
    %select_n3A_1610 = arith.select %ge3A_1605, %broadcast_in_dim3A_1608, %broadcast_in_dim3A_1609 : vector<128x1x1xi1>, vector<128x1x1xi32>
    %eq3A_1611 = vector.broadcast %select_n3A_1610 : vector<128x1x1xi32> to vector<128x4x128xi32>
    %eq3A_1612 = arith.cmpi eq, %select_n3A, %eq3A_1611 : vector<128x4x128xi32>
    %jit3A_1613 = arith.constant 512 : i32
    %broadcast_in_dim3A_1614 = vector.broadcast %jit3A_1613 : i32 to vector<128x4x128xi32>
    %select_n3A_1615 = arith.select %eq3A_1612, %add3A_80, %broadcast_in_dim3A_1614 : vector<128x4x128xi1>, vector<128x4x128xi32>
    %reduce_min3A_1616 = arith.constant dense<2147483647> : vector<128xi32>
    %reduce_min3A_1617 = vector.multi_reduction <minsi>, %select_n3A_1615, %reduce_min3A_1616 [1, 2] : vector<128x4x128xi32> to vector<128xi32>
    %broadcast_in_dim3A_1618 = vector.shape_cast %reduce_min3A_1617 : vector<128xi32> to vector<128x1x1xi32>
    %squeeze3A_1619 = vector.shape_cast %broadcast_in_dim3A_1618 : vector<128x1x1xi32> to vector<128x1xi32>
    %add3A_1620 = vector.broadcast %mul3A_82 : i32 to vector<128x1xi32>
    %add3A_1621 = arith.addi %squeeze3A_1619, %add3A_1620 : vector<128x1xi32>
    %swap3A_1622 = arith.constant 0 : index
    %swap3A_1623 = arith.constant 0 : index
    %swap3A_1624 = arith.constant 61 : index
    %swap3A_1625 = vector.load %arg4[%swap3A_1622, %swap3A_1623, %swap3A_1624] : memref<1x128x64xi32, #tpu.memory_space<vmem>>, vector<1x128x1xi32>
    %swap3A_1626 = vector.shape_cast %swap3A_1625 : vector<1x128x1xi32> to vector<128x1xi32>
    %swap3A_1627 = vector.shape_cast %add3A_1621 : vector<128x1xi32> to vector<1x128x1xi32>
    tpu.vector_store %arg4[%swap3A_1622, %swap3A_1623, %swap3A_1624], %swap3A_1627 {strides = array<i32>} : memref<1x128x64xi32, #tpu.memory_space<vmem>>, vector<1x128x1xi32>,
    %ge3A_1628 = arith.constant 63 : i32
    %ge3A_1629 = vector.broadcast %ge3A_1628 : i32 to vector<128x1x1xi32>
    %ge3A_1630 = arith.cmpi sge, %convert_element_type3A_71, %ge3A_1629 : vector<128x1x1xi32>
    %jit3A_1631 = arith.constant 63 : i32
    %jit3A_1632 = arith.constant 1 : i32
    %broadcast_in_dim3A_1633 = vector.broadcast %jit3A_1631 : i32 to vector<128x1x1xi32>
    %broadcast_in_dim3A_1634 = vector.broadcast %jit3A_1632 : i32 to vector<128x1x1xi32>
    %select_n3A_1635 = arith.select %ge3A_1630, %broadcast_in_dim3A_1633, %broadcast_in_dim3A_1634 : vector<128x1x1xi1>, vector<128x1x1xi32>
    %eq3A_1636 = vector.broadcast %select_n3A_1635 : vector<128x1x1xi32> to vector<128x4x128xi32>
    %eq3A_1637 = arith.cmpi eq, %select_n3A, %eq3A_1636 : vector<128x4x128xi32>
    %jit3A_1638 = arith.constant 512 : i32
    %broadcast_in_dim3A_1639 = vector.broadcast %jit3A_1638 : i32 to vector<128x4x128xi32>
    %select_n3A_1640 = arith.select %eq3A_1637, %add3A_80, %broadcast_in_dim3A_1639 : vector<128x4x128xi1>, vector<128x4x128xi32>
    %reduce_min3A_1641 = arith.constant dense<2147483647> : vector<128xi32>
    %reduce_min3A_1642 = vector.multi_reduction <minsi>, %select_n3A_1640, %reduce_min3A_1641 [1, 2] : vector<128x4x128xi32> to vector<128xi32>
    %broadcast_in_dim3A_1643 = vector.shape_cast %reduce_min3A_1642 : vector<128xi32> to vector<128x1x1xi32>
    %squeeze3A_1644 = vector.shape_cast %broadcast_in_dim3A_1643 : vector<128x1x1xi32> to vector<128x1xi32>
    %add3A_1645 = vector.broadcast %mul3A_82 : i32 to vector<128x1xi32>
    %add3A_1646 = arith.addi %squeeze3A_1644, %add3A_1645 : vector<128x1xi32>
    %swap3A_1647 = arith.constant 0 : index
    %swap3A_1648 = arith.constant 0 : index
    %swap3A_1649 = arith.constant 62 : index
    %swap3A_1650 = vector.load %arg4[%swap3A_1647, %swap3A_1648, %swap3A_1649] : memref<1x128x64xi32, #tpu.memory_space<vmem>>, vector<1x128x1xi32>
    %swap3A_1651 = vector.shape_cast %swap3A_1650 : vector<1x128x1xi32> to vector<128x1xi32>
    %swap3A_1652 = vector.shape_cast %add3A_1646 : vector<128x1xi32> to vector<1x128x1xi32>
    tpu.vector_store %arg4[%swap3A_1647, %swap3A_1648, %swap3A_1649], %swap3A_1652 {strides = array<i32>} : memref<1x128x64xi32, #tpu.memory_space<vmem>>, vector<1x128x1xi32>,
    %ge3A_1653 = arith.constant 64 : i32
    %ge3A_1654 = vector.broadcast %ge3A_1653 : i32 to vector<128x1x1xi32>
    %ge3A_1655 = arith.cmpi sge, %convert_element_type3A_71, %ge3A_1654 : vector<128x1x1xi32>
    %jit3A_1656 = arith.constant 64 : i32
    %jit3A_1657 = arith.constant 1 : i32
    %broadcast_in_dim3A_1658 = vector.broadcast %jit3A_1656 : i32 to vector<128x1x1xi32>
    %broadcast_in_dim3A_1659 = vector.broadcast %jit3A_1657 : i32 to vector<128x1x1xi32>
    %select_n3A_1660 = arith.select %ge3A_1655, %broadcast_in_dim3A_1658, %broadcast_in_dim3A_1659 : vector<128x1x1xi1>, vector<128x1x1xi32>
    %eq3A_1661 = vector.broadcast %select_n3A_1660 : vector<128x1x1xi32> to vector<128x4x128xi32>
    %eq3A_1662 = arith.cmpi eq, %select_n3A, %eq3A_1661 : vector<128x4x128xi32>
    %jit3A_1663 = arith.constant 512 : i32
    %broadcast_in_dim3A_1664 = vector.broadcast %jit3A_1663 : i32 to vector<128x4x128xi32>
    %select_n3A_1665 = arith.select %eq3A_1662, %add3A_80, %broadcast_in_dim3A_1664 : vector<128x4x128xi1>, vector<128x4x128xi32>
    %reduce_min3A_1666 = arith.constant dense<2147483647> : vector<128xi32>
    %reduce_min3A_1667 = vector.multi_reduction <minsi>, %select_n3A_1665, %reduce_min3A_1666 [1, 2] : vector<128x4x128xi32> to vector<128xi32>
    %broadcast_in_dim3A_1668 = vector.shape_cast %reduce_min3A_1667 : vector<128xi32> to vector<128x1x1xi32>
    %squeeze3A_1669 = vector.shape_cast %broadcast_in_dim3A_1668 : vector<128x1x1xi32> to vector<128x1xi32>
    %add3A_1670 = vector.broadcast %mul3A_82 : i32 to vector<128x1xi32>
    %add3A_1671 = arith.addi %squeeze3A_1669, %add3A_1670 : vector<128x1xi32>
    %swap3A_1672 = arith.constant 0 : index
    %swap3A_1673 = arith.constant 0 : index
    %swap3A_1674 = arith.constant 63 : index
    %swap3A_1675 = vector.load %arg4[%swap3A_1672, %swap3A_1673, %swap3A_1674] : memref<1x128x64xi32, #tpu.memory_space<vmem>>, vector<1x128x1xi32>
    %swap3A_1676 = vector.shape_cast %swap3A_1675 : vector<1x128x1xi32> to vector<128x1xi32>
    %swap3A_1677 = vector.shape_cast %add3A_1671 : vector<128x1xi32> to vector<1x128x1xi32>
    tpu.vector_store %arg4[%swap3A_1672, %swap3A_1673, %swap3A_1674], %swap3A_1677 {strides = array<i32>} : memref<1x128x64xi32, #tpu.memory_space<vmem>>, vector<1x128x1xi32>,
    return
  }
  func.func @transform_0(%arg0: i32, %arg1: i32) -> (i32, i32, i32, i32) {
    %c0_i32 = arith.constant 0 : i32
    %c0_i32_0 = arith.constant 0 : i32
    %c0_i32_1 = arith.constant 0 : i32
    %c0_i32_2 = arith.constant 0 : i32
    return %arg0, %c0_i32, %c0_i32_0, %c0_i32_1 : i32, i32, i32, i32
  }
  func.func @transform_1(%arg0: i32, %arg1: i32) -> (i32, i32, i32) {
    %c0_i32 = arith.constant 0 : i32
    %c0_i32_0 = arith.constant 0 : i32
    return %arg0, %arg1, %c0_i32 : i32, i32, i32
  }
  func.func @transform_2(%arg0: i32, %arg1: i32) -> (i32, i32, i32) {
    %c0_i32 = arith.constant 0 : i32
    %c0_i32_0 = arith.constant 0 : i32
    return %arg0, %arg1, %c0_i32 : i32, i32, i32
  }
}

module attributes {stable_mosaic.version = 14 : i64} {
  func.func @_mlp_first_body(%arg0: i32, %arg1: memref<4096x128xf32, #tpu.memory_space<vmem>>, %arg2: memref<128x128xf32, #tpu.memory_space<vmem>>, %arg3: memref<128x128xf32, #tpu.memory_space<vmem>>, %arg4: memref<1x128xf32, #tpu.memory_space<vmem>>, %arg5: memref<4096x128xf32, #tpu.memory_space<vmem>>, %arg6: memref<2x128xf32, #tpu.memory_space<vmem>>) attributes {dimension_semantics = [#tpu.dimension_semantics<arbitrary>], iteration_bounds = array<i64: 32>, scalar_prefetch = 0 : i64, scratch_operands = 0 : i64, tpu.core_type = #tpu.core_type<tc>, window_params = [{transform_indices = @transform_0, window_bounds = array<i64: 4096, 128>}, {transform_indices = @transform_1, window_bounds = array<i64: 128, 128>}, {pipeline_mode = #tpu.pipeline_mode<synchronous>, transform_indices = @transform_2, window_bounds = array<i64: 128, 128>}, {pipeline_mode = #tpu.pipeline_mode<synchronous>, transform_indices = @transform_3, window_bounds = array<i64: 1, 128>}, {transform_indices = @transform_4, window_bounds = array<i64: 4096, 128>}, {pipeline_mode = #tpu.pipeline_mode<synchronous>, transform_indices = @transform_5, window_bounds = array<i64: 2, 128>}]} {
    %get3A = arith.constant 0 : index
    %get3A_0 = arith.constant 0 : index
    %get3A_1 = vector.load %arg1[%get3A, %get3A_0] : memref<4096x128xf32, #tpu.memory_space<vmem>>, vector<4096x128xf32>
    %get3A_2 = arith.constant 0 : index
    %get3A_3 = arith.constant 0 : index
    %get3A_4 = vector.load %arg2[%get3A_2, %get3A_3] : memref<128x128xf32, #tpu.memory_space<vmem>>, vector<128x128xf32>
    %reshape3A = vector.shape_cast %get3A_1 : vector<4096x128xf32> to vector<128x32x128xf32>
    %broadcast_in_dim3A = vector.shape_cast %get3A_4 : vector<128x128xf32> to vector<128x1x128xf32>
    %sub3A = vector.broadcast %broadcast_in_dim3A : vector<128x1x128xf32> to vector<128x32x128xf32>
    %sub3A_5 = arith.subf %reshape3A, %sub3A : vector<128x32x128xf32>
    %reshape3A_6 = vector.shape_cast %sub3A_5 : vector<128x32x128xf32> to vector<4096x128xf32>
    %get3A_7 = arith.constant 0 : index
    %get3A_8 = arith.constant 0 : index
    %get3A_9 = vector.load %arg3[%get3A_7, %get3A_8] : memref<128x128xf32, #tpu.memory_space<vmem>>, vector<128x128xf32>
    %dot_general3A = arith.constant dense<0.000000e+00> : vector<4096x128xf32>
    %dot_general3A_10 = tpu.matmul %reshape3A_6, %get3A_9, %dot_general3A {dimension_numbers = #tpu.dot_dimension_numbers<[1], [1], [0], [0], [0, 0, 1, 0], [], []>, transpose_lhs_hint = false} : vector<4096x128xf32>, vector<128x128xf32>, vector<4096x128xf32> -> vector<4096x128xf32>
    %get3A_11 = arith.constant 0 : index
    %get3A_12 = arith.constant 0 : index
    %get3A_13 = vector.load %arg4[%get3A_11, %get3A_12] : memref<1x128xf32, #tpu.memory_space<vmem>>, vector<1x128xf32>
    %add3A = vector.broadcast %get3A_13 : vector<1x128xf32> to vector<4096x128xf32>
    %add3A_14 = arith.addf %dot_general3A_10, %add3A : vector<4096x128xf32>
    %swap3A = arith.constant 0 : index
    %swap3A_15 = arith.constant 0 : index
    %swap3A_16 = vector.load %arg5[%swap3A, %swap3A_15] : memref<4096x128xf32, #tpu.memory_space<vmem>>, vector<4096x128xf32>
    tpu.vector_store %arg5[%swap3A, %swap3A_15], %add3A_14 {strides = array<i32>} : memref<4096x128xf32, #tpu.memory_space<vmem>>, vector<4096x128xf32>,
    %reduce_sum3A = arith.constant dense<0.000000e+00> : vector<128xf32>
    %reduce_sum3A_17 = vector.multi_reduction <add>, %add3A_14, %reduce_sum3A [0] : vector<4096x128xf32> to vector<128xf32>
    %broadcast_in_dim3A_18 = vector.shape_cast %reduce_sum3A_17 : vector<128xf32> to vector<1x128xf32>
    %mul3A = arith.mulf %add3A_14, %add3A_14 : vector<4096x128xf32>
    %reduce_sum3A_19 = arith.constant dense<0.000000e+00> : vector<128xf32>
    %reduce_sum3A_20 = vector.multi_reduction <add>, %mul3A, %reduce_sum3A_19 [0] : vector<4096x128xf32> to vector<128xf32>
    %broadcast_in_dim3A_21 = vector.shape_cast %reduce_sum3A_20 : vector<128xf32> to vector<1x128xf32>
    %concatenate3A = tpu.concatenate %broadcast_in_dim3A_18, %broadcast_in_dim3A_21 in 0 : vector<1x128xf32>, vector<1x128xf32> -> vector<2x128xf32>
    %eq3A = arith.constant 0 : i32
    %eq3A_22 = arith.cmpi eq, %arg0, %eq3A : i32
    %convert_element_type3A = arith.extui %eq3A_22 : i1 to i32
    %cond3A = arith.constant 0 : i32
    %cond3A_23 = arith.cmpi ne, %convert_element_type3A, %cond3A : i32
    scf.if %cond3A_23 {
      %broadcast_in_dim3A_31 = arith.constant 0.000000e+00 : f32
      %broadcast_in_dim3A_32 = vector.broadcast %broadcast_in_dim3A_31 : f32 to vector<2x128xf32>
      %swap3A_33 = arith.constant 0 : index
      %swap3A_34 = arith.constant 0 : index
      %swap3A_35 = vector.load %arg6[%swap3A_33, %swap3A_34] : memref<2x128xf32, #tpu.memory_space<vmem>>, vector<2x128xf32>
      tpu.vector_store %arg6[%swap3A_33, %swap3A_34], %broadcast_in_dim3A_32 {strides = array<i32>} : memref<2x128xf32, #tpu.memory_space<vmem>>, vector<2x128xf32>,
    } else {
    }
    %get3A_24 = arith.constant 0 : index
    %get3A_25 = arith.constant 0 : index
    %get3A_26 = vector.load %arg6[%get3A_24, %get3A_25] : memref<2x128xf32, #tpu.memory_space<vmem>>, vector<2x128xf32>
    %add3A_27 = arith.addf %get3A_26, %concatenate3A : vector<2x128xf32>
    %swap3A_28 = arith.constant 0 : index
    %swap3A_29 = arith.constant 0 : index
    %swap3A_30 = vector.load %arg6[%swap3A_28, %swap3A_29] : memref<2x128xf32, #tpu.memory_space<vmem>>, vector<2x128xf32>
    tpu.vector_store %arg6[%swap3A_28, %swap3A_29], %add3A_27 {strides = array<i32>} : memref<2x128xf32, #tpu.memory_space<vmem>>, vector<2x128xf32>,
    return
  }
  func.func @transform_0(%arg0: i32) -> (i32, i32) {
    %c0_i32 = arith.constant 0 : i32
    %c0_i32_0 = arith.constant 0 : i32
    return %arg0, %c0_i32 : i32, i32
  }
  func.func @transform_1(%arg0: i32) -> (i32, i32) {
    %c0_i32 = arith.constant 0 : i32
    %c0_i32_0 = arith.constant 0 : i32
    return %arg0, %c0_i32 : i32, i32
  }
  func.func @transform_2(%arg0: i32) -> (i32, i32) {
    %c0_i32 = arith.constant 0 : i32
    %c0_i32_0 = arith.constant 0 : i32
    %c0_i32_1 = arith.constant 0 : i32
    return %c0_i32, %c0_i32_0 : i32, i32
  }
  func.func @transform_3(%arg0: i32) -> (i32, i32) {
    %c0_i32 = arith.constant 0 : i32
    %c0_i32_0 = arith.constant 0 : i32
    %c0_i32_1 = arith.constant 0 : i32
    return %c0_i32, %c0_i32_0 : i32, i32
  }
  func.func @transform_4(%arg0: i32) -> (i32, i32) {
    %c0_i32 = arith.constant 0 : i32
    %c0_i32_0 = arith.constant 0 : i32
    return %arg0, %c0_i32 : i32, i32
  }
  func.func @transform_5(%arg0: i32) -> (i32, i32) {
    %c0_i32 = arith.constant 0 : i32
    %c0_i32_0 = arith.constant 0 : i32
    %c0_i32_1 = arith.constant 0 : i32
    return %c0_i32, %c0_i32_0 : i32, i32
  }
}

module attributes {stable_mosaic.version = 14 : i64} {
  func.func @_mlp_mid_body(%arg0: i32, %arg1: memref<4096x128xf32, #tpu.memory_space<vmem>>, %arg2: memref<2x128xf32, #tpu.memory_space<vmem>>, %arg3: memref<1x128xf32, #tpu.memory_space<vmem>>, %arg4: memref<1x128xf32, #tpu.memory_space<vmem>>, %arg5: memref<128x128xf32, #tpu.memory_space<vmem>>, %arg6: memref<1x128xf32, #tpu.memory_space<vmem>>, %arg7: memref<4096x128xf32, #tpu.memory_space<vmem>>, %arg8: memref<2x128xf32, #tpu.memory_space<vmem>>) attributes {dimension_semantics = [#tpu.dimension_semantics<arbitrary>], iteration_bounds = array<i64: 32>, scalar_prefetch = 0 : i64, scratch_operands = 0 : i64, tpu.core_type = #tpu.core_type<tc>, window_params = [{transform_indices = @transform_0, window_bounds = array<i64: 4096, 128>}, {pipeline_mode = #tpu.pipeline_mode<synchronous>, transform_indices = @transform_1, window_bounds = array<i64: 2, 128>}, {pipeline_mode = #tpu.pipeline_mode<synchronous>, transform_indices = @transform_2, window_bounds = array<i64: 1, 128>}, {pipeline_mode = #tpu.pipeline_mode<synchronous>, transform_indices = @transform_3, window_bounds = array<i64: 1, 128>}, {pipeline_mode = #tpu.pipeline_mode<synchronous>, transform_indices = @transform_4, window_bounds = array<i64: 128, 128>}, {pipeline_mode = #tpu.pipeline_mode<synchronous>, transform_indices = @transform_5, window_bounds = array<i64: 1, 128>}, {transform_indices = @transform_6, window_bounds = array<i64: 4096, 128>}, {pipeline_mode = #tpu.pipeline_mode<synchronous>, transform_indices = @transform_7, window_bounds = array<i64: 2, 128>}]} {
    %get3A = arith.constant 0 : index
    %get3A_0 = arith.constant 0 : index
    %get3A_1 = vector.load %arg2[%get3A, %get3A_0] : memref<2x128xf32, #tpu.memory_space<vmem>>, vector<2x128xf32>
    %get3A_2 = arith.constant 0 : index
    %get3A_3 = arith.constant 0 : index
    %get3A_4 = vector.load %arg3[%get3A_2, %get3A_3] : memref<1x128xf32, #tpu.memory_space<vmem>>, vector<1x128xf32>
    %get3A_5 = arith.constant 0 : index
    %get3A_6 = arith.constant 0 : index
    %get3A_7 = vector.load %arg4[%get3A_5, %get3A_6] : memref<1x128xf32, #tpu.memory_space<vmem>>, vector<1x128xf32>
    %slice3A = vector.extract_strided_slice %get3A_1 {offsets = [0, 0], sizes = [1, 128], strides = [1, 1]} : vector<2x128xf32> to vector<1x128xf32>
    %div3A = arith.constant 1.310720e+05 : f32
    %div3A_8 = vector.broadcast %div3A : f32 to vector<1x128xf32>
    %div3A_9 = arith.divf %slice3A, %div3A_8 : vector<1x128xf32>
    %slice3A_10 = vector.extract_strided_slice %get3A_1 {offsets = [1, 0], sizes = [1, 128], strides = [1, 1]} : vector<2x128xf32> to vector<1x128xf32>
    %div3A_11 = arith.constant 1.310720e+05 : f32
    %div3A_12 = vector.broadcast %div3A_11 : f32 to vector<1x128xf32>
    %div3A_13 = arith.divf %slice3A_10, %div3A_12 : vector<1x128xf32>
    %mul3A = arith.mulf %div3A_9, %div3A_9 : vector<1x128xf32>
    %sub3A = arith.subf %div3A_13, %mul3A : vector<1x128xf32>
    %add3A = arith.constant 9.99999974E-6 : f32
    %add3A_14 = vector.broadcast %add3A : f32 to vector<1x128xf32>
    %add3A_15 = arith.addf %sub3A, %add3A_14 : vector<1x128xf32>
    %sqrt3A = math.sqrt %add3A_15 : vector<1x128xf32>
    %div3A_16 = arith.divf %get3A_4, %sqrt3A : vector<1x128xf32>
    %mul3A_17 = arith.mulf %div3A_9, %div3A_16 : vector<1x128xf32>
    %sub3A_18 = arith.subf %get3A_7, %mul3A_17 : vector<1x128xf32>
    %get3A_19 = arith.constant 0 : index
    %get3A_20 = arith.constant 0 : index
    %get3A_21 = vector.load %arg1[%get3A_19, %get3A_20] : memref<4096x128xf32, #tpu.memory_space<vmem>>, vector<4096x128xf32>
    %mul3A_22 = vector.broadcast %div3A_16 : vector<1x128xf32> to vector<4096x128xf32>
    %mul3A_23 = arith.mulf %get3A_21, %mul3A_22 : vector<4096x128xf32>
    %add3A_24 = vector.broadcast %sub3A_18 : vector<1x128xf32> to vector<4096x128xf32>
    %add3A_25 = arith.addf %mul3A_23, %add3A_24 : vector<4096x128xf32>
    %max3A = arith.constant 0.000000e+00 : f32
    %max3A_26 = vector.broadcast %max3A : f32 to vector<4096x128xf32>
    %max3A_27 = arith.maximumf %add3A_25, %max3A_26 : vector<4096x128xf32>
    %get3A_28 = arith.constant 0 : index
    %get3A_29 = arith.constant 0 : index
    %get3A_30 = vector.load %arg5[%get3A_28, %get3A_29] : memref<128x128xf32, #tpu.memory_space<vmem>>, vector<128x128xf32>
    %dot_general3A = arith.constant dense<0.000000e+00> : vector<4096x128xf32>
    %dot_general3A_31 = tpu.matmul %max3A_27, %get3A_30, %dot_general3A {dimension_numbers = #tpu.dot_dimension_numbers<[1], [1], [0], [0], [0, 0, 1, 0], [], []>, transpose_lhs_hint = false} : vector<4096x128xf32>, vector<128x128xf32>, vector<4096x128xf32> -> vector<4096x128xf32>
    %get3A_32 = arith.constant 0 : index
    %get3A_33 = arith.constant 0 : index
    %get3A_34 = vector.load %arg6[%get3A_32, %get3A_33] : memref<1x128xf32, #tpu.memory_space<vmem>>, vector<1x128xf32>
    %add3A_35 = vector.broadcast %get3A_34 : vector<1x128xf32> to vector<4096x128xf32>
    %add3A_36 = arith.addf %dot_general3A_31, %add3A_35 : vector<4096x128xf32>
    %swap3A = arith.constant 0 : index
    %swap3A_37 = arith.constant 0 : index
    %swap3A_38 = vector.load %arg7[%swap3A, %swap3A_37] : memref<4096x128xf32, #tpu.memory_space<vmem>>, vector<4096x128xf32>
    tpu.vector_store %arg7[%swap3A, %swap3A_37], %add3A_36 {strides = array<i32>} : memref<4096x128xf32, #tpu.memory_space<vmem>>, vector<4096x128xf32>,
    %reduce_sum3A = arith.constant dense<0.000000e+00> : vector<128xf32>
    %reduce_sum3A_39 = vector.multi_reduction <add>, %add3A_36, %reduce_sum3A [0] : vector<4096x128xf32> to vector<128xf32>
    %broadcast_in_dim3A = vector.shape_cast %reduce_sum3A_39 : vector<128xf32> to vector<1x128xf32>
    %mul3A_40 = arith.mulf %add3A_36, %add3A_36 : vector<4096x128xf32>
    %reduce_sum3A_41 = arith.constant dense<0.000000e+00> : vector<128xf32>
    %reduce_sum3A_42 = vector.multi_reduction <add>, %mul3A_40, %reduce_sum3A_41 [0] : vector<4096x128xf32> to vector<128xf32>
    %broadcast_in_dim3A_43 = vector.shape_cast %reduce_sum3A_42 : vector<128xf32> to vector<1x128xf32>
    %concatenate3A = tpu.concatenate %broadcast_in_dim3A, %broadcast_in_dim3A_43 in 0 : vector<1x128xf32>, vector<1x128xf32> -> vector<2x128xf32>
    %eq3A = arith.constant 0 : i32
    %eq3A_44 = arith.cmpi eq, %arg0, %eq3A : i32
    %convert_element_type3A = arith.extui %eq3A_44 : i1 to i32
    %cond3A = arith.constant 0 : i32
    %cond3A_45 = arith.cmpi ne, %convert_element_type3A, %cond3A : i32
    scf.if %cond3A_45 {
      %broadcast_in_dim3A_53 = arith.constant 0.000000e+00 : f32
      %broadcast_in_dim3A_54 = vector.broadcast %broadcast_in_dim3A_53 : f32 to vector<2x128xf32>
      %swap3A_55 = arith.constant 0 : index
      %swap3A_56 = arith.constant 0 : index
      %swap3A_57 = vector.load %arg8[%swap3A_55, %swap3A_56] : memref<2x128xf32, #tpu.memory_space<vmem>>, vector<2x128xf32>
      tpu.vector_store %arg8[%swap3A_55, %swap3A_56], %broadcast_in_dim3A_54 {strides = array<i32>} : memref<2x128xf32, #tpu.memory_space<vmem>>, vector<2x128xf32>,
    } else {
    }
    %get3A_46 = arith.constant 0 : index
    %get3A_47 = arith.constant 0 : index
    %get3A_48 = vector.load %arg8[%get3A_46, %get3A_47] : memref<2x128xf32, #tpu.memory_space<vmem>>, vector<2x128xf32>
    %add3A_49 = arith.addf %get3A_48, %concatenate3A : vector<2x128xf32>
    %swap3A_50 = arith.constant 0 : index
    %swap3A_51 = arith.constant 0 : index
    %swap3A_52 = vector.load %arg8[%swap3A_50, %swap3A_51] : memref<2x128xf32, #tpu.memory_space<vmem>>, vector<2x128xf32>
    tpu.vector_store %arg8[%swap3A_50, %swap3A_51], %add3A_49 {strides = array<i32>} : memref<2x128xf32, #tpu.memory_space<vmem>>, vector<2x128xf32>,
    return
  }
  func.func @transform_0(%arg0: i32) -> (i32, i32) {
    %c0_i32 = arith.constant 0 : i32
    %c0_i32_0 = arith.constant 0 : i32
    return %arg0, %c0_i32 : i32, i32
  }
  func.func @transform_1(%arg0: i32) -> (i32, i32) {
    %c0_i32 = arith.constant 0 : i32
    %c0_i32_0 = arith.constant 0 : i32
    %c0_i32_1 = arith.constant 0 : i32
    return %c0_i32, %c0_i32_0 : i32, i32
  }
  func.func @transform_2(%arg0: i32) -> (i32, i32) {
    %c0_i32 = arith.constant 0 : i32
    %c0_i32_0 = arith.constant 0 : i32
    %c0_i32_1 = arith.constant 0 : i32
    return %c0_i32, %c0_i32_0 : i32, i32
  }
  func.func @transform_3(%arg0: i32) -> (i32, i32) {
    %c0_i32 = arith.constant 0 : i32
    %c0_i32_0 = arith.constant 0 : i32
    %c0_i32_1 = arith.constant 0 : i32
    return %c0_i32, %c0_i32_0 : i32, i32
  }
  func.func @transform_4(%arg0: i32) -> (i32, i32) {
    %c0_i32 = arith.constant 0 : i32
    %c0_i32_0 = arith.constant 0 : i32
    %c0_i32_1 = arith.constant 0 : i32
    return %c0_i32, %c0_i32_0 : i32, i32
  }
  func.func @transform_5(%arg0: i32) -> (i32, i32) {
    %c0_i32 = arith.constant 0 : i32
    %c0_i32_0 = arith.constant 0 : i32
    %c0_i32_1 = arith.constant 0 : i32
    return %c0_i32, %c0_i32_0 : i32, i32
  }
  func.func @transform_6(%arg0: i32) -> (i32, i32) {
    %c0_i32 = arith.constant 0 : i32
    %c0_i32_0 = arith.constant 0 : i32
    return %arg0, %c0_i32 : i32, i32
  }
  func.func @transform_7(%arg0: i32) -> (i32, i32) {
    %c0_i32 = arith.constant 0 : i32
    %c0_i32_0 = arith.constant 0 : i32
    %c0_i32_1 = arith.constant 0 : i32
    return %c0_i32, %c0_i32_0 : i32, i32
  }
}

module attributes {stable_mosaic.version = 14 : i64} {
  func.func @_mlp_mid_body(%arg0: i32, %arg1: memref<4096x128xf32, #tpu.memory_space<vmem>>, %arg2: memref<2x128xf32, #tpu.memory_space<vmem>>, %arg3: memref<1x128xf32, #tpu.memory_space<vmem>>, %arg4: memref<1x128xf32, #tpu.memory_space<vmem>>, %arg5: memref<256x128xf32, #tpu.memory_space<vmem>>, %arg6: memref<1x256xf32, #tpu.memory_space<vmem>>, %arg7: memref<4096x256xf32, #tpu.memory_space<vmem>>, %arg8: memref<2x256xf32, #tpu.memory_space<vmem>>) attributes {dimension_semantics = [#tpu.dimension_semantics<arbitrary>], iteration_bounds = array<i64: 32>, scalar_prefetch = 0 : i64, scratch_operands = 0 : i64, tpu.core_type = #tpu.core_type<tc>, window_params = [{transform_indices = @transform_0, window_bounds = array<i64: 4096, 128>}, {pipeline_mode = #tpu.pipeline_mode<synchronous>, transform_indices = @transform_1, window_bounds = array<i64: 2, 128>}, {pipeline_mode = #tpu.pipeline_mode<synchronous>, transform_indices = @transform_2, window_bounds = array<i64: 1, 128>}, {pipeline_mode = #tpu.pipeline_mode<synchronous>, transform_indices = @transform_3, window_bounds = array<i64: 1, 128>}, {pipeline_mode = #tpu.pipeline_mode<synchronous>, transform_indices = @transform_4, window_bounds = array<i64: 256, 128>}, {pipeline_mode = #tpu.pipeline_mode<synchronous>, transform_indices = @transform_5, window_bounds = array<i64: 1, 256>}, {transform_indices = @transform_6, window_bounds = array<i64: 4096, 256>}, {pipeline_mode = #tpu.pipeline_mode<synchronous>, transform_indices = @transform_7, window_bounds = array<i64: 2, 256>}]} {
    %get3A = arith.constant 0 : index
    %get3A_0 = arith.constant 0 : index
    %get3A_1 = vector.load %arg2[%get3A, %get3A_0] : memref<2x128xf32, #tpu.memory_space<vmem>>, vector<2x128xf32>
    %get3A_2 = arith.constant 0 : index
    %get3A_3 = arith.constant 0 : index
    %get3A_4 = vector.load %arg3[%get3A_2, %get3A_3] : memref<1x128xf32, #tpu.memory_space<vmem>>, vector<1x128xf32>
    %get3A_5 = arith.constant 0 : index
    %get3A_6 = arith.constant 0 : index
    %get3A_7 = vector.load %arg4[%get3A_5, %get3A_6] : memref<1x128xf32, #tpu.memory_space<vmem>>, vector<1x128xf32>
    %slice3A = vector.extract_strided_slice %get3A_1 {offsets = [0, 0], sizes = [1, 128], strides = [1, 1]} : vector<2x128xf32> to vector<1x128xf32>
    %div3A = arith.constant 1.310720e+05 : f32
    %div3A_8 = vector.broadcast %div3A : f32 to vector<1x128xf32>
    %div3A_9 = arith.divf %slice3A, %div3A_8 : vector<1x128xf32>
    %slice3A_10 = vector.extract_strided_slice %get3A_1 {offsets = [1, 0], sizes = [1, 128], strides = [1, 1]} : vector<2x128xf32> to vector<1x128xf32>
    %div3A_11 = arith.constant 1.310720e+05 : f32
    %div3A_12 = vector.broadcast %div3A_11 : f32 to vector<1x128xf32>
    %div3A_13 = arith.divf %slice3A_10, %div3A_12 : vector<1x128xf32>
    %mul3A = arith.mulf %div3A_9, %div3A_9 : vector<1x128xf32>
    %sub3A = arith.subf %div3A_13, %mul3A : vector<1x128xf32>
    %add3A = arith.constant 9.99999974E-6 : f32
    %add3A_14 = vector.broadcast %add3A : f32 to vector<1x128xf32>
    %add3A_15 = arith.addf %sub3A, %add3A_14 : vector<1x128xf32>
    %sqrt3A = math.sqrt %add3A_15 : vector<1x128xf32>
    %div3A_16 = arith.divf %get3A_4, %sqrt3A : vector<1x128xf32>
    %mul3A_17 = arith.mulf %div3A_9, %div3A_16 : vector<1x128xf32>
    %sub3A_18 = arith.subf %get3A_7, %mul3A_17 : vector<1x128xf32>
    %get3A_19 = arith.constant 0 : index
    %get3A_20 = arith.constant 0 : index
    %get3A_21 = vector.load %arg1[%get3A_19, %get3A_20] : memref<4096x128xf32, #tpu.memory_space<vmem>>, vector<4096x128xf32>
    %mul3A_22 = vector.broadcast %div3A_16 : vector<1x128xf32> to vector<4096x128xf32>
    %mul3A_23 = arith.mulf %get3A_21, %mul3A_22 : vector<4096x128xf32>
    %add3A_24 = vector.broadcast %sub3A_18 : vector<1x128xf32> to vector<4096x128xf32>
    %add3A_25 = arith.addf %mul3A_23, %add3A_24 : vector<4096x128xf32>
    %max3A = arith.constant 0.000000e+00 : f32
    %max3A_26 = vector.broadcast %max3A : f32 to vector<4096x128xf32>
    %max3A_27 = arith.maximumf %add3A_25, %max3A_26 : vector<4096x128xf32>
    %get3A_28 = arith.constant 0 : index
    %get3A_29 = arith.constant 0 : index
    %get3A_30 = vector.load %arg5[%get3A_28, %get3A_29] : memref<256x128xf32, #tpu.memory_space<vmem>>, vector<256x128xf32>
    %dot_general3A = arith.constant dense<0.000000e+00> : vector<4096x256xf32>
    %dot_general3A_31 = tpu.matmul %max3A_27, %get3A_30, %dot_general3A {dimension_numbers = #tpu.dot_dimension_numbers<[1], [1], [0], [0], [0, 0, 1, 0], [], []>, transpose_lhs_hint = false} : vector<4096x128xf32>, vector<256x128xf32>, vector<4096x256xf32> -> vector<4096x256xf32>
    %get3A_32 = arith.constant 0 : index
    %get3A_33 = arith.constant 0 : index
    %get3A_34 = vector.load %arg6[%get3A_32, %get3A_33] : memref<1x256xf32, #tpu.memory_space<vmem>>, vector<1x256xf32>
    %add3A_35 = vector.broadcast %get3A_34 : vector<1x256xf32> to vector<4096x256xf32>
    %add3A_36 = arith.addf %dot_general3A_31, %add3A_35 : vector<4096x256xf32>
    %swap3A = arith.constant 0 : index
    %swap3A_37 = arith.constant 0 : index
    %swap3A_38 = vector.load %arg7[%swap3A, %swap3A_37] : memref<4096x256xf32, #tpu.memory_space<vmem>>, vector<4096x256xf32>
    tpu.vector_store %arg7[%swap3A, %swap3A_37], %add3A_36 {strides = array<i32>} : memref<4096x256xf32, #tpu.memory_space<vmem>>, vector<4096x256xf32>,
    %reduce_sum3A = arith.constant dense<0.000000e+00> : vector<256xf32>
    %reduce_sum3A_39 = vector.multi_reduction <add>, %add3A_36, %reduce_sum3A [0] : vector<4096x256xf32> to vector<256xf32>
    %broadcast_in_dim3A = vector.shape_cast %reduce_sum3A_39 : vector<256xf32> to vector<1x256xf32>
    %mul3A_40 = arith.mulf %add3A_36, %add3A_36 : vector<4096x256xf32>
    %reduce_sum3A_41 = arith.constant dense<0.000000e+00> : vector<256xf32>
    %reduce_sum3A_42 = vector.multi_reduction <add>, %mul3A_40, %reduce_sum3A_41 [0] : vector<4096x256xf32> to vector<256xf32>
    %broadcast_in_dim3A_43 = vector.shape_cast %reduce_sum3A_42 : vector<256xf32> to vector<1x256xf32>
    %concatenate3A = tpu.concatenate %broadcast_in_dim3A, %broadcast_in_dim3A_43 in 0 : vector<1x256xf32>, vector<1x256xf32> -> vector<2x256xf32>
    %eq3A = arith.constant 0 : i32
    %eq3A_44 = arith.cmpi eq, %arg0, %eq3A : i32
    %convert_element_type3A = arith.extui %eq3A_44 : i1 to i32
    %cond3A = arith.constant 0 : i32
    %cond3A_45 = arith.cmpi ne, %convert_element_type3A, %cond3A : i32
    scf.if %cond3A_45 {
      %broadcast_in_dim3A_53 = arith.constant 0.000000e+00 : f32
      %broadcast_in_dim3A_54 = vector.broadcast %broadcast_in_dim3A_53 : f32 to vector<2x256xf32>
      %swap3A_55 = arith.constant 0 : index
      %swap3A_56 = arith.constant 0 : index
      %swap3A_57 = vector.load %arg8[%swap3A_55, %swap3A_56] : memref<2x256xf32, #tpu.memory_space<vmem>>, vector<2x256xf32>
      tpu.vector_store %arg8[%swap3A_55, %swap3A_56], %broadcast_in_dim3A_54 {strides = array<i32>} : memref<2x256xf32, #tpu.memory_space<vmem>>, vector<2x256xf32>,
    } else {
    }
    %get3A_46 = arith.constant 0 : index
    %get3A_47 = arith.constant 0 : index
    %get3A_48 = vector.load %arg8[%get3A_46, %get3A_47] : memref<2x256xf32, #tpu.memory_space<vmem>>, vector<2x256xf32>
    %add3A_49 = arith.addf %get3A_48, %concatenate3A : vector<2x256xf32>
    %swap3A_50 = arith.constant 0 : index
    %swap3A_51 = arith.constant 0 : index
    %swap3A_52 = vector.load %arg8[%swap3A_50, %swap3A_51] : memref<2x256xf32, #tpu.memory_space<vmem>>, vector<2x256xf32>
    tpu.vector_store %arg8[%swap3A_50, %swap3A_51], %add3A_49 {strides = array<i32>} : memref<2x256xf32, #tpu.memory_space<vmem>>, vector<2x256xf32>,
    return
  }
  func.func @transform_0(%arg0: i32) -> (i32, i32) {
    %c0_i32 = arith.constant 0 : i32
    %c0_i32_0 = arith.constant 0 : i32
    return %arg0, %c0_i32 : i32, i32
  }
  func.func @transform_1(%arg0: i32) -> (i32, i32) {
    %c0_i32 = arith.constant 0 : i32
    %c0_i32_0 = arith.constant 0 : i32
    %c0_i32_1 = arith.constant 0 : i32
    return %c0_i32, %c0_i32_0 : i32, i32
  }
  func.func @transform_2(%arg0: i32) -> (i32, i32) {
    %c0_i32 = arith.constant 0 : i32
    %c0_i32_0 = arith.constant 0 : i32
    %c0_i32_1 = arith.constant 0 : i32
    return %c0_i32, %c0_i32_0 : i32, i32
  }
  func.func @transform_3(%arg0: i32) -> (i32, i32) {
    %c0_i32 = arith.constant 0 : i32
    %c0_i32_0 = arith.constant 0 : i32
    %c0_i32_1 = arith.constant 0 : i32
    return %c0_i32, %c0_i32_0 : i32, i32
  }
  func.func @transform_4(%arg0: i32) -> (i32, i32) {
    %c0_i32 = arith.constant 0 : i32
    %c0_i32_0 = arith.constant 0 : i32
    %c0_i32_1 = arith.constant 0 : i32
    return %c0_i32, %c0_i32_0 : i32, i32
  }
  func.func @transform_5(%arg0: i32) -> (i32, i32) {
    %c0_i32 = arith.constant 0 : i32
    %c0_i32_0 = arith.constant 0 : i32
    %c0_i32_1 = arith.constant 0 : i32
    return %c0_i32, %c0_i32_0 : i32, i32
  }
  func.func @transform_6(%arg0: i32) -> (i32, i32) {
    %c0_i32 = arith.constant 0 : i32
    %c0_i32_0 = arith.constant 0 : i32
    return %arg0, %c0_i32 : i32, i32
  }
  func.func @transform_7(%arg0: i32) -> (i32, i32) {
    %c0_i32 = arith.constant 0 : i32
    %c0_i32_0 = arith.constant 0 : i32
    %c0_i32_1 = arith.constant 0 : i32
    return %c0_i32, %c0_i32_0 : i32, i32
  }
}

module attributes {stable_mosaic.version = 14 : i64} {
  func.func @_pool_body(%arg0: i32, %arg1: memref<128x32x256xf32, #tpu.memory_space<vmem>>, %arg2: memref<2x256xf32, #tpu.memory_space<vmem>>, %arg3: memref<1x256xf32, #tpu.memory_space<vmem>>, %arg4: memref<1x256xf32, #tpu.memory_space<vmem>>, %arg5: memref<128x256xf32, #tpu.memory_space<vmem>>) attributes {dimension_semantics = [#tpu.dimension_semantics<arbitrary>], iteration_bounds = array<i64: 32>, scalar_prefetch = 0 : i64, scratch_operands = 0 : i64, tpu.core_type = #tpu.core_type<tc>, window_params = [{transform_indices = @transform_0, window_bounds = array<i64: 128, 32, 256>}, {pipeline_mode = #tpu.pipeline_mode<synchronous>, transform_indices = @transform_1, window_bounds = array<i64: 2, 256>}, {pipeline_mode = #tpu.pipeline_mode<synchronous>, transform_indices = @transform_2, window_bounds = array<i64: 1, 256>}, {pipeline_mode = #tpu.pipeline_mode<synchronous>, transform_indices = @transform_3, window_bounds = array<i64: 1, 256>}, {transform_indices = @transform_4, window_bounds = array<i64: 128, 256>}]} {
    %get3A = arith.constant 0 : index
    %get3A_0 = arith.constant 0 : index
    %get3A_1 = vector.load %arg2[%get3A, %get3A_0] : memref<2x256xf32, #tpu.memory_space<vmem>>, vector<2x256xf32>
    %get3A_2 = arith.constant 0 : index
    %get3A_3 = arith.constant 0 : index
    %get3A_4 = vector.load %arg3[%get3A_2, %get3A_3] : memref<1x256xf32, #tpu.memory_space<vmem>>, vector<1x256xf32>
    %get3A_5 = arith.constant 0 : index
    %get3A_6 = arith.constant 0 : index
    %get3A_7 = vector.load %arg4[%get3A_5, %get3A_6] : memref<1x256xf32, #tpu.memory_space<vmem>>, vector<1x256xf32>
    %slice3A = vector.extract_strided_slice %get3A_1 {offsets = [0, 0], sizes = [1, 256], strides = [1, 1]} : vector<2x256xf32> to vector<1x256xf32>
    %div3A = arith.constant 1.310720e+05 : f32
    %div3A_8 = vector.broadcast %div3A : f32 to vector<1x256xf32>
    %div3A_9 = arith.divf %slice3A, %div3A_8 : vector<1x256xf32>
    %slice3A_10 = vector.extract_strided_slice %get3A_1 {offsets = [1, 0], sizes = [1, 256], strides = [1, 1]} : vector<2x256xf32> to vector<1x256xf32>
    %div3A_11 = arith.constant 1.310720e+05 : f32
    %div3A_12 = vector.broadcast %div3A_11 : f32 to vector<1x256xf32>
    %div3A_13 = arith.divf %slice3A_10, %div3A_12 : vector<1x256xf32>
    %mul3A = arith.mulf %div3A_9, %div3A_9 : vector<1x256xf32>
    %sub3A = arith.subf %div3A_13, %mul3A : vector<1x256xf32>
    %add3A = arith.constant 9.99999974E-6 : f32
    %add3A_14 = vector.broadcast %add3A : f32 to vector<1x256xf32>
    %add3A_15 = arith.addf %sub3A, %add3A_14 : vector<1x256xf32>
    %sqrt3A = math.sqrt %add3A_15 : vector<1x256xf32>
    %div3A_16 = arith.divf %get3A_4, %sqrt3A : vector<1x256xf32>
    %mul3A_17 = arith.mulf %div3A_9, %div3A_16 : vector<1x256xf32>
    %sub3A_18 = arith.subf %get3A_7, %mul3A_17 : vector<1x256xf32>
    %get3A_19 = arith.constant 0 : index
    %get3A_20 = arith.constant 0 : index
    %get3A_21 = arith.constant 0 : index
    %get3A_22 = vector.load %arg1[%get3A_19, %get3A_20, %get3A_21] : memref<128x32x256xf32, #tpu.memory_space<vmem>>, vector<128x32x256xf32>
    %broadcast_in_dim3A = vector.shape_cast %div3A_16 : vector<1x256xf32> to vector<1x1x256xf32>
    %mul3A_23 = vector.broadcast %broadcast_in_dim3A : vector<1x1x256xf32> to vector<128x32x256xf32>
    %mul3A_24 = arith.mulf %get3A_22, %mul3A_23 : vector<128x32x256xf32>
    %broadcast_in_dim3A_25 = vector.shape_cast %sub3A_18 : vector<1x256xf32> to vector<1x1x256xf32>
    %add3A_26 = vector.broadcast %broadcast_in_dim3A_25 : vector<1x1x256xf32> to vector<128x32x256xf32>
    %add3A_27 = arith.addf %mul3A_24, %add3A_26 : vector<128x32x256xf32>
    %max3A = arith.constant 0.000000e+00 : f32
    %max3A_28 = vector.broadcast %max3A : f32 to vector<128x32x256xf32>
    %max3A_29 = arith.maximumf %add3A_27, %max3A_28 : vector<128x32x256xf32>
    %reduce_max3A = arith.constant dense<0xFF800000> : vector<128x256xf32>
    %reduce_max3A_30 = vector.multi_reduction <maximumf>, %max3A_29, %reduce_max3A [1] : vector<128x32x256xf32> to vector<128x256xf32>
    %swap3A = arith.constant 0 : index
    %swap3A_31 = arith.constant 0 : index
    %swap3A_32 = vector.load %arg5[%swap3A, %swap3A_31] : memref<128x256xf32, #tpu.memory_space<vmem>>, vector<128x256xf32>
    tpu.vector_store %arg5[%swap3A, %swap3A_31], %reduce_max3A_30 {strides = array<i32>} : memref<128x256xf32, #tpu.memory_space<vmem>>, vector<128x256xf32>,
    return
  }
  func.func @transform_0(%arg0: i32) -> (i32, i32, i32) {
    %c0_i32 = arith.constant 0 : i32
    %c0_i32_0 = arith.constant 0 : i32
    %c0_i32_1 = arith.constant 0 : i32
    return %arg0, %c0_i32, %c0_i32_0 : i32, i32, i32
  }
  func.func @transform_1(%arg0: i32) -> (i32, i32) {
    %c0_i32 = arith.constant 0 : i32
    %c0_i32_0 = arith.constant 0 : i32
    %c0_i32_1 = arith.constant 0 : i32
    return %c0_i32, %c0_i32_0 : i32, i32
  }
  func.func @transform_2(%arg0: i32) -> (i32, i32) {
    %c0_i32 = arith.constant 0 : i32
    %c0_i32_0 = arith.constant 0 : i32
    %c0_i32_1 = arith.constant 0 : i32
    return %c0_i32, %c0_i32_0 : i32, i32
  }
  func.func @transform_3(%arg0: i32) -> (i32, i32) {
    %c0_i32 = arith.constant 0 : i32
    %c0_i32_0 = arith.constant 0 : i32
    %c0_i32_1 = arith.constant 0 : i32
    return %c0_i32, %c0_i32_0 : i32, i32
  }
  func.func @transform_4(%arg0: i32) -> (i32, i32) {
    %c0_i32 = arith.constant 0 : i32
    %c0_i32_0 = arith.constant 0 : i32
    return %arg0, %c0_i32 : i32, i32
  }
}

module attributes {stable_mosaic.version = 14 : i64} {
  func.func @_mlp_first_body(%arg0: i32, %arg1: memref<4096x384xf32, #tpu.memory_space<vmem>>, %arg2: memref<64x384xf32, #tpu.memory_space<vmem>>, %arg3: memref<256x384xf32, #tpu.memory_space<vmem>>, %arg4: memref<1x256xf32, #tpu.memory_space<vmem>>, %arg5: memref<4096x256xf32, #tpu.memory_space<vmem>>, %arg6: memref<2x256xf32, #tpu.memory_space<vmem>>) attributes {dimension_semantics = [#tpu.dimension_semantics<arbitrary>], iteration_bounds = array<i64: 16>, scalar_prefetch = 0 : i64, scratch_operands = 0 : i64, tpu.core_type = #tpu.core_type<tc>, window_params = [{transform_indices = @transform_0, window_bounds = array<i64: 4096, 384>}, {transform_indices = @transform_1, window_bounds = array<i64: 64, 384>}, {pipeline_mode = #tpu.pipeline_mode<synchronous>, transform_indices = @transform_2, window_bounds = array<i64: 256, 384>}, {pipeline_mode = #tpu.pipeline_mode<synchronous>, transform_indices = @transform_3, window_bounds = array<i64: 1, 256>}, {transform_indices = @transform_4, window_bounds = array<i64: 4096, 256>}, {pipeline_mode = #tpu.pipeline_mode<synchronous>, transform_indices = @transform_5, window_bounds = array<i64: 2, 256>}]} {
    %get3A = arith.constant 0 : index
    %get3A_0 = arith.constant 0 : index
    %get3A_1 = vector.load %arg1[%get3A, %get3A_0] : memref<4096x384xf32, #tpu.memory_space<vmem>>, vector<4096x384xf32>
    %get3A_2 = arith.constant 0 : index
    %get3A_3 = arith.constant 0 : index
    %get3A_4 = vector.load %arg2[%get3A_2, %get3A_3] : memref<64x384xf32, #tpu.memory_space<vmem>>, vector<64x384xf32>
    %reshape3A = vector.shape_cast %get3A_1 : vector<4096x384xf32> to vector<64x64x384xf32>
    %broadcast_in_dim3A = vector.shape_cast %get3A_4 : vector<64x384xf32> to vector<64x1x384xf32>
    %sub3A = vector.broadcast %broadcast_in_dim3A : vector<64x1x384xf32> to vector<64x64x384xf32>
    %sub3A_5 = arith.subf %reshape3A, %sub3A : vector<64x64x384xf32>
    %reshape3A_6 = vector.shape_cast %sub3A_5 : vector<64x64x384xf32> to vector<4096x384xf32>
    %get3A_7 = arith.constant 0 : index
    %get3A_8 = arith.constant 0 : index
    %get3A_9 = vector.load %arg3[%get3A_7, %get3A_8] : memref<256x384xf32, #tpu.memory_space<vmem>>, vector<256x384xf32>
    %dot_general3A = arith.constant dense<0.000000e+00> : vector<4096x256xf32>
    %dot_general3A_10 = tpu.matmul %reshape3A_6, %get3A_9, %dot_general3A {dimension_numbers = #tpu.dot_dimension_numbers<[1], [1], [0], [0], [0, 0, 1, 0], [], []>, transpose_lhs_hint = false} : vector<4096x384xf32>, vector<256x384xf32>, vector<4096x256xf32> -> vector<4096x256xf32>
    %get3A_11 = arith.constant 0 : index
    %get3A_12 = arith.constant 0 : index
    %get3A_13 = vector.load %arg4[%get3A_11, %get3A_12] : memref<1x256xf32, #tpu.memory_space<vmem>>, vector<1x256xf32>
    %add3A = vector.broadcast %get3A_13 : vector<1x256xf32> to vector<4096x256xf32>
    %add3A_14 = arith.addf %dot_general3A_10, %add3A : vector<4096x256xf32>
    %swap3A = arith.constant 0 : index
    %swap3A_15 = arith.constant 0 : index
    %swap3A_16 = vector.load %arg5[%swap3A, %swap3A_15] : memref<4096x256xf32, #tpu.memory_space<vmem>>, vector<4096x256xf32>
    tpu.vector_store %arg5[%swap3A, %swap3A_15], %add3A_14 {strides = array<i32>} : memref<4096x256xf32, #tpu.memory_space<vmem>>, vector<4096x256xf32>,
    %reduce_sum3A = arith.constant dense<0.000000e+00> : vector<256xf32>
    %reduce_sum3A_17 = vector.multi_reduction <add>, %add3A_14, %reduce_sum3A [0] : vector<4096x256xf32> to vector<256xf32>
    %broadcast_in_dim3A_18 = vector.shape_cast %reduce_sum3A_17 : vector<256xf32> to vector<1x256xf32>
    %mul3A = arith.mulf %add3A_14, %add3A_14 : vector<4096x256xf32>
    %reduce_sum3A_19 = arith.constant dense<0.000000e+00> : vector<256xf32>
    %reduce_sum3A_20 = vector.multi_reduction <add>, %mul3A, %reduce_sum3A_19 [0] : vector<4096x256xf32> to vector<256xf32>
    %broadcast_in_dim3A_21 = vector.shape_cast %reduce_sum3A_20 : vector<256xf32> to vector<1x256xf32>
    %concatenate3A = tpu.concatenate %broadcast_in_dim3A_18, %broadcast_in_dim3A_21 in 0 : vector<1x256xf32>, vector<1x256xf32> -> vector<2x256xf32>
    %eq3A = arith.constant 0 : i32
    %eq3A_22 = arith.cmpi eq, %arg0, %eq3A : i32
    %convert_element_type3A = arith.extui %eq3A_22 : i1 to i32
    %cond3A = arith.constant 0 : i32
    %cond3A_23 = arith.cmpi ne, %convert_element_type3A, %cond3A : i32
    scf.if %cond3A_23 {
      %broadcast_in_dim3A_31 = arith.constant 0.000000e+00 : f32
      %broadcast_in_dim3A_32 = vector.broadcast %broadcast_in_dim3A_31 : f32 to vector<2x256xf32>
      %swap3A_33 = arith.constant 0 : index
      %swap3A_34 = arith.constant 0 : index
      %swap3A_35 = vector.load %arg6[%swap3A_33, %swap3A_34] : memref<2x256xf32, #tpu.memory_space<vmem>>, vector<2x256xf32>
      tpu.vector_store %arg6[%swap3A_33, %swap3A_34], %broadcast_in_dim3A_32 {strides = array<i32>} : memref<2x256xf32, #tpu.memory_space<vmem>>, vector<2x256xf32>,
    } else {
    }
    %get3A_24 = arith.constant 0 : index
    %get3A_25 = arith.constant 0 : index
    %get3A_26 = vector.load %arg6[%get3A_24, %get3A_25] : memref<2x256xf32, #tpu.memory_space<vmem>>, vector<2x256xf32>
    %add3A_27 = arith.addf %get3A_26, %concatenate3A : vector<2x256xf32>
    %swap3A_28 = arith.constant 0 : index
    %swap3A_29 = arith.constant 0 : index
    %swap3A_30 = vector.load %arg6[%swap3A_28, %swap3A_29] : memref<2x256xf32, #tpu.memory_space<vmem>>, vector<2x256xf32>
    tpu.vector_store %arg6[%swap3A_28, %swap3A_29], %add3A_27 {strides = array<i32>} : memref<2x256xf32, #tpu.memory_space<vmem>>, vector<2x256xf32>,
    return
  }
  func.func @transform_0(%arg0: i32) -> (i32, i32) {
    %c0_i32 = arith.constant 0 : i32
    %c0_i32_0 = arith.constant 0 : i32
    return %arg0, %c0_i32 : i32, i32
  }
  func.func @transform_1(%arg0: i32) -> (i32, i32) {
    %c0_i32 = arith.constant 0 : i32
    %c0_i32_0 = arith.constant 0 : i32
    return %arg0, %c0_i32 : i32, i32
  }
  func.func @transform_2(%arg0: i32) -> (i32, i32) {
    %c0_i32 = arith.constant 0 : i32
    %c0_i32_0 = arith.constant 0 : i32
    %c0_i32_1 = arith.constant 0 : i32
    return %c0_i32, %c0_i32_0 : i32, i32
  }
  func.func @transform_3(%arg0: i32) -> (i32, i32) {
    %c0_i32 = arith.constant 0 : i32
    %c0_i32_0 = arith.constant 0 : i32
    %c0_i32_1 = arith.constant 0 : i32
    return %c0_i32, %c0_i32_0 : i32, i32
  }
  func.func @transform_4(%arg0: i32) -> (i32, i32) {
    %c0_i32 = arith.constant 0 : i32
    %c0_i32_0 = arith.constant 0 : i32
    return %arg0, %c0_i32 : i32, i32
  }
  func.func @transform_5(%arg0: i32) -> (i32, i32) {
    %c0_i32 = arith.constant 0 : i32
    %c0_i32_0 = arith.constant 0 : i32
    %c0_i32_1 = arith.constant 0 : i32
    return %c0_i32, %c0_i32_0 : i32, i32
  }
}

module attributes {stable_mosaic.version = 14 : i64} {
  func.func @_mlp_mid_body(%arg0: i32, %arg1: memref<4096x256xf32, #tpu.memory_space<vmem>>, %arg2: memref<2x256xf32, #tpu.memory_space<vmem>>, %arg3: memref<1x256xf32, #tpu.memory_space<vmem>>, %arg4: memref<1x256xf32, #tpu.memory_space<vmem>>, %arg5: memref<256x256xf32, #tpu.memory_space<vmem>>, %arg6: memref<1x256xf32, #tpu.memory_space<vmem>>, %arg7: memref<4096x256xf32, #tpu.memory_space<vmem>>, %arg8: memref<2x256xf32, #tpu.memory_space<vmem>>) attributes {dimension_semantics = [#tpu.dimension_semantics<arbitrary>], iteration_bounds = array<i64: 16>, scalar_prefetch = 0 : i64, scratch_operands = 0 : i64, tpu.core_type = #tpu.core_type<tc>, window_params = [{transform_indices = @transform_0, window_bounds = array<i64: 4096, 256>}, {pipeline_mode = #tpu.pipeline_mode<synchronous>, transform_indices = @transform_1, window_bounds = array<i64: 2, 256>}, {pipeline_mode = #tpu.pipeline_mode<synchronous>, transform_indices = @transform_2, window_bounds = array<i64: 1, 256>}, {pipeline_mode = #tpu.pipeline_mode<synchronous>, transform_indices = @transform_3, window_bounds = array<i64: 1, 256>}, {pipeline_mode = #tpu.pipeline_mode<synchronous>, transform_indices = @transform_4, window_bounds = array<i64: 256, 256>}, {pipeline_mode = #tpu.pipeline_mode<synchronous>, transform_indices = @transform_5, window_bounds = array<i64: 1, 256>}, {transform_indices = @transform_6, window_bounds = array<i64: 4096, 256>}, {pipeline_mode = #tpu.pipeline_mode<synchronous>, transform_indices = @transform_7, window_bounds = array<i64: 2, 256>}]} {
    %get3A = arith.constant 0 : index
    %get3A_0 = arith.constant 0 : index
    %get3A_1 = vector.load %arg2[%get3A, %get3A_0] : memref<2x256xf32, #tpu.memory_space<vmem>>, vector<2x256xf32>
    %get3A_2 = arith.constant 0 : index
    %get3A_3 = arith.constant 0 : index
    %get3A_4 = vector.load %arg3[%get3A_2, %get3A_3] : memref<1x256xf32, #tpu.memory_space<vmem>>, vector<1x256xf32>
    %get3A_5 = arith.constant 0 : index
    %get3A_6 = arith.constant 0 : index
    %get3A_7 = vector.load %arg4[%get3A_5, %get3A_6] : memref<1x256xf32, #tpu.memory_space<vmem>>, vector<1x256xf32>
    %slice3A = vector.extract_strided_slice %get3A_1 {offsets = [0, 0], sizes = [1, 256], strides = [1, 1]} : vector<2x256xf32> to vector<1x256xf32>
    %div3A = arith.constant 6.553600e+04 : f32
    %div3A_8 = vector.broadcast %div3A : f32 to vector<1x256xf32>
    %div3A_9 = arith.divf %slice3A, %div3A_8 : vector<1x256xf32>
    %slice3A_10 = vector.extract_strided_slice %get3A_1 {offsets = [1, 0], sizes = [1, 256], strides = [1, 1]} : vector<2x256xf32> to vector<1x256xf32>
    %div3A_11 = arith.constant 6.553600e+04 : f32
    %div3A_12 = vector.broadcast %div3A_11 : f32 to vector<1x256xf32>
    %div3A_13 = arith.divf %slice3A_10, %div3A_12 : vector<1x256xf32>
    %mul3A = arith.mulf %div3A_9, %div3A_9 : vector<1x256xf32>
    %sub3A = arith.subf %div3A_13, %mul3A : vector<1x256xf32>
    %add3A = arith.constant 9.99999974E-6 : f32
    %add3A_14 = vector.broadcast %add3A : f32 to vector<1x256xf32>
    %add3A_15 = arith.addf %sub3A, %add3A_14 : vector<1x256xf32>
    %sqrt3A = math.sqrt %add3A_15 : vector<1x256xf32>
    %div3A_16 = arith.divf %get3A_4, %sqrt3A : vector<1x256xf32>
    %mul3A_17 = arith.mulf %div3A_9, %div3A_16 : vector<1x256xf32>
    %sub3A_18 = arith.subf %get3A_7, %mul3A_17 : vector<1x256xf32>
    %get3A_19 = arith.constant 0 : index
    %get3A_20 = arith.constant 0 : index
    %get3A_21 = vector.load %arg1[%get3A_19, %get3A_20] : memref<4096x256xf32, #tpu.memory_space<vmem>>, vector<4096x256xf32>
    %mul3A_22 = vector.broadcast %div3A_16 : vector<1x256xf32> to vector<4096x256xf32>
    %mul3A_23 = arith.mulf %get3A_21, %mul3A_22 : vector<4096x256xf32>
    %add3A_24 = vector.broadcast %sub3A_18 : vector<1x256xf32> to vector<4096x256xf32>
    %add3A_25 = arith.addf %mul3A_23, %add3A_24 : vector<4096x256xf32>
    %max3A = arith.constant 0.000000e+00 : f32
    %max3A_26 = vector.broadcast %max3A : f32 to vector<4096x256xf32>
    %max3A_27 = arith.maximumf %add3A_25, %max3A_26 : vector<4096x256xf32>
    %get3A_28 = arith.constant 0 : index
    %get3A_29 = arith.constant 0 : index
    %get3A_30 = vector.load %arg5[%get3A_28, %get3A_29] : memref<256x256xf32, #tpu.memory_space<vmem>>, vector<256x256xf32>
    %dot_general3A = arith.constant dense<0.000000e+00> : vector<4096x256xf32>
    %dot_general3A_31 = tpu.matmul %max3A_27, %get3A_30, %dot_general3A {dimension_numbers = #tpu.dot_dimension_numbers<[1], [1], [0], [0], [0, 0, 1, 0], [], []>, transpose_lhs_hint = false} : vector<4096x256xf32>, vector<256x256xf32>, vector<4096x256xf32> -> vector<4096x256xf32>
    %get3A_32 = arith.constant 0 : index
    %get3A_33 = arith.constant 0 : index
    %get3A_34 = vector.load %arg6[%get3A_32, %get3A_33] : memref<1x256xf32, #tpu.memory_space<vmem>>, vector<1x256xf32>
    %add3A_35 = vector.broadcast %get3A_34 : vector<1x256xf32> to vector<4096x256xf32>
    %add3A_36 = arith.addf %dot_general3A_31, %add3A_35 : vector<4096x256xf32>
    %swap3A = arith.constant 0 : index
    %swap3A_37 = arith.constant 0 : index
    %swap3A_38 = vector.load %arg7[%swap3A, %swap3A_37] : memref<4096x256xf32, #tpu.memory_space<vmem>>, vector<4096x256xf32>
    tpu.vector_store %arg7[%swap3A, %swap3A_37], %add3A_36 {strides = array<i32>} : memref<4096x256xf32, #tpu.memory_space<vmem>>, vector<4096x256xf32>,
    %reduce_sum3A = arith.constant dense<0.000000e+00> : vector<256xf32>
    %reduce_sum3A_39 = vector.multi_reduction <add>, %add3A_36, %reduce_sum3A [0] : vector<4096x256xf32> to vector<256xf32>
    %broadcast_in_dim3A = vector.shape_cast %reduce_sum3A_39 : vector<256xf32> to vector<1x256xf32>
    %mul3A_40 = arith.mulf %add3A_36, %add3A_36 : vector<4096x256xf32>
    %reduce_sum3A_41 = arith.constant dense<0.000000e+00> : vector<256xf32>
    %reduce_sum3A_42 = vector.multi_reduction <add>, %mul3A_40, %reduce_sum3A_41 [0] : vector<4096x256xf32> to vector<256xf32>
    %broadcast_in_dim3A_43 = vector.shape_cast %reduce_sum3A_42 : vector<256xf32> to vector<1x256xf32>
    %concatenate3A = tpu.concatenate %broadcast_in_dim3A, %broadcast_in_dim3A_43 in 0 : vector<1x256xf32>, vector<1x256xf32> -> vector<2x256xf32>
    %eq3A = arith.constant 0 : i32
    %eq3A_44 = arith.cmpi eq, %arg0, %eq3A : i32
    %convert_element_type3A = arith.extui %eq3A_44 : i1 to i32
    %cond3A = arith.constant 0 : i32
    %cond3A_45 = arith.cmpi ne, %convert_element_type3A, %cond3A : i32
    scf.if %cond3A_45 {
      %broadcast_in_dim3A_53 = arith.constant 0.000000e+00 : f32
      %broadcast_in_dim3A_54 = vector.broadcast %broadcast_in_dim3A_53 : f32 to vector<2x256xf32>
      %swap3A_55 = arith.constant 0 : index
      %swap3A_56 = arith.constant 0 : index
      %swap3A_57 = vector.load %arg8[%swap3A_55, %swap3A_56] : memref<2x256xf32, #tpu.memory_space<vmem>>, vector<2x256xf32>
      tpu.vector_store %arg8[%swap3A_55, %swap3A_56], %broadcast_in_dim3A_54 {strides = array<i32>} : memref<2x256xf32, #tpu.memory_space<vmem>>, vector<2x256xf32>,
    } else {
    }
    %get3A_46 = arith.constant 0 : index
    %get3A_47 = arith.constant 0 : index
    %get3A_48 = vector.load %arg8[%get3A_46, %get3A_47] : memref<2x256xf32, #tpu.memory_space<vmem>>, vector<2x256xf32>
    %add3A_49 = arith.addf %get3A_48, %concatenate3A : vector<2x256xf32>
    %swap3A_50 = arith.constant 0 : index
    %swap3A_51 = arith.constant 0 : index
    %swap3A_52 = vector.load %arg8[%swap3A_50, %swap3A_51] : memref<2x256xf32, #tpu.memory_space<vmem>>, vector<2x256xf32>
    tpu.vector_store %arg8[%swap3A_50, %swap3A_51], %add3A_49 {strides = array<i32>} : memref<2x256xf32, #tpu.memory_space<vmem>>, vector<2x256xf32>,
    return
  }
  func.func @transform_0(%arg0: i32) -> (i32, i32) {
    %c0_i32 = arith.constant 0 : i32
    %c0_i32_0 = arith.constant 0 : i32
    return %arg0, %c0_i32 : i32, i32
  }
  func.func @transform_1(%arg0: i32) -> (i32, i32) {
    %c0_i32 = arith.constant 0 : i32
    %c0_i32_0 = arith.constant 0 : i32
    %c0_i32_1 = arith.constant 0 : i32
    return %c0_i32, %c0_i32_0 : i32, i32
  }
  func.func @transform_2(%arg0: i32) -> (i32, i32) {
    %c0_i32 = arith.constant 0 : i32
    %c0_i32_0 = arith.constant 0 : i32
    %c0_i32_1 = arith.constant 0 : i32
    return %c0_i32, %c0_i32_0 : i32, i32
  }
  func.func @transform_3(%arg0: i32) -> (i32, i32) {
    %c0_i32 = arith.constant 0 : i32
    %c0_i32_0 = arith.constant 0 : i32
    %c0_i32_1 = arith.constant 0 : i32
    return %c0_i32, %c0_i32_0 : i32, i32
  }
  func.func @transform_4(%arg0: i32) -> (i32, i32) {
    %c0_i32 = arith.constant 0 : i32
    %c0_i32_0 = arith.constant 0 : i32
    %c0_i32_1 = arith.constant 0 : i32
    return %c0_i32, %c0_i32_0 : i32, i32
  }
  func.func @transform_5(%arg0: i32) -> (i32, i32) {
    %c0_i32 = arith.constant 0 : i32
    %c0_i32_0 = arith.constant 0 : i32
    %c0_i32_1 = arith.constant 0 : i32
    return %c0_i32, %c0_i32_0 : i32, i32
  }
  func.func @transform_6(%arg0: i32) -> (i32, i32) {
    %c0_i32 = arith.constant 0 : i32
    %c0_i32_0 = arith.constant 0 : i32
    return %arg0, %c0_i32 : i32, i32
  }
  func.func @transform_7(%arg0: i32) -> (i32, i32) {
    %c0_i32 = arith.constant 0 : i32
    %c0_i32_0 = arith.constant 0 : i32
    %c0_i32_1 = arith.constant 0 : i32
    return %c0_i32, %c0_i32_0 : i32, i32
  }
}

module attributes {stable_mosaic.version = 14 : i64} {
  func.func @_mlp_mid_body(%arg0: i32, %arg1: memref<4096x256xf32, #tpu.memory_space<vmem>>, %arg2: memref<2x256xf32, #tpu.memory_space<vmem>>, %arg3: memref<1x256xf32, #tpu.memory_space<vmem>>, %arg4: memref<1x256xf32, #tpu.memory_space<vmem>>, %arg5: memref<512x256xf32, #tpu.memory_space<vmem>>, %arg6: memref<1x512xf32, #tpu.memory_space<vmem>>, %arg7: memref<4096x512xf32, #tpu.memory_space<vmem>>, %arg8: memref<2x512xf32, #tpu.memory_space<vmem>>) attributes {dimension_semantics = [#tpu.dimension_semantics<arbitrary>], iteration_bounds = array<i64: 16>, scalar_prefetch = 0 : i64, scratch_operands = 0 : i64, tpu.core_type = #tpu.core_type<tc>, window_params = [{transform_indices = @transform_0, window_bounds = array<i64: 4096, 256>}, {pipeline_mode = #tpu.pipeline_mode<synchronous>, transform_indices = @transform_1, window_bounds = array<i64: 2, 256>}, {pipeline_mode = #tpu.pipeline_mode<synchronous>, transform_indices = @transform_2, window_bounds = array<i64: 1, 256>}, {pipeline_mode = #tpu.pipeline_mode<synchronous>, transform_indices = @transform_3, window_bounds = array<i64: 1, 256>}, {pipeline_mode = #tpu.pipeline_mode<synchronous>, transform_indices = @transform_4, window_bounds = array<i64: 512, 256>}, {pipeline_mode = #tpu.pipeline_mode<synchronous>, transform_indices = @transform_5, window_bounds = array<i64: 1, 512>}, {transform_indices = @transform_6, window_bounds = array<i64: 4096, 512>}, {pipeline_mode = #tpu.pipeline_mode<synchronous>, transform_indices = @transform_7, window_bounds = array<i64: 2, 512>}]} {
    %get3A = arith.constant 0 : index
    %get3A_0 = arith.constant 0 : index
    %get3A_1 = vector.load %arg2[%get3A, %get3A_0] : memref<2x256xf32, #tpu.memory_space<vmem>>, vector<2x256xf32>
    %get3A_2 = arith.constant 0 : index
    %get3A_3 = arith.constant 0 : index
    %get3A_4 = vector.load %arg3[%get3A_2, %get3A_3] : memref<1x256xf32, #tpu.memory_space<vmem>>, vector<1x256xf32>
    %get3A_5 = arith.constant 0 : index
    %get3A_6 = arith.constant 0 : index
    %get3A_7 = vector.load %arg4[%get3A_5, %get3A_6] : memref<1x256xf32, #tpu.memory_space<vmem>>, vector<1x256xf32>
    %slice3A = vector.extract_strided_slice %get3A_1 {offsets = [0, 0], sizes = [1, 256], strides = [1, 1]} : vector<2x256xf32> to vector<1x256xf32>
    %div3A = arith.constant 6.553600e+04 : f32
    %div3A_8 = vector.broadcast %div3A : f32 to vector<1x256xf32>
    %div3A_9 = arith.divf %slice3A, %div3A_8 : vector<1x256xf32>
    %slice3A_10 = vector.extract_strided_slice %get3A_1 {offsets = [1, 0], sizes = [1, 256], strides = [1, 1]} : vector<2x256xf32> to vector<1x256xf32>
    %div3A_11 = arith.constant 6.553600e+04 : f32
    %div3A_12 = vector.broadcast %div3A_11 : f32 to vector<1x256xf32>
    %div3A_13 = arith.divf %slice3A_10, %div3A_12 : vector<1x256xf32>
    %mul3A = arith.mulf %div3A_9, %div3A_9 : vector<1x256xf32>
    %sub3A = arith.subf %div3A_13, %mul3A : vector<1x256xf32>
    %add3A = arith.constant 9.99999974E-6 : f32
    %add3A_14 = vector.broadcast %add3A : f32 to vector<1x256xf32>
    %add3A_15 = arith.addf %sub3A, %add3A_14 : vector<1x256xf32>
    %sqrt3A = math.sqrt %add3A_15 : vector<1x256xf32>
    %div3A_16 = arith.divf %get3A_4, %sqrt3A : vector<1x256xf32>
    %mul3A_17 = arith.mulf %div3A_9, %div3A_16 : vector<1x256xf32>
    %sub3A_18 = arith.subf %get3A_7, %mul3A_17 : vector<1x256xf32>
    %get3A_19 = arith.constant 0 : index
    %get3A_20 = arith.constant 0 : index
    %get3A_21 = vector.load %arg1[%get3A_19, %get3A_20] : memref<4096x256xf32, #tpu.memory_space<vmem>>, vector<4096x256xf32>
    %mul3A_22 = vector.broadcast %div3A_16 : vector<1x256xf32> to vector<4096x256xf32>
    %mul3A_23 = arith.mulf %get3A_21, %mul3A_22 : vector<4096x256xf32>
    %add3A_24 = vector.broadcast %sub3A_18 : vector<1x256xf32> to vector<4096x256xf32>
    %add3A_25 = arith.addf %mul3A_23, %add3A_24 : vector<4096x256xf32>
    %max3A = arith.constant 0.000000e+00 : f32
    %max3A_26 = vector.broadcast %max3A : f32 to vector<4096x256xf32>
    %max3A_27 = arith.maximumf %add3A_25, %max3A_26 : vector<4096x256xf32>
    %get3A_28 = arith.constant 0 : index
    %get3A_29 = arith.constant 0 : index
    %get3A_30 = vector.load %arg5[%get3A_28, %get3A_29] : memref<512x256xf32, #tpu.memory_space<vmem>>, vector<512x256xf32>
    %dot_general3A = arith.constant dense<0.000000e+00> : vector<4096x512xf32>
    %dot_general3A_31 = tpu.matmul %max3A_27, %get3A_30, %dot_general3A {dimension_numbers = #tpu.dot_dimension_numbers<[1], [1], [0], [0], [0, 0, 1, 0], [], []>, transpose_lhs_hint = false} : vector<4096x256xf32>, vector<512x256xf32>, vector<4096x512xf32> -> vector<4096x512xf32>
    %get3A_32 = arith.constant 0 : index
    %get3A_33 = arith.constant 0 : index
    %get3A_34 = vector.load %arg6[%get3A_32, %get3A_33] : memref<1x512xf32, #tpu.memory_space<vmem>>, vector<1x512xf32>
    %add3A_35 = vector.broadcast %get3A_34 : vector<1x512xf32> to vector<4096x512xf32>
    %add3A_36 = arith.addf %dot_general3A_31, %add3A_35 : vector<4096x512xf32>
    %swap3A = arith.constant 0 : index
    %swap3A_37 = arith.constant 0 : index
    %swap3A_38 = vector.load %arg7[%swap3A, %swap3A_37] : memref<4096x512xf32, #tpu.memory_space<vmem>>, vector<4096x512xf32>
    tpu.vector_store %arg7[%swap3A, %swap3A_37], %add3A_36 {strides = array<i32>} : memref<4096x512xf32, #tpu.memory_space<vmem>>, vector<4096x512xf32>,
    %reduce_sum3A = arith.constant dense<0.000000e+00> : vector<512xf32>
    %reduce_sum3A_39 = vector.multi_reduction <add>, %add3A_36, %reduce_sum3A [0] : vector<4096x512xf32> to vector<512xf32>
    %broadcast_in_dim3A = vector.shape_cast %reduce_sum3A_39 : vector<512xf32> to vector<1x512xf32>
    %mul3A_40 = arith.mulf %add3A_36, %add3A_36 : vector<4096x512xf32>
    %reduce_sum3A_41 = arith.constant dense<0.000000e+00> : vector<512xf32>
    %reduce_sum3A_42 = vector.multi_reduction <add>, %mul3A_40, %reduce_sum3A_41 [0] : vector<4096x512xf32> to vector<512xf32>
    %broadcast_in_dim3A_43 = vector.shape_cast %reduce_sum3A_42 : vector<512xf32> to vector<1x512xf32>
    %concatenate3A = tpu.concatenate %broadcast_in_dim3A, %broadcast_in_dim3A_43 in 0 : vector<1x512xf32>, vector<1x512xf32> -> vector<2x512xf32>
    %eq3A = arith.constant 0 : i32
    %eq3A_44 = arith.cmpi eq, %arg0, %eq3A : i32
    %convert_element_type3A = arith.extui %eq3A_44 : i1 to i32
    %cond3A = arith.constant 0 : i32
    %cond3A_45 = arith.cmpi ne, %convert_element_type3A, %cond3A : i32
    scf.if %cond3A_45 {
      %broadcast_in_dim3A_53 = arith.constant 0.000000e+00 : f32
      %broadcast_in_dim3A_54 = vector.broadcast %broadcast_in_dim3A_53 : f32 to vector<2x512xf32>
      %swap3A_55 = arith.constant 0 : index
      %swap3A_56 = arith.constant 0 : index
      %swap3A_57 = vector.load %arg8[%swap3A_55, %swap3A_56] : memref<2x512xf32, #tpu.memory_space<vmem>>, vector<2x512xf32>
      tpu.vector_store %arg8[%swap3A_55, %swap3A_56], %broadcast_in_dim3A_54 {strides = array<i32>} : memref<2x512xf32, #tpu.memory_space<vmem>>, vector<2x512xf32>,
    } else {
    }
    %get3A_46 = arith.constant 0 : index
    %get3A_47 = arith.constant 0 : index
    %get3A_48 = vector.load %arg8[%get3A_46, %get3A_47] : memref<2x512xf32, #tpu.memory_space<vmem>>, vector<2x512xf32>
    %add3A_49 = arith.addf %get3A_48, %concatenate3A : vector<2x512xf32>
    %swap3A_50 = arith.constant 0 : index
    %swap3A_51 = arith.constant 0 : index
    %swap3A_52 = vector.load %arg8[%swap3A_50, %swap3A_51] : memref<2x512xf32, #tpu.memory_space<vmem>>, vector<2x512xf32>
    tpu.vector_store %arg8[%swap3A_50, %swap3A_51], %add3A_49 {strides = array<i32>} : memref<2x512xf32, #tpu.memory_space<vmem>>, vector<2x512xf32>,
    return
  }
  func.func @transform_0(%arg0: i32) -> (i32, i32) {
    %c0_i32 = arith.constant 0 : i32
    %c0_i32_0 = arith.constant 0 : i32
    return %arg0, %c0_i32 : i32, i32
  }
  func.func @transform_1(%arg0: i32) -> (i32, i32) {
    %c0_i32 = arith.constant 0 : i32
    %c0_i32_0 = arith.constant 0 : i32
    %c0_i32_1 = arith.constant 0 : i32
    return %c0_i32, %c0_i32_0 : i32, i32
  }
  func.func @transform_2(%arg0: i32) -> (i32, i32) {
    %c0_i32 = arith.constant 0 : i32
    %c0_i32_0 = arith.constant 0 : i32
    %c0_i32_1 = arith.constant 0 : i32
    return %c0_i32, %c0_i32_0 : i32, i32
  }
  func.func @transform_3(%arg0: i32) -> (i32, i32) {
    %c0_i32 = arith.constant 0 : i32
    %c0_i32_0 = arith.constant 0 : i32
    %c0_i32_1 = arith.constant 0 : i32
    return %c0_i32, %c0_i32_0 : i32, i32
  }
  func.func @transform_4(%arg0: i32) -> (i32, i32) {
    %c0_i32 = arith.constant 0 : i32
    %c0_i32_0 = arith.constant 0 : i32
    %c0_i32_1 = arith.constant 0 : i32
    return %c0_i32, %c0_i32_0 : i32, i32
  }
  func.func @transform_5(%arg0: i32) -> (i32, i32) {
    %c0_i32 = arith.constant 0 : i32
    %c0_i32_0 = arith.constant 0 : i32
    %c0_i32_1 = arith.constant 0 : i32
    return %c0_i32, %c0_i32_0 : i32, i32
  }
  func.func @transform_6(%arg0: i32) -> (i32, i32) {
    %c0_i32 = arith.constant 0 : i32
    %c0_i32_0 = arith.constant 0 : i32
    return %arg0, %c0_i32 : i32, i32
  }
  func.func @transform_7(%arg0: i32) -> (i32, i32) {
    %c0_i32 = arith.constant 0 : i32
    %c0_i32_0 = arith.constant 0 : i32
    %c0_i32_1 = arith.constant 0 : i32
    return %c0_i32, %c0_i32_0 : i32, i32
  }
}

module attributes {stable_mosaic.version = 14 : i64} {
  func.func @_pool_body(%arg0: i32, %arg1: memref<32x64x512xf32, #tpu.memory_space<vmem>>, %arg2: memref<2x512xf32, #tpu.memory_space<vmem>>, %arg3: memref<1x512xf32, #tpu.memory_space<vmem>>, %arg4: memref<1x512xf32, #tpu.memory_space<vmem>>, %arg5: memref<32x512xf32, #tpu.memory_space<vmem>>) attributes {dimension_semantics = [#tpu.dimension_semantics<arbitrary>], iteration_bounds = array<i64: 32>, scalar_prefetch = 0 : i64, scratch_operands = 0 : i64, tpu.core_type = #tpu.core_type<tc>, window_params = [{transform_indices = @transform_0, window_bounds = array<i64: 32, 64, 512>}, {pipeline_mode = #tpu.pipeline_mode<synchronous>, transform_indices = @transform_1, window_bounds = array<i64: 2, 512>}, {pipeline_mode = #tpu.pipeline_mode<synchronous>, transform_indices = @transform_2, window_bounds = array<i64: 1, 512>}, {pipeline_mode = #tpu.pipeline_mode<synchronous>, transform_indices = @transform_3, window_bounds = array<i64: 1, 512>}, {transform_indices = @transform_4, window_bounds = array<i64: 32, 512>}]} {
    %get3A = arith.constant 0 : index
    %get3A_0 = arith.constant 0 : index
    %get3A_1 = vector.load %arg2[%get3A, %get3A_0] : memref<2x512xf32, #tpu.memory_space<vmem>>, vector<2x512xf32>
    %get3A_2 = arith.constant 0 : index
    %get3A_3 = arith.constant 0 : index
    %get3A_4 = vector.load %arg3[%get3A_2, %get3A_3] : memref<1x512xf32, #tpu.memory_space<vmem>>, vector<1x512xf32>
    %get3A_5 = arith.constant 0 : index
    %get3A_6 = arith.constant 0 : index
    %get3A_7 = vector.load %arg4[%get3A_5, %get3A_6] : memref<1x512xf32, #tpu.memory_space<vmem>>, vector<1x512xf32>
    %slice3A = vector.extract_strided_slice %get3A_1 {offsets = [0, 0], sizes = [1, 512], strides = [1, 1]} : vector<2x512xf32> to vector<1x512xf32>
    %div3A = arith.constant 6.553600e+04 : f32
    %div3A_8 = vector.broadcast %div3A : f32 to vector<1x512xf32>
    %div3A_9 = arith.divf %slice3A, %div3A_8 : vector<1x512xf32>
    %slice3A_10 = vector.extract_strided_slice %get3A_1 {offsets = [1, 0], sizes = [1, 512], strides = [1, 1]} : vector<2x512xf32> to vector<1x512xf32>
    %div3A_11 = arith.constant 6.553600e+04 : f32
    %div3A_12 = vector.broadcast %div3A_11 : f32 to vector<1x512xf32>
    %div3A_13 = arith.divf %slice3A_10, %div3A_12 : vector<1x512xf32>
    %mul3A = arith.mulf %div3A_9, %div3A_9 : vector<1x512xf32>
    %sub3A = arith.subf %div3A_13, %mul3A : vector<1x512xf32>
    %add3A = arith.constant 9.99999974E-6 : f32
    %add3A_14 = vector.broadcast %add3A : f32 to vector<1x512xf32>
    %add3A_15 = arith.addf %sub3A, %add3A_14 : vector<1x512xf32>
    %sqrt3A = math.sqrt %add3A_15 : vector<1x512xf32>
    %div3A_16 = arith.divf %get3A_4, %sqrt3A : vector<1x512xf32>
    %mul3A_17 = arith.mulf %div3A_9, %div3A_16 : vector<1x512xf32>
    %sub3A_18 = arith.subf %get3A_7, %mul3A_17 : vector<1x512xf32>
    %get3A_19 = arith.constant 0 : index
    %get3A_20 = arith.constant 0 : index
    %get3A_21 = arith.constant 0 : index
    %get3A_22 = vector.load %arg1[%get3A_19, %get3A_20, %get3A_21] : memref<32x64x512xf32, #tpu.memory_space<vmem>>, vector<32x64x512xf32>
    %broadcast_in_dim3A = vector.shape_cast %div3A_16 : vector<1x512xf32> to vector<1x1x512xf32>
    %mul3A_23 = vector.broadcast %broadcast_in_dim3A : vector<1x1x512xf32> to vector<32x64x512xf32>
    %mul3A_24 = arith.mulf %get3A_22, %mul3A_23 : vector<32x64x512xf32>
    %broadcast_in_dim3A_25 = vector.shape_cast %sub3A_18 : vector<1x512xf32> to vector<1x1x512xf32>
    %add3A_26 = vector.broadcast %broadcast_in_dim3A_25 : vector<1x1x512xf32> to vector<32x64x512xf32>
    %add3A_27 = arith.addf %mul3A_24, %add3A_26 : vector<32x64x512xf32>
    %max3A = arith.constant 0.000000e+00 : f32
    %max3A_28 = vector.broadcast %max3A : f32 to vector<32x64x512xf32>
    %max3A_29 = arith.maximumf %add3A_27, %max3A_28 : vector<32x64x512xf32>
    %reduce_max3A = arith.constant dense<0xFF800000> : vector<32x512xf32>
    %reduce_max3A_30 = vector.multi_reduction <maximumf>, %max3A_29, %reduce_max3A [1] : vector<32x64x512xf32> to vector<32x512xf32>
    %swap3A = arith.constant 0 : index
    %swap3A_31 = arith.constant 0 : index
    %swap3A_32 = vector.load %arg5[%swap3A, %swap3A_31] : memref<32x512xf32, #tpu.memory_space<vmem>>, vector<32x512xf32>
    tpu.vector_store %arg5[%swap3A, %swap3A_31], %reduce_max3A_30 {strides = array<i32>} : memref<32x512xf32, #tpu.memory_space<vmem>>, vector<32x512xf32>,
    return
  }
  func.func @transform_0(%arg0: i32) -> (i32, i32, i32) {
    %c0_i32 = arith.constant 0 : i32
    %c0_i32_0 = arith.constant 0 : i32
    %c0_i32_1 = arith.constant 0 : i32
    return %arg0, %c0_i32, %c0_i32_0 : i32, i32, i32
  }
  func.func @transform_1(%arg0: i32) -> (i32, i32) {
    %c0_i32 = arith.constant 0 : i32
    %c0_i32_0 = arith.constant 0 : i32
    %c0_i32_1 = arith.constant 0 : i32
    return %c0_i32, %c0_i32_0 : i32, i32
  }
  func.func @transform_2(%arg0: i32) -> (i32, i32) {
    %c0_i32 = arith.constant 0 : i32
    %c0_i32_0 = arith.constant 0 : i32
    %c0_i32_1 = arith.constant 0 : i32
    return %c0_i32, %c0_i32_0 : i32, i32
  }
  func.func @transform_3(%arg0: i32) -> (i32, i32) {
    %c0_i32 = arith.constant 0 : i32
    %c0_i32_0 = arith.constant 0 : i32
    %c0_i32_1 = arith.constant 0 : i32
    return %c0_i32, %c0_i32_0 : i32, i32
  }
  func.func @transform_4(%arg0: i32) -> (i32, i32) {
    %c0_i32 = arith.constant 0 : i32
    %c0_i32_0 = arith.constant 0 : i32
    return %arg0, %c0_i32 : i32, i32
  }
}

module attributes {stable_mosaic.version = 14 : i64} {
  func.func @_sa3_body(%arg0: memref<1024x520xf32, #tpu.memory_space<vmem>>, %arg1: memref<512x520xf32, #tpu.memory_space<vmem>>, %arg2: memref<1x512xf32, #tpu.memory_space<vmem>>, %arg3: memref<1x512xf32, #tpu.memory_space<vmem>>, %arg4: memref<1x512xf32, #tpu.memory_space<vmem>>, %arg5: memref<1024x512xf32, #tpu.memory_space<vmem>>, %arg6: memref<1x1024xf32, #tpu.memory_space<vmem>>, %arg7: memref<1x1024xf32, #tpu.memory_space<vmem>>, %arg8: memref<1x1024xf32, #tpu.memory_space<vmem>>, %arg9: memref<2048x1024xf32, #tpu.memory_space<vmem>>, %arg10: memref<1x2048xf32, #tpu.memory_space<vmem>>, %arg11: memref<1x2048xf32, #tpu.memory_space<vmem>>, %arg12: memref<1x2048xf32, #tpu.memory_space<vmem>>, %arg13: memref<8x2048xf32, #tpu.memory_space<vmem>>) attributes {dimension_semantics = [], scalar_prefetch = 0 : i64, scratch_operands = 0 : i64, tpu.core_type = #tpu.core_type<tc>} {
    %get3A = arith.constant 0 : index
    %get3A_0 = arith.constant 0 : index
    %get3A_1 = vector.load %arg0[%get3A, %get3A_0] : memref<1024x520xf32, #tpu.memory_space<vmem>>, vector<1024x520xf32>
    %get3A_2 = arith.constant 0 : index
    %get3A_3 = arith.constant 0 : index
    %get3A_4 = vector.load %arg1[%get3A_2, %get3A_3] : memref<512x520xf32, #tpu.memory_space<vmem>>, vector<512x520xf32>
    %dot_general3A = arith.constant dense<0.000000e+00> : vector<1024x512xf32>
    %dot_general3A_5 = tpu.matmul %get3A_1, %get3A_4, %dot_general3A {dimension_numbers = #tpu.dot_dimension_numbers<[1], [1], [0], [0], [0, 0, 1, 0], [], []>, transpose_lhs_hint = false} : vector<1024x520xf32>, vector<512x520xf32>, vector<1024x512xf32> -> vector<1024x512xf32>
    %get3A_6 = arith.constant 0 : index
    %get3A_7 = arith.constant 0 : index
    %get3A_8 = vector.load %arg2[%get3A_6, %get3A_7] : memref<1x512xf32, #tpu.memory_space<vmem>>, vector<1x512xf32>
    %add3A = vector.broadcast %get3A_8 : vector<1x512xf32> to vector<1024x512xf32>
    %add3A_9 = arith.addf %dot_general3A_5, %add3A : vector<1024x512xf32>
    %reduce_sum3A = arith.constant dense<0.000000e+00> : vector<512xf32>
    %reduce_sum3A_10 = vector.multi_reduction <add>, %add3A_9, %reduce_sum3A [0] : vector<1024x512xf32> to vector<512xf32>
    %broadcast_in_dim3A = vector.shape_cast %reduce_sum3A_10 : vector<512xf32> to vector<1x512xf32>
    %mul3A = arith.mulf %add3A_9, %add3A_9 : vector<1024x512xf32>
    %reduce_sum3A_11 = arith.constant dense<0.000000e+00> : vector<512xf32>
    %reduce_sum3A_12 = vector.multi_reduction <add>, %mul3A, %reduce_sum3A_11 [0] : vector<1024x512xf32> to vector<512xf32>
    %broadcast_in_dim3A_13 = vector.shape_cast %reduce_sum3A_12 : vector<512xf32> to vector<1x512xf32>
    %div3A = arith.constant 1.024000e+03 : f32
    %div3A_14 = vector.broadcast %div3A : f32 to vector<1x512xf32>
    %div3A_15 = arith.divf %broadcast_in_dim3A, %div3A_14 : vector<1x512xf32>
    %div3A_16 = arith.constant 1.024000e+03 : f32
    %div3A_17 = vector.broadcast %div3A_16 : f32 to vector<1x512xf32>
    %div3A_18 = arith.divf %broadcast_in_dim3A_13, %div3A_17 : vector<1x512xf32>
    %mul3A_19 = arith.mulf %div3A_15, %div3A_15 : vector<1x512xf32>
    %sub3A = arith.subf %div3A_18, %mul3A_19 : vector<1x512xf32>
    %get3A_20 = arith.constant 0 : index
    %get3A_21 = arith.constant 0 : index
    %get3A_22 = vector.load %arg3[%get3A_20, %get3A_21] : memref<1x512xf32, #tpu.memory_space<vmem>>, vector<1x512xf32>
    %add3A_23 = arith.constant 9.99999974E-6 : f32
    %add3A_24 = vector.broadcast %add3A_23 : f32 to vector<1x512xf32>
    %add3A_25 = arith.addf %sub3A, %add3A_24 : vector<1x512xf32>
    %sqrt3A = math.sqrt %add3A_25 : vector<1x512xf32>
    %div3A_26 = arith.divf %get3A_22, %sqrt3A : vector<1x512xf32>
    %get3A_27 = arith.constant 0 : index
    %get3A_28 = arith.constant 0 : index
    %get3A_29 = vector.load %arg4[%get3A_27, %get3A_28] : memref<1x512xf32, #tpu.memory_space<vmem>>, vector<1x512xf32>
    %mul3A_30 = arith.mulf %div3A_15, %div3A_26 : vector<1x512xf32>
    %sub3A_31 = arith.subf %get3A_29, %mul3A_30 : vector<1x512xf32>
    %mul3A_32 = vector.broadcast %div3A_26 : vector<1x512xf32> to vector<1024x512xf32>
    %mul3A_33 = arith.mulf %add3A_9, %mul3A_32 : vector<1024x512xf32>
    %add3A_34 = vector.broadcast %sub3A_31 : vector<1x512xf32> to vector<1024x512xf32>
    %add3A_35 = arith.addf %mul3A_33, %add3A_34 : vector<1024x512xf32>
    %max3A = arith.constant 0.000000e+00 : f32
    %max3A_36 = vector.broadcast %max3A : f32 to vector<1024x512xf32>
    %max3A_37 = arith.maximumf %add3A_35, %max3A_36 : vector<1024x512xf32>
    %get3A_38 = arith.constant 0 : index
    %get3A_39 = arith.constant 0 : index
    %get3A_40 = vector.load %arg5[%get3A_38, %get3A_39] : memref<1024x512xf32, #tpu.memory_space<vmem>>, vector<1024x512xf32>
    %dot_general3A_41 = arith.constant dense<0.000000e+00> : vector<1024x1024xf32>
    %dot_general3A_42 = tpu.matmul %max3A_37, %get3A_40, %dot_general3A_41 {dimension_numbers = #tpu.dot_dimension_numbers<[1], [1], [0], [0], [0, 0, 1, 0], [], []>, transpose_lhs_hint = false} : vector<1024x512xf32>, vector<1024x512xf32>, vector<1024x1024xf32> -> vector<1024x1024xf32>
    %get3A_43 = arith.constant 0 : index
    %get3A_44 = arith.constant 0 : index
    %get3A_45 = vector.load %arg6[%get3A_43, %get3A_44] : memref<1x1024xf32, #tpu.memory_space<vmem>>, vector<1x1024xf32>
    %add3A_46 = vector.broadcast %get3A_45 : vector<1x1024xf32> to vector<1024x1024xf32>
    %add3A_47 = arith.addf %dot_general3A_42, %add3A_46 : vector<1024x1024xf32>
    %reduce_sum3A_48 = arith.constant dense<0.000000e+00> : vector<1024xf32>
    %reduce_sum3A_49 = vector.multi_reduction <add>, %add3A_47, %reduce_sum3A_48 [0] : vector<1024x1024xf32> to vector<1024xf32>
    %broadcast_in_dim3A_50 = vector.shape_cast %reduce_sum3A_49 : vector<1024xf32> to vector<1x1024xf32>
    %mul3A_51 = arith.mulf %add3A_47, %add3A_47 : vector<1024x1024xf32>
    %reduce_sum3A_52 = arith.constant dense<0.000000e+00> : vector<1024xf32>
    %reduce_sum3A_53 = vector.multi_reduction <add>, %mul3A_51, %reduce_sum3A_52 [0] : vector<1024x1024xf32> to vector<1024xf32>
    %broadcast_in_dim3A_54 = vector.shape_cast %reduce_sum3A_53 : vector<1024xf32> to vector<1x1024xf32>
    %div3A_55 = arith.constant 1.024000e+03 : f32
    %div3A_56 = vector.broadcast %div3A_55 : f32 to vector<1x1024xf32>
    %div3A_57 = arith.divf %broadcast_in_dim3A_50, %div3A_56 : vector<1x1024xf32>
    %div3A_58 = arith.constant 1.024000e+03 : f32
    %div3A_59 = vector.broadcast %div3A_58 : f32 to vector<1x1024xf32>
    %div3A_60 = arith.divf %broadcast_in_dim3A_54, %div3A_59 : vector<1x1024xf32>
    %mul3A_61 = arith.mulf %div3A_57, %div3A_57 : vector<1x1024xf32>
    %sub3A_62 = arith.subf %div3A_60, %mul3A_61 : vector<1x1024xf32>
    %get3A_63 = arith.constant 0 : index
    %get3A_64 = arith.constant 0 : index
    %get3A_65 = vector.load %arg7[%get3A_63, %get3A_64] : memref<1x1024xf32, #tpu.memory_space<vmem>>, vector<1x1024xf32>
    %add3A_66 = arith.constant 9.99999974E-6 : f32
    %add3A_67 = vector.broadcast %add3A_66 : f32 to vector<1x1024xf32>
    %add3A_68 = arith.addf %sub3A_62, %add3A_67 : vector<1x1024xf32>
    %sqrt3A_69 = math.sqrt %add3A_68 : vector<1x1024xf32>
    %div3A_70 = arith.divf %get3A_65, %sqrt3A_69 : vector<1x1024xf32>
    %get3A_71 = arith.constant 0 : index
    %get3A_72 = arith.constant 0 : index
    %get3A_73 = vector.load %arg8[%get3A_71, %get3A_72] : memref<1x1024xf32, #tpu.memory_space<vmem>>, vector<1x1024xf32>
    %mul3A_74 = arith.mulf %div3A_57, %div3A_70 : vector<1x1024xf32>
    %sub3A_75 = arith.subf %get3A_73, %mul3A_74 : vector<1x1024xf32>
    %mul3A_76 = vector.broadcast %div3A_70 : vector<1x1024xf32> to vector<1024x1024xf32>
    %mul3A_77 = arith.mulf %add3A_47, %mul3A_76 : vector<1024x1024xf32>
    %add3A_78 = vector.broadcast %sub3A_75 : vector<1x1024xf32> to vector<1024x1024xf32>
    %add3A_79 = arith.addf %mul3A_77, %add3A_78 : vector<1024x1024xf32>
    %max3A_80 = arith.constant 0.000000e+00 : f32
    %max3A_81 = vector.broadcast %max3A_80 : f32 to vector<1024x1024xf32>
    %max3A_82 = arith.maximumf %add3A_79, %max3A_81 : vector<1024x1024xf32>
    %get3A_83 = arith.constant 0 : index
    %get3A_84 = arith.constant 0 : index
    %get3A_85 = vector.load %arg9[%get3A_83, %get3A_84] : memref<2048x1024xf32, #tpu.memory_space<vmem>>, vector<2048x1024xf32>
    %dot_general3A_86 = arith.constant dense<0.000000e+00> : vector<1024x2048xf32>
    %dot_general3A_87 = tpu.matmul %max3A_82, %get3A_85, %dot_general3A_86 {dimension_numbers = #tpu.dot_dimension_numbers<[1], [1], [0], [0], [0, 0, 1, 0], [], []>, transpose_lhs_hint = false} : vector<1024x1024xf32>, vector<2048x1024xf32>, vector<1024x2048xf32> -> vector<1024x2048xf32>
    %get3A_88 = arith.constant 0 : index
    %get3A_89 = arith.constant 0 : index
    %get3A_90 = vector.load %arg10[%get3A_88, %get3A_89] : memref<1x2048xf32, #tpu.memory_space<vmem>>, vector<1x2048xf32>
    %add3A_91 = vector.broadcast %get3A_90 : vector<1x2048xf32> to vector<1024x2048xf32>
    %add3A_92 = arith.addf %dot_general3A_87, %add3A_91 : vector<1024x2048xf32>
    %reduce_sum3A_93 = arith.constant dense<0.000000e+00> : vector<2048xf32>
    %reduce_sum3A_94 = vector.multi_reduction <add>, %add3A_92, %reduce_sum3A_93 [0] : vector<1024x2048xf32> to vector<2048xf32>
    %broadcast_in_dim3A_95 = vector.shape_cast %reduce_sum3A_94 : vector<2048xf32> to vector<1x2048xf32>
    %mul3A_96 = arith.mulf %add3A_92, %add3A_92 : vector<1024x2048xf32>
    %reduce_sum3A_97 = arith.constant dense<0.000000e+00> : vector<2048xf32>
    %reduce_sum3A_98 = vector.multi_reduction <add>, %mul3A_96, %reduce_sum3A_97 [0] : vector<1024x2048xf32> to vector<2048xf32>
    %broadcast_in_dim3A_99 = vector.shape_cast %reduce_sum3A_98 : vector<2048xf32> to vector<1x2048xf32>
    %div3A_100 = arith.constant 1.024000e+03 : f32
    %div3A_101 = vector.broadcast %div3A_100 : f32 to vector<1x2048xf32>
    %div3A_102 = arith.divf %broadcast_in_dim3A_95, %div3A_101 : vector<1x2048xf32>
    %div3A_103 = arith.constant 1.024000e+03 : f32
    %div3A_104 = vector.broadcast %div3A_103 : f32 to vector<1x2048xf32>
    %div3A_105 = arith.divf %broadcast_in_dim3A_99, %div3A_104 : vector<1x2048xf32>
    %mul3A_106 = arith.mulf %div3A_102, %div3A_102 : vector<1x2048xf32>
    %sub3A_107 = arith.subf %div3A_105, %mul3A_106 : vector<1x2048xf32>
    %get3A_108 = arith.constant 0 : index
    %get3A_109 = arith.constant 0 : index
    %get3A_110 = vector.load %arg11[%get3A_108, %get3A_109] : memref<1x2048xf32, #tpu.memory_space<vmem>>, vector<1x2048xf32>
    %add3A_111 = arith.constant 9.99999974E-6 : f32
    %add3A_112 = vector.broadcast %add3A_111 : f32 to vector<1x2048xf32>
    %add3A_113 = arith.addf %sub3A_107, %add3A_112 : vector<1x2048xf32>
    %sqrt3A_114 = math.sqrt %add3A_113 : vector<1x2048xf32>
    %div3A_115 = arith.divf %get3A_110, %sqrt3A_114 : vector<1x2048xf32>
    %get3A_116 = arith.constant 0 : index
    %get3A_117 = arith.constant 0 : index
    %get3A_118 = vector.load %arg12[%get3A_116, %get3A_117] : memref<1x2048xf32, #tpu.memory_space<vmem>>, vector<1x2048xf32>
    %mul3A_119 = arith.mulf %div3A_102, %div3A_115 : vector<1x2048xf32>
    %sub3A_120 = arith.subf %get3A_118, %mul3A_119 : vector<1x2048xf32>
    %mul3A_121 = vector.broadcast %div3A_115 : vector<1x2048xf32> to vector<1024x2048xf32>
    %mul3A_122 = arith.mulf %add3A_92, %mul3A_121 : vector<1024x2048xf32>
    %add3A_123 = vector.broadcast %sub3A_120 : vector<1x2048xf32> to vector<1024x2048xf32>
    %add3A_124 = arith.addf %mul3A_122, %add3A_123 : vector<1024x2048xf32>
    %max3A_125 = arith.constant 0.000000e+00 : f32
    %max3A_126 = vector.broadcast %max3A_125 : f32 to vector<1024x2048xf32>
    %max3A_127 = arith.maximumf %add3A_124, %max3A_126 : vector<1024x2048xf32>
    %reshape3A = vector.shape_cast %max3A_127 : vector<1024x2048xf32> to vector<8x128x2048xf32>
    %reduce_max3A = arith.constant dense<0xFF800000> : vector<8x2048xf32>
    %reduce_max3A_128 = vector.multi_reduction <maximumf>, %reshape3A, %reduce_max3A [1] : vector<8x128x2048xf32> to vector<8x2048xf32>
    %swap3A = arith.constant 0 : index
    %swap3A_129 = arith.constant 0 : index
    %swap3A_130 = vector.load %arg13[%swap3A, %swap3A_129] : memref<8x2048xf32, #tpu.memory_space<vmem>>, vector<8x2048xf32>
    tpu.vector_store %arg13[%swap3A, %swap3A_129], %reduce_max3A_128 {strides = array<i32>} : memref<8x2048xf32, #tpu.memory_space<vmem>>, vector<8x2048xf32>,
    return
  }
}

module attributes {stable_mosaic.version = 14 : i64} {
  func.func @_head_body(%arg0: memref<8x2048xf32, #tpu.memory_space<vmem>>, %arg1: memref<1024x2048xf32, #tpu.memory_space<vmem>>, %arg2: memref<1x1024xf32, #tpu.memory_space<vmem>>, %arg3: memref<1x1024xf32, #tpu.memory_space<vmem>>, %arg4: memref<1x1024xf32, #tpu.memory_space<vmem>>, %arg5: memref<512x1024xf32, #tpu.memory_space<vmem>>, %arg6: memref<1x512xf32, #tpu.memory_space<vmem>>, %arg7: memref<1x512xf32, #tpu.memory_space<vmem>>, %arg8: memref<1x512xf32, #tpu.memory_space<vmem>>, %arg9: memref<40x512xf32, #tpu.memory_space<vmem>>, %arg10: memref<1x40xf32, #tpu.memory_space<vmem>>, %arg11: memref<8x40xf32, #tpu.memory_space<vmem>>) attributes {dimension_semantics = [], scalar_prefetch = 0 : i64, scratch_operands = 0 : i64, tpu.core_type = #tpu.core_type<tc>} {
    %get3A = arith.constant 0 : index
    %get3A_0 = arith.constant 0 : index
    %get3A_1 = vector.load %arg0[%get3A, %get3A_0] : memref<8x2048xf32, #tpu.memory_space<vmem>>, vector<8x2048xf32>
    %get3A_2 = arith.constant 0 : index
    %get3A_3 = arith.constant 0 : index
    %get3A_4 = vector.load %arg1[%get3A_2, %get3A_3] : memref<1024x2048xf32, #tpu.memory_space<vmem>>, vector<1024x2048xf32>
    %dot_general3A = arith.constant dense<0.000000e+00> : vector<8x1024xf32>
    %dot_general3A_5 = tpu.matmul %get3A_1, %get3A_4, %dot_general3A {dimension_numbers = #tpu.dot_dimension_numbers<[1], [1], [0], [0], [0, 0, 1, 0], [], []>, transpose_lhs_hint = false} : vector<8x2048xf32>, vector<1024x2048xf32>, vector<8x1024xf32> -> vector<8x1024xf32>
    %get3A_6 = arith.constant 0 : index
    %get3A_7 = arith.constant 0 : index
    %get3A_8 = vector.load %arg2[%get3A_6, %get3A_7] : memref<1x1024xf32, #tpu.memory_space<vmem>>, vector<1x1024xf32>
    %add3A = vector.broadcast %get3A_8 : vector<1x1024xf32> to vector<8x1024xf32>
    %add3A_9 = arith.addf %dot_general3A_5, %add3A : vector<8x1024xf32>
    %reduce_sum3A = arith.constant dense<0.000000e+00> : vector<1024xf32>
    %reduce_sum3A_10 = vector.multi_reduction <add>, %add3A_9, %reduce_sum3A [0] : vector<8x1024xf32> to vector<1024xf32>
    %broadcast_in_dim3A = vector.shape_cast %reduce_sum3A_10 : vector<1024xf32> to vector<1x1024xf32>
    %div3A = arith.constant 8.000000e+00 : f32
    %div3A_11 = vector.broadcast %div3A : f32 to vector<1x1024xf32>
    %div3A_12 = arith.divf %broadcast_in_dim3A, %div3A_11 : vector<1x1024xf32>
    %mul3A = arith.mulf %add3A_9, %add3A_9 : vector<8x1024xf32>
    %reduce_sum3A_13 = arith.constant dense<0.000000e+00> : vector<1024xf32>
    %reduce_sum3A_14 = vector.multi_reduction <add>, %mul3A, %reduce_sum3A_13 [0] : vector<8x1024xf32> to vector<1024xf32>
    %broadcast_in_dim3A_15 = vector.shape_cast %reduce_sum3A_14 : vector<1024xf32> to vector<1x1024xf32>
    %div3A_16 = arith.constant 8.000000e+00 : f32
    %div3A_17 = vector.broadcast %div3A_16 : f32 to vector<1x1024xf32>
    %div3A_18 = arith.divf %broadcast_in_dim3A_15, %div3A_17 : vector<1x1024xf32>
    %mul3A_19 = arith.mulf %div3A_12, %div3A_12 : vector<1x1024xf32>
    %sub3A = arith.subf %div3A_18, %mul3A_19 : vector<1x1024xf32>
    %get3A_20 = arith.constant 0 : index
    %get3A_21 = arith.constant 0 : index
    %get3A_22 = vector.load %arg3[%get3A_20, %get3A_21] : memref<1x1024xf32, #tpu.memory_space<vmem>>, vector<1x1024xf32>
    %add3A_23 = arith.constant 9.99999974E-6 : f32
    %add3A_24 = vector.broadcast %add3A_23 : f32 to vector<1x1024xf32>
    %add3A_25 = arith.addf %sub3A, %add3A_24 : vector<1x1024xf32>
    %sqrt3A = math.sqrt %add3A_25 : vector<1x1024xf32>
    %div3A_26 = arith.divf %get3A_22, %sqrt3A : vector<1x1024xf32>
    %get3A_27 = arith.constant 0 : index
    %get3A_28 = arith.constant 0 : index
    %get3A_29 = vector.load %arg4[%get3A_27, %get3A_28] : memref<1x1024xf32, #tpu.memory_space<vmem>>, vector<1x1024xf32>
    %mul3A_30 = arith.mulf %div3A_12, %div3A_26 : vector<1x1024xf32>
    %sub3A_31 = arith.subf %get3A_29, %mul3A_30 : vector<1x1024xf32>
    %mul3A_32 = vector.broadcast %div3A_26 : vector<1x1024xf32> to vector<8x1024xf32>
    %mul3A_33 = arith.mulf %add3A_9, %mul3A_32 : vector<8x1024xf32>
    %add3A_34 = vector.broadcast %sub3A_31 : vector<1x1024xf32> to vector<8x1024xf32>
    %add3A_35 = arith.addf %mul3A_33, %add3A_34 : vector<8x1024xf32>
    %max3A = arith.constant 0.000000e+00 : f32
    %max3A_36 = vector.broadcast %max3A : f32 to vector<8x1024xf32>
    %max3A_37 = arith.maximumf %add3A_35, %max3A_36 : vector<8x1024xf32>
    %get3A_38 = arith.constant 0 : index
    %get3A_39 = arith.constant 0 : index
    %get3A_40 = vector.load %arg5[%get3A_38, %get3A_39] : memref<512x1024xf32, #tpu.memory_space<vmem>>, vector<512x1024xf32>
    %dot_general3A_41 = arith.constant dense<0.000000e+00> : vector<8x512xf32>
    %dot_general3A_42 = tpu.matmul %max3A_37, %get3A_40, %dot_general3A_41 {dimension_numbers = #tpu.dot_dimension_numbers<[1], [1], [0], [0], [0, 0, 1, 0], [], []>, transpose_lhs_hint = false} : vector<8x1024xf32>, vector<512x1024xf32>, vector<8x512xf32> -> vector<8x512xf32>
    %get3A_43 = arith.constant 0 : index
    %get3A_44 = arith.constant 0 : index
    %get3A_45 = vector.load %arg6[%get3A_43, %get3A_44] : memref<1x512xf32, #tpu.memory_space<vmem>>, vector<1x512xf32>
    %add3A_46 = vector.broadcast %get3A_45 : vector<1x512xf32> to vector<8x512xf32>
    %add3A_47 = arith.addf %dot_general3A_42, %add3A_46 : vector<8x512xf32>
    %reduce_sum3A_48 = arith.constant dense<0.000000e+00> : vector<512xf32>
    %reduce_sum3A_49 = vector.multi_reduction <add>, %add3A_47, %reduce_sum3A_48 [0] : vector<8x512xf32> to vector<512xf32>
    %broadcast_in_dim3A_50 = vector.shape_cast %reduce_sum3A_49 : vector<512xf32> to vector<1x512xf32>
    %div3A_51 = arith.constant 8.000000e+00 : f32
    %div3A_52 = vector.broadcast %div3A_51 : f32 to vector<1x512xf32>
    %div3A_53 = arith.divf %broadcast_in_dim3A_50, %div3A_52 : vector<1x512xf32>
    %mul3A_54 = arith.mulf %add3A_47, %add3A_47 : vector<8x512xf32>
    %reduce_sum3A_55 = arith.constant dense<0.000000e+00> : vector<512xf32>
    %reduce_sum3A_56 = vector.multi_reduction <add>, %mul3A_54, %reduce_sum3A_55 [0] : vector<8x512xf32> to vector<512xf32>
    %broadcast_in_dim3A_57 = vector.shape_cast %reduce_sum3A_56 : vector<512xf32> to vector<1x512xf32>
    %div3A_58 = arith.constant 8.000000e+00 : f32
    %div3A_59 = vector.broadcast %div3A_58 : f32 to vector<1x512xf32>
    %div3A_60 = arith.divf %broadcast_in_dim3A_57, %div3A_59 : vector<1x512xf32>
    %mul3A_61 = arith.mulf %div3A_53, %div3A_53 : vector<1x512xf32>
    %sub3A_62 = arith.subf %div3A_60, %mul3A_61 : vector<1x512xf32>
    %get3A_63 = arith.constant 0 : index
    %get3A_64 = arith.constant 0 : index
    %get3A_65 = vector.load %arg7[%get3A_63, %get3A_64] : memref<1x512xf32, #tpu.memory_space<vmem>>, vector<1x512xf32>
    %add3A_66 = arith.constant 9.99999974E-6 : f32
    %add3A_67 = vector.broadcast %add3A_66 : f32 to vector<1x512xf32>
    %add3A_68 = arith.addf %sub3A_62, %add3A_67 : vector<1x512xf32>
    %sqrt3A_69 = math.sqrt %add3A_68 : vector<1x512xf32>
    %div3A_70 = arith.divf %get3A_65, %sqrt3A_69 : vector<1x512xf32>
    %get3A_71 = arith.constant 0 : index
    %get3A_72 = arith.constant 0 : index
    %get3A_73 = vector.load %arg8[%get3A_71, %get3A_72] : memref<1x512xf32, #tpu.memory_space<vmem>>, vector<1x512xf32>
    %mul3A_74 = arith.mulf %div3A_53, %div3A_70 : vector<1x512xf32>
    %sub3A_75 = arith.subf %get3A_73, %mul3A_74 : vector<1x512xf32>
    %mul3A_76 = vector.broadcast %div3A_70 : vector<1x512xf32> to vector<8x512xf32>
    %mul3A_77 = arith.mulf %add3A_47, %mul3A_76 : vector<8x512xf32>
    %add3A_78 = vector.broadcast %sub3A_75 : vector<1x512xf32> to vector<8x512xf32>
    %add3A_79 = arith.addf %mul3A_77, %add3A_78 : vector<8x512xf32>
    %max3A_80 = arith.constant 0.000000e+00 : f32
    %max3A_81 = vector.broadcast %max3A_80 : f32 to vector<8x512xf32>
    %max3A_82 = arith.maximumf %add3A_79, %max3A_81 : vector<8x512xf32>
    %get3A_83 = arith.constant 0 : index
    %get3A_84 = arith.constant 0 : index
    %get3A_85 = vector.load %arg9[%get3A_83, %get3A_84] : memref<40x512xf32, #tpu.memory_space<vmem>>, vector<40x512xf32>
    %dot_general3A_86 = arith.constant dense<0.000000e+00> : vector<8x40xf32>
    %dot_general3A_87 = tpu.matmul %max3A_82, %get3A_85, %dot_general3A_86 {dimension_numbers = #tpu.dot_dimension_numbers<[1], [1], [0], [0], [0, 0, 1, 0], [], []>, transpose_lhs_hint = false} : vector<8x512xf32>, vector<40x512xf32>, vector<8x40xf32> -> vector<8x40xf32>
    %get3A_88 = arith.constant 0 : index
    %get3A_89 = arith.constant 0 : index
    %get3A_90 = vector.load %arg10[%get3A_88, %get3A_89] : memref<1x40xf32, #tpu.memory_space<vmem>>, vector<1x40xf32>
    %add3A_91 = vector.broadcast %get3A_90 : vector<1x40xf32> to vector<8x40xf32>
    %add3A_92 = arith.addf %dot_general3A_87, %add3A_91 : vector<8x40xf32>
    %reduce_max3A = arith.constant dense<0xFF800000> : vector<8xf32>
    %reduce_max3A_93 = vector.multi_reduction <maximumf>, %add3A_92, %reduce_max3A [1] : vector<8x40xf32> to vector<8xf32>
    %broadcast_in_dim3A_94 = vector.shape_cast %reduce_max3A_93 : vector<8xf32> to vector<8x1xf32>
    %sub3A_95 = vector.broadcast %broadcast_in_dim3A_94 : vector<8x1xf32> to vector<8x40xf32>
    %sub3A_96 = arith.subf %add3A_92, %sub3A_95 : vector<8x40xf32>
    %exp3A = math.exp %sub3A_96 : vector<8x40xf32>
    %reduce_sum3A_97 = arith.constant dense<0.000000e+00> : vector<8xf32>
    %reduce_sum3A_98 = vector.multi_reduction <add>, %exp3A, %reduce_sum3A_97 [1] : vector<8x40xf32> to vector<8xf32>
    %broadcast_in_dim3A_99 = vector.shape_cast %reduce_sum3A_98 : vector<8xf32> to vector<8x1xf32>
    %log3A = math.log %broadcast_in_dim3A_99 : vector<8x1xf32>
    %sub3A_100 = vector.broadcast %broadcast_in_dim3A_94 : vector<8x1xf32> to vector<8x40xf32>
    %sub3A_101 = arith.subf %add3A_92, %sub3A_100 : vector<8x40xf32>
    %sub3A_102 = vector.broadcast %log3A : vector<8x1xf32> to vector<8x40xf32>
    %sub3A_103 = arith.subf %sub3A_101, %sub3A_102 : vector<8x40xf32>
    %swap3A = arith.constant 0 : index
    %swap3A_104 = arith.constant 0 : index
    %swap3A_105 = vector.load %arg11[%swap3A, %swap3A_104] : memref<8x40xf32, #tpu.memory_space<vmem>>, vector<8x40xf32>
    tpu.vector_store %arg11[%swap3A, %swap3A_104], %sub3A_103 {strides = array<i32>} : memref<8x40xf32, #tpu.memory_space<vmem>>, vector<8x40xf32>,
    return
  }
}

</mosaic_0001>

<sc_bundles>
// kernel: kernel.18.cloned.1.call-start
scs
__scs_entry_jumppad:
0x0: {  	(pc) =	sbr.rel $0x88, $3  }
0x1: {  	(tag) =	ssettag $0x0;
	lr =	simm.s32 $0x1  }
0x2: {  	[smem:$0x3F72] =	sst lr;
	_ =	strace $0xD0000000  }
0x3: {  	_ = 	snop  }
0x4: {  	_ = 	snop  }
0x5: {  	_ = 	snop  }
0x6: {  	_ = 	snop  }
0x7: {  	_ = 	snop  }
__scs_overlays_trampoline_lowered:
0x8: {  	[smem:$0x3F81] =	sst s0  }
0x9: {  	[smem:$0x3F82] =	sst s1  }
0xa: {  	[smem:$0x3F83] =	sst s2  }
0xb: {  	[smem:$0x3F84] =	sst s3  }
0xc: {  	[smem:$0x3F85] =	sst s4  }
0xd: {  	[smem:$0x3F86] =	sst s5  }
0xe: {  	[smem:$0x3F87] =	sst s6  }
0xf: {  	[smem:$0x3F88] =	sst s7  }
0x10: {  	[smem:$0x3F89] =	sst s8  }
0x11: {  	[smem:$0x3F8A] =	sst s9;
	s0 =	simm.s32 @!p0 $0x0  }
0x12: {  	s1 =	sld [smem:$0x3F70];
	s0 =	simm.s32 @p0 $0x1  }
0x13: {  	[smem:$0x3F8B] =	sst s0;
	s0 =	simm.s32 @!p1 $0x0  }
0x14: {  	s2 =	sld [smem:$0x3F6F];
	s0 =	simm.s32 @p1 $0x1  }
0x15: {  	[smem:$0x3F8C] =	sst s0;
	s0 =	simm.s32 @!p2 $0x0  }
0x16: {  	s3 =	sld [smem:$0x3FDB];
	s0 =	simm.s32 @p2 $0x1  }
0x17: {  	s4 =	simm.s32 $0x1BF5;
	[smem:$0x3F8E] =	sst s0  }
0x18: {  	s0 =	sld [smem:$0x3F71];
	_ =	swait.ge [sflag:s4], $0x0  }
0x19: {  	s7 =	sld [smem:$0x3F72]  }
0x1a: {  	s8 =	sadd.s32 $0xFFFFE003, lr  }
0x1b: {  	s9 =	sadd.s32 $0xFFFFFEF7, lr;
	s5 =	simm.s32 $0xFFFFFFFF;
	p2 =	slt.u32 s8, $0xFFFFF086  }
0x1c: {  	p1 =	slt.u32 s9, $0xF7A;
	s5 =	simm.s32 @!p2 $0x0  }
0x1d: {  	s5 =	simm.s32 @p1 $0x1;
	p0 =	seq.s32 s7, s2  }
0x1e: {  	s7 =	smul.u32 @!p0 $0xF7A, s2;
	p2 =	seq.s32 @!p0 s5, $0x0  }
0x1f: {  	s9 =	smul.u32 $0xF7A, s1;
	s8 =	simm.s32 @!p0 $0x1BF5;
	p2 =	por !p2, p0  }
0x20: {  	[sflag:s8] =	ssyncset.s32 @!p0 $0xFFFFF086;
	s6 =	sadd.s32 @!p0 s3, s7;
	s7 =	simm.s32 @!p0 $0x108  }
0x21: {  	s3 =	sadd.s32 s3, s9;
	s6 =	sadd.s32 @!p0 $0x88, s6;
	s7 =	simm.s32 @p2 $0x1082  }
0x22: {  	[simem:s7], [sflag:s8] =	dma.local @!p0 [hbm:s6], $0xF7A  }
0x23: {  	s9 =	sor.u32 $0xD0000000, s2;
	s6 =	simm.s32 $0x108;
	_ =	swait.ge @!p0 [sflag:s8], $0x0  }
0x24: {  	s3 =	sadd.s32 $0x88, s3;
	s6 =	simm.s32 @!p1 $0x1082;
	[sflag:s4] =	ssyncset.s32 $0xFFFFF086  }
0x25: {  	[simem:s6], [sflag:s4] =	dma.local [hbm:s3], $0xF7A  }
0x26: {  	[smem:$0x3F72] =	sst s1;
	(tag) =	ssettag s2;
	_ =	strace s9  }
0x27: {  	s1 =	sld [smem:$0x3F82]  }
0x28: {  	s2 =	sld [smem:$0x3F83]  }
0x29: {  	s4 =	sld [smem:$0x3F85]  }
0x2a: {  	p0 =	seq.s32 s5, $0x0;
	s5 =	sld [smem:$0x3F86]  }
0x2b: {  	s6 =	sld [smem:$0x3F87]  }
0x2c: {  	s7 =	sld [smem:$0x3F88]  }
0x2d: {  	s3 =	simm.s32 $0x108;
	s8 =	sld [smem:$0x3F89]  }
0x2e: {  	s3 =	simm.s32 @!p0 $0x1082;
	s9 =	sld [smem:$0x3F8A]  }
0x2f: {  	lr =	sadd.s32 s0, s3;
	s0 =	sld [smem:$0x3F81]  }
0x30: {  	s3 =	sld [smem:$0x3F84]  }
0x31: {  	[smem:$0x3F8D] =	sst s10  }
0x32: {  	s10 =	sld [smem:$0x3F8B];
	_ =	sdelay $0x3  }
0x33: {  	p0 =	seq.s32 s10, $0x1;
	s10 =	sld [smem:$0x3F8D];
	_ =	sdelay $0x3  }
0x34: {  	[smem:$0x3F8D] =	sst s10  }
0x35: {  	s10 =	sld [smem:$0x3F8C];
	_ =	sdelay $0x3  }
0x36: {  	p1 =	seq.s32 s10, $0x1;
	s10 =	sld [smem:$0x3F8D];
	_ =	sdelay $0x3  }
0x37: {  	[smem:$0x3F8D] =	sst s10  }
0x38: {  	s10 =	sld [smem:$0x3F8E]  }
0x39: {  	_ = 	snop;
	(pc) =	sbr.ind lr, $3  }
0x3a: {  	_ = 	snop  }
0x3b: {  	_ = 	snop  }
0x3c: {  	p2 =	seq.s32 s10, $0x1;
	s10 =	sld [smem:$0x3F8D]  }
0x3d: {  	_ =	shalt  }
0x3e: {  	_ =	shalt  }
0x3f: {  	_ =	shalt  }
0x40: {  	_ =	shalt  }
0x41: {  	_ =	shalt  }
0x42: {  	_ =	shalt  }
0x43: {  	_ =	shalt  }
0x44: {  	_ =	shalt  }
0x45: {  	_ =	shalt  }
0x46: {  	_ =	shalt  }
0x47: {  	_ =	shalt  }
0x48: {  	_ =	shalt  }
0x49: {  	_ =	shalt  }
0x4a: {  	_ =	shalt  }
0x4b: {  	_ =	shalt  }
0x4c: {  	_ =	shalt  }
0x4d: {  	_ =	shalt  }
0x4e: {  	_ =	shalt  }
0x4f: {  	_ =	shalt  }
0x50: {  	_ =	shalt  }
0x51: {  	_ =	shalt  }
0x52: {  	_ =	shalt  }
0x53: {  	_ =	shalt  }
0x54: {  	_ =	shalt  }
0x55: {  	_ =	shalt  }
0x56: {  	_ =	shalt  }
0x57: {  	_ =	shalt  }
0x58: {  	_ =	shalt  }
0x59: {  	_ =	shalt  }
0x5a: {  	_ =	shalt  }
0x5b: {  	_ =	shalt  }
0x5c: {  	_ =	shalt  }
0x5d: {  	_ =	shalt  }
0x5e: {  	_ =	shalt  }
0x5f: {  	_ =	shalt  }
0x60: {  	_ =	shalt  }
0x61: {  	_ =	shalt  }
0x62: {  	_ =	shalt  }
0x63: {  	_ =	shalt  }
0x64: {  	_ =	shalt  }
0x65: {  	_ =	shalt  }
0x66: {  	_ =	shalt  }
0x67: {  	_ =	shalt  }
0x68: {  	_ =	shalt  }
0x69: {  	_ =	shalt  }
0x6a: {  	_ =	shalt  }
0x6b: {  	_ =	shalt  }
0x6c: {  	_ =	shalt  }
0x6d: {  	_ =	shalt  }
0x6e: {  	_ =	shalt  }
0x6f: {  	_ =	shalt  }
0x70: {  	_ =	shalt  }
0x71: {  	_ =	shalt  }
0x72: {  	_ =	shalt  }
0x73: {  	_ =	shalt  }
0x74: {  	_ =	shalt  }
0x75: {  	_ =	shalt  }
0x76: {  	_ =	shalt  }
0x77: {  	_ =	shalt  }
0x78: {  	_ =	shalt  }
0x79: {  	_ =	shalt  }
0x7a: {  	_ =	shalt  }
0x7b: {  	_ =	shalt  }
0x7c: {  	_ =	shalt  }
0x7d: {  	_ =	shalt  }
0x7e: {  	_ =	shalt  }
0x7f: {  	_ =	shalt  }
0x80: {  	_ =	shalt  }
0x81: {  	_ =	shalt  }
0x82: {  	_ =	shalt  }
0x83: {  	_ =	shalt  }
0x84: {  	_ =	shalt  }
0x85: {  	_ =	shalt  }
0x86: {  	_ =	shalt  }
0x87: {  	_ =	shalt  }
.Lfunc_end0:
.L_simem_size_0:
called_computation_lowered:
.L_overlay_start_0:
0x88: {  	s2 =	sld [smem:$0x3FD9]  }
0x89: {  	s3 =	sld [smem:$0x3FFE];
	_ =	sdelay $0x1  }
0x8a: {  	s1 =	srdreg.scid  }
0x8b: {  	s0 =	sand.u32 $0x1, s1  }
0x8c: {  	s16 =	sshll.u32 s0, $0xA;
	s2 =	sadd.s32 s3, s2  }
0x8d: {  	s2 =	sadd.s32 s2, s16  }
0x8e: {  	[smem:$0x3F99] =	sst s2  }
0x8f: {  	_ = 	snop  }
0x90: {  	(tm) =	ssettm $0x1  }
0x91: {  	s17 =	sld [smem:$0x3FFB];
	_ =	sdelay $0x3  }
0x92: {  	_ =	strace s17  }
0x93: {  	s2 =	sld [smem:$0x3FFC];
	_ =	sdelay $0x3  }
0x94: {  	_ =	strace s2  }
0x95: {  	s2 =	sld [smem:$0x3FFD];
	_ =	sdelay $0x3  }
0x96: {  	_ =	strace s2  }
0x97: {  	_ =	strace $0x8FFFFFFF  }
0x98: {  	s18 =	sld [smem:$0x3FDB];
	_ =	sdelay $0x1  }
0x99: {  	s19 =	simm.s32 $_scs_section_size  }
0x9a: {  	s4 =	simm.s32 $_size__tile_overlayer_lowered;
	s5 =	simm.s32 $_tile_overlayer_lowered  }
0x9b: {  	s22 =	simm.s32 $0x1BFF;
	s21 =	sshll.u32 s5, $0x1;
	s2 =	sadd.s32 s19, s18  }
0x9c: {  	s6 =	simm.s32 $0x0;
	s20 =	sshll.u32 s4, $0x1;
	s4 =	sadd.s32 s21, s2  }
0x9d: {  	[timem:s6], [sflag:s22] =	dma.local [hbm:s4], s20  }
0x9e: {  	_ =	swait.ge [sflag:s22], s20  }
0x9f: {  	s3 =	ssub.s32 $0x0, s20;
	[sflag:s22] =	ssyncset.done $0x0  }
0xa0: {  	[sflag:s22] =	ssyncadd.s32 s3;
	_ =	sdelay $0x1  }
0xa1: {  	s23 =	simm.s32 $0x1B8B  }
0xa2: {  	_ =	swait.ge [sflag:s23], $0x1  }
0xa3: {  	[sflag:s23] =	ssyncset.done $0x0  }
0xa4: {  	s25 =	simm.s32 $0x1B8E;
	s24 =	sld [smem:$0x3FFE];
	[sflag:s23] =	ssyncadd.s32 $0xFFFFFFFF  }
0xa5: {  	s26 =	simm.s32 $execute0_lowered;
	[smem:$0x3FD2] =	sst s25  }
0xa6: {  	s4 =	sshll.u32 s26, $0x1;
	_ =	strace $0x80000046;
	[dreg:$0x1] =	wrdreg $0xFFFFFFFF  }
0xa7: {  	s28 =	simm.s32 $_size_execute0_lowered;
	s2 =	sadd.s32 s2, s4;
	[dreg:$0x0] =	wrdreg $0x0  }
0xa8: {  	s4 =	sshll.u32 s28, $0x1;
	[dreg:$0x2] =	wrdreg s2  }
0xa9: {  	[dreg:$0x3] =	wrdreg s4  }
0xaa: {  	[dreg:$0x4] =	wrdreg $0xC0  }
0xab: {  	_ =	task [dreg:s6], $0x5FFFF  }
0xac: {  	[dreg:$0x1] =	wrdreg $0xFFFFFFFF  }
0xad: {  	[dreg:$0x0] =	wrdreg $0x60  }
0xae: {  	[dreg:$0x2] =	wrdreg s24  }
0xaf: {  	[dreg:$0x3] =	wrdreg $0x9  }
0xb0: {  	_ =	task.clear_ibuf [dreg:s6], $0x4FFFF;
	_ =	strace $0x90000046  }
0xb1: {  	s29 =	simm.s32 $0x9;
	_ =	strace $0x80000048  }
0xb2: {  	_ =	swait.ge [sflag:s29], $0x1  }
0xb3: {  	[sflag:s29] =	ssyncadd.s32 $0xFFFFFFFF  }
0xb4: {  	_ =	strace $0x90000048  }
0xb5: {  	_ =	sfence  }
0xb6: {  	s30 =	sld [smem:$0x0];
	_ =	sdelay $0x2  }
0xb7: {  	s31 =	sshll.u32 s1, $0xD;
	s1 =	sshrl.u32 s1, $0x2  }
0xb8: {  	s3 =	sand.u32 $0x4000, s31;
	s1 =	sadd.s32 s1, s30  }
0xb9: {  	s0 =	sor.u32 s3, s0;
	s1 =	sshll.u32 s1, $0x11  }
0xba: {  	s0 =	sor.u32 s1, s0  }
0xbb: {  	s0 =	sadd.s32 $0x8F2B, s0  }
0xbc: {  	[sflag:s0] =	ssyncadd.remote.s32 $0x1  }
0xbd: {  	_ =	sfence.sel $0xFFFF  }
0xbe: {  	[dreg:$0x0] =	wrdreg $0xFFFFFFFF;
	(pc) =	sbr.abs _section_cstart, $3  }
0xbf: {  	[dreg:$0x1] =	wrdreg $0xFFFFFFFF  }
0xc0: {  	_ =	task.clear_ibuf [dreg:s6], $0x2FFFF;
	_ =	strace $0x9FFFFFFF  }
0xc1: {  	(tm) =	ssettm $0x7FFFFFFF  }
tec
execute0_lowered:
.L_overlay_start_1:
0x0: {  	(tag) =	ssettag $0x1  }
0x1: {  	s4 =	rddreg [dreg:$0x0]  }
0x2: {  	s0 =	rddreg [dreg:$0x1];
	s2 =	simm.s32 $0x0;
	s3 =	srdreg.scid  }
0x3: {  	s1 =	stileid.u32;
	s10 =	simm.s32 $0x1;
	s11 =	simm.s32 $0x0  }
0x4: {  	[smem:$0x7FF] =	sst s2;
	s5 =	sand.u32 $0x1, s3;
	s6 =	sshll.u32 s1, $0xA  }
0x5: {  	s3 =	sadd.s32 $0xC400, s4;
	s8 =	sshll.u32 s1, $0x11;
	_ =	strace $0x80000047  }
0x6: {  	s7 =	sshll.u32 s5, $0x9;
	s29 =	ssub.s32 $0x2, s5;
	s8 =	sadd.s32 s8, s4  }
0x7: {  	s30 =	sshll.u32 s5, $0x10;
	s6 =	sor.u32 s7, s6;
	s9 =	sshrl.u32 s29, $0x1  }
0x8: {  	s31 =	sadd.s32 s30, s8;
	s8 =	simm.s32 $0x80;
	s6 =	sadd.s32 s6, s4  }
0x9: {  	s7 =	ssub.s32 s29, s9;
	s9 =	simm.s32 $0x1000;
	s4 =	sadd.s32 $0x8400, s6  }
0xa: {  	s5 =	smax.u32 s7, $0x1;
	s6 =	sadd.s32 $0x8C400, s31;
	s7 =	simm.s32 $0x2  }
.LBB2_1:
0xb: {  	[tilespmem:s2], [sflag:$0x2] =	stream.linear.gather [hbm4b:s4+s2], $0x1000, $0x38;
	[tilespmem:$0x5000] =	vst v63  }
0xc: {  	_ =	swait.ge [sflag:s7], $0x1000  }
0xd: {  	[sflag:s7] =	ssyncset.done $0x0  }
0xe: {  	s12 =	simm.s32 $0x0;
	[sflag:s7] =	ssyncadd.s32 $0xFFFFF000  }
0xf: {  	[tilespmem:s9], [sflag:$0x1] =	stream.indirect.gather [hbm4b:s3+s8], $0x80, s12, s8, $0xb8;
	[tilespmem:$0x5000] =	vst v63  }
0x10: {  	_ =	swait.ge [sflag:s10], $0x4000  }
0x11: {  	[sflag:s10] =	ssyncset.done $0x0  }
0x12: {  	[sflag:s10] =	ssyncadd.s32 $0xFFFFC000  }
0x13: {  	[hbm4b:s6+s2] =	stream.linear.scatter [tilespmem:s9], [sflag:$0x2], $0x4000, $0x38;
	[tilespmem:$0x5000] =	vst v63  }
0x14: {  	s13 =	simm.s32 $0x200;
	_ =	swait.ge [sflag:s7], $0x4000  }
0x15: {  	s14 =	simm.s32 $0x400;
	s12 =	sadd.s32 $0x800, s6;
	[sflag:s7] =	ssyncset.done $0x0  }
.LBB2_2:
0x16: {  	s15 =	sshra.s32 s13, $0x2  }
0x17: {  	[sflag:s7] =	ssyncadd.s32 $0xFFFFC000;
	s13 =	smov.u32 s14;
	s16 =	sadd.s32 $0x200, s14  }
0x18: {  	[tilespmem:s9], [sflag:$0x1] =	stream.indirect.gather [hbm4b:s3+s8], $0x80, s15, s8, $0xb8;
	[tilespmem:$0x5000] =	vst v63  }
0x19: {  	p0 =	sne.s32 s14, $0x3E00;
	_ =	swait.ge [sflag:s10], $0x4000  }
.Ltmp0:
0x1a: {  	[sflag:s10] =	ssyncset.done $0x0;
	(pc) =	sbr.rel @p0 .LBB2_2-.Ltmp0, $4  }
0x1b: {  	[sflag:s10] =	ssyncadd.s32 $0xFFFFC000  }
0x1c: {  	[hbm4b:s12+s2] =	stream.linear.scatter [tilespmem:s9], [sflag:$0x2], $0x4000, $0x38;
	[tilespmem:$0x5000] =	vst v63  }
0x1d: {  	_ =	swait.ge [sflag:s7], $0x4000  }
0x1e: {  	s14 =	smov.u32 s16;
	s12 =	sadd.s32 $0x800, s12;
	[sflag:s7] =	ssyncset.done $0x0  }
0x1f: {  	s13 =	sshra.s32 s13, $0x2;
	[sflag:s7] =	ssyncadd.s32 $0xFFFFC000  }
0x20: {  	[tilespmem:s9], [sflag:$0x1] =	stream.indirect.gather [hbm4b:s3+s8], $0x80, s13, s8, $0xb8;
	[tilespmem:$0x5000] =	vst v63  }
0x21: {  	s11 =	sadd.s32 $0x1, s11;
	_ =	swait.ge [sflag:s10], $0x4000  }
0x22: {  	p0 =	sne.s32 s11, s5;
	[sflag:s10] =	ssyncset.done $0x0  }
.Ltmp1:
0x23: {  	[sflag:s10] =	ssyncadd.s32 $0xFFFFC000;
	(pc) =	sbr.rel @p0 .LBB2_1-.Ltmp1, $4  }
0x24: {  	[hbm4b:s12+s2] =	stream.linear.scatter [tilespmem:s9], [sflag:$0x2], $0x4000, $0x38;
	[tilespmem:$0x5000] =	vst v63  }
0x25: {  	_ =	swait.ge [sflag:s7], $0x4000  }
0x26: {  	[sflag:s7] =	ssyncset.done $0x0  }
0x27: {  	[sflag:s7] =	ssyncadd.s32 $0xFFFFC000  }
0x28: {  	_ =	sfence.sel $0x180000  }
0x29: {  	[bflag:$0x0] =	sbarrier.arrive $0xFFFF  }
0x2a: {  	p0 =	sne.s32 s1, $0x0;
	_ =	strace $0x90000047  }
0x2b: {  	s0 =	sadd.s32 @!p0 $0x100000, s0;
	[bflag:$0x2] =	sbarrier.arrive $0xFFFF  }
0x2c: {  	[sflag:s0] =	ssyncadd.tile.s32 @!p0 $0x1;
	_ =	shalt  }
.Lfunc_end2:
_tile_overlayer_lowered:
.L_overlay_start_2:
0x2d: {  	(tag) =	ssettag $0x2  }
0x2e: {  	s0 =	rddreg [dreg:$0x0];
	s2 =	stileid.u32  }
0x2f: {  	s1 =	rddreg [dreg:$0x1];
	p0 =	sne.s32 s2, $0x0  }
0x30: {  	s3 =	rddreg [dreg:$0x2];
	[bflag:$0x3] =	sbarrier.arrive $0xFFFF;
	s2 =	simm.s32 @!p0 $0x1C02  }
0x31: {  	[timem:s3], [sflag:s2] =	dma.local @!p0 [hbm:s0], s1  }
0x32: {  	s0 =	simm.s32 @!p0 $0x2  }
0x33: {  	_ =	swait.ge @!p0 [sflag:s0], s1  }
0x34: {  	s1 =	ssub.s32 @!p0 $0x0, s1;
	[sflag:s0] =	ssyncset.done @!p0 $0x0  }
0x35: {  	[sflag:s0] =	ssyncadd.s32 @!p0 s1  }
0x36: {  	[bflag:$0x3] =	sbarrier.arrive $0xFFFF  }
0x37: {  	_ =	shalt  }

// kernel: kernel.21.cloned.1.call-start
scs
__scs_entry_jumppad:
0x0: {  	(pc) =	sbr.rel $0x88, $3  }
0x1: {  	(tag) =	ssettag $0x0;
	lr =	simm.s32 $0x1  }
0x2: {  	[smem:$0x3F72] =	sst lr;
	_ =	strace $0xD0000000  }
0x3: {  	_ = 	snop  }
0x4: {  	_ = 	snop  }
0x5: {  	_ = 	snop  }
0x6: {  	_ = 	snop  }
0x7: {  	_ = 	snop  }
__scs_overlays_trampoline_lowered:
0x8: {  	[smem:$0x3F81] =	sst s0  }
0x9: {  	[smem:$0x3F82] =	sst s1  }
0xa: {  	[smem:$0x3F83] =	sst s2  }
0xb: {  	[smem:$0x3F84] =	sst s3  }
0xc: {  	[smem:$0x3F85] =	sst s4  }
0xd: {  	[smem:$0x3F86] =	sst s5  }
0xe: {  	[smem:$0x3F87] =	sst s6  }
0xf: {  	[smem:$0x3F88] =	sst s7  }
0x10: {  	[smem:$0x3F89] =	sst s8  }
0x11: {  	[smem:$0x3F8A] =	sst s9;
	s0 =	simm.s32 @!p0 $0x0  }
0x12: {  	s1 =	sld [smem:$0x3F70];
	s0 =	simm.s32 @p0 $0x1  }
0x13: {  	[smem:$0x3F8B] =	sst s0;
	s0 =	simm.s32 @!p1 $0x0  }
0x14: {  	s2 =	sld [smem:$0x3F6F];
	s0 =	simm.s32 @p1 $0x1  }
0x15: {  	[smem:$0x3F8C] =	sst s0;
	s0 =	simm.s32 @!p2 $0x0  }
0x16: {  	s3 =	sld [smem:$0x3FDB];
	s0 =	simm.s32 @p2 $0x1  }
0x17: {  	s4 =	simm.s32 $0x1BF5;
	[smem:$0x3F8E] =	sst s0  }
0x18: {  	s0 =	sld [smem:$0x3F71];
	_ =	swait.ge [sflag:s4], $0x0  }
0x19: {  	s7 =	sld [smem:$0x3F72]  }
0x1a: {  	s8 =	sadd.s32 $0xFFFFE003, lr  }
0x1b: {  	s9 =	sadd.s32 $0xFFFFFEF7, lr;
	s5 =	simm.s32 $0xFFFFFFFF;
	p2 =	slt.u32 s8, $0xFFFFF086  }
0x1c: {  	p1 =	slt.u32 s9, $0xF7A;
	s5 =	simm.s32 @!p2 $0x0  }
0x1d: {  	s5 =	simm.s32 @p1 $0x1;
	p0 =	seq.s32 s7, s2  }
0x1e: {  	s7 =	smul.u32 @!p0 $0xF7A, s2;
	p2 =	seq.s32 @!p0 s5, $0x0  }
0x1f: {  	s9 =	smul.u32 $0xF7A, s1;
	s8 =	simm.s32 @!p0 $0x1BF5;
	p2 =	por !p2, p0  }
0x20: {  	[sflag:s8] =	ssyncset.s32 @!p0 $0xFFFFF086;
	s6 =	sadd.s32 @!p0 s3, s7;
	s7 =	simm.s32 @!p0 $0x108  }
0x21: {  	s3 =	sadd.s32 s3, s9;
	s6 =	sadd.s32 @!p0 $0x88, s6;
	s7 =	simm.s32 @p2 $0x1082  }
0x22: {  	[simem:s7], [sflag:s8] =	dma.local @!p0 [hbm:s6], $0xF7A  }
0x23: {  	s9 =	sor.u32 $0xD0000000, s2;
	s6 =	simm.s32 $0x108;
	_ =	swait.ge @!p0 [sflag:s8], $0x0  }
0x24: {  	s3 =	sadd.s32 $0x88, s3;
	s6 =	simm.s32 @!p1 $0x1082;
	[sflag:s4] =	ssyncset.s32 $0xFFFFF086  }
0x25: {  	[simem:s6], [sflag:s4] =	dma.local [hbm:s3], $0xF7A  }
0x26: {  	[smem:$0x3F72] =	sst s1;
	(tag) =	ssettag s2;
	_ =	strace s9  }
0x27: {  	s1 =	sld [smem:$0x3F82]  }
0x28: {  	s2 =	sld [smem:$0x3F83]  }
0x29: {  	s4 =	sld [smem:$0x3F85]  }
0x2a: {  	p0 =	seq.s32 s5, $0x0;
	s5 =	sld [smem:$0x3F86]  }
0x2b: {  	s6 =	sld [smem:$0x3F87]  }
0x2c: {  	s7 =	sld [smem:$0x3F88]  }
0x2d: {  	s3 =	simm.s32 $0x108;
	s8 =	sld [smem:$0x3F89]  }
0x2e: {  	s3 =	simm.s32 @!p0 $0x1082;
	s9 =	sld [smem:$0x3F8A]  }
0x2f: {  	lr =	sadd.s32 s0, s3;
	s0 =	sld [smem:$0x3F81]  }
0x30: {  	s3 =	sld [smem:$0x3F84]  }
0x31: {  	[smem:$0x3F8D] =	sst s10  }
0x32: {  	s10 =	sld [smem:$0x3F8B];
	_ =	sdelay $0x3  }
0x33: {  	p0 =	seq.s32 s10, $0x1;
	s10 =	sld [smem:$0x3F8D];
	_ =	sdelay $0x3  }
0x34: {  	[smem:$0x3F8D] =	sst s10  }
0x35: {  	s10 =	sld [smem:$0x3F8C];
	_ =	sdelay $0x3  }
0x36: {  	p1 =	seq.s32 s10, $0x1;
	s10 =	sld [smem:$0x3F8D];
	_ =	sdelay $0x3  }
0x37: {  	[smem:$0x3F8D] =	sst s10  }
0x38: {  	s10 =	sld [smem:$0x3F8E]  }
0x39: {  	_ = 	snop;
	(pc) =	sbr.ind lr, $3  }
0x3a: {  	_ = 	snop  }
0x3b: {  	_ = 	snop  }
0x3c: {  	p2 =	seq.s32 s10, $0x1;
	s10 =	sld [smem:$0x3F8D]  }
0x3d: {  	_ =	shalt  }
0x3e: {  	_ =	shalt  }
0x3f: {  	_ =	shalt  }
0x40: {  	_ =	shalt  }
0x41: {  	_ =	shalt  }
0x42: {  	_ =	shalt  }
0x43: {  	_ =	shalt  }
0x44: {  	_ =	shalt  }
0x45: {  	_ =	shalt  }
0x46: {  	_ =	shalt  }
0x47: {  	_ =	shalt  }
0x48: {  	_ =	shalt  }
0x49: {  	_ =	shalt  }
0x4a: {  	_ =	shalt  }
0x4b: {  	_ =	shalt  }
0x4c: {  	_ =	shalt  }
0x4d: {  	_ =	shalt  }
0x4e: {  	_ =	shalt  }
0x4f: {  	_ =	shalt  }
0x50: {  	_ =	shalt  }
0x51: {  	_ =	shalt  }
0x52: {  	_ =	shalt  }
0x53: {  	_ =	shalt  }
0x54: {  	_ =	shalt  }
0x55: {  	_ =	shalt  }
0x56: {  	_ =	shalt  }
0x57: {  	_ =	shalt  }
0x58: {  	_ =	shalt  }
0x59: {  	_ =	shalt  }
0x5a: {  	_ =	shalt  }
0x5b: {  	_ =	shalt  }
0x5c: {  	_ =	shalt  }
0x5d: {  	_ =	shalt  }
0x5e: {  	_ =	shalt  }
0x5f: {  	_ =	shalt  }
0x60: {  	_ =	shalt  }
0x61: {  	_ =	shalt  }
0x62: {  	_ =	shalt  }
0x63: {  	_ =	shalt  }
0x64: {  	_ =	shalt  }
0x65: {  	_ =	shalt  }
0x66: {  	_ =	shalt  }
0x67: {  	_ =	shalt  }
0x68: {  	_ =	shalt  }
0x69: {  	_ =	shalt  }
0x6a: {  	_ =	shalt  }
0x6b: {  	_ =	shalt  }
0x6c: {  	_ =	shalt  }
0x6d: {  	_ =	shalt  }
0x6e: {  	_ =	shalt  }
0x6f: {  	_ =	shalt  }
0x70: {  	_ =	shalt  }
0x71: {  	_ =	shalt  }
0x72: {  	_ =	shalt  }
0x73: {  	_ =	shalt  }
0x74: {  	_ =	shalt  }
0x75: {  	_ =	shalt  }
0x76: {  	_ =	shalt  }
0x77: {  	_ =	shalt  }
0x78: {  	_ =	shalt  }
0x79: {  	_ =	shalt  }
0x7a: {  	_ =	shalt  }
0x7b: {  	_ =	shalt  }
0x7c: {  	_ =	shalt  }
0x7d: {  	_ =	shalt  }
0x7e: {  	_ =	shalt  }
0x7f: {  	_ =	shalt  }
0x80: {  	_ =	shalt  }
0x81: {  	_ =	shalt  }
0x82: {  	_ =	shalt  }
0x83: {  	_ =	shalt  }
0x84: {  	_ =	shalt  }
0x85: {  	_ =	shalt  }
0x86: {  	_ =	shalt  }
0x87: {  	_ =	shalt  }
.Lfunc_end0:
.L_simem_size_0:
called_computation.1_lowered:
.L_overlay_start_0:
0x88: {  	s2 =	sld [smem:$0x3FD9]  }
0x89: {  	s3 =	sld [smem:$0x3FFE];
	_ =	sdelay $0x1  }
0x8a: {  	s1 =	srdreg.scid  }
0x8b: {  	s0 =	sand.u32 $0x1, s1  }
0x8c: {  	s16 =	sshll.u32 s0, $0xA;
	s2 =	sadd.s32 s3, s2  }
0x8d: {  	s2 =	sadd.s32 s2, s16  }
0x8e: {  	[smem:$0x3F99] =	sst s2  }
0x8f: {  	_ = 	snop  }
0x90: {  	(tm) =	ssettm $0x1  }
0x91: {  	s17 =	sld [smem:$0x3FFB];
	_ =	sdelay $0x3  }
0x92: {  	_ =	strace s17  }
0x93: {  	s2 =	sld [smem:$0x3FFC];
	_ =	sdelay $0x3  }
0x94: {  	_ =	strace s2  }
0x95: {  	s2 =	sld [smem:$0x3FFD];
	_ =	sdelay $0x3  }
0x96: {  	_ =	strace s2  }
0x97: {  	_ =	strace $0x8FFFFFFF  }
0x98: {  	s18 =	sld [smem:$0x3FDB];
	_ =	sdelay $0x1  }
0x99: {  	s19 =	simm.s32 $_scs_section_size  }
0x9a: {  	s4 =	simm.s32 $_size__tile_overlayer_lowered;
	s5 =	simm.s32 $_tile_overlayer_lowered  }
0x9b: {  	s22 =	simm.s32 $0x1BFF;
	s21 =	sshll.u32 s5, $0x1;
	s2 =	sadd.s32 s19, s18  }
0x9c: {  	s6 =	simm.s32 $0x0;
	s20 =	sshll.u32 s4, $0x1;
	s4 =	sadd.s32 s21, s2  }
0x9d: {  	[timem:s6], [sflag:s22] =	dma.local [hbm:s4], s20  }
0x9e: {  	_ =	swait.ge [sflag:s22], s20  }
0x9f: {  	s3 =	ssub.s32 $0x0, s20;
	[sflag:s22] =	ssyncset.done $0x0  }
0xa0: {  	[sflag:s22] =	ssyncadd.s32 s3;
	_ =	sdelay $0x1  }
0xa1: {  	s23 =	simm.s32 $0x1B8B  }
0xa2: {  	_ =	swait.ge [sflag:s23], $0x1  }
0xa3: {  	[sflag:s23] =	ssyncset.done $0x0  }
0xa4: {  	s25 =	simm.s32 $0x1B8E;
	s24 =	sld [smem:$0x3FFE];
	[sflag:s23] =	ssyncadd.s32 $0xFFFFFFFF  }
0xa5: {  	s26 =	simm.s32 $execute0_lowered;
	[smem:$0x3FD2] =	sst s25  }
0xa6: {  	s4 =	sshll.u32 s26, $0x1;
	_ =	strace $0x80000049;
	[dreg:$0x1] =	wrdreg $0xFFFFFFFF  }
0xa7: {  	s28 =	simm.s32 $_size_execute0_lowered;
	s2 =	sadd.s32 s2, s4;
	[dreg:$0x0] =	wrdreg $0x0  }
0xa8: {  	s4 =	sshll.u32 s28, $0x1;
	[dreg:$0x2] =	wrdreg s2  }
0xa9: {  	[dreg:$0x3] =	wrdreg s4  }
0xaa: {  	[dreg:$0x4] =	wrdreg $0xC0  }
0xab: {  	_ =	task [dreg:s6], $0x5FFFF  }
0xac: {  	[dreg:$0x1] =	wrdreg $0xFFFFFFFF  }
0xad: {  	[dreg:$0x0] =	wrdreg $0x60  }
0xae: {  	[dreg:$0x2] =	wrdreg s24  }
0xaf: {  	[dreg:$0x3] =	wrdreg $0x9  }
0xb0: {  	_ =	task.clear_ibuf [dreg:s6], $0x4FFFF;
	_ =	strace $0x90000049  }
0xb1: {  	s29 =	simm.s32 $0x9;
	_ =	strace $0x8000004B  }
0xb2: {  	_ =	swait.ge [sflag:s29], $0x1  }
0xb3: {  	[sflag:s29] =	ssyncadd.s32 $0xFFFFFFFF  }
0xb4: {  	_ =	strace $0x9000004B  }
0xb5: {  	_ =	sfence  }
0xb6: {  	s30 =	sld [smem:$0x0];
	_ =	sdelay $0x2  }
0xb7: {  	s31 =	sshll.u32 s1, $0xD;
	s1 =	sshrl.u32 s1, $0x2  }
0xb8: {  	s3 =	sand.u32 $0x4000, s31;
	s1 =	sadd.s32 s1, s30  }
0xb9: {  	s0 =	sor.u32 s3, s0;
	s1 =	sshll.u32 s1, $0x11  }
0xba: {  	s0 =	sor.u32 s1, s0  }
0xbb: {  	s0 =	sadd.s32 $0x8F2B, s0  }
0xbc: {  	[sflag:s0] =	ssyncadd.remote.s32 $0x1  }
0xbd: {  	_ =	sfence.sel $0xFFFF  }
0xbe: {  	[dreg:$0x0] =	wrdreg $0xFFFFFFFF;
	(pc) =	sbr.abs _section_cstart, $3  }
0xbf: {  	[dreg:$0x1] =	wrdreg $0xFFFFFFFF  }
0xc0: {  	_ =	task.clear_ibuf [dreg:s6], $0x2FFFF;
	_ =	strace $0x9FFFFFFF  }
0xc1: {  	(tm) =	ssettm $0x7FFFFFFF  }
tec
execute0_lowered:
.L_overlay_start_1:
0x0: {  	(tag) =	ssettag $0x1  }
0x1: {  	s0 =	srdreg.scid  }
0x2: {  	s5 =	stileid.u32;
	s1 =	rddreg [dreg:$0x0]  }
0x3: {  	s2 =	simm.s32 $0x0;
	s14 =	simm.s32 $0x1000;
	s15 =	simm.s32 $0x1400  }
0x4: {  	s16 =	simm.s32 $0x1C00;
	s17 =	simm.s32 $0x2000;
	s18 =	simm.s32 $0x2800  }
0x5: {  	s20 =	simm.s32 $0x2C00;
	s21 =	simm.s32 $0x3400;
	[smem:$0x7FF] =	sst s2  }
0x6: {  	s23 =	simm.s32 $0x3800;
	_ =	strace $0x8000004A;
	[dreg:$0x3] =	wrdreg s14  }
0x7: {  	s24 =	simm.s32 $0x4000;
	s25 =	simm.s32 $0x4400;
	[dreg:$0x4] =	wrdreg s15  }
0x8: {  	s7 =	simm.s32 $0x2;
	s26 =	simm.s32 $0x4C00;
	[dreg:$0x5] =	wrdreg s16  }
0x9: {  	s8 =	simm.s32 $0x800;
	s9 =	simm.s32 $0x5000;
	[dreg:$0x6] =	wrdreg s17  }
0xa: {  	s10 =	simm.s32 $0x5800;
	s11 =	simm.s32 $0x5C00;
	[dreg:$0x7] =	wrdreg s18  }
0xb: {  	s12 =	simm.s32 $0x6400;
	s13 =	simm.s32 $0x6800;
	[dreg:$0x8] =	wrdreg s20  }
0xc: {  	s28 =	simm.s32 $0xBC00;
	s29 =	simm.s32 $0xC400;
	[dreg:$0x9] =	wrdreg s21  }
0xd: {  	s30 =	simm.s32 $0x1;
	s31 =	simm.s32 $0x0;
	[dreg:$0xa] =	wrdreg s23  }
0xe: {  	s0 =	sand.u32 $0x1, s0;
	s3 =	smul.u32 $0x30000, s5;
	[dreg:$0xb] =	wrdreg s24  }
0xf: {  	s5 =	sshll.u32 s5, $0x9;
	s4 =	smul.u32 $0x18000, s0;
	[dreg:$0xc] =	wrdreg s25  }
0x10: {  	s6 =	sshll.u32 s0, $0x8;
	s0 =	ssub.s32 $0x2, s0;
	[dreg:$0xd] =	wrdreg s26  }
0x11: {  	s14 =	simm.s32 $0x7000;
	s15 =	simm.s32 $0x7400;
	s16 =	simm.s32 $0x7C00  }
0x12: {  	s17 =	simm.s32 $0x8000;
	s18 =	simm.s32 $0x8800;
	s20 =	simm.s32 $0x9400  }
0x13: {  	s21 =	simm.s32 $0x9800;
	s23 =	simm.s32 $0xA400;
	s24 =	simm.s32 $0xAC00  }
0x14: {  	s25 =	simm.s32 $0xB000;
	s26 =	simm.s32 $0xB800;
	s3 =	sadd.s32 s3, s1  }
0x15: {  	s5 =	sor.u32 s6, s5;
	s19 =	sshrl.u32 s0, $0x1;
	s4 =	sadd.s32 s4, s3  }
0x16: {  	s3 =	sadd.s32 $0x8400, s1;
	s5 =	sadd.s32 s5, s1;
	s4 =	sadd.s32 $0x292400, s4  }
0x17: {  	v2 =	vlaneseq.u32;
	s0 =	ssub.s32 s0, s19;
	s22 =	sadd.s32 $0x290400, s5;
	[dreg:$0x2] =	wrdreg s4  }
0x18: {  	vm0 =	vmmov $0xffff;
	vm1 =	vmmov $0xff;
	v1 =	vshrl.u32 v2, $0x3;
	s19 =	simm.s32 $0x8C00;
	s0 =	smax.u32 s0, $0x1;
	[dreg:$0xe] =	wrdreg s22  }
0x19: {  	v0 =	vand.u32 $0x7, v2;
	v2 =	vor.u32 $0x8, v2;
	v1 =	vmul.u32 $0x8, v1;
	s5 =	sadd.s32 $0x8500, s1;
	[dreg:$0xf] =	wrdreg s0;
	s22 =	simm.s32 $0xA000  }
.LBB2_1:
0x1a: {  	s0 =	rddreg [dreg:$0xe]  }
0x1b: {  	[tilespmem:s2], [sflag:$0x2] =	stream.linear.gather [hbm4b:s0+s2], $0x800, $0x38;
	[tilespmem:$0xC800] =	vst v63  }
0x1c: {  	_ =	swait.ge [sflag:s7], $0x800  }
0x1d: {  	[sflag:s7] =	ssyncset.done $0x0  }
0x1e: {  	s1 =	simm.s32 $0x40;
	s0 =	simm.s32 $0x0;
	[sflag:s7] =	ssyncadd.s32 $0xFFFFF800  }
.LBB2_2:
0x1f: {  	v3 =	vld [tilespmem:s1+$0xFFFFFFC0];
	_ =	sdelay $0x4  }
0x20: {  	v4 =	vshrl.u32 v3, $0x3  }
0x21: {  	v4 =	vmul.u32 $0x18, v4  }
0x22: {  	v3 =	vand.u32 $0x7, v3  }
0x23: {  	v3 =	vor.u32 v3, v4  }
0x24: {  	v4 =	vperm.xlane v3, v0;
	_ =	sdelay $0x1  }
0x25: {  	v4 =	vadd.s32 v1, v4;
	_ =	sdelay $0x1  }
0x26: {  	v3 =	vperm.xlane v3, v2;
	_ =	sdelay $0x1  }
0x27: {  	v3 =	vadd.s32 v1, v3  }
0x28: {  	[tilespmem:s8], [sflag:$0x1] =	stream.indirect_vreg.gather [hbm4b:s3+s2], $0x80, v4, vm0, $0xb8;
	[tilespmem:$0xC800] =	vst v63  }
0x29: {  	s4 =	rddreg [dreg:$0x3]  }
0x2a: {  	[tilespmem:s4], [sflag:$0x1] =	stream.indirect_vreg.gather [hbm4b:s5+s2], $0x80, v4, vm1, $0xb8;
	[tilespmem:$0xC800] =	vst v63  }
0x2b: {  	s6 =	rddreg [dreg:$0x4]  }
0x2c: {  	[tilespmem:s6], [sflag:$0x1] =	stream.indirect_vreg.gather [hbm4b:s3+s2], $0x80, v3, vm0, $0xb8;
	[tilespmem:$0xC800] =	vst v63  }
0x2d: {  	s4 =	rddreg [dreg:$0x5]  }
0x2e: {  	[tilespmem:s4], [sflag:$0x1] =	stream.indirect_vreg.gather [hbm4b:s5+s2], $0x80, v3, vm1, $0xb8;
	[tilespmem:$0xC800] =	vst v63  }
0x2f: {  	v3 =	vld [tilespmem:s1+$0xFFFFFFD0];
	_ =	sdelay $0x4  }
0x30: {  	v57 =	vshrl.u32 v3, $0x3  }
0x31: {  	v4 =	vmul.u32 $0x18, v57  }
0x32: {  	v3 =	vand.u32 $0x7, v3  }
0x33: {  	v3 =	vor.u32 v3, v4  }
0x34: {  	v4 =	vperm.xlane v3, v0;
	_ =	sdelay $0x1  }
0x35: {  	v4 =	vadd.s32 v1, v4;
	_ =	sdelay $0x1  }
0x36: {  	v3 =	vperm.xlane v3, v2;
	_ =	sdelay $0x1  }
0x37: {  	s4 =	rddreg [dreg:$0x6];
	v3 =	vadd.s32 v1, v3  }
0x38: {  	[tilespmem:s4], [sflag:$0x1] =	stream.indirect_vreg.gather [hbm4b:s3+s2], $0x80, v4, vm0, $0xb8;
	[tilespmem:$0xC800] =	vst v63  }
0x39: {  	s6 =	rddreg [dreg:$0x7]  }
0x3a: {  	[tilespmem:s6], [sflag:$0x1] =	stream.indirect_vreg.gather [hbm4b:s5+s2], $0x80, v4, vm1, $0xb8;
	[tilespmem:$0xC800] =	vst v63  }
0x3b: {  	s4 =	rddreg [dreg:$0x8]  }
0x3c: {  	[tilespmem:s4], [sflag:$0x1] =	stream.indirect_vreg.gather [hbm4b:s3+s2], $0x80, v3, vm0, $0xb8;
	[tilespmem:$0xC800] =	vst v63  }
0x3d: {  	s6 =	rddreg [dreg:$0x9]  }
0x3e: {  	[tilespmem:s6], [sflag:$0x1] =	stream.indirect_vreg.gather [hbm4b:s5+s2], $0x80, v3, vm1, $0xb8;
	[tilespmem:$0xC800] =	vst v63  }
0x3f: {  	v3 =	vld [tilespmem:s1+$0xFFFFFFE0];
	_ =	sdelay $0x4  }
0x40: {  	v58 =	vshrl.u32 v3, $0x3  }
0x41: {  	v4 =	vmul.u32 $0x18, v58  }
0x42: {  	v3 =	vand.u32 $0x7, v3  }
0x43: {  	v3 =	vor.u32 v3, v4  }
0x44: {  	v4 =	vperm.xlane v3, v0;
	_ =	sdelay $0x1  }
0x45: {  	v4 =	vadd.s32 v1, v4;
	_ =	sdelay $0x1  }
0x46: {  	v3 =	vperm.xlane v3, v2;
	_ =	sdelay $0x1  }
0x47: {  	s4 =	rddreg [dreg:$0xa];
	v3 =	vadd.s32 v1, v3  }
0x48: {  	[tilespmem:s4], [sflag:$0x1] =	stream.indirect_vreg.gather [hbm4b:s3+s2], $0x80, v4, vm0, $0xb8;
	[tilespmem:$0xC800] =	vst v63  }
0x49: {  	s6 =	rddreg [dreg:$0xb]  }
0x4a: {  	[tilespmem:s6], [sflag:$0x1] =	stream.indirect_vreg.gather [hbm4b:s5+s2], $0x80, v4, vm1, $0xb8;
	[tilespmem:$0xC800] =	vst v63  }
0x4b: {  	s4 =	rddreg [dreg:$0xc]  }
0x4c: {  	[tilespmem:s4], [sflag:$0x1] =	stream.indirect_vreg.gather [hbm4b:s3+s2], $0x80, v3, vm0, $0xb8;
	[tilespmem:$0xC800] =	vst v63  }
0x4d: {  	s6 =	rddreg [dreg:$0xd]  }
0x4e: {  	[tilespmem:s6], [sflag:$0x1] =	stream.indirect_vreg.gather [hbm4b:s5+s2], $0x80, v3, vm1, $0xb8;
	[tilespmem:$0xC800] =	vst v63  }
0x4f: {  	v3 =	vld [tilespmem:s1+$0xFFFFFFF0];
	_ =	sdelay $0x4  }
0x50: {  	v59 =	vshrl.u32 v3, $0x3  }
0x51: {  	v4 =	vmul.u32 $0x18, v59  }
0x52: {  	v3 =	vand.u32 $0x7, v3  }
0x53: {  	v3 =	vor.u32 v3, v4  }
0x54: {  	v4 =	vperm.xlane v3, v0;
	_ =	sdelay $0x1  }
0x55: {  	v4 =	vadd.s32 v1, v4;
	_ =	sdelay $0x1  }
0x56: {  	v3 =	vperm.xlane v3, v2;
	_ =	sdelay $0x1  }
0x57: {  	v3 =	vadd.s32 v1, v3  }
0x58: {  	[tilespmem:s9], [sflag:$0x1] =	stream.indirect_vreg.gather [hbm4b:s3+s2], $0x80, v4, vm0, $0xb8;
	[tilespmem:$0xC800] =	vst v63  }
0x59: {  	_ = 	snop  }
0x5a: {  	[tilespmem:s10], [sflag:$0x1] =	stream.indirect_vreg.gather [hbm4b:s5+s2], $0x80, v4, vm1, $0xb8;
	[tilespmem:$0xC800] =	vst v63  }
0x5b: {  	_ = 	snop  }
0x5c: {  	[tilespmem:s11], [sflag:$0x1] =	stream.indirect_vreg.gather [hbm4b:s3+s2], $0x80, v3, vm0, $0xb8;
	[tilespmem:$0xC800] =	vst v63  }
0x5d: {  	_ = 	snop  }
0x5e: {  	[tilespmem:s12], [sflag:$0x1] =	stream.indirect_vreg.gather [hbm4b:s5+s2], $0x80, v3, vm1, $0xb8;
	[tilespmem:$0xC800] =	vst v63  }
0x5f: {  	v3 =	vld [tilespmem:s1+$0x0];
	_ =	sdelay $0x4  }
0x60: {  	v60 =	vshrl.u32 v3, $0x3  }
0x61: {  	v4 =	vmul.u32 $0x18, v60  }
0x62: {  	v3 =	vand.u32 $0x7, v3  }
0x63: {  	v3 =	vor.u32 v3, v4  }
0x64: {  	v4 =	vperm.xlane v3, v0;
	_ =	sdelay $0x1  }
0x65: {  	v4 =	vadd.s32 v1, v4;
	_ =	sdelay $0x1  }
0x66: {  	v3 =	vperm.xlane v3, v2;
	_ =	sdelay $0x1  }
0x67: {  	v3 =	vadd.s32 v1, v3  }
0x68: {  	[tilespmem:s13], [sflag:$0x1] =	stream.indirect_vreg.gather [hbm4b:s3+s2], $0x80, v4, vm0, $0xb8;
	[tilespmem:$0xC800] =	vst v63  }
0x69: {  	_ = 	snop  }
0x6a: {  	[tilespmem:s14], [sflag:$0x1] =	stream.indirect_vreg.gather [hbm4b:s5+s2], $0x80, v4, vm1, $0xb8;
	[tilespmem:$0xC800] =	vst v63  }
0x6b: {  	_ = 	snop  }
0x6c: {  	[tilespmem:s15], [sflag:$0x1] =	stream.indirect_vreg.gather [hbm4b:s3+s2], $0x80, v3, vm0, $0xb8;
	[tilespmem:$0xC800] =	vst v63  }
0x6d: {  	_ = 	snop  }
0x6e: {  	[tilespmem:s16], [sflag:$0x1] =	stream.indirect_vreg.gather [hbm4b:s5+s2], $0x80, v3, vm1, $0xb8;
	[tilespmem:$0xC800] =	vst v63  }
0x6f: {  	v3 =	vld [tilespmem:s1+$0x10];
	_ =	sdelay $0x4  }
0x70: {  	v61 =	vshrl.u32 v3, $0x3  }
0x71: {  	v4 =	vmul.u32 $0x18, v61  }
0x72: {  	v3 =	vand.u32 $0x7, v3  }
0x73: {  	v3 =	vor.u32 v3, v4  }
0x74: {  	v4 =	vperm.xlane v3, v0;
	_ =	sdelay $0x1  }
0x75: {  	v4 =	vadd.s32 v1, v4;
	_ =	sdelay $0x1  }
0x76: {  	v3 =	vperm.xlane v3, v2;
	_ =	sdelay $0x1  }
0x77: {  	v3 =	vadd.s32 v1, v3  }
0x78: {  	[tilespmem:s17], [sflag:$0x1] =	stream.indirect_vreg.gather [hbm4b:s3+s2], $0x80, v4, vm0, $0xb8;
	[tilespmem:$0xC800] =	vst v63  }
0x79: {  	_ = 	snop  }
0x7a: {  	[tilespmem:s18], [sflag:$0x1] =	stream.indirect_vreg.gather [hbm4b:s5+s2], $0x80, v4, vm1, $0xb8;
	[tilespmem:$0xC800] =	vst v63  }
0x7b: {  	_ = 	snop  }
0x7c: {  	[tilespmem:s19], [sflag:$0x1] =	stream.indirect_vreg.gather [hbm4b:s3+s2], $0x80, v3, vm0, $0xb8;
	[tilespmem:$0xC800] =	vst v63  }
0x7d: {  	_ = 	snop  }
0x7e: {  	[tilespmem:s20], [sflag:$0x1] =	stream.indirect_vreg.gather [hbm4b:s5+s2], $0x80, v3, vm1, $0xb8;
	[tilespmem:$0xC800] =	vst v63  }
0x7f: {  	v3 =	vld [tilespmem:s1+$0x20];
	_ =	sdelay $0x4  }
0x80: {  	v62 =	vshrl.u32 v3, $0x3  }
0x81: {  	v4 =	vmul.u32 $0x18, v62  }
0x82: {  	v3 =	vand.u32 $0x7, v3  }
0x83: {  	v3 =	vor.u32 v3, v4  }
0x84: {  	v4 =	vperm.xlane v3, v0;
	_ =	sdelay $0x1  }
0x85: {  	v4 =	vadd.s32 v1, v4;
	_ =	sdelay $0x1  }
0x86: {  	v3 =	vperm.xlane v3, v2;
	_ =	sdelay $0x1  }
0x87: {  	v3 =	vadd.s32 v1, v3  }
0x88: {  	[tilespmem:s21], [sflag:$0x1] =	stream.indirect_vreg.gather [hbm4b:s3+s2], $0x80, v4, vm0, $0xb8;
	[tilespmem:$0xC800] =	vst v63  }
0x89: {  	_ = 	snop  }
0x8a: {  	[tilespmem:s22], [sflag:$0x1] =	stream.indirect_vreg.gather [hbm4b:s5+s2], $0x80, v4, vm1, $0xb8;
	[tilespmem:$0xC800] =	vst v63  }
0x8b: {  	_ = 	snop  }
0x8c: {  	[tilespmem:s23], [sflag:$0x1] =	stream.indirect_vreg.gather [hbm4b:s3+s2], $0x80, v3, vm0, $0xb8;
	[tilespmem:$0xC800] =	vst v63  }
0x8d: {  	_ = 	snop  }
0x8e: {  	[tilespmem:s24], [sflag:$0x1] =	stream.indirect_vreg.gather [hbm4b:s5+s2], $0x80, v3, vm1, $0xb8;
	[tilespmem:$0xC800] =	vst v63  }
0x8f: {  	v3 =	vld [tilespmem:s1+$0x30];
	_ =	sdelay $0x4  }
0x90: {  	v63 =	vshrl.u32 v3, $0x3  }
0x91: {  	v4 =	vmul.u32 $0x18, v63  }
0x92: {  	v3 =	vand.u32 $0x7, v3  }
0x93: {  	v3 =	vor.u32 v3, v4  }
0x94: {  	v4 =	vperm.xlane v3, v0;
	_ =	sdelay $0x1  }
0x95: {  	v4 =	vadd.s32 v1, v4;
	_ =	sdelay $0x1  }
0x96: {  	v3 =	vperm.xlane v3, v2;
	_ =	sdelay $0x1  }
0x97: {  	v3 =	vadd.s32 v1, v3  }
0x98: {  	[tilespmem:s25], [sflag:$0x1] =	stream.indirect_vreg.gather [hbm4b:s3+s2], $0x80, v4, vm0, $0xb8;
	[tilespmem:$0xC800] =	vst v63  }
0x99: {  	_ = 	snop  }
0x9a: {  	[tilespmem:s26], [sflag:$0x1] =	stream.indirect_vreg.gather [hbm4b:s5+s2], $0x80, v4, vm1, $0xb8;
	[tilespmem:$0xC800] =	vst v63  }
0x9b: {  	_ = 	snop  }
0x9c: {  	[tilespmem:s28], [sflag:$0x1] =	stream.indirect_vreg.gather [hbm4b:s3+s2], $0x80, v3, vm0, $0xb8;
	[tilespmem:$0xC800] =	vst v63  }
0x9d: {  	_ = 	snop  }
0x9e: {  	[tilespmem:s29], [sflag:$0x1] =	stream.indirect_vreg.gather [hbm4b:s5+s2], $0x80, v3, vm1, $0xb8;
	[tilespmem:$0xC800] =	vst v63  }
0x9f: {  	_ =	swait.ge [sflag:s30], $0xC000  }
0xa0: {  	p0 =	sne.s32 s0, $0x16800;
	s6 =	rddreg [dreg:$0x2];
	[sflag:s30] =	ssyncset.done $0x0  }
.Ltmp0:
0xa1: {  	[sflag:s30] =	ssyncadd.s32 $0xFFFF4000;
	s4 =	sadd.s32 s0, s6;
	(pc) =	sbr.rel @p0 .LBB2_2-.Ltmp0, $4  }
0xa2: {  	[hbm4b:s4+s2] =	stream.linear.scatter [tilespmem:s8], [sflag:$0x2], $0xC000, $0x38;
	[tilespmem:$0xC800] =	vst v63  }
0xa3: {  	_ =	swait.ge [sflag:s7], $0xC000  }
0xa4: {  	[sflag:s7] =	ssyncset.done $0x0  }
0xa5: {  	s1 =	sadd.s32 $0x80, s1;
	s0 =	sadd.s32 $0x1800, s0;
	[sflag:s7] =	ssyncadd.s32 $0xFFFF4000  }
0xa6: {  	s31 =	sadd.s32 $0x1, s31;
	s0 =	rddreg [dreg:$0xf]  }
0xa7: {  	p0 =	sne.s32 s31, s0  }
.Ltmp1:
0xa8: {  	_ = 	snop;
	(pc) =	sbr.rel @p0 .LBB2_1-.Ltmp1, $1  }
0xa9: {  	_ =	sdelay $0x3  }
0xaa: {  	_ =	sfence.sel $0x180000  }
0xab: {  	[bflag:$0x0] =	sbarrier.arrive $0xFFFF  }
0xac: {  	_ =	strace $0x9000004A  }
0xad: {  	s0 =	stileid.u32;
	[bflag:$0x2] =	sbarrier.arrive $0xFFFF  }
0xae: {  	p0 =	sne.s32 s0, $0x0;
	s0 =	rddreg [dreg:$0x1]  }
0xaf: {  	s0 =	sadd.s32 @!p0 $0x100000, s0  }
0xb0: {  	[sflag:s0] =	ssyncadd.tile.s32 @!p0 $0x1;
	_ =	shalt  }
.Lfunc_end2:
_tile_overlayer_lowered:
.L_overlay_start_2:
0xb1: {  	(tag) =	ssettag $0x2  }
0xb2: {  	s0 =	rddreg [dreg:$0x0];
	s2 =	stileid.u32  }
0xb3: {  	s1 =	rddreg [dreg:$0x1];
	p0 =	sne.s32 s2, $0x0  }
0xb4: {  	s3 =	rddreg [dreg:$0x2];
	[bflag:$0x3] =	sbarrier.arrive $0xFFFF;
	s2 =	simm.s32 @!p0 $0x1C02  }
0xb5: {  	[timem:s3], [sflag:s2] =	dma.local @!p0 [hbm:s0], s1  }
0xb6: {  	s0 =	simm.s32 @!p0 $0x2  }
0xb7: {  	_ =	swait.ge @!p0 [sflag:s0], s1  }
0xb8: {  	s1 =	ssub.s32 @!p0 $0x0, s1;
	[sflag:s0] =	ssyncset.done @!p0 $0x0  }
0xb9: {  	[sflag:s0] =	ssyncadd.s32 @!p0 s1  }
0xba: {  	[bflag:$0x3] =	sbarrier.arrive $0xFFFF  }
0xbb: {  	_ =	shalt  }

</sc_bundles>
